<compile_context>
chip_gen: v7x
topology: tpu7x:2x2x1
jax: 0.10.2.dev20260603
libtpu: 0.0.44.dev20260713+nightly
codegen_flags: <defaults>
</compile_context>

<pallas_src>
import functools

import jax
import jax.numpy as jnp
from jax import lax
from jax.experimental import pallas as pl
from jax.experimental.pallas import tpu as pltpu
from jax.experimental.pallas import tpu_sc as plsc

N = 10000
D = 128
E = 320000

NUM_TILES = 16
NUM_CORES = 2
NW = NUM_TILES * NUM_CORES
C = 128

NP = 10240
EP = ((E + NW * C - 1) // (NW * C)) * (NW * C)
EDGES_PER_TILE = EP // NW
CHUNKS = EDGES_PER_TILE // C
STRIPE = NP // NUM_TILES

ROW_BLK = 1024
TC_GRID = NP // ROW_BLK


def _k1_body(f_ref, w1_ref, b1_ref, watt_ref, battr_ref, at_ref, msg_ref, pq_ref):
    fb = f_ref[...]
    msg_ref[...] = (
        jnp.dot(fb, w1_ref[...].T, preferred_element_type=jnp.float32) + b1_ref[...]
    )
    v = jnp.dot(at_ref[...], watt_ref[...], preferred_element_type=jnp.float32)
    c = jnp.dot(at_ref[...], battr_ref[...].T, preferred_element_type=jnp.float32)
    pq_ref[...] = jnp.dot(v, fb.T, preferred_element_type=jnp.float32) + c


def _k1(f_pad, W1_w, W1_b, Watt_w, Watt_b, aT):
    return pl.pallas_call(
        _k1_body,
        grid=(TC_GRID,),
        in_specs=[
            pl.BlockSpec((ROW_BLK, D), lambda i: (i, 0)),
            pl.BlockSpec((D, D), lambda i: (0, 0)),
            pl.BlockSpec((1, D), lambda i: (0, 0)),
            pl.BlockSpec((D, D), lambda i: (0, 0)),
            pl.BlockSpec((1, D), lambda i: (0, 0)),
            pl.BlockSpec((2, D), lambda i: (0, 0)),
        ],
        out_specs=[
            pl.BlockSpec((ROW_BLK, D), lambda i: (i, 0)),
            pl.BlockSpec((2, ROW_BLK), lambda i: (0, i)),
        ],
        out_shape=[
            jax.ShapeDtypeStruct((NP, D), jnp.float32),
            jax.ShapeDtypeStruct((2, NP), jnp.float32),
        ],
    )(f_pad, W1_w, W1_b.reshape(1, D), Watt_w, Watt_b.reshape(1, D), aT)


def _k2_body(idx_hbm, p_hbm, q_hbm, e_hbm, den_hbm, iv, pg, qg, ev, zb, den_sh, sem):
    cid = lax.axis_index("c")
    sid = lax.axis_index("s")
    wid = sid * NUM_CORES + cid

    def _z(i, carry):
        zb[pl.ds(i * 16, 16)] = jnp.zeros((16,), jnp.float32)
        return carry
    lax.fori_loop(0, STRIPE // 16, _z, 0)
    pltpu.sync_copy(zb, den_sh.at[pl.ds(sid * STRIPE, STRIPE)])
    plsc.subcore_barrier()

    base = wid * EDGES_PER_TILE

    def _chunk(t, carry):
        off = base + t * C
        pltpu.sync_copy(idx_hbm.at[:, pl.ds(off, C)], iv)
        cp1 = pltpu.async_copy(p_hbm.at[iv.at[0]], pg, sem)
        cp2 = pltpu.async_copy(q_hbm.at[iv.at[1]], qg, sem)
        cp1.wait()
        cp2.wait()
        for j in range(C // 16):
            x = pg[pl.ds(j * 16, 16)] + qg[pl.ds(j * 16, 16)]
            x = jnp.where(x >= 0.0, x, x * 0.01)
            ev[pl.ds(j * 16, 16)] = jnp.exp(x)
        pltpu.sync_copy(ev, e_hbm.at[pl.ds(off, C)])
        pltpu.sync_copy(ev, den_sh.at[iv.at[1]], add=True)
        return carry

    lax.fori_loop(0, CHUNKS, _chunk, 0)
    plsc.subcore_barrier()

    pltpu.sync_copy(den_sh.at[pl.ds(sid * STRIPE, STRIPE)], zb)
    pltpu.sync_copy(zb, den_hbm.at[cid, pl.ds(sid * STRIPE, STRIPE)])


def _k2(idx_pad, p, q):
    mesh = plsc.VectorSubcoreMesh(core_axis_name="c", subcore_axis_name="s")
    return pl.kernel(
        _k2_body,
        mesh=mesh,
        out_type=[
            jax.ShapeDtypeStruct((EP,), jnp.float32),
            jax.ShapeDtypeStruct((2, NP), jnp.float32),
        ],
        scratch_types=[
            pltpu.VMEM((2, C), jnp.int32),
            pltpu.VMEM((C,), jnp.float32),
            pltpu.VMEM((C,), jnp.float32),
            pltpu.VMEM((C,), jnp.float32),
            pltpu.VMEM((STRIPE,), jnp.float32),
            pltpu.VMEM_SHARED((NP,), jnp.float32),
            pltpu.SemaphoreType.DMA,
        ],
    )(idx_pad, p, q)


def _k3_body(msg_ref, den_ref, out_ref):
    d = den_ref[0, :] + den_ref[1, :] + 1e-9
    out_ref[...] = msg_ref[...] / d[:, None]


def _k3(msg, den):
    return pl.pallas_call(
        _k3_body,
        grid=(TC_GRID,),
        in_specs=[
            pl.BlockSpec((ROW_BLK, D), lambda i: (i, 0)),
            pl.BlockSpec((2, ROW_BLK), lambda i: (0, i)),
        ],
        out_specs=pl.BlockSpec((ROW_BLK, D), lambda i: (i, 0)),
        out_shape=jax.ShapeDtypeStruct((NP, D), jnp.float32),
    )(msg, den)


def _k4_body(idx_hbm, e_hbm, msg2_hbm, hp_hbm, iv, ev, rows, zb, acc_sh, sem):
    cid = lax.axis_index("c")
    sid = lax.axis_index("s")
    wid = sid * NUM_CORES + cid

    def _z(i, carry):
        for j in range(D // 16):
            zb[i, pl.ds(j * 16, 16)] = jnp.zeros((16,), jnp.float32)
        return carry
    lax.fori_loop(0, C, _z, 0)
    for r in range(STRIPE // C):
        pltpu.sync_copy(zb, acc_sh.at[pl.ds(sid * STRIPE + r * C, C), :])
    plsc.subcore_barrier()

    base = wid * EDGES_PER_TILE

    def _chunk(t, carry):
        off = base + t * C
        pltpu.sync_copy(idx_hbm.at[:, pl.ds(off, C)], iv)
        pltpu.sync_copy(e_hbm.at[pl.ds(off, C)], ev)
        pltpu.async_copy(msg2_hbm.at[iv.at[1]], rows, sem).wait()

        @plsc.parallel_loop(0, C // 16, unroll=2)
        def _scale(g):
            ev16 = ev[pl.ds(g * 16, 16)]
            for l in range(16):
                e = ev16[l]
                i = g * 16 + l
                for j in range(D // 16):
                    rows[i, pl.ds(j * 16, 16)] = rows[i, pl.ds(j * 16, 16)] * e
        pltpu.sync_copy(rows, acc_sh.at[iv.at[0]], add=True)
        return carry

    lax.fori_loop(0, CHUNKS, _chunk, 0)
    plsc.subcore_barrier()

    for r in range(STRIPE // C):
        pltpu.sync_copy(acc_sh.at[pl.ds(sid * STRIPE + r * C, C), :], zb)
        pltpu.sync_copy(zb, hp_hbm.at[cid, pl.ds(sid * STRIPE + r * C, C), :])


def _k4(idx_pad, e_edge, msg2):
    mesh = plsc.VectorSubcoreMesh(core_axis_name="c", subcore_axis_name="s")
    return pl.kernel(
        _k4_body,
        mesh=mesh,
        out_type=jax.ShapeDtypeStruct((2, NP, D), jnp.float32),
        scratch_types=[
            pltpu.VMEM((2, C), jnp.int32),
            pltpu.VMEM((C,), jnp.float32),
            pltpu.VMEM((C, D), jnp.float32),
            pltpu.VMEM((C, D), jnp.float32),
            pltpu.VMEM_SHARED((NP, D), jnp.float32),
            pltpu.SemaphoreType.DMA,
        ],
    )(idx_pad, e_edge, msg2)


def _k5_body(f_ref, hp_ref, w2_ref, b2_ref, out_ref):
    fb = f_ref[...]
    hn = hp_ref[0] + hp_ref[1]
    t2 = jnp.dot(fb * hn, w2_ref[...].T, preferred_element_type=jnp.float32) + b2_ref[...]
    o = fb + hn + t2
    out_ref[...] = jnp.where(o >= 0.0, o, o * 0.01)


def _k5(f_pad, hp, W2_w, W2_b):
    return pl.pallas_call(
        _k5_body,
        grid=(TC_GRID,),
        in_specs=[
            pl.BlockSpec((ROW_BLK, D), lambda i: (i, 0)),
            pl.BlockSpec((2, ROW_BLK, D), lambda i: (0, i, 0)),
            pl.BlockSpec((D, D), lambda i: (0, 0)),
            pl.BlockSpec((1, D), lambda i: (0, 0)),
        ],
        out_specs=pl.BlockSpec((ROW_BLK, D), lambda i: (i, 0)),
        out_shape=jax.ShapeDtypeStruct((NP, D), jnp.float32),
    )(f_pad, hp, W2_w, W2_b.reshape(1, D))


@jax.jit
def _run(indices, features, W1_w, W1_b, W2_w, W2_b, Watt_w, Watt_b, a):
    f_pad = jnp.pad(features, ((0, NP - N), (0, 0)))
    idx_pad = jnp.pad(indices, ((0, 0), (0, EP - E)), constant_values=N)
    aT = a.reshape(2, D)

    msg, pq = _k1(f_pad, W1_w, W1_b, Watt_w, Watt_b, aT)
    e_edge, den = _k2(idx_pad, pq[0], pq[1])
    msg2 = _k3(msg, den)
    hp = _k4(idx_pad, e_edge, msg2)
    out = _k5(f_pad, hp, W2_w, W2_b)
    return out[:N]


def kernel(indices, features, num_nodes, W1_w, W1_b, W2_w, W2_b, Watt_w, Watt_b, a):
    return _run(indices, features, W1_w, W1_b, W2_w, W2_b, Watt_w, Watt_b, a)

# --- scband reference (transcript-rebuilt; emitter-appended) ---
"""Pipeline reference for scband-gnnlayer-attention-36850819400035 (READ-ONLY COPY).

The authoritative reference and input builder live on the scoring server;
editing this copy changes nothing except your own understanding.
"""

import jax, jax.numpy as jnp
import numpy as np

N = 10000
E = 320000
D = 128

def setup_inputs(seed: int = 0):
    key = jax.random.key(seed)
    ks = jax.random.split(key, 9)
    features = jax.random.normal(ks[0], (N, D), dtype=jnp.float32)
    indices = jax.random.randint(ks[1], (2, E), 0, N, dtype=jnp.int32)
    s = 1.0 / np.sqrt(D)
    W1_w = jax.random.uniform(ks[2], (D, D), minval=-s, maxval=s, dtype=jnp.float32)
    W1_b = jax.random.uniform(ks[3], (D,), minval=-s, maxval=s, dtype=jnp.float32)
    W2_w = jax.random.uniform(ks[4], (D, D), minval=-s, maxval=s, dtype=jnp.float32)
    W2_b = jax.random.uniform(ks[5], (D,), minval=-s, maxval=s, dtype=jnp.float32)
    Watt_w = jax.random.uniform(ks[6], (D, D), minval=-s, maxval=s, dtype=jnp.float32)
    Watt_b = jax.random.uniform(ks[7], (D,), minval=-s, maxval=s, dtype=jnp.float32)
    sa = np.sqrt(6.0 / (2 * D + 1))
    a = jax.random.uniform(ks[8], (2 * D, 1), minval=-sa, maxval=sa, dtype=jnp.float32)
    return {"indices": indices, "features": features, "num_nodes": N,
            "W1_w": W1_w, "W1_b": W1_b, "W2_w": W2_w, "W2_b": W2_b,
            "Watt_w": Watt_w, "Watt_b": Watt_b, "a": a}

def reference(indices, features, num_nodes, W1_w, W1_b, W2_w, W2_b, Watt_w, Watt_b, a):
    num_nodes_static = features.shape[0]
    # h_trans = W_att(features)
    h_trans = features @ Watt_w.T + Watt_b
    src = indices[0]
    dst = indices[1]
    src_h = jnp.take(h_trans, src, axis=0)
    dst_h = jnp.take(h_trans, dst, axis=0)
    edge_h_cat = jnp.concatenate([src_h, dst_h], axis=1)
    logits = jax.nn.leaky_relu(edge_h_cat @ a)  # [E, 1], slope 0.01 (torch default)
    # edge softmax: normalize over dst
    exp_logits = jnp.exp(logits)
    denom_sum = jax.ops.segment_sum(exp_logits, dst, num_segments=num_nodes_static)  # [N, 1]
    edge_denom = jnp.take(denom_sum, dst, axis=0)
    alpha = exp_logits / (edge_denom + 1e-9)  # [E, 1]
    # h_neigh = sparse.mm(adj_att, W1(features)); adj_att[src, dst] = alpha
    h_neigh_msg = features @ W1_w.T + W1_b
    messages = alpha * jnp.take(h_neigh_msg, dst, axis=0)
    h_neigh = jax.ops.segment_sum(messages, src, num_segments=num_nodes_static)  # [N, D]
    # in_dim == out_dim so h_self = features (torch branch)
    h_self = features
    term1 = h_self + h_neigh
    h_prod = h_self * h_neigh
    term2 = h_prod @ W2_w.T + W2_b
    h_out = jax.nn.leaky_relu(term1 + term2)
    h_out = h_out + (jnp.asarray(num_nodes) * 0).astype(h_out.dtype)
    return h_out

if __name__ == "__main__":
    import jax
    _d = setup_inputs()
    print(jax.jit(kernel)(*tuple(_d.values())))

</pallas_src>

<mosaic_0001>
#map = affine_map<(d0, d1) -> (0, 0)>
#map1 = affine_map<(d0, d1) -> (0)>
module attributes {stable_mosaic.version = 14 : i64} {
  func.func @_k2_body(%arg0: i32, %arg1: i32, %arg2: memref<2x323584xi32, #tpu.memory_space<hbm>>, %arg3: memref<10240xf32, #tpu.memory_space<hbm>>, %arg4: memref<10240xf32, #tpu.memory_space<hbm>>, %arg5: memref<323584xf32, #tpu.memory_space<hbm>>, %arg6: memref<2x10240xf32, #tpu.memory_space<hbm>>, %arg7: memref<2x128xi32, #tpu.memory_space<vmem>>, %arg8: memref<128xf32, #tpu.memory_space<vmem>>, %arg9: memref<128xf32, #tpu.memory_space<vmem>>, %arg10: memref<128xf32, #tpu.memory_space<vmem>>, %arg11: memref<640xf32, #tpu.memory_space<vmem>>, %arg12: memref<10240xf32, #tpu.memory_space<vmem_shared>>, %arg13: memref<!tpu.dma_semaphore, #tpu.memory_space<semaphore_mem>>) attributes {dimension_semantics = [#tpu.dimension_semantics<core_parallel>, #tpu.dimension_semantics<subcore_parallel>], iteration_bounds = array<i64: 2, 16>, scalar_prefetch = 0 : i64, scratch_operands = 7 : i64, tpu.core_type = #tpu.core_type<sc_vector_subcore>, window_params = [{transform_indices = #map}, {transform_indices = #map1}, {transform_indices = #map1}, {transform_indices = #map1}, {transform_indices = #map}]} {
    %mul3A = arith.constant 2 : i32
    %mul3A_0 = arith.muli %arg1, %mul3A : i32
    %add3A = arith.addi %mul3A_0, %arg0 : i32
    %scan3A = arith.constant 0 : i32
    %scan3A_1 = arith.constant 0 : i32
    %scan3A_2 = arith.constant 40 : i32
    %scan3A_3 = arith.addi %scan3A_1, %scan3A_2 : i32
    %scan3A_4 = arith.constant 1 : i32
    scf.for %scan3A_21 = %scan3A_1 to %scan3A_3 step %scan3A_4  : i32 {
      %broadcast_in_dim3A = arith.constant 0.000000e+00 : f32
      %broadcast_in_dim3A_22 = vector.broadcast %broadcast_in_dim3A : f32 to vector<16xf32>
      %mul3A_23 = arith.constant 16 : i32
      %mul3A_24 = arith.muli %scan3A_21, %mul3A_23 : i32
      %swap3A = arith.index_cast %mul3A_24 : i32 to index
      %swap3A_25 = tpu.vector_load %arg11[%swap3A] {strides = array<i32>} : memref<640xf32, #tpu.memory_space<vmem>>, vector<16xf32>,
      %swap3A_26 = vector.shape_cast %swap3A_25 : vector<16xf32> to vector<16xf32>
      %swap3A_27 = vector.shape_cast %broadcast_in_dim3A_22 : vector<16xf32> to vector<16xf32>
      tpu.vector_store %arg11[%swap3A], %swap3A_27 {strides = array<i32>} : memref<640xf32, #tpu.memory_space<vmem>>, vector<16xf32>,
    }
    %scan3A_5 = arith.constant 40 : i32
    %mul3A_6 = arith.constant 640 : i32
    %mul3A_7 = arith.muli %arg1, %mul3A_6 : i32
    "tpu.region"() ({
      %run_scoped3A = tpu.sem_alloc : memref<!tpu.dma_semaphore, #tpu.memory_space<semaphore_mem>>
      %dma_start3A = tpu.memref_slice %arg12[%mul3A_7] : memref<10240xf32, #tpu.memory_space<vmem_shared>> -> memref<640xf32, #tpu.memory_space<vmem_shared>>
      %dma_start3A_21 = tpu.memref_slice %arg12[%mul3A_7] : memref<10240xf32, #tpu.memory_space<vmem_shared>> -> memref<640xf32, #tpu.memory_space<vmem_shared>>
      tpu.enqueue_dma source(%arg11 : memref<640xf32, #tpu.memory_space<vmem>>) target(%dma_start3A_21 : memref<640xf32, #tpu.memory_space<vmem_shared>>) target_semaphore(%run_scoped3A : memref<!tpu.dma_semaphore, #tpu.memory_space<semaphore_mem>>)
      %dma_wait3A = tpu.memref_slice %arg12[%mul3A_7] : memref<10240xf32, #tpu.memory_space<vmem_shared>> -> memref<640xf32, #tpu.memory_space<vmem_shared>>
      %dma_wait3A_22 = tpu.memref_slice %arg12[%mul3A_7] : memref<10240xf32, #tpu.memory_space<vmem_shared>> -> memref<640xf32, #tpu.memory_space<vmem_shared>>
      tpu.wait_dma2 semaphore(%run_scoped3A : memref<!tpu.dma_semaphore, #tpu.memory_space<semaphore_mem>>) src(%arg11 : memref<640xf32, #tpu.memory_space<vmem>>) dst(%dma_wait3A_22 : memref<640xf32, #tpu.memory_space<vmem_shared>>)
      tpu.yield
    }) : () -> ()
    %barrier3A = arith.constant 0 : index
    tpu.barrier barrier_id(%barrier3A)
    %mul3A_8 = arith.constant 10112 : i32
    %mul3A_9 = arith.muli %add3A, %mul3A_8 : i32
    %scan3A_10 = arith.constant 0 : i32
    %scan3A_11 = arith.constant 0 : i32
    %scan3A_12 = arith.constant 79 : i32
    %scan3A_13 = arith.addi %scan3A_11, %scan3A_12 : i32
    %scan3A_14 = arith.constant 1 : i32
    scf.for %scan3A_21 = %scan3A_11 to %scan3A_13 step %scan3A_14  : i32 {
      %mul3A_22 = arith.constant 128 : i32
      %mul3A_23 = arith.muli %scan3A_21, %mul3A_22 : i32
      %add3A_24 = arith.addi %mul3A_9, %mul3A_23 : i32
      "tpu.region"() ({
        %run_scoped3A_194 = tpu.sem_alloc : memref<!tpu.dma_semaphore, #tpu.memory_space<semaphore_mem>>
        %dma_start3A_195 = arith.constant 0 : i32
        %dma_start3A_196 = tpu.memref_slice %arg2[%dma_start3A_195, %add3A_24] : memref<2x323584xi32, #tpu.memory_space<hbm>> -> memref<2x128xi32, #tpu.memory_space<hbm>>
        %dma_start3A_197 = arith.constant 0 : i32
        %dma_start3A_198 = tpu.memref_slice %arg2[%dma_start3A_197, %add3A_24] : memref<2x323584xi32, #tpu.memory_space<hbm>> -> memref<2x128xi32, #tpu.memory_space<hbm>>
        tpu.enqueue_dma source(%dma_start3A_198 : memref<2x128xi32, #tpu.memory_space<hbm>>) target(%arg7 : memref<2x128xi32, #tpu.memory_space<vmem>>) target_semaphore(%run_scoped3A_194 : memref<!tpu.dma_semaphore, #tpu.memory_space<semaphore_mem>>)
        %dma_wait3A_199 = arith.constant 0 : i32
        %dma_wait3A_200 = tpu.memref_slice %arg2[%dma_wait3A_199, %add3A_24] : memref<2x323584xi32, #tpu.memory_space<hbm>> -> memref<2x128xi32, #tpu.memory_space<hbm>>
        %dma_wait3A_201 = arith.constant 0 : i32
        %dma_wait3A_202 = tpu.memref_slice %arg2[%dma_wait3A_201, %add3A_24] : memref<2x323584xi32, #tpu.memory_space<hbm>> -> memref<2x128xi32, #tpu.memory_space<hbm>>
        tpu.wait_dma2 semaphore(%run_scoped3A_194 : memref<!tpu.dma_semaphore, #tpu.memory_space<semaphore_mem>>) src(%dma_wait3A_202 : memref<2x128xi32, #tpu.memory_space<hbm>>) dst(%arg7 : memref<2x128xi32, #tpu.memory_space<vmem>>)
        tpu.yield
      }) : () -> ()
      %dma_start3A = arith.constant 0 : i32
      %dma_start3A_25 = arith.constant 0 : i32
      %dma_start3A_26 = tpu.memref_slice %arg7[%dma_start3A, %dma_start3A_25] : memref<2x128xi32, #tpu.memory_space<vmem>> -> memref<1x128xi32, #tpu.memory_space<vmem>>
      %dma_start3A_27 = tpu.memref_squeeze %dma_start3A_26 : memref<1x128xi32, #tpu.memory_space<vmem>> -> memref<128xi32, #tpu.memory_space<vmem>>
      %dma_start3A_28 = arith.constant 0 : i32
      %dma_start3A_29 = tpu.memref_slice %arg3[%dma_start3A_28] : memref<10240xf32, #tpu.memory_space<hbm>> -> memref<10240xf32, #tpu.memory_space<hbm>>
      tpu.enqueue_indirect_dma source(%dma_start3A_29 : memref<10240xf32, #tpu.memory_space<hbm>>) target(%arg8 : memref<128xf32, #tpu.memory_space<vmem>>) offsets(%dma_start3A_27 : memref<128xi32, #tpu.memory_space<vmem>>) semaphore(%arg13 : memref<!tpu.dma_semaphore, #tpu.memory_space<semaphore_mem>>)
      %dma_start3A_30 = arith.constant 1 : i32
      %dma_start3A_31 = arith.constant 0 : i32
      %dma_start3A_32 = tpu.memref_slice %arg7[%dma_start3A_30, %dma_start3A_31] : memref<2x128xi32, #tpu.memory_space<vmem>> -> memref<1x128xi32, #tpu.memory_space<vmem>>
      %dma_start3A_33 = tpu.memref_squeeze %dma_start3A_32 : memref<1x128xi32, #tpu.memory_space<vmem>> -> memref<128xi32, #tpu.memory_space<vmem>>
      %dma_start3A_34 = arith.constant 0 : i32
      %dma_start3A_35 = tpu.memref_slice %arg4[%dma_start3A_34] : memref<10240xf32, #tpu.memory_space<hbm>> -> memref<10240xf32, #tpu.memory_space<hbm>>
      tpu.enqueue_indirect_dma source(%dma_start3A_35 : memref<10240xf32, #tpu.memory_space<hbm>>) target(%arg9 : memref<128xf32, #tpu.memory_space<vmem>>) offsets(%dma_start3A_33 : memref<128xi32, #tpu.memory_space<vmem>>) semaphore(%arg13 : memref<!tpu.dma_semaphore, #tpu.memory_space<semaphore_mem>>)
      %dma_wait3A = arith.constant 0 : i32
      %dma_wait3A_36 = arith.constant 0 : i32
      %dma_wait3A_37 = tpu.memref_slice %arg7[%dma_wait3A, %dma_wait3A_36] : memref<2x128xi32, #tpu.memory_space<vmem>> -> memref<1x128xi32, #tpu.memory_space<vmem>>
      %dma_wait3A_38 = tpu.memref_squeeze %dma_wait3A_37 : memref<1x128xi32, #tpu.memory_space<vmem>> -> memref<128xi32, #tpu.memory_space<vmem>>
      %dma_wait3A_39 = arith.constant 0 : i32
      %dma_wait3A_40 = tpu.memref_slice %arg3[%dma_wait3A_39] : memref<10240xf32, #tpu.memory_space<hbm>> -> memref<10240xf32, #tpu.memory_space<hbm>>
      tpu.wait_indirect_dma semaphore(%arg13 : memref<!tpu.dma_semaphore, #tpu.memory_space<semaphore_mem>>) src(%dma_wait3A_40 : memref<10240xf32, #tpu.memory_space<hbm>>) dst(%arg8 : memref<128xf32, #tpu.memory_space<vmem>>)
      %dma_wait3A_41 = arith.constant 1 : i32
      %dma_wait3A_42 = arith.constant 0 : i32
      %dma_wait3A_43 = tpu.memref_slice %arg7[%dma_wait3A_41, %dma_wait3A_42] : memref<2x128xi32, #tpu.memory_space<vmem>> -> memref<1x128xi32, #tpu.memory_space<vmem>>
      %dma_wait3A_44 = tpu.memref_squeeze %dma_wait3A_43 : memref<1x128xi32, #tpu.memory_space<vmem>> -> memref<128xi32, #tpu.memory_space<vmem>>
      %dma_wait3A_45 = arith.constant 0 : i32
      %dma_wait3A_46 = tpu.memref_slice %arg4[%dma_wait3A_45] : memref<10240xf32, #tpu.memory_space<hbm>> -> memref<10240xf32, #tpu.memory_space<hbm>>
      tpu.wait_indirect_dma semaphore(%arg13 : memref<!tpu.dma_semaphore, #tpu.memory_space<semaphore_mem>>) src(%dma_wait3A_46 : memref<10240xf32, #tpu.memory_space<hbm>>) dst(%arg9 : memref<128xf32, #tpu.memory_space<vmem>>)
      %get3A = arith.constant 0 : index
      %get3A_47 = tpu.vector_load %arg8[%get3A] {strides = array<i32>} : memref<128xf32, #tpu.memory_space<vmem>>, vector<16xf32>,
      %get3A_48 = vector.shape_cast %get3A_47 : vector<16xf32> to vector<16xf32>
      %get3A_49 = arith.constant 0 : index
      %get3A_50 = tpu.vector_load %arg9[%get3A_49] {strides = array<i32>} : memref<128xf32, #tpu.memory_space<vmem>>, vector<16xf32>,
      %get3A_51 = vector.shape_cast %get3A_50 : vector<16xf32> to vector<16xf32>
      %add3A_52 = arith.addf %get3A_48, %get3A_51 : vector<16xf32>
      %ge3A = arith.constant 0.000000e+00 : f32
      %ge3A_53 = vector.broadcast %ge3A : f32 to vector<16xf32>
      %ge3A_54 = arith.cmpf oge, %add3A_52, %ge3A_53 : vector<16xf32>
      %mul3A_55 = arith.constant 0.00999999977 : f32
      %mul3A_56 = vector.broadcast %mul3A_55 : f32 to vector<16xf32>
      %mul3A_57 = arith.mulf %add3A_52, %mul3A_56 : vector<16xf32>
      %select_n3A = arith.select %ge3A_54, %add3A_52, %mul3A_57 : vector<16xi1>, vector<16xf32>
      %exp3A = math.exp %select_n3A : vector<16xf32>
      %swap3A = arith.constant 0 : index
      %swap3A_58 = tpu.vector_load %arg10[%swap3A] {strides = array<i32>} : memref<128xf32, #tpu.memory_space<vmem>>, vector<16xf32>,
      %swap3A_59 = vector.shape_cast %swap3A_58 : vector<16xf32> to vector<16xf32>
      %swap3A_60 = vector.shape_cast %exp3A : vector<16xf32> to vector<16xf32>
      tpu.vector_store %arg10[%swap3A], %swap3A_60 {strides = array<i32>} : memref<128xf32, #tpu.memory_space<vmem>>, vector<16xf32>,
      %get3A_61 = arith.constant 16 : index
      %get3A_62 = tpu.vector_load %arg8[%get3A_61] {strides = array<i32>} : memref<128xf32, #tpu.memory_space<vmem>>, vector<16xf32>,
      %get3A_63 = vector.shape_cast %get3A_62 : vector<16xf32> to vector<16xf32>
      %get3A_64 = arith.constant 16 : index
      %get3A_65 = tpu.vector_load %arg9[%get3A_64] {strides = array<i32>} : memref<128xf32, #tpu.memory_space<vmem>>, vector<16xf32>,
      %get3A_66 = vector.shape_cast %get3A_65 : vector<16xf32> to vector<16xf32>
      %add3A_67 = arith.addf %get3A_63, %get3A_66 : vector<16xf32>
      %ge3A_68 = arith.constant 0.000000e+00 : f32
      %ge3A_69 = vector.broadcast %ge3A_68 : f32 to vector<16xf32>
      %ge3A_70 = arith.cmpf oge, %add3A_67, %ge3A_69 : vector<16xf32>
      %mul3A_71 = arith.constant 0.00999999977 : f32
      %mul3A_72 = vector.broadcast %mul3A_71 : f32 to vector<16xf32>
      %mul3A_73 = arith.mulf %add3A_67, %mul3A_72 : vector<16xf32>
      %select_n3A_74 = arith.select %ge3A_70, %add3A_67, %mul3A_73 : vector<16xi1>, vector<16xf32>
      %exp3A_75 = math.exp %select_n3A_74 : vector<16xf32>
      %swap3A_76 = arith.constant 16 : index
      %swap3A_77 = tpu.vector_load %arg10[%swap3A_76] {strides = array<i32>} : memref<128xf32, #tpu.memory_space<vmem>>, vector<16xf32>,
      %swap3A_78 = vector.shape_cast %swap3A_77 : vector<16xf32> to vector<16xf32>
      %swap3A_79 = vector.shape_cast %exp3A_75 : vector<16xf32> to vector<16xf32>
      tpu.vector_store %arg10[%swap3A_76], %swap3A_79 {strides = array<i32>} : memref<128xf32, #tpu.memory_space<vmem>>, vector<16xf32>,
      %get3A_80 = arith.constant 32 : index
      %get3A_81 = tpu.vector_load %arg8[%get3A_80] {strides = array<i32>} : memref<128xf32, #tpu.memory_space<vmem>>, vector<16xf32>,
      %get3A_82 = vector.shape_cast %get3A_81 : vector<16xf32> to vector<16xf32>
      %get3A_83 = arith.constant 32 : index
      %get3A_84 = tpu.vector_load %arg9[%get3A_83] {strides = array<i32>} : memref<128xf32, #tpu.memory_space<vmem>>, vector<16xf32>,
      %get3A_85 = vector.shape_cast %get3A_84 : vector<16xf32> to vector<16xf32>
      %add3A_86 = arith.addf %get3A_82, %get3A_85 : vector<16xf32>
      %ge3A_87 = arith.constant 0.000000e+00 : f32
      %ge3A_88 = vector.broadcast %ge3A_87 : f32 to vector<16xf32>
      %ge3A_89 = arith.cmpf oge, %add3A_86, %ge3A_88 : vector<16xf32>
      %mul3A_90 = arith.constant 0.00999999977 : f32
      %mul3A_91 = vector.broadcast %mul3A_90 : f32 to vector<16xf32>
      %mul3A_92 = arith.mulf %add3A_86, %mul3A_91 : vector<16xf32>
      %select_n3A_93 = arith.select %ge3A_89, %add3A_86, %mul3A_92 : vector<16xi1>, vector<16xf32>
      %exp3A_94 = math.exp %select_n3A_93 : vector<16xf32>
      %swap3A_95 = arith.constant 32 : index
      %swap3A_96 = tpu.vector_load %arg10[%swap3A_95] {strides = array<i32>} : memref<128xf32, #tpu.memory_space<vmem>>, vector<16xf32>,
      %swap3A_97 = vector.shape_cast %swap3A_96 : vector<16xf32> to vector<16xf32>
      %swap3A_98 = vector.shape_cast %exp3A_94 : vector<16xf32> to vector<16xf32>
      tpu.vector_store %arg10[%swap3A_95], %swap3A_98 {strides = array<i32>} : memref<128xf32, #tpu.memory_space<vmem>>, vector<16xf32>,
      %get3A_99 = arith.constant 48 : index
      %get3A_100 = tpu.vector_load %arg8[%get3A_99] {strides = array<i32>} : memref<128xf32, #tpu.memory_space<vmem>>, vector<16xf32>,
      %get3A_101 = vector.shape_cast %get3A_100 : vector<16xf32> to vector<16xf32>
      %get3A_102 = arith.constant 48 : index
      %get3A_103 = tpu.vector_load %arg9[%get3A_102] {strides = array<i32>} : memref<128xf32, #tpu.memory_space<vmem>>, vector<16xf32>,
      %get3A_104 = vector.shape_cast %get3A_103 : vector<16xf32> to vector<16xf32>
      %add3A_105 = arith.addf %get3A_101, %get3A_104 : vector<16xf32>
      %ge3A_106 = arith.constant 0.000000e+00 : f32
      %ge3A_107 = vector.broadcast %ge3A_106 : f32 to vector<16xf32>
      %ge3A_108 = arith.cmpf oge, %add3A_105, %ge3A_107 : vector<16xf32>
      %mul3A_109 = arith.constant 0.00999999977 : f32
      %mul3A_110 = vector.broadcast %mul3A_109 : f32 to vector<16xf32>
      %mul3A_111 = arith.mulf %add3A_105, %mul3A_110 : vector<16xf32>
      %select_n3A_112 = arith.select %ge3A_108, %add3A_105, %mul3A_111 : vector<16xi1>, vector<16xf32>
      %exp3A_113 = math.exp %select_n3A_112 : vector<16xf32>
      %swap3A_114 = arith.constant 48 : index
      %swap3A_115 = tpu.vector_load %arg10[%swap3A_114] {strides = array<i32>} : memref<128xf32, #tpu.memory_space<vmem>>, vector<16xf32>,
      %swap3A_116 = vector.shape_cast %swap3A_115 : vector<16xf32> to vector<16xf32>
      %swap3A_117 = vector.shape_cast %exp3A_113 : vector<16xf32> to vector<16xf32>
      tpu.vector_store %arg10[%swap3A_114], %swap3A_117 {strides = array<i32>} : memref<128xf32, #tpu.memory_space<vmem>>, vector<16xf32>,
      %get3A_118 = arith.constant 64 : index
      %get3A_119 = tpu.vector_load %arg8[%get3A_118] {strides = array<i32>} : memref<128xf32, #tpu.memory_space<vmem>>, vector<16xf32>,
      %get3A_120 = vector.shape_cast %get3A_119 : vector<16xf32> to vector<16xf32>
      %get3A_121 = arith.constant 64 : index
      %get3A_122 = tpu.vector_load %arg9[%get3A_121] {strides = array<i32>} : memref<128xf32, #tpu.memory_space<vmem>>, vector<16xf32>,
      %get3A_123 = vector.shape_cast %get3A_122 : vector<16xf32> to vector<16xf32>
      %add3A_124 = arith.addf %get3A_120, %get3A_123 : vector<16xf32>
      %ge3A_125 = arith.constant 0.000000e+00 : f32
      %ge3A_126 = vector.broadcast %ge3A_125 : f32 to vector<16xf32>
      %ge3A_127 = arith.cmpf oge, %add3A_124, %ge3A_126 : vector<16xf32>
      %mul3A_128 = arith.constant 0.00999999977 : f32
      %mul3A_129 = vector.broadcast %mul3A_128 : f32 to vector<16xf32>
      %mul3A_130 = arith.mulf %add3A_124, %mul3A_129 : vector<16xf32>
      %select_n3A_131 = arith.select %ge3A_127, %add3A_124, %mul3A_130 : vector<16xi1>, vector<16xf32>
      %exp3A_132 = math.exp %select_n3A_131 : vector<16xf32>
      %swap3A_133 = arith.constant 64 : index
      %swap3A_134 = tpu.vector_load %arg10[%swap3A_133] {strides = array<i32>} : memref<128xf32, #tpu.memory_space<vmem>>, vector<16xf32>,
      %swap3A_135 = vector.shape_cast %swap3A_134 : vector<16xf32> to vector<16xf32>
      %swap3A_136 = vector.shape_cast %exp3A_132 : vector<16xf32> to vector<16xf32>
      tpu.vector_store %arg10[%swap3A_133], %swap3A_136 {strides = array<i32>} : memref<128xf32, #tpu.memory_space<vmem>>, vector<16xf32>,
      %get3A_137 = arith.constant 80 : index
      %get3A_138 = tpu.vector_load %arg8[%get3A_137] {strides = array<i32>} : memref<128xf32, #tpu.memory_space<vmem>>, vector<16xf32>,
      %get3A_139 = vector.shape_cast %get3A_138 : vector<16xf32> to vector<16xf32>
      %get3A_140 = arith.constant 80 : index
      %get3A_141 = tpu.vector_load %arg9[%get3A_140] {strides = array<i32>} : memref<128xf32, #tpu.memory_space<vmem>>, vector<16xf32>,
      %get3A_142 = vector.shape_cast %get3A_141 : vector<16xf32> to vector<16xf32>
      %add3A_143 = arith.addf %get3A_139, %get3A_142 : vector<16xf32>
      %ge3A_144 = arith.constant 0.000000e+00 : f32
      %ge3A_145 = vector.broadcast %ge3A_144 : f32 to vector<16xf32>
      %ge3A_146 = arith.cmpf oge, %add3A_143, %ge3A_145 : vector<16xf32>
      %mul3A_147 = arith.constant 0.00999999977 : f32
      %mul3A_148 = vector.broadcast %mul3A_147 : f32 to vector<16xf32>
      %mul3A_149 = arith.mulf %add3A_143, %mul3A_148 : vector<16xf32>
      %select_n3A_150 = arith.select %ge3A_146, %add3A_143, %mul3A_149 : vector<16xi1>, vector<16xf32>
      %exp3A_151 = math.exp %select_n3A_150 : vector<16xf32>
      %swap3A_152 = arith.constant 80 : index
      %swap3A_153 = tpu.vector_load %arg10[%swap3A_152] {strides = array<i32>} : memref<128xf32, #tpu.memory_space<vmem>>, vector<16xf32>,
      %swap3A_154 = vector.shape_cast %swap3A_153 : vector<16xf32> to vector<16xf32>
      %swap3A_155 = vector.shape_cast %exp3A_151 : vector<16xf32> to vector<16xf32>
      tpu.vector_store %arg10[%swap3A_152], %swap3A_155 {strides = array<i32>} : memref<128xf32, #tpu.memory_space<vmem>>, vector<16xf32>,
      %get3A_156 = arith.constant 96 : index
      %get3A_157 = tpu.vector_load %arg8[%get3A_156] {strides = array<i32>} : memref<128xf32, #tpu.memory_space<vmem>>, vector<16xf32>,
      %get3A_158 = vector.shape_cast %get3A_157 : vector<16xf32> to vector<16xf32>
      %get3A_159 = arith.constant 96 : index
      %get3A_160 = tpu.vector_load %arg9[%get3A_159] {strides = array<i32>} : memref<128xf32, #tpu.memory_space<vmem>>, vector<16xf32>,
      %get3A_161 = vector.shape_cast %get3A_160 : vector<16xf32> to vector<16xf32>
      %add3A_162 = arith.addf %get3A_158, %get3A_161 : vector<16xf32>
      %ge3A_163 = arith.constant 0.000000e+00 : f32
      %ge3A_164 = vector.broadcast %ge3A_163 : f32 to vector<16xf32>
      %ge3A_165 = arith.cmpf oge, %add3A_162, %ge3A_164 : vector<16xf32>
      %mul3A_166 = arith.constant 0.00999999977 : f32
      %mul3A_167 = vector.broadcast %mul3A_166 : f32 to vector<16xf32>
      %mul3A_168 = arith.mulf %add3A_162, %mul3A_167 : vector<16xf32>
      %select_n3A_169 = arith.select %ge3A_165, %add3A_162, %mul3A_168 : vector<16xi1>, vector<16xf32>
      %exp3A_170 = math.exp %select_n3A_169 : vector<16xf32>
      %swap3A_171 = arith.constant 96 : index
      %swap3A_172 = tpu.vector_load %arg10[%swap3A_171] {strides = array<i32>} : memref<128xf32, #tpu.memory_space<vmem>>, vector<16xf32>,
      %swap3A_173 = vector.shape_cast %swap3A_172 : vector<16xf32> to vector<16xf32>
      %swap3A_174 = vector.shape_cast %exp3A_170 : vector<16xf32> to vector<16xf32>
      tpu.vector_store %arg10[%swap3A_171], %swap3A_174 {strides = array<i32>} : memref<128xf32, #tpu.memory_space<vmem>>, vector<16xf32>,
      %get3A_175 = arith.constant 112 : index
      %get3A_176 = tpu.vector_load %arg8[%get3A_175] {strides = array<i32>} : memref<128xf32, #tpu.memory_space<vmem>>, vector<16xf32>,
      %get3A_177 = vector.shape_cast %get3A_176 : vector<16xf32> to vector<16xf32>
      %get3A_178 = arith.constant 112 : index
      %get3A_179 = tpu.vector_load %arg9[%get3A_178] {strides = array<i32>} : memref<128xf32, #tpu.memory_space<vmem>>, vector<16xf32>,
      %get3A_180 = vector.shape_cast %get3A_179 : vector<16xf32> to vector<16xf32>
      %add3A_181 = arith.addf %get3A_177, %get3A_180 : vector<16xf32>
      %ge3A_182 = arith.constant 0.000000e+00 : f32
      %ge3A_183 = vector.broadcast %ge3A_182 : f32 to vector<16xf32>
      %ge3A_184 = arith.cmpf oge, %add3A_181, %ge3A_183 : vector<16xf32>
      %mul3A_185 = arith.constant 0.00999999977 : f32
      %mul3A_186 = vector.broadcast %mul3A_185 : f32 to vector<16xf32>
      %mul3A_187 = arith.mulf %add3A_181, %mul3A_186 : vector<16xf32>
      %select_n3A_188 = arith.select %ge3A_184, %add3A_181, %mul3A_187 : vector<16xi1>, vector<16xf32>
      %exp3A_189 = math.exp %select_n3A_188 : vector<16xf32>
      %swap3A_190 = arith.constant 112 : index
      %swap3A_191 = tpu.vector_load %arg10[%swap3A_190] {strides = array<i32>} : memref<128xf32, #tpu.memory_space<vmem>>, vector<16xf32>,
      %swap3A_192 = vector.shape_cast %swap3A_191 : vector<16xf32> to vector<16xf32>
      %swap3A_193 = vector.shape_cast %exp3A_189 : vector<16xf32> to vector<16xf32>
      tpu.vector_store %arg10[%swap3A_190], %swap3A_193 {strides = array<i32>} : memref<128xf32, #tpu.memory_space<vmem>>, vector<16xf32>,
      "tpu.region"() ({
        %run_scoped3A_194 = tpu.sem_alloc : memref<!tpu.dma_semaphore, #tpu.memory_space<semaphore_mem>>
        %dma_start3A_195 = tpu.memref_slice %arg5[%add3A_24] : memref<323584xf32, #tpu.memory_space<hbm>> -> memref<128xf32, #tpu.memory_space<hbm>>
        %dma_start3A_196 = tpu.memref_slice %arg5[%add3A_24] : memref<323584xf32, #tpu.memory_space<hbm>> -> memref<128xf32, #tpu.memory_space<hbm>>
        tpu.enqueue_dma source(%arg10 : memref<128xf32, #tpu.memory_space<vmem>>) target(%dma_start3A_196 : memref<128xf32, #tpu.memory_space<hbm>>) target_semaphore(%run_scoped3A_194 : memref<!tpu.dma_semaphore, #tpu.memory_space<semaphore_mem>>)
        %dma_wait3A_197 = tpu.memref_slice %arg5[%add3A_24] : memref<323584xf32, #tpu.memory_space<hbm>> -> memref<128xf32, #tpu.memory_space<hbm>>
        %dma_wait3A_198 = tpu.memref_slice %arg5[%add3A_24] : memref<323584xf32, #tpu.memory_space<hbm>> -> memref<128xf32, #tpu.memory_space<hbm>>
        tpu.wait_dma2 semaphore(%run_scoped3A_194 : memref<!tpu.dma_semaphore, #tpu.memory_space<semaphore_mem>>) src(%arg10 : memref<128xf32, #tpu.memory_space<vmem>>) dst(%dma_wait3A_198 : memref<128xf32, #tpu.memory_space<hbm>>)
        tpu.yield
      }) : () -> ()
      %run_scoped3A = arith.constant 1 : i32
      "tpu.region"() ({
        %run_scoped3A_194 = tpu.sem_alloc : memref<!tpu.dma_semaphore, #tpu.memory_space<semaphore_mem>>
        %dma_start3A_195 = arith.constant 0 : i32
        %dma_start3A_196 = tpu.memref_slice %arg7[%run_scoped3A, %dma_start3A_195] : memref<2x128xi32, #tpu.memory_space<vmem>> -> memref<1x128xi32, #tpu.memory_space<vmem>>
        %dma_start3A_197 = tpu.memref_squeeze %dma_start3A_196 : memref<1x128xi32, #tpu.memory_space<vmem>> -> memref<128xi32, #tpu.memory_space<vmem>>
        %dma_start3A_198 = arith.constant 0 : i32
        %dma_start3A_199 = tpu.memref_slice %arg12[%dma_start3A_198] : memref<10240xf32, #tpu.memory_space<vmem_shared>> -> memref<10240xf32, #tpu.memory_space<vmem_shared>>
        tpu.enqueue_indirect_dma source(%arg10 : memref<128xf32, #tpu.memory_space<vmem>>) target(%dma_start3A_199 : memref<10240xf32, #tpu.memory_space<vmem_shared>>) offsets(%dma_start3A_197 : memref<128xi32, #tpu.memory_space<vmem>>) semaphore(%run_scoped3A_194 : memref<!tpu.dma_semaphore, #tpu.memory_space<semaphore_mem>>) {add = true}
        %dma_wait3A_200 = arith.constant 0 : i32
        %dma_wait3A_201 = tpu.memref_slice %arg7[%run_scoped3A, %dma_wait3A_200] : memref<2x128xi32, #tpu.memory_space<vmem>> -> memref<1x128xi32, #tpu.memory_space<vmem>>
        %dma_wait3A_202 = tpu.memref_squeeze %dma_wait3A_201 : memref<1x128xi32, #tpu.memory_space<vmem>> -> memref<128xi32, #tpu.memory_space<vmem>>
        %dma_wait3A_203 = arith.constant 0 : i32
        %dma_wait3A_204 = tpu.memref_slice %arg12[%dma_wait3A_203] : memref<10240xf32, #tpu.memory_space<vmem_shared>> -> memref<10240xf32, #tpu.memory_space<vmem_shared>>
        tpu.wait_indirect_dma semaphore(%run_scoped3A_194 : memref<!tpu.dma_semaphore, #tpu.memory_space<semaphore_mem>>) src(%arg10 : memref<128xf32, #tpu.memory_space<vmem>>) dst(%dma_wait3A_204 : memref<10240xf32, #tpu.memory_space<vmem_shared>>)
        tpu.yield
      }) : () -> ()
    }
    %scan3A_15 = arith.constant 79 : i32
    %barrier3A_16 = arith.constant 0 : index
    tpu.barrier barrier_id(%barrier3A_16)
    %mul3A_17 = arith.constant 640 : i32
    %mul3A_18 = arith.muli %arg1, %mul3A_17 : i32
    "tpu.region"() ({
      %run_scoped3A = tpu.sem_alloc : memref<!tpu.dma_semaphore, #tpu.memory_space<semaphore_mem>>
      %dma_start3A = tpu.memref_slice %arg12[%mul3A_18] : memref<10240xf32, #tpu.memory_space<vmem_shared>> -> memref<640xf32, #tpu.memory_space<vmem_shared>>
      %dma_start3A_21 = tpu.memref_slice %arg12[%mul3A_18] : memref<10240xf32, #tpu.memory_space<vmem_shared>> -> memref<640xf32, #tpu.memory_space<vmem_shared>>
      tpu.enqueue_dma source(%dma_start3A_21 : memref<640xf32, #tpu.memory_space<vmem_shared>>) target(%arg11 : memref<640xf32, #tpu.memory_space<vmem>>) target_semaphore(%run_scoped3A : memref<!tpu.dma_semaphore, #tpu.memory_space<semaphore_mem>>)
      %dma_wait3A = tpu.memref_slice %arg12[%mul3A_18] : memref<10240xf32, #tpu.memory_space<vmem_shared>> -> memref<640xf32, #tpu.memory_space<vmem_shared>>
      %dma_wait3A_22 = tpu.memref_slice %arg12[%mul3A_18] : memref<10240xf32, #tpu.memory_space<vmem_shared>> -> memref<640xf32, #tpu.memory_space<vmem_shared>>
      tpu.wait_dma2 semaphore(%run_scoped3A : memref<!tpu.dma_semaphore, #tpu.memory_space<semaphore_mem>>) src(%dma_wait3A_22 : memref<640xf32, #tpu.memory_space<vmem_shared>>) dst(%arg11 : memref<640xf32, #tpu.memory_space<vmem>>)
      tpu.yield
    }) : () -> ()
    %mul3A_19 = arith.constant 640 : i32
    %mul3A_20 = arith.muli %arg1, %mul3A_19 : i32
    "tpu.region"() ({
      %run_scoped3A = tpu.sem_alloc : memref<!tpu.dma_semaphore, #tpu.memory_space<semaphore_mem>>
      %dma_start3A = tpu.memref_slice %arg6[%arg0, %mul3A_20] : memref<2x10240xf32, #tpu.memory_space<hbm>> -> memref<1x640xf32, #tpu.memory_space<hbm>>
      %dma_start3A_21 = tpu.memref_squeeze %dma_start3A : memref<1x640xf32, #tpu.memory_space<hbm>> -> memref<640xf32, #tpu.memory_space<hbm>>
      %dma_start3A_22 = tpu.memref_slice %arg6[%arg0, %mul3A_20] : memref<2x10240xf32, #tpu.memory_space<hbm>> -> memref<1x640xf32, #tpu.memory_space<hbm>>
      %dma_start3A_23 = tpu.memref_squeeze %dma_start3A_22 : memref<1x640xf32, #tpu.memory_space<hbm>> -> memref<640xf32, #tpu.memory_space<hbm>>
      tpu.enqueue_dma source(%arg11 : memref<640xf32, #tpu.memory_space<vmem>>) target(%dma_start3A_23 : memref<640xf32, #tpu.memory_space<hbm>>) target_semaphore(%run_scoped3A : memref<!tpu.dma_semaphore, #tpu.memory_space<semaphore_mem>>)
      %dma_wait3A = tpu.memref_slice %arg6[%arg0, %mul3A_20] : memref<2x10240xf32, #tpu.memory_space<hbm>> -> memref<1x640xf32, #tpu.memory_space<hbm>>
      %dma_wait3A_24 = tpu.memref_squeeze %dma_wait3A : memref<1x640xf32, #tpu.memory_space<hbm>> -> memref<640xf32, #tpu.memory_space<hbm>>
      %dma_wait3A_25 = tpu.memref_slice %arg6[%arg0, %mul3A_20] : memref<2x10240xf32, #tpu.memory_space<hbm>> -> memref<1x640xf32, #tpu.memory_space<hbm>>
      %dma_wait3A_26 = tpu.memref_squeeze %dma_wait3A_25 : memref<1x640xf32, #tpu.memory_space<hbm>> -> memref<640xf32, #tpu.memory_space<hbm>>
      tpu.wait_dma2 semaphore(%run_scoped3A : memref<!tpu.dma_semaphore, #tpu.memory_space<semaphore_mem>>) src(%arg11 : memref<640xf32, #tpu.memory_space<vmem>>) dst(%dma_wait3A_26 : memref<640xf32, #tpu.memory_space<hbm>>)
      tpu.yield
    }) : () -> ()
    return
  }
}

#map = affine_map<(d0, d1) -> (0, 0)>
#map1 = affine_map<(d0, d1) -> (0)>
#map2 = affine_map<(d0, d1) -> (0, 0, 0)>
module attributes {stable_mosaic.version = 14 : i64} {
  func.func @_k4_body(%arg0: i32, %arg1: i32, %arg2: memref<2x323584xi32, #tpu.memory_space<hbm>>, %arg3: memref<323584xf32, #tpu.memory_space<hbm>>, %arg4: memref<10240x128xf32, #tpu.memory_space<hbm>>, %arg5: memref<2x10240x128xf32, #tpu.memory_space<hbm>>, %arg6: memref<2x128xi32, #tpu.memory_space<vmem>>, %arg7: memref<128xf32, #tpu.memory_space<vmem>>, %arg8: memref<128x128xf32, #tpu.memory_space<vmem>>, %arg9: memref<128x128xf32, #tpu.memory_space<vmem>>, %arg10: memref<10240x128xf32, #tpu.memory_space<vmem_shared>>, %arg11: memref<!tpu.dma_semaphore, #tpu.memory_space<semaphore_mem>>) attributes {dimension_semantics = [#tpu.dimension_semantics<core_parallel>, #tpu.dimension_semantics<subcore_parallel>], iteration_bounds = array<i64: 2, 16>, scalar_prefetch = 0 : i64, scratch_operands = 6 : i64, tpu.core_type = #tpu.core_type<sc_vector_subcore>, window_params = [{transform_indices = #map}, {transform_indices = #map1}, {transform_indices = #map}, {transform_indices = #map2}]} {
    %mul3A = arith.constant 2 : i32
    %mul3A_0 = arith.muli %arg1, %mul3A : i32
    %add3A = arith.addi %mul3A_0, %arg0 : i32
    %scan3A = arith.constant 0 : i32
    %scan3A_1 = arith.constant 0 : i32
    %scan3A_2 = arith.constant 128 : i32
    %scan3A_3 = arith.addi %scan3A_1, %scan3A_2 : i32
    %scan3A_4 = arith.constant 1 : i32
    scf.for %scan3A_75 = %scan3A_1 to %scan3A_3 step %scan3A_4  : i32 {
      %broadcast_in_dim3A = arith.constant 0.000000e+00 : f32
      %broadcast_in_dim3A_76 = vector.broadcast %broadcast_in_dim3A : f32 to vector<16xf32>
      %swap3A = arith.index_cast %scan3A_75 : i32 to index
      %swap3A_77 = arith.constant 0 : index
      %swap3A_78 = tpu.vector_load %arg9[%swap3A, %swap3A_77] {strides = array<i32>} : memref<128x128xf32, #tpu.memory_space<vmem>>, vector<1x16xf32>,
      %swap3A_79 = vector.shape_cast %swap3A_78 : vector<1x16xf32> to vector<16xf32>
      %swap3A_80 = vector.shape_cast %broadcast_in_dim3A_76 : vector<16xf32> to vector<1x16xf32>
      tpu.vector_store %arg9[%swap3A, %swap3A_77], %swap3A_80 {strides = array<i32>} : memref<128x128xf32, #tpu.memory_space<vmem>>, vector<1x16xf32>,
      %broadcast_in_dim3A_81 = arith.constant 0.000000e+00 : f32
      %broadcast_in_dim3A_82 = vector.broadcast %broadcast_in_dim3A_81 : f32 to vector<16xf32>
      %swap3A_83 = arith.index_cast %scan3A_75 : i32 to index
      %swap3A_84 = arith.constant 16 : index
      %swap3A_85 = tpu.vector_load %arg9[%swap3A_83, %swap3A_84] {strides = array<i32>} : memref<128x128xf32, #tpu.memory_space<vmem>>, vector<1x16xf32>,
      %swap3A_86 = vector.shape_cast %swap3A_85 : vector<1x16xf32> to vector<16xf32>
      %swap3A_87 = vector.shape_cast %broadcast_in_dim3A_82 : vector<16xf32> to vector<1x16xf32>
      tpu.vector_store %arg9[%swap3A_83, %swap3A_84], %swap3A_87 {strides = array<i32>} : memref<128x128xf32, #tpu.memory_space<vmem>>, vector<1x16xf32>,
      %broadcast_in_dim3A_88 = arith.constant 0.000000e+00 : f32
      %broadcast_in_dim3A_89 = vector.broadcast %broadcast_in_dim3A_88 : f32 to vector<16xf32>
      %swap3A_90 = arith.index_cast %scan3A_75 : i32 to index
      %swap3A_91 = arith.constant 32 : index
      %swap3A_92 = tpu.vector_load %arg9[%swap3A_90, %swap3A_91] {strides = array<i32>} : memref<128x128xf32, #tpu.memory_space<vmem>>, vector<1x16xf32>,
      %swap3A_93 = vector.shape_cast %swap3A_92 : vector<1x16xf32> to vector<16xf32>
      %swap3A_94 = vector.shape_cast %broadcast_in_dim3A_89 : vector<16xf32> to vector<1x16xf32>
      tpu.vector_store %arg9[%swap3A_90, %swap3A_91], %swap3A_94 {strides = array<i32>} : memref<128x128xf32, #tpu.memory_space<vmem>>, vector<1x16xf32>,
      %broadcast_in_dim3A_95 = arith.constant 0.000000e+00 : f32
      %broadcast_in_dim3A_96 = vector.broadcast %broadcast_in_dim3A_95 : f32 to vector<16xf32>
      %swap3A_97 = arith.index_cast %scan3A_75 : i32 to index
      %swap3A_98 = arith.constant 48 : index
      %swap3A_99 = tpu.vector_load %arg9[%swap3A_97, %swap3A_98] {strides = array<i32>} : memref<128x128xf32, #tpu.memory_space<vmem>>, vector<1x16xf32>,
      %swap3A_100 = vector.shape_cast %swap3A_99 : vector<1x16xf32> to vector<16xf32>
      %swap3A_101 = vector.shape_cast %broadcast_in_dim3A_96 : vector<16xf32> to vector<1x16xf32>
      tpu.vector_store %arg9[%swap3A_97, %swap3A_98], %swap3A_101 {strides = array<i32>} : memref<128x128xf32, #tpu.memory_space<vmem>>, vector<1x16xf32>,
      %broadcast_in_dim3A_102 = arith.constant 0.000000e+00 : f32
      %broadcast_in_dim3A_103 = vector.broadcast %broadcast_in_dim3A_102 : f32 to vector<16xf32>
      %swap3A_104 = arith.index_cast %scan3A_75 : i32 to index
      %swap3A_105 = arith.constant 64 : index
      %swap3A_106 = tpu.vector_load %arg9[%swap3A_104, %swap3A_105] {strides = array<i32>} : memref<128x128xf32, #tpu.memory_space<vmem>>, vector<1x16xf32>,
      %swap3A_107 = vector.shape_cast %swap3A_106 : vector<1x16xf32> to vector<16xf32>
      %swap3A_108 = vector.shape_cast %broadcast_in_dim3A_103 : vector<16xf32> to vector<1x16xf32>
      tpu.vector_store %arg9[%swap3A_104, %swap3A_105], %swap3A_108 {strides = array<i32>} : memref<128x128xf32, #tpu.memory_space<vmem>>, vector<1x16xf32>,
      %broadcast_in_dim3A_109 = arith.constant 0.000000e+00 : f32
      %broadcast_in_dim3A_110 = vector.broadcast %broadcast_in_dim3A_109 : f32 to vector<16xf32>
      %swap3A_111 = arith.index_cast %scan3A_75 : i32 to index
      %swap3A_112 = arith.constant 80 : index
      %swap3A_113 = tpu.vector_load %arg9[%swap3A_111, %swap3A_112] {strides = array<i32>} : memref<128x128xf32, #tpu.memory_space<vmem>>, vector<1x16xf32>,
      %swap3A_114 = vector.shape_cast %swap3A_113 : vector<1x16xf32> to vector<16xf32>
      %swap3A_115 = vector.shape_cast %broadcast_in_dim3A_110 : vector<16xf32> to vector<1x16xf32>
      tpu.vector_store %arg9[%swap3A_111, %swap3A_112], %swap3A_115 {strides = array<i32>} : memref<128x128xf32, #tpu.memory_space<vmem>>, vector<1x16xf32>,
      %broadcast_in_dim3A_116 = arith.constant 0.000000e+00 : f32
      %broadcast_in_dim3A_117 = vector.broadcast %broadcast_in_dim3A_116 : f32 to vector<16xf32>
      %swap3A_118 = arith.index_cast %scan3A_75 : i32 to index
      %swap3A_119 = arith.constant 96 : index
      %swap3A_120 = tpu.vector_load %arg9[%swap3A_118, %swap3A_119] {strides = array<i32>} : memref<128x128xf32, #tpu.memory_space<vmem>>, vector<1x16xf32>,
      %swap3A_121 = vector.shape_cast %swap3A_120 : vector<1x16xf32> to vector<16xf32>
      %swap3A_122 = vector.shape_cast %broadcast_in_dim3A_117 : vector<16xf32> to vector<1x16xf32>
      tpu.vector_store %arg9[%swap3A_118, %swap3A_119], %swap3A_122 {strides = array<i32>} : memref<128x128xf32, #tpu.memory_space<vmem>>, vector<1x16xf32>,
      %broadcast_in_dim3A_123 = arith.constant 0.000000e+00 : f32
      %broadcast_in_dim3A_124 = vector.broadcast %broadcast_in_dim3A_123 : f32 to vector<16xf32>
      %swap3A_125 = arith.index_cast %scan3A_75 : i32 to index
      %swap3A_126 = arith.constant 112 : index
      %swap3A_127 = tpu.vector_load %arg9[%swap3A_125, %swap3A_126] {strides = array<i32>} : memref<128x128xf32, #tpu.memory_space<vmem>>, vector<1x16xf32>,
      %swap3A_128 = vector.shape_cast %swap3A_127 : vector<1x16xf32> to vector<16xf32>
      %swap3A_129 = vector.shape_cast %broadcast_in_dim3A_124 : vector<16xf32> to vector<1x16xf32>
      tpu.vector_store %arg9[%swap3A_125, %swap3A_126], %swap3A_129 {strides = array<i32>} : memref<128x128xf32, #tpu.memory_space<vmem>>, vector<1x16xf32>,
    }
    %scan3A_5 = arith.constant 128 : i32
    %mul3A_6 = arith.constant 640 : i32
    %mul3A_7 = arith.muli %arg1, %mul3A_6 : i32
    %add3A_8 = arith.constant 0 : i32
    %add3A_9 = arith.addi %mul3A_7, %add3A_8 : i32
    "tpu.region"() ({
      %run_scoped3A = tpu.sem_alloc : memref<!tpu.dma_semaphore, #tpu.memory_space<semaphore_mem>>
      %dma_start3A = arith.constant 0 : i32
      %dma_start3A_75 = tpu.memref_slice %arg10[%add3A_9, %dma_start3A] : memref<10240x128xf32, #tpu.memory_space<vmem_shared>> -> memref<128x128xf32, #tpu.memory_space<vmem_shared>>
      %dma_start3A_76 = arith.constant 0 : i32
      %dma_start3A_77 = tpu.memref_slice %arg10[%add3A_9, %dma_start3A_76] : memref<10240x128xf32, #tpu.memory_space<vmem_shared>> -> memref<128x128xf32, #tpu.memory_space<vmem_shared>>
      tpu.enqueue_dma source(%arg9 : memref<128x128xf32, #tpu.memory_space<vmem>>) target(%dma_start3A_77 : memref<128x128xf32, #tpu.memory_space<vmem_shared>>) target_semaphore(%run_scoped3A : memref<!tpu.dma_semaphore, #tpu.memory_space<semaphore_mem>>)
      %dma_wait3A = arith.constant 0 : i32
      %dma_wait3A_78 = tpu.memref_slice %arg10[%add3A_9, %dma_wait3A] : memref<10240x128xf32, #tpu.memory_space<vmem_shared>> -> memref<128x128xf32, #tpu.memory_space<vmem_shared>>
      %dma_wait3A_79 = arith.constant 0 : i32
      %dma_wait3A_80 = tpu.memref_slice %arg10[%add3A_9, %dma_wait3A_79] : memref<10240x128xf32, #tpu.memory_space<vmem_shared>> -> memref<128x128xf32, #tpu.memory_space<vmem_shared>>
      tpu.wait_dma2 semaphore(%run_scoped3A : memref<!tpu.dma_semaphore, #tpu.memory_space<semaphore_mem>>) src(%arg9 : memref<128x128xf32, #tpu.memory_space<vmem>>) dst(%dma_wait3A_80 : memref<128x128xf32, #tpu.memory_space<vmem_shared>>)
      tpu.yield
    }) : () -> ()
    %mul3A_10 = arith.constant 640 : i32
    %mul3A_11 = arith.muli %arg1, %mul3A_10 : i32
    %add3A_12 = arith.constant 128 : i32
    %add3A_13 = arith.addi %mul3A_11, %add3A_12 : i32
    "tpu.region"() ({
      %run_scoped3A = tpu.sem_alloc : memref<!tpu.dma_semaphore, #tpu.memory_space<semaphore_mem>>
      %dma_start3A = arith.constant 0 : i32
      %dma_start3A_75 = tpu.memref_slice %arg10[%add3A_13, %dma_start3A] : memref<10240x128xf32, #tpu.memory_space<vmem_shared>> -> memref<128x128xf32, #tpu.memory_space<vmem_shared>>
      %dma_start3A_76 = arith.constant 0 : i32
      %dma_start3A_77 = tpu.memref_slice %arg10[%add3A_13, %dma_start3A_76] : memref<10240x128xf32, #tpu.memory_space<vmem_shared>> -> memref<128x128xf32, #tpu.memory_space<vmem_shared>>
      tpu.enqueue_dma source(%arg9 : memref<128x128xf32, #tpu.memory_space<vmem>>) target(%dma_start3A_77 : memref<128x128xf32, #tpu.memory_space<vmem_shared>>) target_semaphore(%run_scoped3A : memref<!tpu.dma_semaphore, #tpu.memory_space<semaphore_mem>>)
      %dma_wait3A = arith.constant 0 : i32
      %dma_wait3A_78 = tpu.memref_slice %arg10[%add3A_13, %dma_wait3A] : memref<10240x128xf32, #tpu.memory_space<vmem_shared>> -> memref<128x128xf32, #tpu.memory_space<vmem_shared>>
      %dma_wait3A_79 = arith.constant 0 : i32
      %dma_wait3A_80 = tpu.memref_slice %arg10[%add3A_13, %dma_wait3A_79] : memref<10240x128xf32, #tpu.memory_space<vmem_shared>> -> memref<128x128xf32, #tpu.memory_space<vmem_shared>>
      tpu.wait_dma2 semaphore(%run_scoped3A : memref<!tpu.dma_semaphore, #tpu.memory_space<semaphore_mem>>) src(%arg9 : memref<128x128xf32, #tpu.memory_space<vmem>>) dst(%dma_wait3A_80 : memref<128x128xf32, #tpu.memory_space<vmem_shared>>)
      tpu.yield
    }) : () -> ()
    %mul3A_14 = arith.constant 640 : i32
    %mul3A_15 = arith.muli %arg1, %mul3A_14 : i32
    %add3A_16 = arith.constant 256 : i32
    %add3A_17 = arith.addi %mul3A_15, %add3A_16 : i32
    "tpu.region"() ({
      %run_scoped3A = tpu.sem_alloc : memref<!tpu.dma_semaphore, #tpu.memory_space<semaphore_mem>>
      %dma_start3A = arith.constant 0 : i32
      %dma_start3A_75 = tpu.memref_slice %arg10[%add3A_17, %dma_start3A] : memref<10240x128xf32, #tpu.memory_space<vmem_shared>> -> memref<128x128xf32, #tpu.memory_space<vmem_shared>>
      %dma_start3A_76 = arith.constant 0 : i32
      %dma_start3A_77 = tpu.memref_slice %arg10[%add3A_17, %dma_start3A_76] : memref<10240x128xf32, #tpu.memory_space<vmem_shared>> -> memref<128x128xf32, #tpu.memory_space<vmem_shared>>
      tpu.enqueue_dma source(%arg9 : memref<128x128xf32, #tpu.memory_space<vmem>>) target(%dma_start3A_77 : memref<128x128xf32, #tpu.memory_space<vmem_shared>>) target_semaphore(%run_scoped3A : memref<!tpu.dma_semaphore, #tpu.memory_space<semaphore_mem>>)
      %dma_wait3A = arith.constant 0 : i32
      %dma_wait3A_78 = tpu.memref_slice %arg10[%add3A_17, %dma_wait3A] : memref<10240x128xf32, #tpu.memory_space<vmem_shared>> -> memref<128x128xf32, #tpu.memory_space<vmem_shared>>
      %dma_wait3A_79 = arith.constant 0 : i32
      %dma_wait3A_80 = tpu.memref_slice %arg10[%add3A_17, %dma_wait3A_79] : memref<10240x128xf32, #tpu.memory_space<vmem_shared>> -> memref<128x128xf32, #tpu.memory_space<vmem_shared>>
      tpu.wait_dma2 semaphore(%run_scoped3A : memref<!tpu.dma_semaphore, #tpu.memory_space<semaphore_mem>>) src(%arg9 : memref<128x128xf32, #tpu.memory_space<vmem>>) dst(%dma_wait3A_80 : memref<128x128xf32, #tpu.memory_space<vmem_shared>>)
      tpu.yield
    }) : () -> ()
    %mul3A_18 = arith.constant 640 : i32
    %mul3A_19 = arith.muli %arg1, %mul3A_18 : i32
    %add3A_20 = arith.constant 384 : i32
    %add3A_21 = arith.addi %mul3A_19, %add3A_20 : i32
    "tpu.region"() ({
      %run_scoped3A = tpu.sem_alloc : memref<!tpu.dma_semaphore, #tpu.memory_space<semaphore_mem>>
      %dma_start3A = arith.constant 0 : i32
      %dma_start3A_75 = tpu.memref_slice %arg10[%add3A_21, %dma_start3A] : memref<10240x128xf32, #tpu.memory_space<vmem_shared>> -> memref<128x128xf32, #tpu.memory_space<vmem_shared>>
      %dma_start3A_76 = arith.constant 0 : i32
      %dma_start3A_77 = tpu.memref_slice %arg10[%add3A_21, %dma_start3A_76] : memref<10240x128xf32, #tpu.memory_space<vmem_shared>> -> memref<128x128xf32, #tpu.memory_space<vmem_shared>>
      tpu.enqueue_dma source(%arg9 : memref<128x128xf32, #tpu.memory_space<vmem>>) target(%dma_start3A_77 : memref<128x128xf32, #tpu.memory_space<vmem_shared>>) target_semaphore(%run_scoped3A : memref<!tpu.dma_semaphore, #tpu.memory_space<semaphore_mem>>)
      %dma_wait3A = arith.constant 0 : i32
      %dma_wait3A_78 = tpu.memref_slice %arg10[%add3A_21, %dma_wait3A] : memref<10240x128xf32, #tpu.memory_space<vmem_shared>> -> memref<128x128xf32, #tpu.memory_space<vmem_shared>>
      %dma_wait3A_79 = arith.constant 0 : i32
      %dma_wait3A_80 = tpu.memref_slice %arg10[%add3A_21, %dma_wait3A_79] : memref<10240x128xf32, #tpu.memory_space<vmem_shared>> -> memref<128x128xf32, #tpu.memory_space<vmem_shared>>
      tpu.wait_dma2 semaphore(%run_scoped3A : memref<!tpu.dma_semaphore, #tpu.memory_space<semaphore_mem>>) src(%arg9 : memref<128x128xf32, #tpu.memory_space<vmem>>) dst(%dma_wait3A_80 : memref<128x128xf32, #tpu.memory_space<vmem_shared>>)
      tpu.yield
    }) : () -> ()
    %mul3A_22 = arith.constant 640 : i32
    %mul3A_23 = arith.muli %arg1, %mul3A_22 : i32
    %add3A_24 = arith.constant 512 : i32
    %add3A_25 = arith.addi %mul3A_23, %add3A_24 : i32
    "tpu.region"() ({
      %run_scoped3A = tpu.sem_alloc : memref<!tpu.dma_semaphore, #tpu.memory_space<semaphore_mem>>
      %dma_start3A = arith.constant 0 : i32
      %dma_start3A_75 = tpu.memref_slice %arg10[%add3A_25, %dma_start3A] : memref<10240x128xf32, #tpu.memory_space<vmem_shared>> -> memref<128x128xf32, #tpu.memory_space<vmem_shared>>
      %dma_start3A_76 = arith.constant 0 : i32
      %dma_start3A_77 = tpu.memref_slice %arg10[%add3A_25, %dma_start3A_76] : memref<10240x128xf32, #tpu.memory_space<vmem_shared>> -> memref<128x128xf32, #tpu.memory_space<vmem_shared>>
      tpu.enqueue_dma source(%arg9 : memref<128x128xf32, #tpu.memory_space<vmem>>) target(%dma_start3A_77 : memref<128x128xf32, #tpu.memory_space<vmem_shared>>) target_semaphore(%run_scoped3A : memref<!tpu.dma_semaphore, #tpu.memory_space<semaphore_mem>>)
      %dma_wait3A = arith.constant 0 : i32
      %dma_wait3A_78 = tpu.memref_slice %arg10[%add3A_25, %dma_wait3A] : memref<10240x128xf32, #tpu.memory_space<vmem_shared>> -> memref<128x128xf32, #tpu.memory_space<vmem_shared>>
      %dma_wait3A_79 = arith.constant 0 : i32
      %dma_wait3A_80 = tpu.memref_slice %arg10[%add3A_25, %dma_wait3A_79] : memref<10240x128xf32, #tpu.memory_space<vmem_shared>> -> memref<128x128xf32, #tpu.memory_space<vmem_shared>>
      tpu.wait_dma2 semaphore(%run_scoped3A : memref<!tpu.dma_semaphore, #tpu.memory_space<semaphore_mem>>) src(%arg9 : memref<128x128xf32, #tpu.memory_space<vmem>>) dst(%dma_wait3A_80 : memref<128x128xf32, #tpu.memory_space<vmem_shared>>)
      tpu.yield
    }) : () -> ()
    %barrier3A = arith.constant 0 : index
    tpu.barrier barrier_id(%barrier3A)
    %mul3A_26 = arith.constant 10112 : i32
    %mul3A_27 = arith.muli %add3A, %mul3A_26 : i32
    %scan3A_28 = arith.constant 0 : i32
    %scan3A_29 = arith.constant 0 : i32
    %scan3A_30 = arith.constant 79 : i32
    %scan3A_31 = arith.addi %scan3A_29, %scan3A_30 : i32
    %scan3A_32 = arith.constant 1 : i32
    scf.for %scan3A_75 = %scan3A_29 to %scan3A_31 step %scan3A_32  : i32 {
      %mul3A_76 = arith.constant 128 : i32
      %mul3A_77 = arith.muli %scan3A_75, %mul3A_76 : i32
      %add3A_78 = arith.addi %mul3A_27, %mul3A_77 : i32
      "tpu.region"() ({
        %run_scoped3A_93 = tpu.sem_alloc : memref<!tpu.dma_semaphore, #tpu.memory_space<semaphore_mem>>
        %dma_start3A_94 = arith.constant 0 : i32
        %dma_start3A_95 = tpu.memref_slice %arg2[%dma_start3A_94, %add3A_78] : memref<2x323584xi32, #tpu.memory_space<hbm>> -> memref<2x128xi32, #tpu.memory_space<hbm>>
        %dma_start3A_96 = arith.constant 0 : i32
        %dma_start3A_97 = tpu.memref_slice %arg2[%dma_start3A_96, %add3A_78] : memref<2x323584xi32, #tpu.memory_space<hbm>> -> memref<2x128xi32, #tpu.memory_space<hbm>>
        tpu.enqueue_dma source(%dma_start3A_97 : memref<2x128xi32, #tpu.memory_space<hbm>>) target(%arg6 : memref<2x128xi32, #tpu.memory_space<vmem>>) target_semaphore(%run_scoped3A_93 : memref<!tpu.dma_semaphore, #tpu.memory_space<semaphore_mem>>)
        %dma_wait3A_98 = arith.constant 0 : i32
        %dma_wait3A_99 = tpu.memref_slice %arg2[%dma_wait3A_98, %add3A_78] : memref<2x323584xi32, #tpu.memory_space<hbm>> -> memref<2x128xi32, #tpu.memory_space<hbm>>
        %dma_wait3A_100 = arith.constant 0 : i32
        %dma_wait3A_101 = tpu.memref_slice %arg2[%dma_wait3A_100, %add3A_78] : memref<2x323584xi32, #tpu.memory_space<hbm>> -> memref<2x128xi32, #tpu.memory_space<hbm>>
        tpu.wait_dma2 semaphore(%run_scoped3A_93 : memref<!tpu.dma_semaphore, #tpu.memory_space<semaphore_mem>>) src(%dma_wait3A_101 : memref<2x128xi32, #tpu.memory_space<hbm>>) dst(%arg6 : memref<2x128xi32, #tpu.memory_space<vmem>>)
        tpu.yield
      }) : () -> ()
      "tpu.region"() ({
        %run_scoped3A_93 = tpu.sem_alloc : memref<!tpu.dma_semaphore, #tpu.memory_space<semaphore_mem>>
        %dma_start3A_94 = tpu.memref_slice %arg3[%add3A_78] : memref<323584xf32, #tpu.memory_space<hbm>> -> memref<128xf32, #tpu.memory_space<hbm>>
        %dma_start3A_95 = tpu.memref_slice %arg3[%add3A_78] : memref<323584xf32, #tpu.memory_space<hbm>> -> memref<128xf32, #tpu.memory_space<hbm>>
        tpu.enqueue_dma source(%dma_start3A_95 : memref<128xf32, #tpu.memory_space<hbm>>) target(%arg7 : memref<128xf32, #tpu.memory_space<vmem>>) target_semaphore(%run_scoped3A_93 : memref<!tpu.dma_semaphore, #tpu.memory_space<semaphore_mem>>)
        %dma_wait3A_96 = tpu.memref_slice %arg3[%add3A_78] : memref<323584xf32, #tpu.memory_space<hbm>> -> memref<128xf32, #tpu.memory_space<hbm>>
        %dma_wait3A_97 = tpu.memref_slice %arg3[%add3A_78] : memref<323584xf32, #tpu.memory_space<hbm>> -> memref<128xf32, #tpu.memory_space<hbm>>
        tpu.wait_dma2 semaphore(%run_scoped3A_93 : memref<!tpu.dma_semaphore, #tpu.memory_space<semaphore_mem>>) src(%dma_wait3A_97 : memref<128xf32, #tpu.memory_space<hbm>>) dst(%arg7 : memref<128xf32, #tpu.memory_space<vmem>>)
        tpu.yield
      }) : () -> ()
      %dma_start3A = arith.constant 1 : i32
      %dma_start3A_79 = arith.constant 0 : i32
      %dma_start3A_80 = tpu.memref_slice %arg6[%dma_start3A, %dma_start3A_79] : memref<2x128xi32, #tpu.memory_space<vmem>> -> memref<1x128xi32, #tpu.memory_space<vmem>>
      %dma_start3A_81 = tpu.memref_squeeze %dma_start3A_80 : memref<1x128xi32, #tpu.memory_space<vmem>> -> memref<128xi32, #tpu.memory_space<vmem>>
      %dma_start3A_82 = arith.constant 0 : i32
      %dma_start3A_83 = arith.constant 0 : i32
      %dma_start3A_84 = tpu.memref_slice %arg4[%dma_start3A_82, %dma_start3A_83] : memref<10240x128xf32, #tpu.memory_space<hbm>> -> memref<10240x128xf32, #tpu.memory_space<hbm>>
      tpu.enqueue_indirect_dma source(%dma_start3A_84 : memref<10240x128xf32, #tpu.memory_space<hbm>>) target(%arg8 : memref<128x128xf32, #tpu.memory_space<vmem>>) offsets(%dma_start3A_81 : memref<128xi32, #tpu.memory_space<vmem>>) semaphore(%arg11 : memref<!tpu.dma_semaphore, #tpu.memory_space<semaphore_mem>>)
      %dma_wait3A = arith.constant 1 : i32
      %dma_wait3A_85 = arith.constant 0 : i32
      %dma_wait3A_86 = tpu.memref_slice %arg6[%dma_wait3A, %dma_wait3A_85] : memref<2x128xi32, #tpu.memory_space<vmem>> -> memref<1x128xi32, #tpu.memory_space<vmem>>
      %dma_wait3A_87 = tpu.memref_squeeze %dma_wait3A_86 : memref<1x128xi32, #tpu.memory_space<vmem>> -> memref<128xi32, #tpu.memory_space<vmem>>
      %dma_wait3A_88 = arith.constant 0 : i32
      %dma_wait3A_89 = arith.constant 0 : i32
      %dma_wait3A_90 = tpu.memref_slice %arg4[%dma_wait3A_88, %dma_wait3A_89] : memref<10240x128xf32, #tpu.memory_space<hbm>> -> memref<10240x128xf32, #tpu.memory_space<hbm>>
      tpu.wait_indirect_dma semaphore(%arg11 : memref<!tpu.dma_semaphore, #tpu.memory_space<semaphore_mem>>) src(%dma_wait3A_90 : memref<10240x128xf32, #tpu.memory_space<hbm>>) dst(%arg8 : memref<128x128xf32, #tpu.memory_space<vmem>>)
      %parallel_loop3A = arith.constant 0 : i32
      %parallel_loop3A_91 = arith.constant 8 : i32
      %parallel_loop3A_92 = arith.constant 1 : i32
      scf.for %parallel_loop3A_93 = %parallel_loop3A to %parallel_loop3A_91 step %parallel_loop3A_92  : i32 {
        %parallel_loop3A_94 = arith.constant 16 : i32
        %parallel_loop3A_95 = arith.muli %parallel_loop3A_93, %parallel_loop3A_94 : i32
        %parallel_loop3A_96 = arith.index_cast %parallel_loop3A_95 : i32 to index
        %parallel_loop3A_97 = tpu.vector_load %arg7[%parallel_loop3A_96] {strides = array<i32>} : memref<128xf32, #tpu.memory_space<vmem>>, vector<16xf32>,
        %parallel_loop3A_98 = vector.shape_cast %parallel_loop3A_97 : vector<16xf32> to vector<16xf32>
        %parallel_loop3A_99 = vector.extract_strided_slice %parallel_loop3A_98 {offsets = [0], sizes = [1], strides = [1]} : vector<16xf32> to vector<1xf32>
        %parallel_loop3A_100 = vector.extract %parallel_loop3A_99[0] : f32 from vector<1xf32>
        %parallel_loop3A_101 = arith.constant 16 : i32
        %parallel_loop3A_102 = arith.muli %parallel_loop3A_93, %parallel_loop3A_101 : i32
        %parallel_loop3A_103 = arith.constant 0 : i32
        %parallel_loop3A_104 = arith.addi %parallel_loop3A_102, %parallel_loop3A_103 : i32
        %parallel_loop3A_105 = arith.index_cast %parallel_loop3A_104 : i32 to index
        %parallel_loop3A_106 = arith.constant 0 : index
        %parallel_loop3A_107 = tpu.vector_load %arg8[%parallel_loop3A_105, %parallel_loop3A_106] {strides = array<i32>} : memref<128x128xf32, #tpu.memory_space<vmem>>, vector<1x16xf32>,
        %parallel_loop3A_108 = vector.shape_cast %parallel_loop3A_107 : vector<1x16xf32> to vector<16xf32>
        %parallel_loop3A_109 = vector.broadcast %parallel_loop3A_100 : f32 to vector<16xf32>
        %parallel_loop3A_110 = arith.mulf %parallel_loop3A_108, %parallel_loop3A_109 : vector<16xf32>
        %parallel_loop3A_111 = arith.index_cast %parallel_loop3A_104 : i32 to index
        %parallel_loop3A_112 = arith.constant 0 : index
        %parallel_loop3A_113 = tpu.vector_load %arg8[%parallel_loop3A_111, %parallel_loop3A_112] {strides = array<i32>} : memref<128x128xf32, #tpu.memory_space<vmem>>, vector<1x16xf32>,
        %parallel_loop3A_114 = vector.shape_cast %parallel_loop3A_113 : vector<1x16xf32> to vector<16xf32>
        %parallel_loop3A_115 = vector.shape_cast %parallel_loop3A_110 : vector<16xf32> to vector<1x16xf32>
        tpu.vector_store %arg8[%parallel_loop3A_111, %parallel_loop3A_112], %parallel_loop3A_115 {strides = array<i32>} : memref<128x128xf32, #tpu.memory_space<vmem>>, vector<1x16xf32>,
        %parallel_loop3A_116 = arith.index_cast %parallel_loop3A_104 : i32 to index
        %parallel_loop3A_117 = arith.constant 16 : index
        %parallel_loop3A_118 = tpu.vector_load %arg8[%parallel_loop3A_116, %parallel_loop3A_117] {strides = array<i32>} : memref<128x128xf32, #tpu.memory_space<vmem>>, vector<1x16xf32>,
        %parallel_loop3A_119 = vector.shape_cast %parallel_loop3A_118 : vector<1x16xf32> to vector<16xf32>
        %parallel_loop3A_120 = vector.broadcast %parallel_loop3A_100 : f32 to vector<16xf32>
        %parallel_loop3A_121 = arith.mulf %parallel_loop3A_119, %parallel_loop3A_120 : vector<16xf32>
        %parallel_loop3A_122 = arith.index_cast %parallel_loop3A_104 : i32 to index
        %parallel_loop3A_123 = arith.constant 16 : index
        %parallel_loop3A_124 = tpu.vector_load %arg8[%parallel_loop3A_122, %parallel_loop3A_123] {strides = array<i32>} : memref<128x128xf32, #tpu.memory_space<vmem>>, vector<1x16xf32>,
        %parallel_loop3A_125 = vector.shape_cast %parallel_loop3A_124 : vector<1x16xf32> to vector<16xf32>
        %parallel_loop3A_126 = vector.shape_cast %parallel_loop3A_121 : vector<16xf32> to vector<1x16xf32>
        tpu.vector_store %arg8[%parallel_loop3A_122, %parallel_loop3A_123], %parallel_loop3A_126 {strides = array<i32>} : memref<128x128xf32, #tpu.memory_space<vmem>>, vector<1x16xf32>,
        %parallel_loop3A_127 = arith.index_cast %parallel_loop3A_104 : i32 to index
        %parallel_loop3A_128 = arith.constant 32 : index
        %parallel_loop3A_129 = tpu.vector_load %arg8[%parallel_loop3A_127, %parallel_loop3A_128] {strides = array<i32>} : memref<128x128xf32, #tpu.memory_space<vmem>>, vector<1x16xf32>,
        %parallel_loop3A_130 = vector.shape_cast %parallel_loop3A_129 : vector<1x16xf32> to vector<16xf32>
        %parallel_loop3A_131 = vector.broadcast %parallel_loop3A_100 : f32 to vector<16xf32>
        %parallel_loop3A_132 = arith.mulf %parallel_loop3A_130, %parallel_loop3A_131 : vector<16xf32>
        %parallel_loop3A_133 = arith.index_cast %parallel_loop3A_104 : i32 to index
        %parallel_loop3A_134 = arith.constant 32 : index
        %parallel_loop3A_135 = tpu.vector_load %arg8[%parallel_loop3A_133, %parallel_loop3A_134] {strides = array<i32>} : memref<128x128xf32, #tpu.memory_space<vmem>>, vector<1x16xf32>,
        %parallel_loop3A_136 = vector.shape_cast %parallel_loop3A_135 : vector<1x16xf32> to vector<16xf32>
        %parallel_loop3A_137 = vector.shape_cast %parallel_loop3A_132 : vector<16xf32> to vector<1x16xf32>
        tpu.vector_store %arg8[%parallel_loop3A_133, %parallel_loop3A_134], %parallel_loop3A_137 {strides = array<i32>} : memref<128x128xf32, #tpu.memory_space<vmem>>, vector<1x16xf32>,
        %parallel_loop3A_138 = arith.index_cast %parallel_loop3A_104 : i32 to index
        %parallel_loop3A_139 = arith.constant 48 : index
        %parallel_loop3A_140 = tpu.vector_load %arg8[%parallel_loop3A_138, %parallel_loop3A_139] {strides = array<i32>} : memref<128x128xf32, #tpu.memory_space<vmem>>, vector<1x16xf32>,
        %parallel_loop3A_141 = vector.shape_cast %parallel_loop3A_140 : vector<1x16xf32> to vector<16xf32>
        %parallel_loop3A_142 = vector.broadcast %parallel_loop3A_100 : f32 to vector<16xf32>
        %parallel_loop3A_143 = arith.mulf %parallel_loop3A_141, %parallel_loop3A_142 : vector<16xf32>
        %parallel_loop3A_144 = arith.index_cast %parallel_loop3A_104 : i32 to index
        %parallel_loop3A_145 = arith.constant 48 : index
        %parallel_loop3A_146 = tpu.vector_load %arg8[%parallel_loop3A_144, %parallel_loop3A_145] {strides = array<i32>} : memref<128x128xf32, #tpu.memory_space<vmem>>, vector<1x16xf32>,
        %parallel_loop3A_147 = vector.shape_cast %parallel_loop3A_146 : vector<1x16xf32> to vector<16xf32>
        %parallel_loop3A_148 = vector.shape_cast %parallel_loop3A_143 : vector<16xf32> to vector<1x16xf32>
        tpu.vector_store %arg8[%parallel_loop3A_144, %parallel_loop3A_145], %parallel_loop3A_148 {strides = array<i32>} : memref<128x128xf32, #tpu.memory_space<vmem>>, vector<1x16xf32>,
        %parallel_loop3A_149 = arith.index_cast %parallel_loop3A_104 : i32 to index
        %parallel_loop3A_150 = arith.constant 64 : index
        %parallel_loop3A_151 = tpu.vector_load %arg8[%parallel_loop3A_149, %parallel_loop3A_150] {strides = array<i32>} : memref<128x128xf32, #tpu.memory_space<vmem>>, vector<1x16xf32>,
        %parallel_loop3A_152 = vector.shape_cast %parallel_loop3A_151 : vector<1x16xf32> to vector<16xf32>
        %parallel_loop3A_153 = vector.broadcast %parallel_loop3A_100 : f32 to vector<16xf32>
        %parallel_loop3A_154 = arith.mulf %parallel_loop3A_152, %parallel_loop3A_153 : vector<16xf32>
        %parallel_loop3A_155 = arith.index_cast %parallel_loop3A_104 : i32 to index
        %parallel_loop3A_156 = arith.constant 64 : index
        %parallel_loop3A_157 = tpu.vector_load %arg8[%parallel_loop3A_155, %parallel_loop3A_156] {strides = array<i32>} : memref<128x128xf32, #tpu.memory_space<vmem>>, vector<1x16xf32>,
        %parallel_loop3A_158 = vector.shape_cast %parallel_loop3A_157 : vector<1x16xf32> to vector<16xf32>
        %parallel_loop3A_159 = vector.shape_cast %parallel_loop3A_154 : vector<16xf32> to vector<1x16xf32>
        tpu.vector_store %arg8[%parallel_loop3A_155, %parallel_loop3A_156], %parallel_loop3A_159 {strides = array<i32>} : memref<128x128xf32, #tpu.memory_space<vmem>>, vector<1x16xf32>,
        %parallel_loop3A_160 = arith.index_cast %parallel_loop3A_104 : i32 to index
        %parallel_loop3A_161 = arith.constant 80 : index
        %parallel_loop3A_162 = tpu.vector_load %arg8[%parallel_loop3A_160, %parallel_loop3A_161] {strides = array<i32>} : memref<128x128xf32, #tpu.memory_space<vmem>>, vector<1x16xf32>,
        %parallel_loop3A_163 = vector.shape_cast %parallel_loop3A_162 : vector<1x16xf32> to vector<16xf32>
        %parallel_loop3A_164 = vector.broadcast %parallel_loop3A_100 : f32 to vector<16xf32>
        %parallel_loop3A_165 = arith.mulf %parallel_loop3A_163, %parallel_loop3A_164 : vector<16xf32>
        %parallel_loop3A_166 = arith.index_cast %parallel_loop3A_104 : i32 to index
        %parallel_loop3A_167 = arith.constant 80 : index
        %parallel_loop3A_168 = tpu.vector_load %arg8[%parallel_loop3A_166, %parallel_loop3A_167] {strides = array<i32>} : memref<128x128xf32, #tpu.memory_space<vmem>>, vector<1x16xf32>,
        %parallel_loop3A_169 = vector.shape_cast %parallel_loop3A_168 : vector<1x16xf32> to vector<16xf32>
        %parallel_loop3A_170 = vector.shape_cast %parallel_loop3A_165 : vector<16xf32> to vector<1x16xf32>
        tpu.vector_store %arg8[%parallel_loop3A_166, %parallel_loop3A_167], %parallel_loop3A_170 {strides = array<i32>} : memref<128x128xf32, #tpu.memory_space<vmem>>, vector<1x16xf32>,
        %parallel_loop3A_171 = arith.index_cast %parallel_loop3A_104 : i32 to index
        %parallel_loop3A_172 = arith.constant 96 : index
        %parallel_loop3A_173 = tpu.vector_load %arg8[%parallel_loop3A_171, %parallel_loop3A_172] {strides = array<i32>} : memref<128x128xf32, #tpu.memory_space<vmem>>, vector<1x16xf32>,
        %parallel_loop3A_174 = vector.shape_cast %parallel_loop3A_173 : vector<1x16xf32> to vector<16xf32>
        %parallel_loop3A_175 = vector.broadcast %parallel_loop3A_100 : f32 to vector<16xf32>
        %parallel_loop3A_176 = arith.mulf %parallel_loop3A_174, %parallel_loop3A_175 : vector<16xf32>
        %parallel_loop3A_177 = arith.index_cast %parallel_loop3A_104 : i32 to index
        %parallel_loop3A_178 = arith.constant 96 : index
        %parallel_loop3A_179 = tpu.vector_load %arg8[%parallel_loop3A_177, %parallel_loop3A_178] {strides = array<i32>} : memref<128x128xf32, #tpu.memory_space<vmem>>, vector<1x16xf32>,
        %parallel_loop3A_180 = vector.shape_cast %parallel_loop3A_179 : vector<1x16xf32> to vector<16xf32>
        %parallel_loop3A_181 = vector.shape_cast %parallel_loop3A_176 : vector<16xf32> to vector<1x16xf32>
        tpu.vector_store %arg8[%parallel_loop3A_177, %parallel_loop3A_178], %parallel_loop3A_181 {strides = array<i32>} : memref<128x128xf32, #tpu.memory_space<vmem>>, vector<1x16xf32>,
        %parallel_loop3A_182 = arith.index_cast %parallel_loop3A_104 : i32 to index
        %parallel_loop3A_183 = arith.constant 112 : index
        %parallel_loop3A_184 = tpu.vector_load %arg8[%parallel_loop3A_182, %parallel_loop3A_183] {strides = array<i32>} : memref<128x128xf32, #tpu.memory_space<vmem>>, vector<1x16xf32>,
        %parallel_loop3A_185 = vector.shape_cast %parallel_loop3A_184 : vector<1x16xf32> to vector<16xf32>
        %parallel_loop3A_186 = vector.broadcast %parallel_loop3A_100 : f32 to vector<16xf32>
        %parallel_loop3A_187 = arith.mulf %parallel_loop3A_185, %parallel_loop3A_186 : vector<16xf32>
        %parallel_loop3A_188 = arith.index_cast %parallel_loop3A_104 : i32 to index
        %parallel_loop3A_189 = arith.constant 112 : index
        %parallel_loop3A_190 = tpu.vector_load %arg8[%parallel_loop3A_188, %parallel_loop3A_189] {strides = array<i32>} : memref<128x128xf32, #tpu.memory_space<vmem>>, vector<1x16xf32>,
        %parallel_loop3A_191 = vector.shape_cast %parallel_loop3A_190 : vector<1x16xf32> to vector<16xf32>
        %parallel_loop3A_192 = vector.shape_cast %parallel_loop3A_187 : vector<16xf32> to vector<1x16xf32>
        tpu.vector_store %arg8[%parallel_loop3A_188, %parallel_loop3A_189], %parallel_loop3A_192 {strides = array<i32>} : memref<128x128xf32, #tpu.memory_space<vmem>>, vector<1x16xf32>,
        %parallel_loop3A_193 = vector.extract_strided_slice %parallel_loop3A_98 {offsets = [1], sizes = [1], strides = [1]} : vector<16xf32> to vector<1xf32>
        %parallel_loop3A_194 = vector.extract %parallel_loop3A_193[0] : f32 from vector<1xf32>
        %parallel_loop3A_195 = arith.constant 16 : i32
        %parallel_loop3A_196 = arith.muli %parallel_loop3A_93, %parallel_loop3A_195 : i32
        %parallel_loop3A_197 = arith.constant 1 : i32
        %parallel_loop3A_198 = arith.addi %parallel_loop3A_196, %parallel_loop3A_197 : i32
        %parallel_loop3A_199 = arith.index_cast %parallel_loop3A_198 : i32 to index
        %parallel_loop3A_200 = arith.constant 0 : index
        %parallel_loop3A_201 = tpu.vector_load %arg8[%parallel_loop3A_199, %parallel_loop3A_200] {strides = array<i32>} : memref<128x128xf32, #tpu.memory_space<vmem>>, vector<1x16xf32>,
        %parallel_loop3A_202 = vector.shape_cast %parallel_loop3A_201 : vector<1x16xf32> to vector<16xf32>
        %parallel_loop3A_203 = vector.broadcast %parallel_loop3A_194 : f32 to vector<16xf32>
        %parallel_loop3A_204 = arith.mulf %parallel_loop3A_202, %parallel_loop3A_203 : vector<16xf32>
        %parallel_loop3A_205 = arith.index_cast %parallel_loop3A_198 : i32 to index
        %parallel_loop3A_206 = arith.constant 0 : index
        %parallel_loop3A_207 = tpu.vector_load %arg8[%parallel_loop3A_205, %parallel_loop3A_206] {strides = array<i32>} : memref<128x128xf32, #tpu.memory_space<vmem>>, vector<1x16xf32>,
        %parallel_loop3A_208 = vector.shape_cast %parallel_loop3A_207 : vector<1x16xf32> to vector<16xf32>
        %parallel_loop3A_209 = vector.shape_cast %parallel_loop3A_204 : vector<16xf32> to vector<1x16xf32>
        tpu.vector_store %arg8[%parallel_loop3A_205, %parallel_loop3A_206], %parallel_loop3A_209 {strides = array<i32>} : memref<128x128xf32, #tpu.memory_space<vmem>>, vector<1x16xf32>,
        %parallel_loop3A_210 = arith.index_cast %parallel_loop3A_198 : i32 to index
        %parallel_loop3A_211 = arith.constant 16 : index
        %parallel_loop3A_212 = tpu.vector_load %arg8[%parallel_loop3A_210, %parallel_loop3A_211] {strides = array<i32>} : memref<128x128xf32, #tpu.memory_space<vmem>>, vector<1x16xf32>,
        %parallel_loop3A_213 = vector.shape_cast %parallel_loop3A_212 : vector<1x16xf32> to vector<16xf32>
        %parallel_loop3A_214 = vector.broadcast %parallel_loop3A_194 : f32 to vector<16xf32>
        %parallel_loop3A_215 = arith.mulf %parallel_loop3A_213, %parallel_loop3A_214 : vector<16xf32>
        %parallel_loop3A_216 = arith.index_cast %parallel_loop3A_198 : i32 to index
        %parallel_loop3A_217 = arith.constant 16 : index
        %parallel_loop3A_218 = tpu.vector_load %arg8[%parallel_loop3A_216, %parallel_loop3A_217] {strides = array<i32>} : memref<128x128xf32, #tpu.memory_space<vmem>>, vector<1x16xf32>,
        %parallel_loop3A_219 = vector.shape_cast %parallel_loop3A_218 : vector<1x16xf32> to vector<16xf32>
        %parallel_loop3A_220 = vector.shape_cast %parallel_loop3A_215 : vector<16xf32> to vector<1x16xf32>
        tpu.vector_store %arg8[%parallel_loop3A_216, %parallel_loop3A_217], %parallel_loop3A_220 {strides = array<i32>} : memref<128x128xf32, #tpu.memory_space<vmem>>, vector<1x16xf32>,
        %parallel_loop3A_221 = arith.index_cast %parallel_loop3A_198 : i32 to index
        %parallel_loop3A_222 = arith.constant 32 : index
        %parallel_loop3A_223 = tpu.vector_load %arg8[%parallel_loop3A_221, %parallel_loop3A_222] {strides = array<i32>} : memref<128x128xf32, #tpu.memory_space<vmem>>, vector<1x16xf32>,
        %parallel_loop3A_224 = vector.shape_cast %parallel_loop3A_223 : vector<1x16xf32> to vector<16xf32>
        %parallel_loop3A_225 = vector.broadcast %parallel_loop3A_194 : f32 to vector<16xf32>
        %parallel_loop3A_226 = arith.mulf %parallel_loop3A_224, %parallel_loop3A_225 : vector<16xf32>
        %parallel_loop3A_227 = arith.index_cast %parallel_loop3A_198 : i32 to index
        %parallel_loop3A_228 = arith.constant 32 : index
        %parallel_loop3A_229 = tpu.vector_load %arg8[%parallel_loop3A_227, %parallel_loop3A_228] {strides = array<i32>} : memref<128x128xf32, #tpu.memory_space<vmem>>, vector<1x16xf32>,
        %parallel_loop3A_230 = vector.shape_cast %parallel_loop3A_229 : vector<1x16xf32> to vector<16xf32>
        %parallel_loop3A_231 = vector.shape_cast %parallel_loop3A_226 : vector<16xf32> to vector<1x16xf32>
        tpu.vector_store %arg8[%parallel_loop3A_227, %parallel_loop3A_228], %parallel_loop3A_231 {strides = array<i32>} : memref<128x128xf32, #tpu.memory_space<vmem>>, vector<1x16xf32>,
        %parallel_loop3A_232 = arith.index_cast %parallel_loop3A_198 : i32 to index
        %parallel_loop3A_233 = arith.constant 48 : index
        %parallel_loop3A_234 = tpu.vector_load %arg8[%parallel_loop3A_232, %parallel_loop3A_233] {strides = array<i32>} : memref<128x128xf32, #tpu.memory_space<vmem>>, vector<1x16xf32>,
        %parallel_loop3A_235 = vector.shape_cast %parallel_loop3A_234 : vector<1x16xf32> to vector<16xf32>
        %parallel_loop3A_236 = vector.broadcast %parallel_loop3A_194 : f32 to vector<16xf32>
        %parallel_loop3A_237 = arith.mulf %parallel_loop3A_235, %parallel_loop3A_236 : vector<16xf32>
        %parallel_loop3A_238 = arith.index_cast %parallel_loop3A_198 : i32 to index
        %parallel_loop3A_239 = arith.constant 48 : index
        %parallel_loop3A_240 = tpu.vector_load %arg8[%parallel_loop3A_238, %parallel_loop3A_239] {strides = array<i32>} : memref<128x128xf32, #tpu.memory_space<vmem>>, vector<1x16xf32>,
        %parallel_loop3A_241 = vector.shape_cast %parallel_loop3A_240 : vector<1x16xf32> to vector<16xf32>
        %parallel_loop3A_242 = vector.shape_cast %parallel_loop3A_237 : vector<16xf32> to vector<1x16xf32>
        tpu.vector_store %arg8[%parallel_loop3A_238, %parallel_loop3A_239], %parallel_loop3A_242 {strides = array<i32>} : memref<128x128xf32, #tpu.memory_space<vmem>>, vector<1x16xf32>,
        %parallel_loop3A_243 = arith.index_cast %parallel_loop3A_198 : i32 to index
        %parallel_loop3A_244 = arith.constant 64 : index
        %parallel_loop3A_245 = tpu.vector_load %arg8[%parallel_loop3A_243, %parallel_loop3A_244] {strides = array<i32>} : memref<128x128xf32, #tpu.memory_space<vmem>>, vector<1x16xf32>,
        %parallel_loop3A_246 = vector.shape_cast %parallel_loop3A_245 : vector<1x16xf32> to vector<16xf32>
        %parallel_loop3A_247 = vector.broadcast %parallel_loop3A_194 : f32 to vector<16xf32>
        %parallel_loop3A_248 = arith.mulf %parallel_loop3A_246, %parallel_loop3A_247 : vector<16xf32>
        %parallel_loop3A_249 = arith.index_cast %parallel_loop3A_198 : i32 to index
        %parallel_loop3A_250 = arith.constant 64 : index
        %parallel_loop3A_251 = tpu.vector_load %arg8[%parallel_loop3A_249, %parallel_loop3A_250] {strides = array<i32>} : memref<128x128xf32, #tpu.memory_space<vmem>>, vector<1x16xf32>,
        %parallel_loop3A_252 = vector.shape_cast %parallel_loop3A_251 : vector<1x16xf32> to vector<16xf32>
        %parallel_loop3A_253 = vector.shape_cast %parallel_loop3A_248 : vector<16xf32> to vector<1x16xf32>
        tpu.vector_store %arg8[%parallel_loop3A_249, %parallel_loop3A_250], %parallel_loop3A_253 {strides = array<i32>} : memref<128x128xf32, #tpu.memory_space<vmem>>, vector<1x16xf32>,
        %parallel_loop3A_254 = arith.index_cast %parallel_loop3A_198 : i32 to index
        %parallel_loop3A_255 = arith.constant 80 : index
        %parallel_loop3A_256 = tpu.vector_load %arg8[%parallel_loop3A_254, %parallel_loop3A_255] {strides = array<i32>} : memref<128x128xf32, #tpu.memory_space<vmem>>, vector<1x16xf32>,
        %parallel_loop3A_257 = vector.shape_cast %parallel_loop3A_256 : vector<1x16xf32> to vector<16xf32>
        %parallel_loop3A_258 = vector.broadcast %parallel_loop3A_194 : f32 to vector<16xf32>
        %parallel_loop3A_259 = arith.mulf %parallel_loop3A_257, %parallel_loop3A_258 : vector<16xf32>
        %parallel_loop3A_260 = arith.index_cast %parallel_loop3A_198 : i32 to index
        %parallel_loop3A_261 = arith.constant 80 : index
        %parallel_loop3A_262 = tpu.vector_load %arg8[%parallel_loop3A_260, %parallel_loop3A_261] {strides = array<i32>} : memref<128x128xf32, #tpu.memory_space<vmem>>, vector<1x16xf32>,
        %parallel_loop3A_263 = vector.shape_cast %parallel_loop3A_262 : vector<1x16xf32> to vector<16xf32>
        %parallel_loop3A_264 = vector.shape_cast %parallel_loop3A_259 : vector<16xf32> to vector<1x16xf32>
        tpu.vector_store %arg8[%parallel_loop3A_260, %parallel_loop3A_261], %parallel_loop3A_264 {strides = array<i32>} : memref<128x128xf32, #tpu.memory_space<vmem>>, vector<1x16xf32>,
        %parallel_loop3A_265 = arith.index_cast %parallel_loop3A_198 : i32 to index
        %parallel_loop3A_266 = arith.constant 96 : index
        %parallel_loop3A_267 = tpu.vector_load %arg8[%parallel_loop3A_265, %parallel_loop3A_266] {strides = array<i32>} : memref<128x128xf32, #tpu.memory_space<vmem>>, vector<1x16xf32>,
        %parallel_loop3A_268 = vector.shape_cast %parallel_loop3A_267 : vector<1x16xf32> to vector<16xf32>
        %parallel_loop3A_269 = vector.broadcast %parallel_loop3A_194 : f32 to vector<16xf32>
        %parallel_loop3A_270 = arith.mulf %parallel_loop3A_268, %parallel_loop3A_269 : vector<16xf32>
        %parallel_loop3A_271 = arith.index_cast %parallel_loop3A_198 : i32 to index
        %parallel_loop3A_272 = arith.constant 96 : index
        %parallel_loop3A_273 = tpu.vector_load %arg8[%parallel_loop3A_271, %parallel_loop3A_272] {strides = array<i32>} : memref<128x128xf32, #tpu.memory_space<vmem>>, vector<1x16xf32>,
        %parallel_loop3A_274 = vector.shape_cast %parallel_loop3A_273 : vector<1x16xf32> to vector<16xf32>
        %parallel_loop3A_275 = vector.shape_cast %parallel_loop3A_270 : vector<16xf32> to vector<1x16xf32>
        tpu.vector_store %arg8[%parallel_loop3A_271, %parallel_loop3A_272], %parallel_loop3A_275 {strides = array<i32>} : memref<128x128xf32, #tpu.memory_space<vmem>>, vector<1x16xf32>,
        %parallel_loop3A_276 = arith.index_cast %parallel_loop3A_198 : i32 to index
        %parallel_loop3A_277 = arith.constant 112 : index
        %parallel_loop3A_278 = tpu.vector_load %arg8[%parallel_loop3A_276, %parallel_loop3A_277] {strides = array<i32>} : memref<128x128xf32, #tpu.memory_space<vmem>>, vector<1x16xf32>,
        %parallel_loop3A_279 = vector.shape_cast %parallel_loop3A_278 : vector<1x16xf32> to vector<16xf32>
        %parallel_loop3A_280 = vector.broadcast %parallel_loop3A_194 : f32 to vector<16xf32>
        %parallel_loop3A_281 = arith.mulf %parallel_loop3A_279, %parallel_loop3A_280 : vector<16xf32>
        %parallel_loop3A_282 = arith.index_cast %parallel_loop3A_198 : i32 to index
        %parallel_loop3A_283 = arith.constant 112 : index
        %parallel_loop3A_284 = tpu.vector_load %arg8[%parallel_loop3A_282, %parallel_loop3A_283] {strides = array<i32>} : memref<128x128xf32, #tpu.memory_space<vmem>>, vector<1x16xf32>,
        %parallel_loop3A_285 = vector.shape_cast %parallel_loop3A_284 : vector<1x16xf32> to vector<16xf32>
        %parallel_loop3A_286 = vector.shape_cast %parallel_loop3A_281 : vector<16xf32> to vector<1x16xf32>
        tpu.vector_store %arg8[%parallel_loop3A_282, %parallel_loop3A_283], %parallel_loop3A_286 {strides = array<i32>} : memref<128x128xf32, #tpu.memory_space<vmem>>, vector<1x16xf32>,
        %parallel_loop3A_287 = vector.extract_strided_slice %parallel_loop3A_98 {offsets = [2], sizes = [1], strides = [1]} : vector<16xf32> to vector<1xf32>
        %parallel_loop3A_288 = vector.extract %parallel_loop3A_287[0] : f32 from vector<1xf32>
        %parallel_loop3A_289 = arith.constant 16 : i32
        %parallel_loop3A_290 = arith.muli %parallel_loop3A_93, %parallel_loop3A_289 : i32
        %parallel_loop3A_291 = arith.constant 2 : i32
        %parallel_loop3A_292 = arith.addi %parallel_loop3A_290, %parallel_loop3A_291 : i32
        %parallel_loop3A_293 = arith.index_cast %parallel_loop3A_292 : i32 to index
        %parallel_loop3A_294 = arith.constant 0 : index
        %parallel_loop3A_295 = tpu.vector_load %arg8[%parallel_loop3A_293, %parallel_loop3A_294] {strides = array<i32>} : memref<128x128xf32, #tpu.memory_space<vmem>>, vector<1x16xf32>,
        %parallel_loop3A_296 = vector.shape_cast %parallel_loop3A_295 : vector<1x16xf32> to vector<16xf32>
        %parallel_loop3A_297 = vector.broadcast %parallel_loop3A_288 : f32 to vector<16xf32>
        %parallel_loop3A_298 = arith.mulf %parallel_loop3A_296, %parallel_loop3A_297 : vector<16xf32>
        %parallel_loop3A_299 = arith.index_cast %parallel_loop3A_292 : i32 to index
        %parallel_loop3A_300 = arith.constant 0 : index
        %parallel_loop3A_301 = tpu.vector_load %arg8[%parallel_loop3A_299, %parallel_loop3A_300] {strides = array<i32>} : memref<128x128xf32, #tpu.memory_space<vmem>>, vector<1x16xf32>,
        %parallel_loop3A_302 = vector.shape_cast %parallel_loop3A_301 : vector<1x16xf32> to vector<16xf32>
        %parallel_loop3A_303 = vector.shape_cast %parallel_loop3A_298 : vector<16xf32> to vector<1x16xf32>
        tpu.vector_store %arg8[%parallel_loop3A_299, %parallel_loop3A_300], %parallel_loop3A_303 {strides = array<i32>} : memref<128x128xf32, #tpu.memory_space<vmem>>, vector<1x16xf32>,
        %parallel_loop3A_304 = arith.index_cast %parallel_loop3A_292 : i32 to index
        %parallel_loop3A_305 = arith.constant 16 : index
        %parallel_loop3A_306 = tpu.vector_load %arg8[%parallel_loop3A_304, %parallel_loop3A_305] {strides = array<i32>} : memref<128x128xf32, #tpu.memory_space<vmem>>, vector<1x16xf32>,
        %parallel_loop3A_307 = vector.shape_cast %parallel_loop3A_306 : vector<1x16xf32> to vector<16xf32>
        %parallel_loop3A_308 = vector.broadcast %parallel_loop3A_288 : f32 to vector<16xf32>
        %parallel_loop3A_309 = arith.mulf %parallel_loop3A_307, %parallel_loop3A_308 : vector<16xf32>
        %parallel_loop3A_310 = arith.index_cast %parallel_loop3A_292 : i32 to index
        %parallel_loop3A_311 = arith.constant 16 : index
        %parallel_loop3A_312 = tpu.vector_load %arg8[%parallel_loop3A_310, %parallel_loop3A_311] {strides = array<i32>} : memref<128x128xf32, #tpu.memory_space<vmem>>, vector<1x16xf32>,
        %parallel_loop3A_313 = vector.shape_cast %parallel_loop3A_312 : vector<1x16xf32> to vector<16xf32>
        %parallel_loop3A_314 = vector.shape_cast %parallel_loop3A_309 : vector<16xf32> to vector<1x16xf32>
        tpu.vector_store %arg8[%parallel_loop3A_310, %parallel_loop3A_311], %parallel_loop3A_314 {strides = array<i32>} : memref<128x128xf32, #tpu.memory_space<vmem>>, vector<1x16xf32>,
        %parallel_loop3A_315 = arith.index_cast %parallel_loop3A_292 : i32 to index
        %parallel_loop3A_316 = arith.constant 32 : index
        %parallel_loop3A_317 = tpu.vector_load %arg8[%parallel_loop3A_315, %parallel_loop3A_316] {strides = array<i32>} : memref<128x128xf32, #tpu.memory_space<vmem>>, vector<1x16xf32>,
        %parallel_loop3A_318 = vector.shape_cast %parallel_loop3A_317 : vector<1x16xf32> to vector<16xf32>
        %parallel_loop3A_319 = vector.broadcast %parallel_loop3A_288 : f32 to vector<16xf32>
        %parallel_loop3A_320 = arith.mulf %parallel_loop3A_318, %parallel_loop3A_319 : vector<16xf32>
        %parallel_loop3A_321 = arith.index_cast %parallel_loop3A_292 : i32 to index
        %parallel_loop3A_322 = arith.constant 32 : index
        %parallel_loop3A_323 = tpu.vector_load %arg8[%parallel_loop3A_321, %parallel_loop3A_322] {strides = array<i32>} : memref<128x128xf32, #tpu.memory_space<vmem>>, vector<1x16xf32>,
        %parallel_loop3A_324 = vector.shape_cast %parallel_loop3A_323 : vector<1x16xf32> to vector<16xf32>
        %parallel_loop3A_325 = vector.shape_cast %parallel_loop3A_320 : vector<16xf32> to vector<1x16xf32>
        tpu.vector_store %arg8[%parallel_loop3A_321, %parallel_loop3A_322], %parallel_loop3A_325 {strides = array<i32>} : memref<128x128xf32, #tpu.memory_space<vmem>>, vector<1x16xf32>,
        %parallel_loop3A_326 = arith.index_cast %parallel_loop3A_292 : i32 to index
        %parallel_loop3A_327 = arith.constant 48 : index
        %parallel_loop3A_328 = tpu.vector_load %arg8[%parallel_loop3A_326, %parallel_loop3A_327] {strides = array<i32>} : memref<128x128xf32, #tpu.memory_space<vmem>>, vector<1x16xf32>,
        %parallel_loop3A_329 = vector.shape_cast %parallel_loop3A_328 : vector<1x16xf32> to vector<16xf32>
        %parallel_loop3A_330 = vector.broadcast %parallel_loop3A_288 : f32 to vector<16xf32>
        %parallel_loop3A_331 = arith.mulf %parallel_loop3A_329, %parallel_loop3A_330 : vector<16xf32>
        %parallel_loop3A_332 = arith.index_cast %parallel_loop3A_292 : i32 to index
        %parallel_loop3A_333 = arith.constant 48 : index
        %parallel_loop3A_334 = tpu.vector_load %arg8[%parallel_loop3A_332, %parallel_loop3A_333] {strides = array<i32>} : memref<128x128xf32, #tpu.memory_space<vmem>>, vector<1x16xf32>,
        %parallel_loop3A_335 = vector.shape_cast %parallel_loop3A_334 : vector<1x16xf32> to vector<16xf32>
        %parallel_loop3A_336 = vector.shape_cast %parallel_loop3A_331 : vector<16xf32> to vector<1x16xf32>
        tpu.vector_store %arg8[%parallel_loop3A_332, %parallel_loop3A_333], %parallel_loop3A_336 {strides = array<i32>} : memref<128x128xf32, #tpu.memory_space<vmem>>, vector<1x16xf32>,
        %parallel_loop3A_337 = arith.index_cast %parallel_loop3A_292 : i32 to index
        %parallel_loop3A_338 = arith.constant 64 : index
        %parallel_loop3A_339 = tpu.vector_load %arg8[%parallel_loop3A_337, %parallel_loop3A_338] {strides = array<i32>} : memref<128x128xf32, #tpu.memory_space<vmem>>, vector<1x16xf32>,
        %parallel_loop3A_340 = vector.shape_cast %parallel_loop3A_339 : vector<1x16xf32> to vector<16xf32>
        %parallel_loop3A_341 = vector.broadcast %parallel_loop3A_288 : f32 to vector<16xf32>
        %parallel_loop3A_342 = arith.mulf %parallel_loop3A_340, %parallel_loop3A_341 : vector<16xf32>
        %parallel_loop3A_343 = arith.index_cast %parallel_loop3A_292 : i32 to index
        %parallel_loop3A_344 = arith.constant 64 : index
        %parallel_loop3A_345 = tpu.vector_load %arg8[%parallel_loop3A_343, %parallel_loop3A_344] {strides = array<i32>} : memref<128x128xf32, #tpu.memory_space<vmem>>, vector<1x16xf32>,
        %parallel_loop3A_346 = vector.shape_cast %parallel_loop3A_345 : vector<1x16xf32> to vector<16xf32>
        %parallel_loop3A_347 = vector.shape_cast %parallel_loop3A_342 : vector<16xf32> to vector<1x16xf32>
        tpu.vector_store %arg8[%parallel_loop3A_343, %parallel_loop3A_344], %parallel_loop3A_347 {strides = array<i32>} : memref<128x128xf32, #tpu.memory_space<vmem>>, vector<1x16xf32>,
        %parallel_loop3A_348 = arith.index_cast %parallel_loop3A_292 : i32 to index
        %parallel_loop3A_349 = arith.constant 80 : index
        %parallel_loop3A_350 = tpu.vector_load %arg8[%parallel_loop3A_348, %parallel_loop3A_349] {strides = array<i32>} : memref<128x128xf32, #tpu.memory_space<vmem>>, vector<1x16xf32>,
        %parallel_loop3A_351 = vector.shape_cast %parallel_loop3A_350 : vector<1x16xf32> to vector<16xf32>
        %parallel_loop3A_352 = vector.broadcast %parallel_loop3A_288 : f32 to vector<16xf32>
        %parallel_loop3A_353 = arith.mulf %parallel_loop3A_351, %parallel_loop3A_352 : vector<16xf32>
        %parallel_loop3A_354 = arith.index_cast %parallel_loop3A_292 : i32 to index
        %parallel_loop3A_355 = arith.constant 80 : index
        %parallel_loop3A_356 = tpu.vector_load %arg8[%parallel_loop3A_354, %parallel_loop3A_355] {strides = array<i32>} : memref<128x128xf32, #tpu.memory_space<vmem>>, vector<1x16xf32>,
        %parallel_loop3A_357 = vector.shape_cast %parallel_loop3A_356 : vector<1x16xf32> to vector<16xf32>
        %parallel_loop3A_358 = vector.shape_cast %parallel_loop3A_353 : vector<16xf32> to vector<1x16xf32>
        tpu.vector_store %arg8[%parallel_loop3A_354, %parallel_loop3A_355], %parallel_loop3A_358 {strides = array<i32>} : memref<128x128xf32, #tpu.memory_space<vmem>>, vector<1x16xf32>,
        %parallel_loop3A_359 = arith.index_cast %parallel_loop3A_292 : i32 to index
        %parallel_loop3A_360 = arith.constant 96 : index
        %parallel_loop3A_361 = tpu.vector_load %arg8[%parallel_loop3A_359, %parallel_loop3A_360] {strides = array<i32>} : memref<128x128xf32, #tpu.memory_space<vmem>>, vector<1x16xf32>,
        %parallel_loop3A_362 = vector.shape_cast %parallel_loop3A_361 : vector<1x16xf32> to vector<16xf32>
        %parallel_loop3A_363 = vector.broadcast %parallel_loop3A_288 : f32 to vector<16xf32>
        %parallel_loop3A_364 = arith.mulf %parallel_loop3A_362, %parallel_loop3A_363 : vector<16xf32>
        %parallel_loop3A_365 = arith.index_cast %parallel_loop3A_292 : i32 to index
        %parallel_loop3A_366 = arith.constant 96 : index
        %parallel_loop3A_367 = tpu.vector_load %arg8[%parallel_loop3A_365, %parallel_loop3A_366] {strides = array<i32>} : memref<128x128xf32, #tpu.memory_space<vmem>>, vector<1x16xf32>,
        %parallel_loop3A_368 = vector.shape_cast %parallel_loop3A_367 : vector<1x16xf32> to vector<16xf32>
        %parallel_loop3A_369 = vector.shape_cast %parallel_loop3A_364 : vector<16xf32> to vector<1x16xf32>
        tpu.vector_store %arg8[%parallel_loop3A_365, %parallel_loop3A_366], %parallel_loop3A_369 {strides = array<i32>} : memref<128x128xf32, #tpu.memory_space<vmem>>, vector<1x16xf32>,
        %parallel_loop3A_370 = arith.index_cast %parallel_loop3A_292 : i32 to index
        %parallel_loop3A_371 = arith.constant 112 : index
        %parallel_loop3A_372 = tpu.vector_load %arg8[%parallel_loop3A_370, %parallel_loop3A_371] {strides = array<i32>} : memref<128x128xf32, #tpu.memory_space<vmem>>, vector<1x16xf32>,
        %parallel_loop3A_373 = vector.shape_cast %parallel_loop3A_372 : vector<1x16xf32> to vector<16xf32>
        %parallel_loop3A_374 = vector.broadcast %parallel_loop3A_288 : f32 to vector<16xf32>
        %parallel_loop3A_375 = arith.mulf %parallel_loop3A_373, %parallel_loop3A_374 : vector<16xf32>
        %parallel_loop3A_376 = arith.index_cast %parallel_loop3A_292 : i32 to index
        %parallel_loop3A_377 = arith.constant 112 : index
        %parallel_loop3A_378 = tpu.vector_load %arg8[%parallel_loop3A_376, %parallel_loop3A_377] {strides = array<i32>} : memref<128x128xf32, #tpu.memory_space<vmem>>, vector<1x16xf32>,
        %parallel_loop3A_379 = vector.shape_cast %parallel_loop3A_378 : vector<1x16xf32> to vector<16xf32>
        %parallel_loop3A_380 = vector.shape_cast %parallel_loop3A_375 : vector<16xf32> to vector<1x16xf32>
        tpu.vector_store %arg8[%parallel_loop3A_376, %parallel_loop3A_377], %parallel_loop3A_380 {strides = array<i32>} : memref<128x128xf32, #tpu.memory_space<vmem>>, vector<1x16xf32>,
        %parallel_loop3A_381 = vector.extract_strided_slice %parallel_loop3A_98 {offsets = [3], sizes = [1], strides = [1]} : vector<16xf32> to vector<1xf32>
        %parallel_loop3A_382 = vector.extract %parallel_loop3A_381[0] : f32 from vector<1xf32>
        %parallel_loop3A_383 = arith.constant 16 : i32
        %parallel_loop3A_384 = arith.muli %parallel_loop3A_93, %parallel_loop3A_383 : i32
        %parallel_loop3A_385 = arith.constant 3 : i32
        %parallel_loop3A_386 = arith.addi %parallel_loop3A_384, %parallel_loop3A_385 : i32
        %parallel_loop3A_387 = arith.index_cast %parallel_loop3A_386 : i32 to index
        %parallel_loop3A_388 = arith.constant 0 : index
        %parallel_loop3A_389 = tpu.vector_load %arg8[%parallel_loop3A_387, %parallel_loop3A_388] {strides = array<i32>} : memref<128x128xf32, #tpu.memory_space<vmem>>, vector<1x16xf32>,
        %parallel_loop3A_390 = vector.shape_cast %parallel_loop3A_389 : vector<1x16xf32> to vector<16xf32>
        %parallel_loop3A_391 = vector.broadcast %parallel_loop3A_382 : f32 to vector<16xf32>
        %parallel_loop3A_392 = arith.mulf %parallel_loop3A_390, %parallel_loop3A_391 : vector<16xf32>
        %parallel_loop3A_393 = arith.index_cast %parallel_loop3A_386 : i32 to index
        %parallel_loop3A_394 = arith.constant 0 : index
        %parallel_loop3A_395 = tpu.vector_load %arg8[%parallel_loop3A_393, %parallel_loop3A_394] {strides = array<i32>} : memref<128x128xf32, #tpu.memory_space<vmem>>, vector<1x16xf32>,
        %parallel_loop3A_396 = vector.shape_cast %parallel_loop3A_395 : vector<1x16xf32> to vector<16xf32>
        %parallel_loop3A_397 = vector.shape_cast %parallel_loop3A_392 : vector<16xf32> to vector<1x16xf32>
        tpu.vector_store %arg8[%parallel_loop3A_393, %parallel_loop3A_394], %parallel_loop3A_397 {strides = array<i32>} : memref<128x128xf32, #tpu.memory_space<vmem>>, vector<1x16xf32>,
        %parallel_loop3A_398 = arith.index_cast %parallel_loop3A_386 : i32 to index
        %parallel_loop3A_399 = arith.constant 16 : index
        %parallel_loop3A_400 = tpu.vector_load %arg8[%parallel_loop3A_398, %parallel_loop3A_399] {strides = array<i32>} : memref<128x128xf32, #tpu.memory_space<vmem>>, vector<1x16xf32>,
        %parallel_loop3A_401 = vector.shape_cast %parallel_loop3A_400 : vector<1x16xf32> to vector<16xf32>
        %parallel_loop3A_402 = vector.broadcast %parallel_loop3A_382 : f32 to vector<16xf32>
        %parallel_loop3A_403 = arith.mulf %parallel_loop3A_401, %parallel_loop3A_402 : vector<16xf32>
        %parallel_loop3A_404 = arith.index_cast %parallel_loop3A_386 : i32 to index
        %parallel_loop3A_405 = arith.constant 16 : index
        %parallel_loop3A_406 = tpu.vector_load %arg8[%parallel_loop3A_404, %parallel_loop3A_405] {strides = array<i32>} : memref<128x128xf32, #tpu.memory_space<vmem>>, vector<1x16xf32>,
        %parallel_loop3A_407 = vector.shape_cast %parallel_loop3A_406 : vector<1x16xf32> to vector<16xf32>
        %parallel_loop3A_408 = vector.shape_cast %parallel_loop3A_403 : vector<16xf32> to vector<1x16xf32>
        tpu.vector_store %arg8[%parallel_loop3A_404, %parallel_loop3A_405], %parallel_loop3A_408 {strides = array<i32>} : memref<128x128xf32, #tpu.memory_space<vmem>>, vector<1x16xf32>,
        %parallel_loop3A_409 = arith.index_cast %parallel_loop3A_386 : i32 to index
        %parallel_loop3A_410 = arith.constant 32 : index
        %parallel_loop3A_411 = tpu.vector_load %arg8[%parallel_loop3A_409, %parallel_loop3A_410] {strides = array<i32>} : memref<128x128xf32, #tpu.memory_space<vmem>>, vector<1x16xf32>,
        %parallel_loop3A_412 = vector.shape_cast %parallel_loop3A_411 : vector<1x16xf32> to vector<16xf32>
        %parallel_loop3A_413 = vector.broadcast %parallel_loop3A_382 : f32 to vector<16xf32>
        %parallel_loop3A_414 = arith.mulf %parallel_loop3A_412, %parallel_loop3A_413 : vector<16xf32>
        %parallel_loop3A_415 = arith.index_cast %parallel_loop3A_386 : i32 to index
        %parallel_loop3A_416 = arith.constant 32 : index
        %parallel_loop3A_417 = tpu.vector_load %arg8[%parallel_loop3A_415, %parallel_loop3A_416] {strides = array<i32>} : memref<128x128xf32, #tpu.memory_space<vmem>>, vector<1x16xf32>,
        %parallel_loop3A_418 = vector.shape_cast %parallel_loop3A_417 : vector<1x16xf32> to vector<16xf32>
        %parallel_loop3A_419 = vector.shape_cast %parallel_loop3A_414 : vector<16xf32> to vector<1x16xf32>
        tpu.vector_store %arg8[%parallel_loop3A_415, %parallel_loop3A_416], %parallel_loop3A_419 {strides = array<i32>} : memref<128x128xf32, #tpu.memory_space<vmem>>, vector<1x16xf32>,
        %parallel_loop3A_420 = arith.index_cast %parallel_loop3A_386 : i32 to index
        %parallel_loop3A_421 = arith.constant 48 : index
        %parallel_loop3A_422 = tpu.vector_load %arg8[%parallel_loop3A_420, %parallel_loop3A_421] {strides = array<i32>} : memref<128x128xf32, #tpu.memory_space<vmem>>, vector<1x16xf32>,
        %parallel_loop3A_423 = vector.shape_cast %parallel_loop3A_422 : vector<1x16xf32> to vector<16xf32>
        %parallel_loop3A_424 = vector.broadcast %parallel_loop3A_382 : f32 to vector<16xf32>
        %parallel_loop3A_425 = arith.mulf %parallel_loop3A_423, %parallel_loop3A_424 : vector<16xf32>
        %parallel_loop3A_426 = arith.index_cast %parallel_loop3A_386 : i32 to index
        %parallel_loop3A_427 = arith.constant 48 : index
        %parallel_loop3A_428 = tpu.vector_load %arg8[%parallel_loop3A_426, %parallel_loop3A_427] {strides = array<i32>} : memref<128x128xf32, #tpu.memory_space<vmem>>, vector<1x16xf32>,
        %parallel_loop3A_429 = vector.shape_cast %parallel_loop3A_428 : vector<1x16xf32> to vector<16xf32>
        %parallel_loop3A_430 = vector.shape_cast %parallel_loop3A_425 : vector<16xf32> to vector<1x16xf32>
        tpu.vector_store %arg8[%parallel_loop3A_426, %parallel_loop3A_427], %parallel_loop3A_430 {strides = array<i32>} : memref<128x128xf32, #tpu.memory_space<vmem>>, vector<1x16xf32>,
        %parallel_loop3A_431 = arith.index_cast %parallel_loop3A_386 : i32 to index
        %parallel_loop3A_432 = arith.constant 64 : index
        %parallel_loop3A_433 = tpu.vector_load %arg8[%parallel_loop3A_431, %parallel_loop3A_432] {strides = array<i32>} : memref<128x128xf32, #tpu.memory_space<vmem>>, vector<1x16xf32>,
        %parallel_loop3A_434 = vector.shape_cast %parallel_loop3A_433 : vector<1x16xf32> to vector<16xf32>
        %parallel_loop3A_435 = vector.broadcast %parallel_loop3A_382 : f32 to vector<16xf32>
        %parallel_loop3A_436 = arith.mulf %parallel_loop3A_434, %parallel_loop3A_435 : vector<16xf32>
        %parallel_loop3A_437 = arith.index_cast %parallel_loop3A_386 : i32 to index
        %parallel_loop3A_438 = arith.constant 64 : index
        %parallel_loop3A_439 = tpu.vector_load %arg8[%parallel_loop3A_437, %parallel_loop3A_438] {strides = array<i32>} : memref<128x128xf32, #tpu.memory_space<vmem>>, vector<1x16xf32>,
        %parallel_loop3A_440 = vector.shape_cast %parallel_loop3A_439 : vector<1x16xf32> to vector<16xf32>
        %parallel_loop3A_441 = vector.shape_cast %parallel_loop3A_436 : vector<16xf32> to vector<1x16xf32>
        tpu.vector_store %arg8[%parallel_loop3A_437, %parallel_loop3A_438], %parallel_loop3A_441 {strides = array<i32>} : memref<128x128xf32, #tpu.memory_space<vmem>>, vector<1x16xf32>,
        %parallel_loop3A_442 = arith.index_cast %parallel_loop3A_386 : i32 to index
        %parallel_loop3A_443 = arith.constant 80 : index
        %parallel_loop3A_444 = tpu.vector_load %arg8[%parallel_loop3A_442, %parallel_loop3A_443] {strides = array<i32>} : memref<128x128xf32, #tpu.memory_space<vmem>>, vector<1x16xf32>,
        %parallel_loop3A_445 = vector.shape_cast %parallel_loop3A_444 : vector<1x16xf32> to vector<16xf32>
        %parallel_loop3A_446 = vector.broadcast %parallel_loop3A_382 : f32 to vector<16xf32>
        %parallel_loop3A_447 = arith.mulf %parallel_loop3A_445, %parallel_loop3A_446 : vector<16xf32>
        %parallel_loop3A_448 = arith.index_cast %parallel_loop3A_386 : i32 to index
        %parallel_loop3A_449 = arith.constant 80 : index
        %parallel_loop3A_450 = tpu.vector_load %arg8[%parallel_loop3A_448, %parallel_loop3A_449] {strides = array<i32>} : memref<128x128xf32, #tpu.memory_space<vmem>>, vector<1x16xf32>,
        %parallel_loop3A_451 = vector.shape_cast %parallel_loop3A_450 : vector<1x16xf32> to vector<16xf32>
        %parallel_loop3A_452 = vector.shape_cast %parallel_loop3A_447 : vector<16xf32> to vector<1x16xf32>
        tpu.vector_store %arg8[%parallel_loop3A_448, %parallel_loop3A_449], %parallel_loop3A_452 {strides = array<i32>} : memref<128x128xf32, #tpu.memory_space<vmem>>, vector<1x16xf32>,
        %parallel_loop3A_453 = arith.index_cast %parallel_loop3A_386 : i32 to index
        %parallel_loop3A_454 = arith.constant 96 : index
        %parallel_loop3A_455 = tpu.vector_load %arg8[%parallel_loop3A_453, %parallel_loop3A_454] {strides = array<i32>} : memref<128x128xf32, #tpu.memory_space<vmem>>, vector<1x16xf32>,
        %parallel_loop3A_456 = vector.shape_cast %parallel_loop3A_455 : vector<1x16xf32> to vector<16xf32>
        %parallel_loop3A_457 = vector.broadcast %parallel_loop3A_382 : f32 to vector<16xf32>
        %parallel_loop3A_458 = arith.mulf %parallel_loop3A_456, %parallel_loop3A_457 : vector<16xf32>
        %parallel_loop3A_459 = arith.index_cast %parallel_loop3A_386 : i32 to index
        %parallel_loop3A_460 = arith.constant 96 : index
        %parallel_loop3A_461 = tpu.vector_load %arg8[%parallel_loop3A_459, %parallel_loop3A_460] {strides = array<i32>} : memref<128x128xf32, #tpu.memory_space<vmem>>, vector<1x16xf32>,
        %parallel_loop3A_462 = vector.shape_cast %parallel_loop3A_461 : vector<1x16xf32> to vector<16xf32>
        %parallel_loop3A_463 = vector.shape_cast %parallel_loop3A_458 : vector<16xf32> to vector<1x16xf32>
        tpu.vector_store %arg8[%parallel_loop3A_459, %parallel_loop3A_460], %parallel_loop3A_463 {strides = array<i32>} : memref<128x128xf32, #tpu.memory_space<vmem>>, vector<1x16xf32>,
        %parallel_loop3A_464 = arith.index_cast %parallel_loop3A_386 : i32 to index
        %parallel_loop3A_465 = arith.constant 112 : index
        %parallel_loop3A_466 = tpu.vector_load %arg8[%parallel_loop3A_464, %parallel_loop3A_465] {strides = array<i32>} : memref<128x128xf32, #tpu.memory_space<vmem>>, vector<1x16xf32>,
        %parallel_loop3A_467 = vector.shape_cast %parallel_loop3A_466 : vector<1x16xf32> to vector<16xf32>
        %parallel_loop3A_468 = vector.broadcast %parallel_loop3A_382 : f32 to vector<16xf32>
        %parallel_loop3A_469 = arith.mulf %parallel_loop3A_467, %parallel_loop3A_468 : vector<16xf32>
        %parallel_loop3A_470 = arith.index_cast %parallel_loop3A_386 : i32 to index
        %parallel_loop3A_471 = arith.constant 112 : index
        %parallel_loop3A_472 = tpu.vector_load %arg8[%parallel_loop3A_470, %parallel_loop3A_471] {strides = array<i32>} : memref<128x128xf32, #tpu.memory_space<vmem>>, vector<1x16xf32>,
        %parallel_loop3A_473 = vector.shape_cast %parallel_loop3A_472 : vector<1x16xf32> to vector<16xf32>
        %parallel_loop3A_474 = vector.shape_cast %parallel_loop3A_469 : vector<16xf32> to vector<1x16xf32>
        tpu.vector_store %arg8[%parallel_loop3A_470, %parallel_loop3A_471], %parallel_loop3A_474 {strides = array<i32>} : memref<128x128xf32, #tpu.memory_space<vmem>>, vector<1x16xf32>,
        %parallel_loop3A_475 = vector.extract_strided_slice %parallel_loop3A_98 {offsets = [4], sizes = [1], strides = [1]} : vector<16xf32> to vector<1xf32>
        %parallel_loop3A_476 = vector.extract %parallel_loop3A_475[0] : f32 from vector<1xf32>
        %parallel_loop3A_477 = arith.constant 16 : i32
        %parallel_loop3A_478 = arith.muli %parallel_loop3A_93, %parallel_loop3A_477 : i32
        %parallel_loop3A_479 = arith.constant 4 : i32
        %parallel_loop3A_480 = arith.addi %parallel_loop3A_478, %parallel_loop3A_479 : i32
        %parallel_loop3A_481 = arith.index_cast %parallel_loop3A_480 : i32 to index
        %parallel_loop3A_482 = arith.constant 0 : index
        %parallel_loop3A_483 = tpu.vector_load %arg8[%parallel_loop3A_481, %parallel_loop3A_482] {strides = array<i32>} : memref<128x128xf32, #tpu.memory_space<vmem>>, vector<1x16xf32>,
        %parallel_loop3A_484 = vector.shape_cast %parallel_loop3A_483 : vector<1x16xf32> to vector<16xf32>
        %parallel_loop3A_485 = vector.broadcast %parallel_loop3A_476 : f32 to vector<16xf32>
        %parallel_loop3A_486 = arith.mulf %parallel_loop3A_484, %parallel_loop3A_485 : vector<16xf32>
        %parallel_loop3A_487 = arith.index_cast %parallel_loop3A_480 : i32 to index
        %parallel_loop3A_488 = arith.constant 0 : index
        %parallel_loop3A_489 = tpu.vector_load %arg8[%parallel_loop3A_487, %parallel_loop3A_488] {strides = array<i32>} : memref<128x128xf32, #tpu.memory_space<vmem>>, vector<1x16xf32>,
        %parallel_loop3A_490 = vector.shape_cast %parallel_loop3A_489 : vector<1x16xf32> to vector<16xf32>
        %parallel_loop3A_491 = vector.shape_cast %parallel_loop3A_486 : vector<16xf32> to vector<1x16xf32>
        tpu.vector_store %arg8[%parallel_loop3A_487, %parallel_loop3A_488], %parallel_loop3A_491 {strides = array<i32>} : memref<128x128xf32, #tpu.memory_space<vmem>>, vector<1x16xf32>,
        %parallel_loop3A_492 = arith.index_cast %parallel_loop3A_480 : i32 to index
        %parallel_loop3A_493 = arith.constant 16 : index
        %parallel_loop3A_494 = tpu.vector_load %arg8[%parallel_loop3A_492, %parallel_loop3A_493] {strides = array<i32>} : memref<128x128xf32, #tpu.memory_space<vmem>>, vector<1x16xf32>,
        %parallel_loop3A_495 = vector.shape_cast %parallel_loop3A_494 : vector<1x16xf32> to vector<16xf32>
        %parallel_loop3A_496 = vector.broadcast %parallel_loop3A_476 : f32 to vector<16xf32>
        %parallel_loop3A_497 = arith.mulf %parallel_loop3A_495, %parallel_loop3A_496 : vector<16xf32>
        %parallel_loop3A_498 = arith.index_cast %parallel_loop3A_480 : i32 to index
        %parallel_loop3A_499 = arith.constant 16 : index
        %parallel_loop3A_500 = tpu.vector_load %arg8[%parallel_loop3A_498, %parallel_loop3A_499] {strides = array<i32>} : memref<128x128xf32, #tpu.memory_space<vmem>>, vector<1x16xf32>,
        %parallel_loop3A_501 = vector.shape_cast %parallel_loop3A_500 : vector<1x16xf32> to vector<16xf32>
        %parallel_loop3A_502 = vector.shape_cast %parallel_loop3A_497 : vector<16xf32> to vector<1x16xf32>
        tpu.vector_store %arg8[%parallel_loop3A_498, %parallel_loop3A_499], %parallel_loop3A_502 {strides = array<i32>} : memref<128x128xf32, #tpu.memory_space<vmem>>, vector<1x16xf32>,
        %parallel_loop3A_503 = arith.index_cast %parallel_loop3A_480 : i32 to index
        %parallel_loop3A_504 = arith.constant 32 : index
        %parallel_loop3A_505 = tpu.vector_load %arg8[%parallel_loop3A_503, %parallel_loop3A_504] {strides = array<i32>} : memref<128x128xf32, #tpu.memory_space<vmem>>, vector<1x16xf32>,
        %parallel_loop3A_506 = vector.shape_cast %parallel_loop3A_505 : vector<1x16xf32> to vector<16xf32>
        %parallel_loop3A_507 = vector.broadcast %parallel_loop3A_476 : f32 to vector<16xf32>
        %parallel_loop3A_508 = arith.mulf %parallel_loop3A_506, %parallel_loop3A_507 : vector<16xf32>
        %parallel_loop3A_509 = arith.index_cast %parallel_loop3A_480 : i32 to index
        %parallel_loop3A_510 = arith.constant 32 : index
        %parallel_loop3A_511 = tpu.vector_load %arg8[%parallel_loop3A_509, %parallel_loop3A_510] {strides = array<i32>} : memref<128x128xf32, #tpu.memory_space<vmem>>, vector<1x16xf32>,
        %parallel_loop3A_512 = vector.shape_cast %parallel_loop3A_511 : vector<1x16xf32> to vector<16xf32>
        %parallel_loop3A_513 = vector.shape_cast %parallel_loop3A_508 : vector<16xf32> to vector<1x16xf32>
        tpu.vector_store %arg8[%parallel_loop3A_509, %parallel_loop3A_510], %parallel_loop3A_513 {strides = array<i32>} : memref<128x128xf32, #tpu.memory_space<vmem>>, vector<1x16xf32>,
        %parallel_loop3A_514 = arith.index_cast %parallel_loop3A_480 : i32 to index
        %parallel_loop3A_515 = arith.constant 48 : index
        %parallel_loop3A_516 = tpu.vector_load %arg8[%parallel_loop3A_514, %parallel_loop3A_515] {strides = array<i32>} : memref<128x128xf32, #tpu.memory_space<vmem>>, vector<1x16xf32>,
        %parallel_loop3A_517 = vector.shape_cast %parallel_loop3A_516 : vector<1x16xf32> to vector<16xf32>
        %parallel_loop3A_518 = vector.broadcast %parallel_loop3A_476 : f32 to vector<16xf32>
        %parallel_loop3A_519 = arith.mulf %parallel_loop3A_517, %parallel_loop3A_518 : vector<16xf32>
        %parallel_loop3A_520 = arith.index_cast %parallel_loop3A_480 : i32 to index
        %parallel_loop3A_521 = arith.constant 48 : index
        %parallel_loop3A_522 = tpu.vector_load %arg8[%parallel_loop3A_520, %parallel_loop3A_521] {strides = array<i32>} : memref<128x128xf32, #tpu.memory_space<vmem>>, vector<1x16xf32>,
        %parallel_loop3A_523 = vector.shape_cast %parallel_loop3A_522 : vector<1x16xf32> to vector<16xf32>
        %parallel_loop3A_524 = vector.shape_cast %parallel_loop3A_519 : vector<16xf32> to vector<1x16xf32>
        tpu.vector_store %arg8[%parallel_loop3A_520, %parallel_loop3A_521], %parallel_loop3A_524 {strides = array<i32>} : memref<128x128xf32, #tpu.memory_space<vmem>>, vector<1x16xf32>,
        %parallel_loop3A_525 = arith.index_cast %parallel_loop3A_480 : i32 to index
        %parallel_loop3A_526 = arith.constant 64 : index
        %parallel_loop3A_527 = tpu.vector_load %arg8[%parallel_loop3A_525, %parallel_loop3A_526] {strides = array<i32>} : memref<128x128xf32, #tpu.memory_space<vmem>>, vector<1x16xf32>,
        %parallel_loop3A_528 = vector.shape_cast %parallel_loop3A_527 : vector<1x16xf32> to vector<16xf32>
        %parallel_loop3A_529 = vector.broadcast %parallel_loop3A_476 : f32 to vector<16xf32>
        %parallel_loop3A_530 = arith.mulf %parallel_loop3A_528, %parallel_loop3A_529 : vector<16xf32>
        %parallel_loop3A_531 = arith.index_cast %parallel_loop3A_480 : i32 to index
        %parallel_loop3A_532 = arith.constant 64 : index
        %parallel_loop3A_533 = tpu.vector_load %arg8[%parallel_loop3A_531, %parallel_loop3A_532] {strides = array<i32>} : memref<128x128xf32, #tpu.memory_space<vmem>>, vector<1x16xf32>,
        %parallel_loop3A_534 = vector.shape_cast %parallel_loop3A_533 : vector<1x16xf32> to vector<16xf32>
        %parallel_loop3A_535 = vector.shape_cast %parallel_loop3A_530 : vector<16xf32> to vector<1x16xf32>
        tpu.vector_store %arg8[%parallel_loop3A_531, %parallel_loop3A_532], %parallel_loop3A_535 {strides = array<i32>} : memref<128x128xf32, #tpu.memory_space<vmem>>, vector<1x16xf32>,
        %parallel_loop3A_536 = arith.index_cast %parallel_loop3A_480 : i32 to index
        %parallel_loop3A_537 = arith.constant 80 : index
        %parallel_loop3A_538 = tpu.vector_load %arg8[%parallel_loop3A_536, %parallel_loop3A_537] {strides = array<i32>} : memref<128x128xf32, #tpu.memory_space<vmem>>, vector<1x16xf32>,
        %parallel_loop3A_539 = vector.shape_cast %parallel_loop3A_538 : vector<1x16xf32> to vector<16xf32>
        %parallel_loop3A_540 = vector.broadcast %parallel_loop3A_476 : f32 to vector<16xf32>
        %parallel_loop3A_541 = arith.mulf %parallel_loop3A_539, %parallel_loop3A_540 : vector<16xf32>
        %parallel_loop3A_542 = arith.index_cast %parallel_loop3A_480 : i32 to index
        %parallel_loop3A_543 = arith.constant 80 : index
        %parallel_loop3A_544 = tpu.vector_load %arg8[%parallel_loop3A_542, %parallel_loop3A_543] {strides = array<i32>} : memref<128x128xf32, #tpu.memory_space<vmem>>, vector<1x16xf32>,
        %parallel_loop3A_545 = vector.shape_cast %parallel_loop3A_544 : vector<1x16xf32> to vector<16xf32>
        %parallel_loop3A_546 = vector.shape_cast %parallel_loop3A_541 : vector<16xf32> to vector<1x16xf32>
        tpu.vector_store %arg8[%parallel_loop3A_542, %parallel_loop3A_543], %parallel_loop3A_546 {strides = array<i32>} : memref<128x128xf32, #tpu.memory_space<vmem>>, vector<1x16xf32>,
        %parallel_loop3A_547 = arith.index_cast %parallel_loop3A_480 : i32 to index
        %parallel_loop3A_548 = arith.constant 96 : index
        %parallel_loop3A_549 = tpu.vector_load %arg8[%parallel_loop3A_547, %parallel_loop3A_548] {strides = array<i32>} : memref<128x128xf32, #tpu.memory_space<vmem>>, vector<1x16xf32>,
        %parallel_loop3A_550 = vector.shape_cast %parallel_loop3A_549 : vector<1x16xf32> to vector<16xf32>
        %parallel_loop3A_551 = vector.broadcast %parallel_loop3A_476 : f32 to vector<16xf32>
        %parallel_loop3A_552 = arith.mulf %parallel_loop3A_550, %parallel_loop3A_551 : vector<16xf32>
        %parallel_loop3A_553 = arith.index_cast %parallel_loop3A_480 : i32 to index
        %parallel_loop3A_554 = arith.constant 96 : index
        %parallel_loop3A_555 = tpu.vector_load %arg8[%parallel_loop3A_553, %parallel_loop3A_554] {strides = array<i32>} : memref<128x128xf32, #tpu.memory_space<vmem>>, vector<1x16xf32>,
        %parallel_loop3A_556 = vector.shape_cast %parallel_loop3A_555 : vector<1x16xf32> to vector<16xf32>
        %parallel_loop3A_557 = vector.shape_cast %parallel_loop3A_552 : vector<16xf32> to vector<1x16xf32>
        tpu.vector_store %arg8[%parallel_loop3A_553, %parallel_loop3A_554], %parallel_loop3A_557 {strides = array<i32>} : memref<128x128xf32, #tpu.memory_space<vmem>>, vector<1x16xf32>,
        %parallel_loop3A_558 = arith.index_cast %parallel_loop3A_480 : i32 to index
        %parallel_loop3A_559 = arith.constant 112 : index
        %parallel_loop3A_560 = tpu.vector_load %arg8[%parallel_loop3A_558, %parallel_loop3A_559] {strides = array<i32>} : memref<128x128xf32, #tpu.memory_space<vmem>>, vector<1x16xf32>,
        %parallel_loop3A_561 = vector.shape_cast %parallel_loop3A_560 : vector<1x16xf32> to vector<16xf32>
        %parallel_loop3A_562 = vector.broadcast %parallel_loop3A_476 : f32 to vector<16xf32>
        %parallel_loop3A_563 = arith.mulf %parallel_loop3A_561, %parallel_loop3A_562 : vector<16xf32>
        %parallel_loop3A_564 = arith.index_cast %parallel_loop3A_480 : i32 to index
        %parallel_loop3A_565 = arith.constant 112 : index
        %parallel_loop3A_566 = tpu.vector_load %arg8[%parallel_loop3A_564, %parallel_loop3A_565] {strides = array<i32>} : memref<128x128xf32, #tpu.memory_space<vmem>>, vector<1x16xf32>,
        %parallel_loop3A_567 = vector.shape_cast %parallel_loop3A_566 : vector<1x16xf32> to vector<16xf32>
        %parallel_loop3A_568 = vector.shape_cast %parallel_loop3A_563 : vector<16xf32> to vector<1x16xf32>
        tpu.vector_store %arg8[%parallel_loop3A_564, %parallel_loop3A_565], %parallel_loop3A_568 {strides = array<i32>} : memref<128x128xf32, #tpu.memory_space<vmem>>, vector<1x16xf32>,
        %parallel_loop3A_569 = vector.extract_strided_slice %parallel_loop3A_98 {offsets = [5], sizes = [1], strides = [1]} : vector<16xf32> to vector<1xf32>
        %parallel_loop3A_570 = vector.extract %parallel_loop3A_569[0] : f32 from vector<1xf32>
        %parallel_loop3A_571 = arith.constant 16 : i32
        %parallel_loop3A_572 = arith.muli %parallel_loop3A_93, %parallel_loop3A_571 : i32
        %parallel_loop3A_573 = arith.constant 5 : i32
        %parallel_loop3A_574 = arith.addi %parallel_loop3A_572, %parallel_loop3A_573 : i32
        %parallel_loop3A_575 = arith.index_cast %parallel_loop3A_574 : i32 to index
        %parallel_loop3A_576 = arith.constant 0 : index
        %parallel_loop3A_577 = tpu.vector_load %arg8[%parallel_loop3A_575, %parallel_loop3A_576] {strides = array<i32>} : memref<128x128xf32, #tpu.memory_space<vmem>>, vector<1x16xf32>,
        %parallel_loop3A_578 = vector.shape_cast %parallel_loop3A_577 : vector<1x16xf32> to vector<16xf32>
        %parallel_loop3A_579 = vector.broadcast %parallel_loop3A_570 : f32 to vector<16xf32>
        %parallel_loop3A_580 = arith.mulf %parallel_loop3A_578, %parallel_loop3A_579 : vector<16xf32>
        %parallel_loop3A_581 = arith.index_cast %parallel_loop3A_574 : i32 to index
        %parallel_loop3A_582 = arith.constant 0 : index
        %parallel_loop3A_583 = tpu.vector_load %arg8[%parallel_loop3A_581, %parallel_loop3A_582] {strides = array<i32>} : memref<128x128xf32, #tpu.memory_space<vmem>>, vector<1x16xf32>,
        %parallel_loop3A_584 = vector.shape_cast %parallel_loop3A_583 : vector<1x16xf32> to vector<16xf32>
        %parallel_loop3A_585 = vector.shape_cast %parallel_loop3A_580 : vector<16xf32> to vector<1x16xf32>
        tpu.vector_store %arg8[%parallel_loop3A_581, %parallel_loop3A_582], %parallel_loop3A_585 {strides = array<i32>} : memref<128x128xf32, #tpu.memory_space<vmem>>, vector<1x16xf32>,
        %parallel_loop3A_586 = arith.index_cast %parallel_loop3A_574 : i32 to index
        %parallel_loop3A_587 = arith.constant 16 : index
        %parallel_loop3A_588 = tpu.vector_load %arg8[%parallel_loop3A_586, %parallel_loop3A_587] {strides = array<i32>} : memref<128x128xf32, #tpu.memory_space<vmem>>, vector<1x16xf32>,
        %parallel_loop3A_589 = vector.shape_cast %parallel_loop3A_588 : vector<1x16xf32> to vector<16xf32>
        %parallel_loop3A_590 = vector.broadcast %parallel_loop3A_570 : f32 to vector<16xf32>
        %parallel_loop3A_591 = arith.mulf %parallel_loop3A_589, %parallel_loop3A_590 : vector<16xf32>
        %parallel_loop3A_592 = arith.index_cast %parallel_loop3A_574 : i32 to index
        %parallel_loop3A_593 = arith.constant 16 : index
        %parallel_loop3A_594 = tpu.vector_load %arg8[%parallel_loop3A_592, %parallel_loop3A_593] {strides = array<i32>} : memref<128x128xf32, #tpu.memory_space<vmem>>, vector<1x16xf32>,
        %parallel_loop3A_595 = vector.shape_cast %parallel_loop3A_594 : vector<1x16xf32> to vector<16xf32>
        %parallel_loop3A_596 = vector.shape_cast %parallel_loop3A_591 : vector<16xf32> to vector<1x16xf32>
        tpu.vector_store %arg8[%parallel_loop3A_592, %parallel_loop3A_593], %parallel_loop3A_596 {strides = array<i32>} : memref<128x128xf32, #tpu.memory_space<vmem>>, vector<1x16xf32>,
        %parallel_loop3A_597 = arith.index_cast %parallel_loop3A_574 : i32 to index
        %parallel_loop3A_598 = arith.constant 32 : index
        %parallel_loop3A_599 = tpu.vector_load %arg8[%parallel_loop3A_597, %parallel_loop3A_598] {strides = array<i32>} : memref<128x128xf32, #tpu.memory_space<vmem>>, vector<1x16xf32>,
        %parallel_loop3A_600 = vector.shape_cast %parallel_loop3A_599 : vector<1x16xf32> to vector<16xf32>
        %parallel_loop3A_601 = vector.broadcast %parallel_loop3A_570 : f32 to vector<16xf32>
        %parallel_loop3A_602 = arith.mulf %parallel_loop3A_600, %parallel_loop3A_601 : vector<16xf32>
        %parallel_loop3A_603 = arith.index_cast %parallel_loop3A_574 : i32 to index
        %parallel_loop3A_604 = arith.constant 32 : index
        %parallel_loop3A_605 = tpu.vector_load %arg8[%parallel_loop3A_603, %parallel_loop3A_604] {strides = array<i32>} : memref<128x128xf32, #tpu.memory_space<vmem>>, vector<1x16xf32>,
        %parallel_loop3A_606 = vector.shape_cast %parallel_loop3A_605 : vector<1x16xf32> to vector<16xf32>
        %parallel_loop3A_607 = vector.shape_cast %parallel_loop3A_602 : vector<16xf32> to vector<1x16xf32>
        tpu.vector_store %arg8[%parallel_loop3A_603, %parallel_loop3A_604], %parallel_loop3A_607 {strides = array<i32>} : memref<128x128xf32, #tpu.memory_space<vmem>>, vector<1x16xf32>,
        %parallel_loop3A_608 = arith.index_cast %parallel_loop3A_574 : i32 to index
        %parallel_loop3A_609 = arith.constant 48 : index
        %parallel_loop3A_610 = tpu.vector_load %arg8[%parallel_loop3A_608, %parallel_loop3A_609] {strides = array<i32>} : memref<128x128xf32, #tpu.memory_space<vmem>>, vector<1x16xf32>,
        %parallel_loop3A_611 = vector.shape_cast %parallel_loop3A_610 : vector<1x16xf32> to vector<16xf32>
        %parallel_loop3A_612 = vector.broadcast %parallel_loop3A_570 : f32 to vector<16xf32>
        %parallel_loop3A_613 = arith.mulf %parallel_loop3A_611, %parallel_loop3A_612 : vector<16xf32>
        %parallel_loop3A_614 = arith.index_cast %parallel_loop3A_574 : i32 to index
        %parallel_loop3A_615 = arith.constant 48 : index
        %parallel_loop3A_616 = tpu.vector_load %arg8[%parallel_loop3A_614, %parallel_loop3A_615] {strides = array<i32>} : memref<128x128xf32, #tpu.memory_space<vmem>>, vector<1x16xf32>,
        %parallel_loop3A_617 = vector.shape_cast %parallel_loop3A_616 : vector<1x16xf32> to vector<16xf32>
        %parallel_loop3A_618 = vector.shape_cast %parallel_loop3A_613 : vector<16xf32> to vector<1x16xf32>
        tpu.vector_store %arg8[%parallel_loop3A_614, %parallel_loop3A_615], %parallel_loop3A_618 {strides = array<i32>} : memref<128x128xf32, #tpu.memory_space<vmem>>, vector<1x16xf32>,
        %parallel_loop3A_619 = arith.index_cast %parallel_loop3A_574 : i32 to index
        %parallel_loop3A_620 = arith.constant 64 : index
        %parallel_loop3A_621 = tpu.vector_load %arg8[%parallel_loop3A_619, %parallel_loop3A_620] {strides = array<i32>} : memref<128x128xf32, #tpu.memory_space<vmem>>, vector<1x16xf32>,
        %parallel_loop3A_622 = vector.shape_cast %parallel_loop3A_621 : vector<1x16xf32> to vector<16xf32>
        %parallel_loop3A_623 = vector.broadcast %parallel_loop3A_570 : f32 to vector<16xf32>
        %parallel_loop3A_624 = arith.mulf %parallel_loop3A_622, %parallel_loop3A_623 : vector<16xf32>
        %parallel_loop3A_625 = arith.index_cast %parallel_loop3A_574 : i32 to index
        %parallel_loop3A_626 = arith.constant 64 : index
        %parallel_loop3A_627 = tpu.vector_load %arg8[%parallel_loop3A_625, %parallel_loop3A_626] {strides = array<i32>} : memref<128x128xf32, #tpu.memory_space<vmem>>, vector<1x16xf32>,
        %parallel_loop3A_628 = vector.shape_cast %parallel_loop3A_627 : vector<1x16xf32> to vector<16xf32>
        %parallel_loop3A_629 = vector.shape_cast %parallel_loop3A_624 : vector<16xf32> to vector<1x16xf32>
        tpu.vector_store %arg8[%parallel_loop3A_625, %parallel_loop3A_626], %parallel_loop3A_629 {strides = array<i32>} : memref<128x128xf32, #tpu.memory_space<vmem>>, vector<1x16xf32>,
        %parallel_loop3A_630 = arith.index_cast %parallel_loop3A_574 : i32 to index
        %parallel_loop3A_631 = arith.constant 80 : index
        %parallel_loop3A_632 = tpu.vector_load %arg8[%parallel_loop3A_630, %parallel_loop3A_631] {strides = array<i32>} : memref<128x128xf32, #tpu.memory_space<vmem>>, vector<1x16xf32>,
        %parallel_loop3A_633 = vector.shape_cast %parallel_loop3A_632 : vector<1x16xf32> to vector<16xf32>
        %parallel_loop3A_634 = vector.broadcast %parallel_loop3A_570 : f32 to vector<16xf32>
        %parallel_loop3A_635 = arith.mulf %parallel_loop3A_633, %parallel_loop3A_634 : vector<16xf32>
        %parallel_loop3A_636 = arith.index_cast %parallel_loop3A_574 : i32 to index
        %parallel_loop3A_637 = arith.constant 80 : index
        %parallel_loop3A_638 = tpu.vector_load %arg8[%parallel_loop3A_636, %parallel_loop3A_637] {strides = array<i32>} : memref<128x128xf32, #tpu.memory_space<vmem>>, vector<1x16xf32>,
        %parallel_loop3A_639 = vector.shape_cast %parallel_loop3A_638 : vector<1x16xf32> to vector<16xf32>
        %parallel_loop3A_640 = vector.shape_cast %parallel_loop3A_635 : vector<16xf32> to vector<1x16xf32>
        tpu.vector_store %arg8[%parallel_loop3A_636, %parallel_loop3A_637], %parallel_loop3A_640 {strides = array<i32>} : memref<128x128xf32, #tpu.memory_space<vmem>>, vector<1x16xf32>,
        %parallel_loop3A_641 = arith.index_cast %parallel_loop3A_574 : i32 to index
        %parallel_loop3A_642 = arith.constant 96 : index
        %parallel_loop3A_643 = tpu.vector_load %arg8[%parallel_loop3A_641, %parallel_loop3A_642] {strides = array<i32>} : memref<128x128xf32, #tpu.memory_space<vmem>>, vector<1x16xf32>,
        %parallel_loop3A_644 = vector.shape_cast %parallel_loop3A_643 : vector<1x16xf32> to vector<16xf32>
        %parallel_loop3A_645 = vector.broadcast %parallel_loop3A_570 : f32 to vector<16xf32>
        %parallel_loop3A_646 = arith.mulf %parallel_loop3A_644, %parallel_loop3A_645 : vector<16xf32>
        %parallel_loop3A_647 = arith.index_cast %parallel_loop3A_574 : i32 to index
        %parallel_loop3A_648 = arith.constant 96 : index
        %parallel_loop3A_649 = tpu.vector_load %arg8[%parallel_loop3A_647, %parallel_loop3A_648] {strides = array<i32>} : memref<128x128xf32, #tpu.memory_space<vmem>>, vector<1x16xf32>,
        %parallel_loop3A_650 = vector.shape_cast %parallel_loop3A_649 : vector<1x16xf32> to vector<16xf32>
        %parallel_loop3A_651 = vector.shape_cast %parallel_loop3A_646 : vector<16xf32> to vector<1x16xf32>
        tpu.vector_store %arg8[%parallel_loop3A_647, %parallel_loop3A_648], %parallel_loop3A_651 {strides = array<i32>} : memref<128x128xf32, #tpu.memory_space<vmem>>, vector<1x16xf32>,
        %parallel_loop3A_652 = arith.index_cast %parallel_loop3A_574 : i32 to index
        %parallel_loop3A_653 = arith.constant 112 : index
        %parallel_loop3A_654 = tpu.vector_load %arg8[%parallel_loop3A_652, %parallel_loop3A_653] {strides = array<i32>} : memref<128x128xf32, #tpu.memory_space<vmem>>, vector<1x16xf32>,
        %parallel_loop3A_655 = vector.shape_cast %parallel_loop3A_654 : vector<1x16xf32> to vector<16xf32>
        %parallel_loop3A_656 = vector.broadcast %parallel_loop3A_570 : f32 to vector<16xf32>
        %parallel_loop3A_657 = arith.mulf %parallel_loop3A_655, %parallel_loop3A_656 : vector<16xf32>
        %parallel_loop3A_658 = arith.index_cast %parallel_loop3A_574 : i32 to index
        %parallel_loop3A_659 = arith.constant 112 : index
        %parallel_loop3A_660 = tpu.vector_load %arg8[%parallel_loop3A_658, %parallel_loop3A_659] {strides = array<i32>} : memref<128x128xf32, #tpu.memory_space<vmem>>, vector<1x16xf32>,
        %parallel_loop3A_661 = vector.shape_cast %parallel_loop3A_660 : vector<1x16xf32> to vector<16xf32>
        %parallel_loop3A_662 = vector.shape_cast %parallel_loop3A_657 : vector<16xf32> to vector<1x16xf32>
        tpu.vector_store %arg8[%parallel_loop3A_658, %parallel_loop3A_659], %parallel_loop3A_662 {strides = array<i32>} : memref<128x128xf32, #tpu.memory_space<vmem>>, vector<1x16xf32>,
        %parallel_loop3A_663 = vector.extract_strided_slice %parallel_loop3A_98 {offsets = [6], sizes = [1], strides = [1]} : vector<16xf32> to vector<1xf32>
        %parallel_loop3A_664 = vector.extract %parallel_loop3A_663[0] : f32 from vector<1xf32>
        %parallel_loop3A_665 = arith.constant 16 : i32
        %parallel_loop3A_666 = arith.muli %parallel_loop3A_93, %parallel_loop3A_665 : i32
        %parallel_loop3A_667 = arith.constant 6 : i32
        %parallel_loop3A_668 = arith.addi %parallel_loop3A_666, %parallel_loop3A_667 : i32
        %parallel_loop3A_669 = arith.index_cast %parallel_loop3A_668 : i32 to index
        %parallel_loop3A_670 = arith.constant 0 : index
        %parallel_loop3A_671 = tpu.vector_load %arg8[%parallel_loop3A_669, %parallel_loop3A_670] {strides = array<i32>} : memref<128x128xf32, #tpu.memory_space<vmem>>, vector<1x16xf32>,
        %parallel_loop3A_672 = vector.shape_cast %parallel_loop3A_671 : vector<1x16xf32> to vector<16xf32>
        %parallel_loop3A_673 = vector.broadcast %parallel_loop3A_664 : f32 to vector<16xf32>
        %parallel_loop3A_674 = arith.mulf %parallel_loop3A_672, %parallel_loop3A_673 : vector<16xf32>
        %parallel_loop3A_675 = arith.index_cast %parallel_loop3A_668 : i32 to index
        %parallel_loop3A_676 = arith.constant 0 : index
        %parallel_loop3A_677 = tpu.vector_load %arg8[%parallel_loop3A_675, %parallel_loop3A_676] {strides = array<i32>} : memref<128x128xf32, #tpu.memory_space<vmem>>, vector<1x16xf32>,
        %parallel_loop3A_678 = vector.shape_cast %parallel_loop3A_677 : vector<1x16xf32> to vector<16xf32>
        %parallel_loop3A_679 = vector.shape_cast %parallel_loop3A_674 : vector<16xf32> to vector<1x16xf32>
        tpu.vector_store %arg8[%parallel_loop3A_675, %parallel_loop3A_676], %parallel_loop3A_679 {strides = array<i32>} : memref<128x128xf32, #tpu.memory_space<vmem>>, vector<1x16xf32>,
        %parallel_loop3A_680 = arith.index_cast %parallel_loop3A_668 : i32 to index
        %parallel_loop3A_681 = arith.constant 16 : index
        %parallel_loop3A_682 = tpu.vector_load %arg8[%parallel_loop3A_680, %parallel_loop3A_681] {strides = array<i32>} : memref<128x128xf32, #tpu.memory_space<vmem>>, vector<1x16xf32>,
        %parallel_loop3A_683 = vector.shape_cast %parallel_loop3A_682 : vector<1x16xf32> to vector<16xf32>
        %parallel_loop3A_684 = vector.broadcast %parallel_loop3A_664 : f32 to vector<16xf32>
        %parallel_loop3A_685 = arith.mulf %parallel_loop3A_683, %parallel_loop3A_684 : vector<16xf32>
        %parallel_loop3A_686 = arith.index_cast %parallel_loop3A_668 : i32 to index
        %parallel_loop3A_687 = arith.constant 16 : index
        %parallel_loop3A_688 = tpu.vector_load %arg8[%parallel_loop3A_686, %parallel_loop3A_687] {strides = array<i32>} : memref<128x128xf32, #tpu.memory_space<vmem>>, vector<1x16xf32>,
        %parallel_loop3A_689 = vector.shape_cast %parallel_loop3A_688 : vector<1x16xf32> to vector<16xf32>
        %parallel_loop3A_690 = vector.shape_cast %parallel_loop3A_685 : vector<16xf32> to vector<1x16xf32>
        tpu.vector_store %arg8[%parallel_loop3A_686, %parallel_loop3A_687], %parallel_loop3A_690 {strides = array<i32>} : memref<128x128xf32, #tpu.memory_space<vmem>>, vector<1x16xf32>,
        %parallel_loop3A_691 = arith.index_cast %parallel_loop3A_668 : i32 to index
        %parallel_loop3A_692 = arith.constant 32 : index
        %parallel_loop3A_693 = tpu.vector_load %arg8[%parallel_loop3A_691, %parallel_loop3A_692] {strides = array<i32>} : memref<128x128xf32, #tpu.memory_space<vmem>>, vector<1x16xf32>,
        %parallel_loop3A_694 = vector.shape_cast %parallel_loop3A_693 : vector<1x16xf32> to vector<16xf32>
        %parallel_loop3A_695 = vector.broadcast %parallel_loop3A_664 : f32 to vector<16xf32>
        %parallel_loop3A_696 = arith.mulf %parallel_loop3A_694, %parallel_loop3A_695 : vector<16xf32>
        %parallel_loop3A_697 = arith.index_cast %parallel_loop3A_668 : i32 to index
        %parallel_loop3A_698 = arith.constant 32 : index
        %parallel_loop3A_699 = tpu.vector_load %arg8[%parallel_loop3A_697, %parallel_loop3A_698] {strides = array<i32>} : memref<128x128xf32, #tpu.memory_space<vmem>>, vector<1x16xf32>,
        %parallel_loop3A_700 = vector.shape_cast %parallel_loop3A_699 : vector<1x16xf32> to vector<16xf32>
        %parallel_loop3A_701 = vector.shape_cast %parallel_loop3A_696 : vector<16xf32> to vector<1x16xf32>
        tpu.vector_store %arg8[%parallel_loop3A_697, %parallel_loop3A_698], %parallel_loop3A_701 {strides = array<i32>} : memref<128x128xf32, #tpu.memory_space<vmem>>, vector<1x16xf32>,
        %parallel_loop3A_702 = arith.index_cast %parallel_loop3A_668 : i32 to index
        %parallel_loop3A_703 = arith.constant 48 : index
        %parallel_loop3A_704 = tpu.vector_load %arg8[%parallel_loop3A_702, %parallel_loop3A_703] {strides = array<i32>} : memref<128x128xf32, #tpu.memory_space<vmem>>, vector<1x16xf32>,
        %parallel_loop3A_705 = vector.shape_cast %parallel_loop3A_704 : vector<1x16xf32> to vector<16xf32>
        %parallel_loop3A_706 = vector.broadcast %parallel_loop3A_664 : f32 to vector<16xf32>
        %parallel_loop3A_707 = arith.mulf %parallel_loop3A_705, %parallel_loop3A_706 : vector<16xf32>
        %parallel_loop3A_708 = arith.index_cast %parallel_loop3A_668 : i32 to index
        %parallel_loop3A_709 = arith.constant 48 : index
        %parallel_loop3A_710 = tpu.vector_load %arg8[%parallel_loop3A_708, %parallel_loop3A_709] {strides = array<i32>} : memref<128x128xf32, #tpu.memory_space<vmem>>, vector<1x16xf32>,
        %parallel_loop3A_711 = vector.shape_cast %parallel_loop3A_710 : vector<1x16xf32> to vector<16xf32>
        %parallel_loop3A_712 = vector.shape_cast %parallel_loop3A_707 : vector<16xf32> to vector<1x16xf32>
        tpu.vector_store %arg8[%parallel_loop3A_708, %parallel_loop3A_709], %parallel_loop3A_712 {strides = array<i32>} : memref<128x128xf32, #tpu.memory_space<vmem>>, vector<1x16xf32>,
        %parallel_loop3A_713 = arith.index_cast %parallel_loop3A_668 : i32 to index
        %parallel_loop3A_714 = arith.constant 64 : index
        %parallel_loop3A_715 = tpu.vector_load %arg8[%parallel_loop3A_713, %parallel_loop3A_714] {strides = array<i32>} : memref<128x128xf32, #tpu.memory_space<vmem>>, vector<1x16xf32>,
        %parallel_loop3A_716 = vector.shape_cast %parallel_loop3A_715 : vector<1x16xf32> to vector<16xf32>
        %parallel_loop3A_717 = vector.broadcast %parallel_loop3A_664 : f32 to vector<16xf32>
        %parallel_loop3A_718 = arith.mulf %parallel_loop3A_716, %parallel_loop3A_717 : vector<16xf32>
        %parallel_loop3A_719 = arith.index_cast %parallel_loop3A_668 : i32 to index
        %parallel_loop3A_720 = arith.constant 64 : index
        %parallel_loop3A_721 = tpu.vector_load %arg8[%parallel_loop3A_719, %parallel_loop3A_720] {strides = array<i32>} : memref<128x128xf32, #tpu.memory_space<vmem>>, vector<1x16xf32>,
        %parallel_loop3A_722 = vector.shape_cast %parallel_loop3A_721 : vector<1x16xf32> to vector<16xf32>
        %parallel_loop3A_723 = vector.shape_cast %parallel_loop3A_718 : vector<16xf32> to vector<1x16xf32>
        tpu.vector_store %arg8[%parallel_loop3A_719, %parallel_loop3A_720], %parallel_loop3A_723 {strides = array<i32>} : memref<128x128xf32, #tpu.memory_space<vmem>>, vector<1x16xf32>,
        %parallel_loop3A_724 = arith.index_cast %parallel_loop3A_668 : i32 to index
        %parallel_loop3A_725 = arith.constant 80 : index
        %parallel_loop3A_726 = tpu.vector_load %arg8[%parallel_loop3A_724, %parallel_loop3A_725] {strides = array<i32>} : memref<128x128xf32, #tpu.memory_space<vmem>>, vector<1x16xf32>,
        %parallel_loop3A_727 = vector.shape_cast %parallel_loop3A_726 : vector<1x16xf32> to vector<16xf32>
        %parallel_loop3A_728 = vector.broadcast %parallel_loop3A_664 : f32 to vector<16xf32>
        %parallel_loop3A_729 = arith.mulf %parallel_loop3A_727, %parallel_loop3A_728 : vector<16xf32>
        %parallel_loop3A_730 = arith.index_cast %parallel_loop3A_668 : i32 to index
        %parallel_loop3A_731 = arith.constant 80 : index
        %parallel_loop3A_732 = tpu.vector_load %arg8[%parallel_loop3A_730, %parallel_loop3A_731] {strides = array<i32>} : memref<128x128xf32, #tpu.memory_space<vmem>>, vector<1x16xf32>,
        %parallel_loop3A_733 = vector.shape_cast %parallel_loop3A_732 : vector<1x16xf32> to vector<16xf32>
        %parallel_loop3A_734 = vector.shape_cast %parallel_loop3A_729 : vector<16xf32> to vector<1x16xf32>
        tpu.vector_store %arg8[%parallel_loop3A_730, %parallel_loop3A_731], %parallel_loop3A_734 {strides = array<i32>} : memref<128x128xf32, #tpu.memory_space<vmem>>, vector<1x16xf32>,
        %parallel_loop3A_735 = arith.index_cast %parallel_loop3A_668 : i32 to index
        %parallel_loop3A_736 = arith.constant 96 : index
        %parallel_loop3A_737 = tpu.vector_load %arg8[%parallel_loop3A_735, %parallel_loop3A_736] {strides = array<i32>} : memref<128x128xf32, #tpu.memory_space<vmem>>, vector<1x16xf32>,
        %parallel_loop3A_738 = vector.shape_cast %parallel_loop3A_737 : vector<1x16xf32> to vector<16xf32>
        %parallel_loop3A_739 = vector.broadcast %parallel_loop3A_664 : f32 to vector<16xf32>
        %parallel_loop3A_740 = arith.mulf %parallel_loop3A_738, %parallel_loop3A_739 : vector<16xf32>
        %parallel_loop3A_741 = arith.index_cast %parallel_loop3A_668 : i32 to index
        %parallel_loop3A_742 = arith.constant 96 : index
        %parallel_loop3A_743 = tpu.vector_load %arg8[%parallel_loop3A_741, %parallel_loop3A_742] {strides = array<i32>} : memref<128x128xf32, #tpu.memory_space<vmem>>, vector<1x16xf32>,
        %parallel_loop3A_744 = vector.shape_cast %parallel_loop3A_743 : vector<1x16xf32> to vector<16xf32>
        %parallel_loop3A_745 = vector.shape_cast %parallel_loop3A_740 : vector<16xf32> to vector<1x16xf32>
        tpu.vector_store %arg8[%parallel_loop3A_741, %parallel_loop3A_742], %parallel_loop3A_745 {strides = array<i32>} : memref<128x128xf32, #tpu.memory_space<vmem>>, vector<1x16xf32>,
        %parallel_loop3A_746 = arith.index_cast %parallel_loop3A_668 : i32 to index
        %parallel_loop3A_747 = arith.constant 112 : index
        %parallel_loop3A_748 = tpu.vector_load %arg8[%parallel_loop3A_746, %parallel_loop3A_747] {strides = array<i32>} : memref<128x128xf32, #tpu.memory_space<vmem>>, vector<1x16xf32>,
        %parallel_loop3A_749 = vector.shape_cast %parallel_loop3A_748 : vector<1x16xf32> to vector<16xf32>
        %parallel_loop3A_750 = vector.broadcast %parallel_loop3A_664 : f32 to vector<16xf32>
        %parallel_loop3A_751 = arith.mulf %parallel_loop3A_749, %parallel_loop3A_750 : vector<16xf32>
        %parallel_loop3A_752 = arith.index_cast %parallel_loop3A_668 : i32 to index
        %parallel_loop3A_753 = arith.constant 112 : index
        %parallel_loop3A_754 = tpu.vector_load %arg8[%parallel_loop3A_752, %parallel_loop3A_753] {strides = array<i32>} : memref<128x128xf32, #tpu.memory_space<vmem>>, vector<1x16xf32>,
        %parallel_loop3A_755 = vector.shape_cast %parallel_loop3A_754 : vector<1x16xf32> to vector<16xf32>
        %parallel_loop3A_756 = vector.shape_cast %parallel_loop3A_751 : vector<16xf32> to vector<1x16xf32>
        tpu.vector_store %arg8[%parallel_loop3A_752, %parallel_loop3A_753], %parallel_loop3A_756 {strides = array<i32>} : memref<128x128xf32, #tpu.memory_space<vmem>>, vector<1x16xf32>,
        %parallel_loop3A_757 = vector.extract_strided_slice %parallel_loop3A_98 {offsets = [7], sizes = [1], strides = [1]} : vector<16xf32> to vector<1xf32>
        %parallel_loop3A_758 = vector.extract %parallel_loop3A_757[0] : f32 from vector<1xf32>
        %parallel_loop3A_759 = arith.constant 16 : i32
        %parallel_loop3A_760 = arith.muli %parallel_loop3A_93, %parallel_loop3A_759 : i32
        %parallel_loop3A_761 = arith.constant 7 : i32
        %parallel_loop3A_762 = arith.addi %parallel_loop3A_760, %parallel_loop3A_761 : i32
        %parallel_loop3A_763 = arith.index_cast %parallel_loop3A_762 : i32 to index
        %parallel_loop3A_764 = arith.constant 0 : index
        %parallel_loop3A_765 = tpu.vector_load %arg8[%parallel_loop3A_763, %parallel_loop3A_764] {strides = array<i32>} : memref<128x128xf32, #tpu.memory_space<vmem>>, vector<1x16xf32>,
        %parallel_loop3A_766 = vector.shape_cast %parallel_loop3A_765 : vector<1x16xf32> to vector<16xf32>
        %parallel_loop3A_767 = vector.broadcast %parallel_loop3A_758 : f32 to vector<16xf32>
        %parallel_loop3A_768 = arith.mulf %parallel_loop3A_766, %parallel_loop3A_767 : vector<16xf32>
        %parallel_loop3A_769 = arith.index_cast %parallel_loop3A_762 : i32 to index
        %parallel_loop3A_770 = arith.constant 0 : index
        %parallel_loop3A_771 = tpu.vector_load %arg8[%parallel_loop3A_769, %parallel_loop3A_770] {strides = array<i32>} : memref<128x128xf32, #tpu.memory_space<vmem>>, vector<1x16xf32>,
        %parallel_loop3A_772 = vector.shape_cast %parallel_loop3A_771 : vector<1x16xf32> to vector<16xf32>
        %parallel_loop3A_773 = vector.shape_cast %parallel_loop3A_768 : vector<16xf32> to vector<1x16xf32>
        tpu.vector_store %arg8[%parallel_loop3A_769, %parallel_loop3A_770], %parallel_loop3A_773 {strides = array<i32>} : memref<128x128xf32, #tpu.memory_space<vmem>>, vector<1x16xf32>,
        %parallel_loop3A_774 = arith.index_cast %parallel_loop3A_762 : i32 to index
        %parallel_loop3A_775 = arith.constant 16 : index
        %parallel_loop3A_776 = tpu.vector_load %arg8[%parallel_loop3A_774, %parallel_loop3A_775] {strides = array<i32>} : memref<128x128xf32, #tpu.memory_space<vmem>>, vector<1x16xf32>,
        %parallel_loop3A_777 = vector.shape_cast %parallel_loop3A_776 : vector<1x16xf32> to vector<16xf32>
        %parallel_loop3A_778 = vector.broadcast %parallel_loop3A_758 : f32 to vector<16xf32>
        %parallel_loop3A_779 = arith.mulf %parallel_loop3A_777, %parallel_loop3A_778 : vector<16xf32>
        %parallel_loop3A_780 = arith.index_cast %parallel_loop3A_762 : i32 to index
        %parallel_loop3A_781 = arith.constant 16 : index
        %parallel_loop3A_782 = tpu.vector_load %arg8[%parallel_loop3A_780, %parallel_loop3A_781] {strides = array<i32>} : memref<128x128xf32, #tpu.memory_space<vmem>>, vector<1x16xf32>,
        %parallel_loop3A_783 = vector.shape_cast %parallel_loop3A_782 : vector<1x16xf32> to vector<16xf32>
        %parallel_loop3A_784 = vector.shape_cast %parallel_loop3A_779 : vector<16xf32> to vector<1x16xf32>
        tpu.vector_store %arg8[%parallel_loop3A_780, %parallel_loop3A_781], %parallel_loop3A_784 {strides = array<i32>} : memref<128x128xf32, #tpu.memory_space<vmem>>, vector<1x16xf32>,
        %parallel_loop3A_785 = arith.index_cast %parallel_loop3A_762 : i32 to index
        %parallel_loop3A_786 = arith.constant 32 : index
        %parallel_loop3A_787 = tpu.vector_load %arg8[%parallel_loop3A_785, %parallel_loop3A_786] {strides = array<i32>} : memref<128x128xf32, #tpu.memory_space<vmem>>, vector<1x16xf32>,
        %parallel_loop3A_788 = vector.shape_cast %parallel_loop3A_787 : vector<1x16xf32> to vector<16xf32>
        %parallel_loop3A_789 = vector.broadcast %parallel_loop3A_758 : f32 to vector<16xf32>
        %parallel_loop3A_790 = arith.mulf %parallel_loop3A_788, %parallel_loop3A_789 : vector<16xf32>
        %parallel_loop3A_791 = arith.index_cast %parallel_loop3A_762 : i32 to index
        %parallel_loop3A_792 = arith.constant 32 : index
        %parallel_loop3A_793 = tpu.vector_load %arg8[%parallel_loop3A_791, %parallel_loop3A_792] {strides = array<i32>} : memref<128x128xf32, #tpu.memory_space<vmem>>, vector<1x16xf32>,
        %parallel_loop3A_794 = vector.shape_cast %parallel_loop3A_793 : vector<1x16xf32> to vector<16xf32>
        %parallel_loop3A_795 = vector.shape_cast %parallel_loop3A_790 : vector<16xf32> to vector<1x16xf32>
        tpu.vector_store %arg8[%parallel_loop3A_791, %parallel_loop3A_792], %parallel_loop3A_795 {strides = array<i32>} : memref<128x128xf32, #tpu.memory_space<vmem>>, vector<1x16xf32>,
        %parallel_loop3A_796 = arith.index_cast %parallel_loop3A_762 : i32 to index
        %parallel_loop3A_797 = arith.constant 48 : index
        %parallel_loop3A_798 = tpu.vector_load %arg8[%parallel_loop3A_796, %parallel_loop3A_797] {strides = array<i32>} : memref<128x128xf32, #tpu.memory_space<vmem>>, vector<1x16xf32>,
        %parallel_loop3A_799 = vector.shape_cast %parallel_loop3A_798 : vector<1x16xf32> to vector<16xf32>
        %parallel_loop3A_800 = vector.broadcast %parallel_loop3A_758 : f32 to vector<16xf32>
        %parallel_loop3A_801 = arith.mulf %parallel_loop3A_799, %parallel_loop3A_800 : vector<16xf32>
        %parallel_loop3A_802 = arith.index_cast %parallel_loop3A_762 : i32 to index
        %parallel_loop3A_803 = arith.constant 48 : index
        %parallel_loop3A_804 = tpu.vector_load %arg8[%parallel_loop3A_802, %parallel_loop3A_803] {strides = array<i32>} : memref<128x128xf32, #tpu.memory_space<vmem>>, vector<1x16xf32>,
        %parallel_loop3A_805 = vector.shape_cast %parallel_loop3A_804 : vector<1x16xf32> to vector<16xf32>
        %parallel_loop3A_806 = vector.shape_cast %parallel_loop3A_801 : vector<16xf32> to vector<1x16xf32>
        tpu.vector_store %arg8[%parallel_loop3A_802, %parallel_loop3A_803], %parallel_loop3A_806 {strides = array<i32>} : memref<128x128xf32, #tpu.memory_space<vmem>>, vector<1x16xf32>,
        %parallel_loop3A_807 = arith.index_cast %parallel_loop3A_762 : i32 to index
        %parallel_loop3A_808 = arith.constant 64 : index
        %parallel_loop3A_809 = tpu.vector_load %arg8[%parallel_loop3A_807, %parallel_loop3A_808] {strides = array<i32>} : memref<128x128xf32, #tpu.memory_space<vmem>>, vector<1x16xf32>,
        %parallel_loop3A_810 = vector.shape_cast %parallel_loop3A_809 : vector<1x16xf32> to vector<16xf32>
        %parallel_loop3A_811 = vector.broadcast %parallel_loop3A_758 : f32 to vector<16xf32>
        %parallel_loop3A_812 = arith.mulf %parallel_loop3A_810, %parallel_loop3A_811 : vector<16xf32>
        %parallel_loop3A_813 = arith.index_cast %parallel_loop3A_762 : i32 to index
        %parallel_loop3A_814 = arith.constant 64 : index
        %parallel_loop3A_815 = tpu.vector_load %arg8[%parallel_loop3A_813, %parallel_loop3A_814] {strides = array<i32>} : memref<128x128xf32, #tpu.memory_space<vmem>>, vector<1x16xf32>,
        %parallel_loop3A_816 = vector.shape_cast %parallel_loop3A_815 : vector<1x16xf32> to vector<16xf32>
        %parallel_loop3A_817 = vector.shape_cast %parallel_loop3A_812 : vector<16xf32> to vector<1x16xf32>
        tpu.vector_store %arg8[%parallel_loop3A_813, %parallel_loop3A_814], %parallel_loop3A_817 {strides = array<i32>} : memref<128x128xf32, #tpu.memory_space<vmem>>, vector<1x16xf32>,
        %parallel_loop3A_818 = arith.index_cast %parallel_loop3A_762 : i32 to index
        %parallel_loop3A_819 = arith.constant 80 : index
        %parallel_loop3A_820 = tpu.vector_load %arg8[%parallel_loop3A_818, %parallel_loop3A_819] {strides = array<i32>} : memref<128x128xf32, #tpu.memory_space<vmem>>, vector<1x16xf32>,
        %parallel_loop3A_821 = vector.shape_cast %parallel_loop3A_820 : vector<1x16xf32> to vector<16xf32>
        %parallel_loop3A_822 = vector.broadcast %parallel_loop3A_758 : f32 to vector<16xf32>
        %parallel_loop3A_823 = arith.mulf %parallel_loop3A_821, %parallel_loop3A_822 : vector<16xf32>
        %parallel_loop3A_824 = arith.index_cast %parallel_loop3A_762 : i32 to index
        %parallel_loop3A_825 = arith.constant 80 : index
        %parallel_loop3A_826 = tpu.vector_load %arg8[%parallel_loop3A_824, %parallel_loop3A_825] {strides = array<i32>} : memref<128x128xf32, #tpu.memory_space<vmem>>, vector<1x16xf32>,
        %parallel_loop3A_827 = vector.shape_cast %parallel_loop3A_826 : vector<1x16xf32> to vector<16xf32>
        %parallel_loop3A_828 = vector.shape_cast %parallel_loop3A_823 : vector<16xf32> to vector<1x16xf32>
        tpu.vector_store %arg8[%parallel_loop3A_824, %parallel_loop3A_825], %parallel_loop3A_828 {strides = array<i32>} : memref<128x128xf32, #tpu.memory_space<vmem>>, vector<1x16xf32>,
        %parallel_loop3A_829 = arith.index_cast %parallel_loop3A_762 : i32 to index
        %parallel_loop3A_830 = arith.constant 96 : index
        %parallel_loop3A_831 = tpu.vector_load %arg8[%parallel_loop3A_829, %parallel_loop3A_830] {strides = array<i32>} : memref<128x128xf32, #tpu.memory_space<vmem>>, vector<1x16xf32>,
        %parallel_loop3A_832 = vector.shape_cast %parallel_loop3A_831 : vector<1x16xf32> to vector<16xf32>
        %parallel_loop3A_833 = vector.broadcast %parallel_loop3A_758 : f32 to vector<16xf32>
        %parallel_loop3A_834 = arith.mulf %parallel_loop3A_832, %parallel_loop3A_833 : vector<16xf32>
        %parallel_loop3A_835 = arith.index_cast %parallel_loop3A_762 : i32 to index
        %parallel_loop3A_836 = arith.constant 96 : index
        %parallel_loop3A_837 = tpu.vector_load %arg8[%parallel_loop3A_835, %parallel_loop3A_836] {strides = array<i32>} : memref<128x128xf32, #tpu.memory_space<vmem>>, vector<1x16xf32>,
        %parallel_loop3A_838 = vector.shape_cast %parallel_loop3A_837 : vector<1x16xf32> to vector<16xf32>
        %parallel_loop3A_839 = vector.shape_cast %parallel_loop3A_834 : vector<16xf32> to vector<1x16xf32>
        tpu.vector_store %arg8[%parallel_loop3A_835, %parallel_loop3A_836], %parallel_loop3A_839 {strides = array<i32>} : memref<128x128xf32, #tpu.memory_space<vmem>>, vector<1x16xf32>,
        %parallel_loop3A_840 = arith.index_cast %parallel_loop3A_762 : i32 to index
        %parallel_loop3A_841 = arith.constant 112 : index
        %parallel_loop3A_842 = tpu.vector_load %arg8[%parallel_loop3A_840, %parallel_loop3A_841] {strides = array<i32>} : memref<128x128xf32, #tpu.memory_space<vmem>>, vector<1x16xf32>,
        %parallel_loop3A_843 = vector.shape_cast %parallel_loop3A_842 : vector<1x16xf32> to vector<16xf32>
        %parallel_loop3A_844 = vector.broadcast %parallel_loop3A_758 : f32 to vector<16xf32>
        %parallel_loop3A_845 = arith.mulf %parallel_loop3A_843, %parallel_loop3A_844 : vector<16xf32>
        %parallel_loop3A_846 = arith.index_cast %parallel_loop3A_762 : i32 to index
        %parallel_loop3A_847 = arith.constant 112 : index
        %parallel_loop3A_848 = tpu.vector_load %arg8[%parallel_loop3A_846, %parallel_loop3A_847] {strides = array<i32>} : memref<128x128xf32, #tpu.memory_space<vmem>>, vector<1x16xf32>,
        %parallel_loop3A_849 = vector.shape_cast %parallel_loop3A_848 : vector<1x16xf32> to vector<16xf32>
        %parallel_loop3A_850 = vector.shape_cast %parallel_loop3A_845 : vector<16xf32> to vector<1x16xf32>
        tpu.vector_store %arg8[%parallel_loop3A_846, %parallel_loop3A_847], %parallel_loop3A_850 {strides = array<i32>} : memref<128x128xf32, #tpu.memory_space<vmem>>, vector<1x16xf32>,
        %parallel_loop3A_851 = vector.extract_strided_slice %parallel_loop3A_98 {offsets = [8], sizes = [1], strides = [1]} : vector<16xf32> to vector<1xf32>
        %parallel_loop3A_852 = vector.extract %parallel_loop3A_851[0] : f32 from vector<1xf32>
        %parallel_loop3A_853 = arith.constant 16 : i32
        %parallel_loop3A_854 = arith.muli %parallel_loop3A_93, %parallel_loop3A_853 : i32
        %parallel_loop3A_855 = arith.constant 8 : i32
        %parallel_loop3A_856 = arith.addi %parallel_loop3A_854, %parallel_loop3A_855 : i32
        %parallel_loop3A_857 = arith.index_cast %parallel_loop3A_856 : i32 to index
        %parallel_loop3A_858 = arith.constant 0 : index
        %parallel_loop3A_859 = tpu.vector_load %arg8[%parallel_loop3A_857, %parallel_loop3A_858] {strides = array<i32>} : memref<128x128xf32, #tpu.memory_space<vmem>>, vector<1x16xf32>,
        %parallel_loop3A_860 = vector.shape_cast %parallel_loop3A_859 : vector<1x16xf32> to vector<16xf32>
        %parallel_loop3A_861 = vector.broadcast %parallel_loop3A_852 : f32 to vector<16xf32>
        %parallel_loop3A_862 = arith.mulf %parallel_loop3A_860, %parallel_loop3A_861 : vector<16xf32>
        %parallel_loop3A_863 = arith.index_cast %parallel_loop3A_856 : i32 to index
        %parallel_loop3A_864 = arith.constant 0 : index
        %parallel_loop3A_865 = tpu.vector_load %arg8[%parallel_loop3A_863, %parallel_loop3A_864] {strides = array<i32>} : memref<128x128xf32, #tpu.memory_space<vmem>>, vector<1x16xf32>,
        %parallel_loop3A_866 = vector.shape_cast %parallel_loop3A_865 : vector<1x16xf32> to vector<16xf32>
        %parallel_loop3A_867 = vector.shape_cast %parallel_loop3A_862 : vector<16xf32> to vector<1x16xf32>
        tpu.vector_store %arg8[%parallel_loop3A_863, %parallel_loop3A_864], %parallel_loop3A_867 {strides = array<i32>} : memref<128x128xf32, #tpu.memory_space<vmem>>, vector<1x16xf32>,
        %parallel_loop3A_868 = arith.index_cast %parallel_loop3A_856 : i32 to index
        %parallel_loop3A_869 = arith.constant 16 : index
        %parallel_loop3A_870 = tpu.vector_load %arg8[%parallel_loop3A_868, %parallel_loop3A_869] {strides = array<i32>} : memref<128x128xf32, #tpu.memory_space<vmem>>, vector<1x16xf32>,
        %parallel_loop3A_871 = vector.shape_cast %parallel_loop3A_870 : vector<1x16xf32> to vector<16xf32>
        %parallel_loop3A_872 = vector.broadcast %parallel_loop3A_852 : f32 to vector<16xf32>
        %parallel_loop3A_873 = arith.mulf %parallel_loop3A_871, %parallel_loop3A_872 : vector<16xf32>
        %parallel_loop3A_874 = arith.index_cast %parallel_loop3A_856 : i32 to index
        %parallel_loop3A_875 = arith.constant 16 : index
        %parallel_loop3A_876 = tpu.vector_load %arg8[%parallel_loop3A_874, %parallel_loop3A_875] {strides = array<i32>} : memref<128x128xf32, #tpu.memory_space<vmem>>, vector<1x16xf32>,
        %parallel_loop3A_877 = vector.shape_cast %parallel_loop3A_876 : vector<1x16xf32> to vector<16xf32>
        %parallel_loop3A_878 = vector.shape_cast %parallel_loop3A_873 : vector<16xf32> to vector<1x16xf32>
        tpu.vector_store %arg8[%parallel_loop3A_874, %parallel_loop3A_875], %parallel_loop3A_878 {strides = array<i32>} : memref<128x128xf32, #tpu.memory_space<vmem>>, vector<1x16xf32>,
        %parallel_loop3A_879 = arith.index_cast %parallel_loop3A_856 : i32 to index
        %parallel_loop3A_880 = arith.constant 32 : index
        %parallel_loop3A_881 = tpu.vector_load %arg8[%parallel_loop3A_879, %parallel_loop3A_880] {strides = array<i32>} : memref<128x128xf32, #tpu.memory_space<vmem>>, vector<1x16xf32>,
        %parallel_loop3A_882 = vector.shape_cast %parallel_loop3A_881 : vector<1x16xf32> to vector<16xf32>
        %parallel_loop3A_883 = vector.broadcast %parallel_loop3A_852 : f32 to vector<16xf32>
        %parallel_loop3A_884 = arith.mulf %parallel_loop3A_882, %parallel_loop3A_883 : vector<16xf32>
        %parallel_loop3A_885 = arith.index_cast %parallel_loop3A_856 : i32 to index
        %parallel_loop3A_886 = arith.constant 32 : index
        %parallel_loop3A_887 = tpu.vector_load %arg8[%parallel_loop3A_885, %parallel_loop3A_886] {strides = array<i32>} : memref<128x128xf32, #tpu.memory_space<vmem>>, vector<1x16xf32>,
        %parallel_loop3A_888 = vector.shape_cast %parallel_loop3A_887 : vector<1x16xf32> to vector<16xf32>
        %parallel_loop3A_889 = vector.shape_cast %parallel_loop3A_884 : vector<16xf32> to vector<1x16xf32>
        tpu.vector_store %arg8[%parallel_loop3A_885, %parallel_loop3A_886], %parallel_loop3A_889 {strides = array<i32>} : memref<128x128xf32, #tpu.memory_space<vmem>>, vector<1x16xf32>,
        %parallel_loop3A_890 = arith.index_cast %parallel_loop3A_856 : i32 to index
        %parallel_loop3A_891 = arith.constant 48 : index
        %parallel_loop3A_892 = tpu.vector_load %arg8[%parallel_loop3A_890, %parallel_loop3A_891] {strides = array<i32>} : memref<128x128xf32, #tpu.memory_space<vmem>>, vector<1x16xf32>,
        %parallel_loop3A_893 = vector.shape_cast %parallel_loop3A_892 : vector<1x16xf32> to vector<16xf32>
        %parallel_loop3A_894 = vector.broadcast %parallel_loop3A_852 : f32 to vector<16xf32>
        %parallel_loop3A_895 = arith.mulf %parallel_loop3A_893, %parallel_loop3A_894 : vector<16xf32>
        %parallel_loop3A_896 = arith.index_cast %parallel_loop3A_856 : i32 to index
        %parallel_loop3A_897 = arith.constant 48 : index
        %parallel_loop3A_898 = tpu.vector_load %arg8[%parallel_loop3A_896, %parallel_loop3A_897] {strides = array<i32>} : memref<128x128xf32, #tpu.memory_space<vmem>>, vector<1x16xf32>,
        %parallel_loop3A_899 = vector.shape_cast %parallel_loop3A_898 : vector<1x16xf32> to vector<16xf32>
        %parallel_loop3A_900 = vector.shape_cast %parallel_loop3A_895 : vector<16xf32> to vector<1x16xf32>
        tpu.vector_store %arg8[%parallel_loop3A_896, %parallel_loop3A_897], %parallel_loop3A_900 {strides = array<i32>} : memref<128x128xf32, #tpu.memory_space<vmem>>, vector<1x16xf32>,
        %parallel_loop3A_901 = arith.index_cast %parallel_loop3A_856 : i32 to index
        %parallel_loop3A_902 = arith.constant 64 : index
        %parallel_loop3A_903 = tpu.vector_load %arg8[%parallel_loop3A_901, %parallel_loop3A_902] {strides = array<i32>} : memref<128x128xf32, #tpu.memory_space<vmem>>, vector<1x16xf32>,
        %parallel_loop3A_904 = vector.shape_cast %parallel_loop3A_903 : vector<1x16xf32> to vector<16xf32>
        %parallel_loop3A_905 = vector.broadcast %parallel_loop3A_852 : f32 to vector<16xf32>
        %parallel_loop3A_906 = arith.mulf %parallel_loop3A_904, %parallel_loop3A_905 : vector<16xf32>
        %parallel_loop3A_907 = arith.index_cast %parallel_loop3A_856 : i32 to index
        %parallel_loop3A_908 = arith.constant 64 : index
        %parallel_loop3A_909 = tpu.vector_load %arg8[%parallel_loop3A_907, %parallel_loop3A_908] {strides = array<i32>} : memref<128x128xf32, #tpu.memory_space<vmem>>, vector<1x16xf32>,
        %parallel_loop3A_910 = vector.shape_cast %parallel_loop3A_909 : vector<1x16xf32> to vector<16xf32>
        %parallel_loop3A_911 = vector.shape_cast %parallel_loop3A_906 : vector<16xf32> to vector<1x16xf32>
        tpu.vector_store %arg8[%parallel_loop3A_907, %parallel_loop3A_908], %parallel_loop3A_911 {strides = array<i32>} : memref<128x128xf32, #tpu.memory_space<vmem>>, vector<1x16xf32>,
        %parallel_loop3A_912 = arith.index_cast %parallel_loop3A_856 : i32 to index
        %parallel_loop3A_913 = arith.constant 80 : index
        %parallel_loop3A_914 = tpu.vector_load %arg8[%parallel_loop3A_912, %parallel_loop3A_913] {strides = array<i32>} : memref<128x128xf32, #tpu.memory_space<vmem>>, vector<1x16xf32>,
        %parallel_loop3A_915 = vector.shape_cast %parallel_loop3A_914 : vector<1x16xf32> to vector<16xf32>
        %parallel_loop3A_916 = vector.broadcast %parallel_loop3A_852 : f32 to vector<16xf32>
        %parallel_loop3A_917 = arith.mulf %parallel_loop3A_915, %parallel_loop3A_916 : vector<16xf32>
        %parallel_loop3A_918 = arith.index_cast %parallel_loop3A_856 : i32 to index
        %parallel_loop3A_919 = arith.constant 80 : index
        %parallel_loop3A_920 = tpu.vector_load %arg8[%parallel_loop3A_918, %parallel_loop3A_919] {strides = array<i32>} : memref<128x128xf32, #tpu.memory_space<vmem>>, vector<1x16xf32>,
        %parallel_loop3A_921 = vector.shape_cast %parallel_loop3A_920 : vector<1x16xf32> to vector<16xf32>
        %parallel_loop3A_922 = vector.shape_cast %parallel_loop3A_917 : vector<16xf32> to vector<1x16xf32>
        tpu.vector_store %arg8[%parallel_loop3A_918, %parallel_loop3A_919], %parallel_loop3A_922 {strides = array<i32>} : memref<128x128xf32, #tpu.memory_space<vmem>>, vector<1x16xf32>,
        %parallel_loop3A_923 = arith.index_cast %parallel_loop3A_856 : i32 to index
        %parallel_loop3A_924 = arith.constant 96 : index
        %parallel_loop3A_925 = tpu.vector_load %arg8[%parallel_loop3A_923, %parallel_loop3A_924] {strides = array<i32>} : memref<128x128xf32, #tpu.memory_space<vmem>>, vector<1x16xf32>,
        %parallel_loop3A_926 = vector.shape_cast %parallel_loop3A_925 : vector<1x16xf32> to vector<16xf32>
        %parallel_loop3A_927 = vector.broadcast %parallel_loop3A_852 : f32 to vector<16xf32>
        %parallel_loop3A_928 = arith.mulf %parallel_loop3A_926, %parallel_loop3A_927 : vector<16xf32>
        %parallel_loop3A_929 = arith.index_cast %parallel_loop3A_856 : i32 to index
        %parallel_loop3A_930 = arith.constant 96 : index
        %parallel_loop3A_931 = tpu.vector_load %arg8[%parallel_loop3A_929, %parallel_loop3A_930] {strides = array<i32>} : memref<128x128xf32, #tpu.memory_space<vmem>>, vector<1x16xf32>,
        %parallel_loop3A_932 = vector.shape_cast %parallel_loop3A_931 : vector<1x16xf32> to vector<16xf32>
        %parallel_loop3A_933 = vector.shape_cast %parallel_loop3A_928 : vector<16xf32> to vector<1x16xf32>
        tpu.vector_store %arg8[%parallel_loop3A_929, %parallel_loop3A_930], %parallel_loop3A_933 {strides = array<i32>} : memref<128x128xf32, #tpu.memory_space<vmem>>, vector<1x16xf32>,
        %parallel_loop3A_934 = arith.index_cast %parallel_loop3A_856 : i32 to index
        %parallel_loop3A_935 = arith.constant 112 : index
        %parallel_loop3A_936 = tpu.vector_load %arg8[%parallel_loop3A_934, %parallel_loop3A_935] {strides = array<i32>} : memref<128x128xf32, #tpu.memory_space<vmem>>, vector<1x16xf32>,
        %parallel_loop3A_937 = vector.shape_cast %parallel_loop3A_936 : vector<1x16xf32> to vector<16xf32>
        %parallel_loop3A_938 = vector.broadcast %parallel_loop3A_852 : f32 to vector<16xf32>
        %parallel_loop3A_939 = arith.mulf %parallel_loop3A_937, %parallel_loop3A_938 : vector<16xf32>
        %parallel_loop3A_940 = arith.index_cast %parallel_loop3A_856 : i32 to index
        %parallel_loop3A_941 = arith.constant 112 : index
        %parallel_loop3A_942 = tpu.vector_load %arg8[%parallel_loop3A_940, %parallel_loop3A_941] {strides = array<i32>} : memref<128x128xf32, #tpu.memory_space<vmem>>, vector<1x16xf32>,
        %parallel_loop3A_943 = vector.shape_cast %parallel_loop3A_942 : vector<1x16xf32> to vector<16xf32>
        %parallel_loop3A_944 = vector.shape_cast %parallel_loop3A_939 : vector<16xf32> to vector<1x16xf32>
        tpu.vector_store %arg8[%parallel_loop3A_940, %parallel_loop3A_941], %parallel_loop3A_944 {strides = array<i32>} : memref<128x128xf32, #tpu.memory_space<vmem>>, vector<1x16xf32>,
        %parallel_loop3A_945 = vector.extract_strided_slice %parallel_loop3A_98 {offsets = [9], sizes = [1], strides = [1]} : vector<16xf32> to vector<1xf32>
        %parallel_loop3A_946 = vector.extract %parallel_loop3A_945[0] : f32 from vector<1xf32>
        %parallel_loop3A_947 = arith.constant 16 : i32
        %parallel_loop3A_948 = arith.muli %parallel_loop3A_93, %parallel_loop3A_947 : i32
        %parallel_loop3A_949 = arith.constant 9 : i32
        %parallel_loop3A_950 = arith.addi %parallel_loop3A_948, %parallel_loop3A_949 : i32
        %parallel_loop3A_951 = arith.index_cast %parallel_loop3A_950 : i32 to index
        %parallel_loop3A_952 = arith.constant 0 : index
        %parallel_loop3A_953 = tpu.vector_load %arg8[%parallel_loop3A_951, %parallel_loop3A_952] {strides = array<i32>} : memref<128x128xf32, #tpu.memory_space<vmem>>, vector<1x16xf32>,
        %parallel_loop3A_954 = vector.shape_cast %parallel_loop3A_953 : vector<1x16xf32> to vector<16xf32>
        %parallel_loop3A_955 = vector.broadcast %parallel_loop3A_946 : f32 to vector<16xf32>
        %parallel_loop3A_956 = arith.mulf %parallel_loop3A_954, %parallel_loop3A_955 : vector<16xf32>
        %parallel_loop3A_957 = arith.index_cast %parallel_loop3A_950 : i32 to index
        %parallel_loop3A_958 = arith.constant 0 : index
        %parallel_loop3A_959 = tpu.vector_load %arg8[%parallel_loop3A_957, %parallel_loop3A_958] {strides = array<i32>} : memref<128x128xf32, #tpu.memory_space<vmem>>, vector<1x16xf32>,
        %parallel_loop3A_960 = vector.shape_cast %parallel_loop3A_959 : vector<1x16xf32> to vector<16xf32>
        %parallel_loop3A_961 = vector.shape_cast %parallel_loop3A_956 : vector<16xf32> to vector<1x16xf32>
        tpu.vector_store %arg8[%parallel_loop3A_957, %parallel_loop3A_958], %parallel_loop3A_961 {strides = array<i32>} : memref<128x128xf32, #tpu.memory_space<vmem>>, vector<1x16xf32>,
        %parallel_loop3A_962 = arith.index_cast %parallel_loop3A_950 : i32 to index
        %parallel_loop3A_963 = arith.constant 16 : index
        %parallel_loop3A_964 = tpu.vector_load %arg8[%parallel_loop3A_962, %parallel_loop3A_963] {strides = array<i32>} : memref<128x128xf32, #tpu.memory_space<vmem>>, vector<1x16xf32>,
        %parallel_loop3A_965 = vector.shape_cast %parallel_loop3A_964 : vector<1x16xf32> to vector<16xf32>
        %parallel_loop3A_966 = vector.broadcast %parallel_loop3A_946 : f32 to vector<16xf32>
        %parallel_loop3A_967 = arith.mulf %parallel_loop3A_965, %parallel_loop3A_966 : vector<16xf32>
        %parallel_loop3A_968 = arith.index_cast %parallel_loop3A_950 : i32 to index
        %parallel_loop3A_969 = arith.constant 16 : index
        %parallel_loop3A_970 = tpu.vector_load %arg8[%parallel_loop3A_968, %parallel_loop3A_969] {strides = array<i32>} : memref<128x128xf32, #tpu.memory_space<vmem>>, vector<1x16xf32>,
        %parallel_loop3A_971 = vector.shape_cast %parallel_loop3A_970 : vector<1x16xf32> to vector<16xf32>
        %parallel_loop3A_972 = vector.shape_cast %parallel_loop3A_967 : vector<16xf32> to vector<1x16xf32>
        tpu.vector_store %arg8[%parallel_loop3A_968, %parallel_loop3A_969], %parallel_loop3A_972 {strides = array<i32>} : memref<128x128xf32, #tpu.memory_space<vmem>>, vector<1x16xf32>,
        %parallel_loop3A_973 = arith.index_cast %parallel_loop3A_950 : i32 to index
        %parallel_loop3A_974 = arith.constant 32 : index
        %parallel_loop3A_975 = tpu.vector_load %arg8[%parallel_loop3A_973, %parallel_loop3A_974] {strides = array<i32>} : memref<128x128xf32, #tpu.memory_space<vmem>>, vector<1x16xf32>,
        %parallel_loop3A_976 = vector.shape_cast %parallel_loop3A_975 : vector<1x16xf32> to vector<16xf32>
        %parallel_loop3A_977 = vector.broadcast %parallel_loop3A_946 : f32 to vector<16xf32>
        %parallel_loop3A_978 = arith.mulf %parallel_loop3A_976, %parallel_loop3A_977 : vector<16xf32>
        %parallel_loop3A_979 = arith.index_cast %parallel_loop3A_950 : i32 to index
        %parallel_loop3A_980 = arith.constant 32 : index
        %parallel_loop3A_981 = tpu.vector_load %arg8[%parallel_loop3A_979, %parallel_loop3A_980] {strides = array<i32>} : memref<128x128xf32, #tpu.memory_space<vmem>>, vector<1x16xf32>,
        %parallel_loop3A_982 = vector.shape_cast %parallel_loop3A_981 : vector<1x16xf32> to vector<16xf32>
        %parallel_loop3A_983 = vector.shape_cast %parallel_loop3A_978 : vector<16xf32> to vector<1x16xf32>
        tpu.vector_store %arg8[%parallel_loop3A_979, %parallel_loop3A_980], %parallel_loop3A_983 {strides = array<i32>} : memref<128x128xf32, #tpu.memory_space<vmem>>, vector<1x16xf32>,
        %parallel_loop3A_984 = arith.index_cast %parallel_loop3A_950 : i32 to index
        %parallel_loop3A_985 = arith.constant 48 : index
        %parallel_loop3A_986 = tpu.vector_load %arg8[%parallel_loop3A_984, %parallel_loop3A_985] {strides = array<i32>} : memref<128x128xf32, #tpu.memory_space<vmem>>, vector<1x16xf32>,
        %parallel_loop3A_987 = vector.shape_cast %parallel_loop3A_986 : vector<1x16xf32> to vector<16xf32>
        %parallel_loop3A_988 = vector.broadcast %parallel_loop3A_946 : f32 to vector<16xf32>
        %parallel_loop3A_989 = arith.mulf %parallel_loop3A_987, %parallel_loop3A_988 : vector<16xf32>
        %parallel_loop3A_990 = arith.index_cast %parallel_loop3A_950 : i32 to index
        %parallel_loop3A_991 = arith.constant 48 : index
        %parallel_loop3A_992 = tpu.vector_load %arg8[%parallel_loop3A_990, %parallel_loop3A_991] {strides = array<i32>} : memref<128x128xf32, #tpu.memory_space<vmem>>, vector<1x16xf32>,
        %parallel_loop3A_993 = vector.shape_cast %parallel_loop3A_992 : vector<1x16xf32> to vector<16xf32>
        %parallel_loop3A_994 = vector.shape_cast %parallel_loop3A_989 : vector<16xf32> to vector<1x16xf32>
        tpu.vector_store %arg8[%parallel_loop3A_990, %parallel_loop3A_991], %parallel_loop3A_994 {strides = array<i32>} : memref<128x128xf32, #tpu.memory_space<vmem>>, vector<1x16xf32>,
        %parallel_loop3A_995 = arith.index_cast %parallel_loop3A_950 : i32 to index
        %parallel_loop3A_996 = arith.constant 64 : index
        %parallel_loop3A_997 = tpu.vector_load %arg8[%parallel_loop3A_995, %parallel_loop3A_996] {strides = array<i32>} : memref<128x128xf32, #tpu.memory_space<vmem>>, vector<1x16xf32>,
        %parallel_loop3A_998 = vector.shape_cast %parallel_loop3A_997 : vector<1x16xf32> to vector<16xf32>
        %parallel_loop3A_999 = vector.broadcast %parallel_loop3A_946 : f32 to vector<16xf32>
        %parallel_loop3A_1000 = arith.mulf %parallel_loop3A_998, %parallel_loop3A_999 : vector<16xf32>
        %parallel_loop3A_1001 = arith.index_cast %parallel_loop3A_950 : i32 to index
        %parallel_loop3A_1002 = arith.constant 64 : index
        %parallel_loop3A_1003 = tpu.vector_load %arg8[%parallel_loop3A_1001, %parallel_loop3A_1002] {strides = array<i32>} : memref<128x128xf32, #tpu.memory_space<vmem>>, vector<1x16xf32>,
        %parallel_loop3A_1004 = vector.shape_cast %parallel_loop3A_1003 : vector<1x16xf32> to vector<16xf32>
        %parallel_loop3A_1005 = vector.shape_cast %parallel_loop3A_1000 : vector<16xf32> to vector<1x16xf32>
        tpu.vector_store %arg8[%parallel_loop3A_1001, %parallel_loop3A_1002], %parallel_loop3A_1005 {strides = array<i32>} : memref<128x128xf32, #tpu.memory_space<vmem>>, vector<1x16xf32>,
        %parallel_loop3A_1006 = arith.index_cast %parallel_loop3A_950 : i32 to index
        %parallel_loop3A_1007 = arith.constant 80 : index
        %parallel_loop3A_1008 = tpu.vector_load %arg8[%parallel_loop3A_1006, %parallel_loop3A_1007] {strides = array<i32>} : memref<128x128xf32, #tpu.memory_space<vmem>>, vector<1x16xf32>,
        %parallel_loop3A_1009 = vector.shape_cast %parallel_loop3A_1008 : vector<1x16xf32> to vector<16xf32>
        %parallel_loop3A_1010 = vector.broadcast %parallel_loop3A_946 : f32 to vector<16xf32>
        %parallel_loop3A_1011 = arith.mulf %parallel_loop3A_1009, %parallel_loop3A_1010 : vector<16xf32>
        %parallel_loop3A_1012 = arith.index_cast %parallel_loop3A_950 : i32 to index
        %parallel_loop3A_1013 = arith.constant 80 : index
        %parallel_loop3A_1014 = tpu.vector_load %arg8[%parallel_loop3A_1012, %parallel_loop3A_1013] {strides = array<i32>} : memref<128x128xf32, #tpu.memory_space<vmem>>, vector<1x16xf32>,
        %parallel_loop3A_1015 = vector.shape_cast %parallel_loop3A_1014 : vector<1x16xf32> to vector<16xf32>
        %parallel_loop3A_1016 = vector.shape_cast %parallel_loop3A_1011 : vector<16xf32> to vector<1x16xf32>
        tpu.vector_store %arg8[%parallel_loop3A_1012, %parallel_loop3A_1013], %parallel_loop3A_1016 {strides = array<i32>} : memref<128x128xf32, #tpu.memory_space<vmem>>, vector<1x16xf32>,
        %parallel_loop3A_1017 = arith.index_cast %parallel_loop3A_950 : i32 to index
        %parallel_loop3A_1018 = arith.constant 96 : index
        %parallel_loop3A_1019 = tpu.vector_load %arg8[%parallel_loop3A_1017, %parallel_loop3A_1018] {strides = array<i32>} : memref<128x128xf32, #tpu.memory_space<vmem>>, vector<1x16xf32>,
        %parallel_loop3A_1020 = vector.shape_cast %parallel_loop3A_1019 : vector<1x16xf32> to vector<16xf32>
        %parallel_loop3A_1021 = vector.broadcast %parallel_loop3A_946 : f32 to vector<16xf32>
        %parallel_loop3A_1022 = arith.mulf %parallel_loop3A_1020, %parallel_loop3A_1021 : vector<16xf32>
        %parallel_loop3A_1023 = arith.index_cast %parallel_loop3A_950 : i32 to index
        %parallel_loop3A_1024 = arith.constant 96 : index
        %parallel_loop3A_1025 = tpu.vector_load %arg8[%parallel_loop3A_1023, %parallel_loop3A_1024] {strides = array<i32>} : memref<128x128xf32, #tpu.memory_space<vmem>>, vector<1x16xf32>,
        %parallel_loop3A_1026 = vector.shape_cast %parallel_loop3A_1025 : vector<1x16xf32> to vector<16xf32>
        %parallel_loop3A_1027 = vector.shape_cast %parallel_loop3A_1022 : vector<16xf32> to vector<1x16xf32>
        tpu.vector_store %arg8[%parallel_loop3A_1023, %parallel_loop3A_1024], %parallel_loop3A_1027 {strides = array<i32>} : memref<128x128xf32, #tpu.memory_space<vmem>>, vector<1x16xf32>,
        %parallel_loop3A_1028 = arith.index_cast %parallel_loop3A_950 : i32 to index
        %parallel_loop3A_1029 = arith.constant 112 : index
        %parallel_loop3A_1030 = tpu.vector_load %arg8[%parallel_loop3A_1028, %parallel_loop3A_1029] {strides = array<i32>} : memref<128x128xf32, #tpu.memory_space<vmem>>, vector<1x16xf32>,
        %parallel_loop3A_1031 = vector.shape_cast %parallel_loop3A_1030 : vector<1x16xf32> to vector<16xf32>
        %parallel_loop3A_1032 = vector.broadcast %parallel_loop3A_946 : f32 to vector<16xf32>
        %parallel_loop3A_1033 = arith.mulf %parallel_loop3A_1031, %parallel_loop3A_1032 : vector<16xf32>
        %parallel_loop3A_1034 = arith.index_cast %parallel_loop3A_950 : i32 to index
        %parallel_loop3A_1035 = arith.constant 112 : index
        %parallel_loop3A_1036 = tpu.vector_load %arg8[%parallel_loop3A_1034, %parallel_loop3A_1035] {strides = array<i32>} : memref<128x128xf32, #tpu.memory_space<vmem>>, vector<1x16xf32>,
        %parallel_loop3A_1037 = vector.shape_cast %parallel_loop3A_1036 : vector<1x16xf32> to vector<16xf32>
        %parallel_loop3A_1038 = vector.shape_cast %parallel_loop3A_1033 : vector<16xf32> to vector<1x16xf32>
        tpu.vector_store %arg8[%parallel_loop3A_1034, %parallel_loop3A_1035], %parallel_loop3A_1038 {strides = array<i32>} : memref<128x128xf32, #tpu.memory_space<vmem>>, vector<1x16xf32>,
        %parallel_loop3A_1039 = vector.extract_strided_slice %parallel_loop3A_98 {offsets = [10], sizes = [1], strides = [1]} : vector<16xf32> to vector<1xf32>
        %parallel_loop3A_1040 = vector.extract %parallel_loop3A_1039[0] : f32 from vector<1xf32>
        %parallel_loop3A_1041 = arith.constant 16 : i32
        %parallel_loop3A_1042 = arith.muli %parallel_loop3A_93, %parallel_loop3A_1041 : i32
        %parallel_loop3A_1043 = arith.constant 10 : i32
        %parallel_loop3A_1044 = arith.addi %parallel_loop3A_1042, %parallel_loop3A_1043 : i32
        %parallel_loop3A_1045 = arith.index_cast %parallel_loop3A_1044 : i32 to index
        %parallel_loop3A_1046 = arith.constant 0 : index
        %parallel_loop3A_1047 = tpu.vector_load %arg8[%parallel_loop3A_1045, %parallel_loop3A_1046] {strides = array<i32>} : memref<128x128xf32, #tpu.memory_space<vmem>>, vector<1x16xf32>,
        %parallel_loop3A_1048 = vector.shape_cast %parallel_loop3A_1047 : vector<1x16xf32> to vector<16xf32>
        %parallel_loop3A_1049 = vector.broadcast %parallel_loop3A_1040 : f32 to vector<16xf32>
        %parallel_loop3A_1050 = arith.mulf %parallel_loop3A_1048, %parallel_loop3A_1049 : vector<16xf32>
        %parallel_loop3A_1051 = arith.index_cast %parallel_loop3A_1044 : i32 to index
        %parallel_loop3A_1052 = arith.constant 0 : index
        %parallel_loop3A_1053 = tpu.vector_load %arg8[%parallel_loop3A_1051, %parallel_loop3A_1052] {strides = array<i32>} : memref<128x128xf32, #tpu.memory_space<vmem>>, vector<1x16xf32>,
        %parallel_loop3A_1054 = vector.shape_cast %parallel_loop3A_1053 : vector<1x16xf32> to vector<16xf32>
        %parallel_loop3A_1055 = vector.shape_cast %parallel_loop3A_1050 : vector<16xf32> to vector<1x16xf32>
        tpu.vector_store %arg8[%parallel_loop3A_1051, %parallel_loop3A_1052], %parallel_loop3A_1055 {strides = array<i32>} : memref<128x128xf32, #tpu.memory_space<vmem>>, vector<1x16xf32>,
        %parallel_loop3A_1056 = arith.index_cast %parallel_loop3A_1044 : i32 to index
        %parallel_loop3A_1057 = arith.constant 16 : index
        %parallel_loop3A_1058 = tpu.vector_load %arg8[%parallel_loop3A_1056, %parallel_loop3A_1057] {strides = array<i32>} : memref<128x128xf32, #tpu.memory_space<vmem>>, vector<1x16xf32>,
        %parallel_loop3A_1059 = vector.shape_cast %parallel_loop3A_1058 : vector<1x16xf32> to vector<16xf32>
        %parallel_loop3A_1060 = vector.broadcast %parallel_loop3A_1040 : f32 to vector<16xf32>
        %parallel_loop3A_1061 = arith.mulf %parallel_loop3A_1059, %parallel_loop3A_1060 : vector<16xf32>
        %parallel_loop3A_1062 = arith.index_cast %parallel_loop3A_1044 : i32 to index
        %parallel_loop3A_1063 = arith.constant 16 : index
        %parallel_loop3A_1064 = tpu.vector_load %arg8[%parallel_loop3A_1062, %parallel_loop3A_1063] {strides = array<i32>} : memref<128x128xf32, #tpu.memory_space<vmem>>, vector<1x16xf32>,
        %parallel_loop3A_1065 = vector.shape_cast %parallel_loop3A_1064 : vector<1x16xf32> to vector<16xf32>
        %parallel_loop3A_1066 = vector.shape_cast %parallel_loop3A_1061 : vector<16xf32> to vector<1x16xf32>
        tpu.vector_store %arg8[%parallel_loop3A_1062, %parallel_loop3A_1063], %parallel_loop3A_1066 {strides = array<i32>} : memref<128x128xf32, #tpu.memory_space<vmem>>, vector<1x16xf32>,
        %parallel_loop3A_1067 = arith.index_cast %parallel_loop3A_1044 : i32 to index
        %parallel_loop3A_1068 = arith.constant 32 : index
        %parallel_loop3A_1069 = tpu.vector_load %arg8[%parallel_loop3A_1067, %parallel_loop3A_1068] {strides = array<i32>} : memref<128x128xf32, #tpu.memory_space<vmem>>, vector<1x16xf32>,
        %parallel_loop3A_1070 = vector.shape_cast %parallel_loop3A_1069 : vector<1x16xf32> to vector<16xf32>
        %parallel_loop3A_1071 = vector.broadcast %parallel_loop3A_1040 : f32 to vector<16xf32>
        %parallel_loop3A_1072 = arith.mulf %parallel_loop3A_1070, %parallel_loop3A_1071 : vector<16xf32>
        %parallel_loop3A_1073 = arith.index_cast %parallel_loop3A_1044 : i32 to index
        %parallel_loop3A_1074 = arith.constant 32 : index
        %parallel_loop3A_1075 = tpu.vector_load %arg8[%parallel_loop3A_1073, %parallel_loop3A_1074] {strides = array<i32>} : memref<128x128xf32, #tpu.memory_space<vmem>>, vector<1x16xf32>,
        %parallel_loop3A_1076 = vector.shape_cast %parallel_loop3A_1075 : vector<1x16xf32> to vector<16xf32>
        %parallel_loop3A_1077 = vector.shape_cast %parallel_loop3A_1072 : vector<16xf32> to vector<1x16xf32>
        tpu.vector_store %arg8[%parallel_loop3A_1073, %parallel_loop3A_1074], %parallel_loop3A_1077 {strides = array<i32>} : memref<128x128xf32, #tpu.memory_space<vmem>>, vector<1x16xf32>,
        %parallel_loop3A_1078 = arith.index_cast %parallel_loop3A_1044 : i32 to index
        %parallel_loop3A_1079 = arith.constant 48 : index
        %parallel_loop3A_1080 = tpu.vector_load %arg8[%parallel_loop3A_1078, %parallel_loop3A_1079] {strides = array<i32>} : memref<128x128xf32, #tpu.memory_space<vmem>>, vector<1x16xf32>,
        %parallel_loop3A_1081 = vector.shape_cast %parallel_loop3A_1080 : vector<1x16xf32> to vector<16xf32>
        %parallel_loop3A_1082 = vector.broadcast %parallel_loop3A_1040 : f32 to vector<16xf32>
        %parallel_loop3A_1083 = arith.mulf %parallel_loop3A_1081, %parallel_loop3A_1082 : vector<16xf32>
        %parallel_loop3A_1084 = arith.index_cast %parallel_loop3A_1044 : i32 to index
        %parallel_loop3A_1085 = arith.constant 48 : index
        %parallel_loop3A_1086 = tpu.vector_load %arg8[%parallel_loop3A_1084, %parallel_loop3A_1085] {strides = array<i32>} : memref<128x128xf32, #tpu.memory_space<vmem>>, vector<1x16xf32>,
        %parallel_loop3A_1087 = vector.shape_cast %parallel_loop3A_1086 : vector<1x16xf32> to vector<16xf32>
        %parallel_loop3A_1088 = vector.shape_cast %parallel_loop3A_1083 : vector<16xf32> to vector<1x16xf32>
        tpu.vector_store %arg8[%parallel_loop3A_1084, %parallel_loop3A_1085], %parallel_loop3A_1088 {strides = array<i32>} : memref<128x128xf32, #tpu.memory_space<vmem>>, vector<1x16xf32>,
        %parallel_loop3A_1089 = arith.index_cast %parallel_loop3A_1044 : i32 to index
        %parallel_loop3A_1090 = arith.constant 64 : index
        %parallel_loop3A_1091 = tpu.vector_load %arg8[%parallel_loop3A_1089, %parallel_loop3A_1090] {strides = array<i32>} : memref<128x128xf32, #tpu.memory_space<vmem>>, vector<1x16xf32>,
        %parallel_loop3A_1092 = vector.shape_cast %parallel_loop3A_1091 : vector<1x16xf32> to vector<16xf32>
        %parallel_loop3A_1093 = vector.broadcast %parallel_loop3A_1040 : f32 to vector<16xf32>
        %parallel_loop3A_1094 = arith.mulf %parallel_loop3A_1092, %parallel_loop3A_1093 : vector<16xf32>
        %parallel_loop3A_1095 = arith.index_cast %parallel_loop3A_1044 : i32 to index
        %parallel_loop3A_1096 = arith.constant 64 : index
        %parallel_loop3A_1097 = tpu.vector_load %arg8[%parallel_loop3A_1095, %parallel_loop3A_1096] {strides = array<i32>} : memref<128x128xf32, #tpu.memory_space<vmem>>, vector<1x16xf32>,
        %parallel_loop3A_1098 = vector.shape_cast %parallel_loop3A_1097 : vector<1x16xf32> to vector<16xf32>
        %parallel_loop3A_1099 = vector.shape_cast %parallel_loop3A_1094 : vector<16xf32> to vector<1x16xf32>
        tpu.vector_store %arg8[%parallel_loop3A_1095, %parallel_loop3A_1096], %parallel_loop3A_1099 {strides = array<i32>} : memref<128x128xf32, #tpu.memory_space<vmem>>, vector<1x16xf32>,
        %parallel_loop3A_1100 = arith.index_cast %parallel_loop3A_1044 : i32 to index
        %parallel_loop3A_1101 = arith.constant 80 : index
        %parallel_loop3A_1102 = tpu.vector_load %arg8[%parallel_loop3A_1100, %parallel_loop3A_1101] {strides = array<i32>} : memref<128x128xf32, #tpu.memory_space<vmem>>, vector<1x16xf32>,
        %parallel_loop3A_1103 = vector.shape_cast %parallel_loop3A_1102 : vector<1x16xf32> to vector<16xf32>
        %parallel_loop3A_1104 = vector.broadcast %parallel_loop3A_1040 : f32 to vector<16xf32>
        %parallel_loop3A_1105 = arith.mulf %parallel_loop3A_1103, %parallel_loop3A_1104 : vector<16xf32>
        %parallel_loop3A_1106 = arith.index_cast %parallel_loop3A_1044 : i32 to index
        %parallel_loop3A_1107 = arith.constant 80 : index
        %parallel_loop3A_1108 = tpu.vector_load %arg8[%parallel_loop3A_1106, %parallel_loop3A_1107] {strides = array<i32>} : memref<128x128xf32, #tpu.memory_space<vmem>>, vector<1x16xf32>,
        %parallel_loop3A_1109 = vector.shape_cast %parallel_loop3A_1108 : vector<1x16xf32> to vector<16xf32>
        %parallel_loop3A_1110 = vector.shape_cast %parallel_loop3A_1105 : vector<16xf32> to vector<1x16xf32>
        tpu.vector_store %arg8[%parallel_loop3A_1106, %parallel_loop3A_1107], %parallel_loop3A_1110 {strides = array<i32>} : memref<128x128xf32, #tpu.memory_space<vmem>>, vector<1x16xf32>,
        %parallel_loop3A_1111 = arith.index_cast %parallel_loop3A_1044 : i32 to index
        %parallel_loop3A_1112 = arith.constant 96 : index
        %parallel_loop3A_1113 = tpu.vector_load %arg8[%parallel_loop3A_1111, %parallel_loop3A_1112] {strides = array<i32>} : memref<128x128xf32, #tpu.memory_space<vmem>>, vector<1x16xf32>,
        %parallel_loop3A_1114 = vector.shape_cast %parallel_loop3A_1113 : vector<1x16xf32> to vector<16xf32>
        %parallel_loop3A_1115 = vector.broadcast %parallel_loop3A_1040 : f32 to vector<16xf32>
        %parallel_loop3A_1116 = arith.mulf %parallel_loop3A_1114, %parallel_loop3A_1115 : vector<16xf32>
        %parallel_loop3A_1117 = arith.index_cast %parallel_loop3A_1044 : i32 to index
        %parallel_loop3A_1118 = arith.constant 96 : index
        %parallel_loop3A_1119 = tpu.vector_load %arg8[%parallel_loop3A_1117, %parallel_loop3A_1118] {strides = array<i32>} : memref<128x128xf32, #tpu.memory_space<vmem>>, vector<1x16xf32>,
        %parallel_loop3A_1120 = vector.shape_cast %parallel_loop3A_1119 : vector<1x16xf32> to vector<16xf32>
        %parallel_loop3A_1121 = vector.shape_cast %parallel_loop3A_1116 : vector<16xf32> to vector<1x16xf32>
        tpu.vector_store %arg8[%parallel_loop3A_1117, %parallel_loop3A_1118], %parallel_loop3A_1121 {strides = array<i32>} : memref<128x128xf32, #tpu.memory_space<vmem>>, vector<1x16xf32>,
        %parallel_loop3A_1122 = arith.index_cast %parallel_loop3A_1044 : i32 to index
        %parallel_loop3A_1123 = arith.constant 112 : index
        %parallel_loop3A_1124 = tpu.vector_load %arg8[%parallel_loop3A_1122, %parallel_loop3A_1123] {strides = array<i32>} : memref<128x128xf32, #tpu.memory_space<vmem>>, vector<1x16xf32>,
        %parallel_loop3A_1125 = vector.shape_cast %parallel_loop3A_1124 : vector<1x16xf32> to vector<16xf32>
        %parallel_loop3A_1126 = vector.broadcast %parallel_loop3A_1040 : f32 to vector<16xf32>
        %parallel_loop3A_1127 = arith.mulf %parallel_loop3A_1125, %parallel_loop3A_1126 : vector<16xf32>
        %parallel_loop3A_1128 = arith.index_cast %parallel_loop3A_1044 : i32 to index
        %parallel_loop3A_1129 = arith.constant 112 : index
        %parallel_loop3A_1130 = tpu.vector_load %arg8[%parallel_loop3A_1128, %parallel_loop3A_1129] {strides = array<i32>} : memref<128x128xf32, #tpu.memory_space<vmem>>, vector<1x16xf32>,
        %parallel_loop3A_1131 = vector.shape_cast %parallel_loop3A_1130 : vector<1x16xf32> to vector<16xf32>
        %parallel_loop3A_1132 = vector.shape_cast %parallel_loop3A_1127 : vector<16xf32> to vector<1x16xf32>
        tpu.vector_store %arg8[%parallel_loop3A_1128, %parallel_loop3A_1129], %parallel_loop3A_1132 {strides = array<i32>} : memref<128x128xf32, #tpu.memory_space<vmem>>, vector<1x16xf32>,
        %parallel_loop3A_1133 = vector.extract_strided_slice %parallel_loop3A_98 {offsets = [11], sizes = [1], strides = [1]} : vector<16xf32> to vector<1xf32>
        %parallel_loop3A_1134 = vector.extract %parallel_loop3A_1133[0] : f32 from vector<1xf32>
        %parallel_loop3A_1135 = arith.constant 16 : i32
        %parallel_loop3A_1136 = arith.muli %parallel_loop3A_93, %parallel_loop3A_1135 : i32
        %parallel_loop3A_1137 = arith.constant 11 : i32
        %parallel_loop3A_1138 = arith.addi %parallel_loop3A_1136, %parallel_loop3A_1137 : i32
        %parallel_loop3A_1139 = arith.index_cast %parallel_loop3A_1138 : i32 to index
        %parallel_loop3A_1140 = arith.constant 0 : index
        %parallel_loop3A_1141 = tpu.vector_load %arg8[%parallel_loop3A_1139, %parallel_loop3A_1140] {strides = array<i32>} : memref<128x128xf32, #tpu.memory_space<vmem>>, vector<1x16xf32>,
        %parallel_loop3A_1142 = vector.shape_cast %parallel_loop3A_1141 : vector<1x16xf32> to vector<16xf32>
        %parallel_loop3A_1143 = vector.broadcast %parallel_loop3A_1134 : f32 to vector<16xf32>
        %parallel_loop3A_1144 = arith.mulf %parallel_loop3A_1142, %parallel_loop3A_1143 : vector<16xf32>
        %parallel_loop3A_1145 = arith.index_cast %parallel_loop3A_1138 : i32 to index
        %parallel_loop3A_1146 = arith.constant 0 : index
        %parallel_loop3A_1147 = tpu.vector_load %arg8[%parallel_loop3A_1145, %parallel_loop3A_1146] {strides = array<i32>} : memref<128x128xf32, #tpu.memory_space<vmem>>, vector<1x16xf32>,
        %parallel_loop3A_1148 = vector.shape_cast %parallel_loop3A_1147 : vector<1x16xf32> to vector<16xf32>
        %parallel_loop3A_1149 = vector.shape_cast %parallel_loop3A_1144 : vector<16xf32> to vector<1x16xf32>
        tpu.vector_store %arg8[%parallel_loop3A_1145, %parallel_loop3A_1146], %parallel_loop3A_1149 {strides = array<i32>} : memref<128x128xf32, #tpu.memory_space<vmem>>, vector<1x16xf32>,
        %parallel_loop3A_1150 = arith.index_cast %parallel_loop3A_1138 : i32 to index
        %parallel_loop3A_1151 = arith.constant 16 : index
        %parallel_loop3A_1152 = tpu.vector_load %arg8[%parallel_loop3A_1150, %parallel_loop3A_1151] {strides = array<i32>} : memref<128x128xf32, #tpu.memory_space<vmem>>, vector<1x16xf32>,
        %parallel_loop3A_1153 = vector.shape_cast %parallel_loop3A_1152 : vector<1x16xf32> to vector<16xf32>
        %parallel_loop3A_1154 = vector.broadcast %parallel_loop3A_1134 : f32 to vector<16xf32>
        %parallel_loop3A_1155 = arith.mulf %parallel_loop3A_1153, %parallel_loop3A_1154 : vector<16xf32>
        %parallel_loop3A_1156 = arith.index_cast %parallel_loop3A_1138 : i32 to index
        %parallel_loop3A_1157 = arith.constant 16 : index
        %parallel_loop3A_1158 = tpu.vector_load %arg8[%parallel_loop3A_1156, %parallel_loop3A_1157] {strides = array<i32>} : memref<128x128xf32, #tpu.memory_space<vmem>>, vector<1x16xf32>,
        %parallel_loop3A_1159 = vector.shape_cast %parallel_loop3A_1158 : vector<1x16xf32> to vector<16xf32>
        %parallel_loop3A_1160 = vector.shape_cast %parallel_loop3A_1155 : vector<16xf32> to vector<1x16xf32>
        tpu.vector_store %arg8[%parallel_loop3A_1156, %parallel_loop3A_1157], %parallel_loop3A_1160 {strides = array<i32>} : memref<128x128xf32, #tpu.memory_space<vmem>>, vector<1x16xf32>,
        %parallel_loop3A_1161 = arith.index_cast %parallel_loop3A_1138 : i32 to index
        %parallel_loop3A_1162 = arith.constant 32 : index
        %parallel_loop3A_1163 = tpu.vector_load %arg8[%parallel_loop3A_1161, %parallel_loop3A_1162] {strides = array<i32>} : memref<128x128xf32, #tpu.memory_space<vmem>>, vector<1x16xf32>,
        %parallel_loop3A_1164 = vector.shape_cast %parallel_loop3A_1163 : vector<1x16xf32> to vector<16xf32>
        %parallel_loop3A_1165 = vector.broadcast %parallel_loop3A_1134 : f32 to vector<16xf32>
        %parallel_loop3A_1166 = arith.mulf %parallel_loop3A_1164, %parallel_loop3A_1165 : vector<16xf32>
        %parallel_loop3A_1167 = arith.index_cast %parallel_loop3A_1138 : i32 to index
        %parallel_loop3A_1168 = arith.constant 32 : index
        %parallel_loop3A_1169 = tpu.vector_load %arg8[%parallel_loop3A_1167, %parallel_loop3A_1168] {strides = array<i32>} : memref<128x128xf32, #tpu.memory_space<vmem>>, vector<1x16xf32>,
        %parallel_loop3A_1170 = vector.shape_cast %parallel_loop3A_1169 : vector<1x16xf32> to vector<16xf32>
        %parallel_loop3A_1171 = vector.shape_cast %parallel_loop3A_1166 : vector<16xf32> to vector<1x16xf32>
        tpu.vector_store %arg8[%parallel_loop3A_1167, %parallel_loop3A_1168], %parallel_loop3A_1171 {strides = array<i32>} : memref<128x128xf32, #tpu.memory_space<vmem>>, vector<1x16xf32>,
        %parallel_loop3A_1172 = arith.index_cast %parallel_loop3A_1138 : i32 to index
        %parallel_loop3A_1173 = arith.constant 48 : index
        %parallel_loop3A_1174 = tpu.vector_load %arg8[%parallel_loop3A_1172, %parallel_loop3A_1173] {strides = array<i32>} : memref<128x128xf32, #tpu.memory_space<vmem>>, vector<1x16xf32>,
        %parallel_loop3A_1175 = vector.shape_cast %parallel_loop3A_1174 : vector<1x16xf32> to vector<16xf32>
        %parallel_loop3A_1176 = vector.broadcast %parallel_loop3A_1134 : f32 to vector<16xf32>
        %parallel_loop3A_1177 = arith.mulf %parallel_loop3A_1175, %parallel_loop3A_1176 : vector<16xf32>
        %parallel_loop3A_1178 = arith.index_cast %parallel_loop3A_1138 : i32 to index
        %parallel_loop3A_1179 = arith.constant 48 : index
        %parallel_loop3A_1180 = tpu.vector_load %arg8[%parallel_loop3A_1178, %parallel_loop3A_1179] {strides = array<i32>} : memref<128x128xf32, #tpu.memory_space<vmem>>, vector<1x16xf32>,
        %parallel_loop3A_1181 = vector.shape_cast %parallel_loop3A_1180 : vector<1x16xf32> to vector<16xf32>
        %parallel_loop3A_1182 = vector.shape_cast %parallel_loop3A_1177 : vector<16xf32> to vector<1x16xf32>
        tpu.vector_store %arg8[%parallel_loop3A_1178, %parallel_loop3A_1179], %parallel_loop3A_1182 {strides = array<i32>} : memref<128x128xf32, #tpu.memory_space<vmem>>, vector<1x16xf32>,
        %parallel_loop3A_1183 = arith.index_cast %parallel_loop3A_1138 : i32 to index
        %parallel_loop3A_1184 = arith.constant 64 : index
        %parallel_loop3A_1185 = tpu.vector_load %arg8[%parallel_loop3A_1183, %parallel_loop3A_1184] {strides = array<i32>} : memref<128x128xf32, #tpu.memory_space<vmem>>, vector<1x16xf32>,
        %parallel_loop3A_1186 = vector.shape_cast %parallel_loop3A_1185 : vector<1x16xf32> to vector<16xf32>
        %parallel_loop3A_1187 = vector.broadcast %parallel_loop3A_1134 : f32 to vector<16xf32>
        %parallel_loop3A_1188 = arith.mulf %parallel_loop3A_1186, %parallel_loop3A_1187 : vector<16xf32>
        %parallel_loop3A_1189 = arith.index_cast %parallel_loop3A_1138 : i32 to index
        %parallel_loop3A_1190 = arith.constant 64 : index
        %parallel_loop3A_1191 = tpu.vector_load %arg8[%parallel_loop3A_1189, %parallel_loop3A_1190] {strides = array<i32>} : memref<128x128xf32, #tpu.memory_space<vmem>>, vector<1x16xf32>,
        %parallel_loop3A_1192 = vector.shape_cast %parallel_loop3A_1191 : vector<1x16xf32> to vector<16xf32>
        %parallel_loop3A_1193 = vector.shape_cast %parallel_loop3A_1188 : vector<16xf32> to vector<1x16xf32>
        tpu.vector_store %arg8[%parallel_loop3A_1189, %parallel_loop3A_1190], %parallel_loop3A_1193 {strides = array<i32>} : memref<128x128xf32, #tpu.memory_space<vmem>>, vector<1x16xf32>,
        %parallel_loop3A_1194 = arith.index_cast %parallel_loop3A_1138 : i32 to index
        %parallel_loop3A_1195 = arith.constant 80 : index
        %parallel_loop3A_1196 = tpu.vector_load %arg8[%parallel_loop3A_1194, %parallel_loop3A_1195] {strides = array<i32>} : memref<128x128xf32, #tpu.memory_space<vmem>>, vector<1x16xf32>,
        %parallel_loop3A_1197 = vector.shape_cast %parallel_loop3A_1196 : vector<1x16xf32> to vector<16xf32>
        %parallel_loop3A_1198 = vector.broadcast %parallel_loop3A_1134 : f32 to vector<16xf32>
        %parallel_loop3A_1199 = arith.mulf %parallel_loop3A_1197, %parallel_loop3A_1198 : vector<16xf32>
        %parallel_loop3A_1200 = arith.index_cast %parallel_loop3A_1138 : i32 to index
        %parallel_loop3A_1201 = arith.constant 80 : index
        %parallel_loop3A_1202 = tpu.vector_load %arg8[%parallel_loop3A_1200, %parallel_loop3A_1201] {strides = array<i32>} : memref<128x128xf32, #tpu.memory_space<vmem>>, vector<1x16xf32>,
        %parallel_loop3A_1203 = vector.shape_cast %parallel_loop3A_1202 : vector<1x16xf32> to vector<16xf32>
        %parallel_loop3A_1204 = vector.shape_cast %parallel_loop3A_1199 : vector<16xf32> to vector<1x16xf32>
        tpu.vector_store %arg8[%parallel_loop3A_1200, %parallel_loop3A_1201], %parallel_loop3A_1204 {strides = array<i32>} : memref<128x128xf32, #tpu.memory_space<vmem>>, vector<1x16xf32>,
        %parallel_loop3A_1205 = arith.index_cast %parallel_loop3A_1138 : i32 to index
        %parallel_loop3A_1206 = arith.constant 96 : index
        %parallel_loop3A_1207 = tpu.vector_load %arg8[%parallel_loop3A_1205, %parallel_loop3A_1206] {strides = array<i32>} : memref<128x128xf32, #tpu.memory_space<vmem>>, vector<1x16xf32>,
        %parallel_loop3A_1208 = vector.shape_cast %parallel_loop3A_1207 : vector<1x16xf32> to vector<16xf32>
        %parallel_loop3A_1209 = vector.broadcast %parallel_loop3A_1134 : f32 to vector<16xf32>
        %parallel_loop3A_1210 = arith.mulf %parallel_loop3A_1208, %parallel_loop3A_1209 : vector<16xf32>
        %parallel_loop3A_1211 = arith.index_cast %parallel_loop3A_1138 : i32 to index
        %parallel_loop3A_1212 = arith.constant 96 : index
        %parallel_loop3A_1213 = tpu.vector_load %arg8[%parallel_loop3A_1211, %parallel_loop3A_1212] {strides = array<i32>} : memref<128x128xf32, #tpu.memory_space<vmem>>, vector<1x16xf32>,
        %parallel_loop3A_1214 = vector.shape_cast %parallel_loop3A_1213 : vector<1x16xf32> to vector<16xf32>
        %parallel_loop3A_1215 = vector.shape_cast %parallel_loop3A_1210 : vector<16xf32> to vector<1x16xf32>
        tpu.vector_store %arg8[%parallel_loop3A_1211, %parallel_loop3A_1212], %parallel_loop3A_1215 {strides = array<i32>} : memref<128x128xf32, #tpu.memory_space<vmem>>, vector<1x16xf32>,
        %parallel_loop3A_1216 = arith.index_cast %parallel_loop3A_1138 : i32 to index
        %parallel_loop3A_1217 = arith.constant 112 : index
        %parallel_loop3A_1218 = tpu.vector_load %arg8[%parallel_loop3A_1216, %parallel_loop3A_1217] {strides = array<i32>} : memref<128x128xf32, #tpu.memory_space<vmem>>, vector<1x16xf32>,
        %parallel_loop3A_1219 = vector.shape_cast %parallel_loop3A_1218 : vector<1x16xf32> to vector<16xf32>
        %parallel_loop3A_1220 = vector.broadcast %parallel_loop3A_1134 : f32 to vector<16xf32>
        %parallel_loop3A_1221 = arith.mulf %parallel_loop3A_1219, %parallel_loop3A_1220 : vector<16xf32>
        %parallel_loop3A_1222 = arith.index_cast %parallel_loop3A_1138 : i32 to index
        %parallel_loop3A_1223 = arith.constant 112 : index
        %parallel_loop3A_1224 = tpu.vector_load %arg8[%parallel_loop3A_1222, %parallel_loop3A_1223] {strides = array<i32>} : memref<128x128xf32, #tpu.memory_space<vmem>>, vector<1x16xf32>,
        %parallel_loop3A_1225 = vector.shape_cast %parallel_loop3A_1224 : vector<1x16xf32> to vector<16xf32>
        %parallel_loop3A_1226 = vector.shape_cast %parallel_loop3A_1221 : vector<16xf32> to vector<1x16xf32>
        tpu.vector_store %arg8[%parallel_loop3A_1222, %parallel_loop3A_1223], %parallel_loop3A_1226 {strides = array<i32>} : memref<128x128xf32, #tpu.memory_space<vmem>>, vector<1x16xf32>,
        %parallel_loop3A_1227 = vector.extract_strided_slice %parallel_loop3A_98 {offsets = [12], sizes = [1], strides = [1]} : vector<16xf32> to vector<1xf32>
        %parallel_loop3A_1228 = vector.extract %parallel_loop3A_1227[0] : f32 from vector<1xf32>
        %parallel_loop3A_1229 = arith.constant 16 : i32
        %parallel_loop3A_1230 = arith.muli %parallel_loop3A_93, %parallel_loop3A_1229 : i32
        %parallel_loop3A_1231 = arith.constant 12 : i32
        %parallel_loop3A_1232 = arith.addi %parallel_loop3A_1230, %parallel_loop3A_1231 : i32
        %parallel_loop3A_1233 = arith.index_cast %parallel_loop3A_1232 : i32 to index
        %parallel_loop3A_1234 = arith.constant 0 : index
        %parallel_loop3A_1235 = tpu.vector_load %arg8[%parallel_loop3A_1233, %parallel_loop3A_1234] {strides = array<i32>} : memref<128x128xf32, #tpu.memory_space<vmem>>, vector<1x16xf32>,
        %parallel_loop3A_1236 = vector.shape_cast %parallel_loop3A_1235 : vector<1x16xf32> to vector<16xf32>
        %parallel_loop3A_1237 = vector.broadcast %parallel_loop3A_1228 : f32 to vector<16xf32>
        %parallel_loop3A_1238 = arith.mulf %parallel_loop3A_1236, %parallel_loop3A_1237 : vector<16xf32>
        %parallel_loop3A_1239 = arith.index_cast %parallel_loop3A_1232 : i32 to index
        %parallel_loop3A_1240 = arith.constant 0 : index
        %parallel_loop3A_1241 = tpu.vector_load %arg8[%parallel_loop3A_1239, %parallel_loop3A_1240] {strides = array<i32>} : memref<128x128xf32, #tpu.memory_space<vmem>>, vector<1x16xf32>,
        %parallel_loop3A_1242 = vector.shape_cast %parallel_loop3A_1241 : vector<1x16xf32> to vector<16xf32>
        %parallel_loop3A_1243 = vector.shape_cast %parallel_loop3A_1238 : vector<16xf32> to vector<1x16xf32>
        tpu.vector_store %arg8[%parallel_loop3A_1239, %parallel_loop3A_1240], %parallel_loop3A_1243 {strides = array<i32>} : memref<128x128xf32, #tpu.memory_space<vmem>>, vector<1x16xf32>,
        %parallel_loop3A_1244 = arith.index_cast %parallel_loop3A_1232 : i32 to index
        %parallel_loop3A_1245 = arith.constant 16 : index
        %parallel_loop3A_1246 = tpu.vector_load %arg8[%parallel_loop3A_1244, %parallel_loop3A_1245] {strides = array<i32>} : memref<128x128xf32, #tpu.memory_space<vmem>>, vector<1x16xf32>,
        %parallel_loop3A_1247 = vector.shape_cast %parallel_loop3A_1246 : vector<1x16xf32> to vector<16xf32>
        %parallel_loop3A_1248 = vector.broadcast %parallel_loop3A_1228 : f32 to vector<16xf32>
        %parallel_loop3A_1249 = arith.mulf %parallel_loop3A_1247, %parallel_loop3A_1248 : vector<16xf32>
        %parallel_loop3A_1250 = arith.index_cast %parallel_loop3A_1232 : i32 to index
        %parallel_loop3A_1251 = arith.constant 16 : index
        %parallel_loop3A_1252 = tpu.vector_load %arg8[%parallel_loop3A_1250, %parallel_loop3A_1251] {strides = array<i32>} : memref<128x128xf32, #tpu.memory_space<vmem>>, vector<1x16xf32>,
        %parallel_loop3A_1253 = vector.shape_cast %parallel_loop3A_1252 : vector<1x16xf32> to vector<16xf32>
        %parallel_loop3A_1254 = vector.shape_cast %parallel_loop3A_1249 : vector<16xf32> to vector<1x16xf32>
        tpu.vector_store %arg8[%parallel_loop3A_1250, %parallel_loop3A_1251], %parallel_loop3A_1254 {strides = array<i32>} : memref<128x128xf32, #tpu.memory_space<vmem>>, vector<1x16xf32>,
        %parallel_loop3A_1255 = arith.index_cast %parallel_loop3A_1232 : i32 to index
        %parallel_loop3A_1256 = arith.constant 32 : index
        %parallel_loop3A_1257 = tpu.vector_load %arg8[%parallel_loop3A_1255, %parallel_loop3A_1256] {strides = array<i32>} : memref<128x128xf32, #tpu.memory_space<vmem>>, vector<1x16xf32>,
        %parallel_loop3A_1258 = vector.shape_cast %parallel_loop3A_1257 : vector<1x16xf32> to vector<16xf32>
        %parallel_loop3A_1259 = vector.broadcast %parallel_loop3A_1228 : f32 to vector<16xf32>
        %parallel_loop3A_1260 = arith.mulf %parallel_loop3A_1258, %parallel_loop3A_1259 : vector<16xf32>
        %parallel_loop3A_1261 = arith.index_cast %parallel_loop3A_1232 : i32 to index
        %parallel_loop3A_1262 = arith.constant 32 : index
        %parallel_loop3A_1263 = tpu.vector_load %arg8[%parallel_loop3A_1261, %parallel_loop3A_1262] {strides = array<i32>} : memref<128x128xf32, #tpu.memory_space<vmem>>, vector<1x16xf32>,
        %parallel_loop3A_1264 = vector.shape_cast %parallel_loop3A_1263 : vector<1x16xf32> to vector<16xf32>
        %parallel_loop3A_1265 = vector.shape_cast %parallel_loop3A_1260 : vector<16xf32> to vector<1x16xf32>
        tpu.vector_store %arg8[%parallel_loop3A_1261, %parallel_loop3A_1262], %parallel_loop3A_1265 {strides = array<i32>} : memref<128x128xf32, #tpu.memory_space<vmem>>, vector<1x16xf32>,
        %parallel_loop3A_1266 = arith.index_cast %parallel_loop3A_1232 : i32 to index
        %parallel_loop3A_1267 = arith.constant 48 : index
        %parallel_loop3A_1268 = tpu.vector_load %arg8[%parallel_loop3A_1266, %parallel_loop3A_1267] {strides = array<i32>} : memref<128x128xf32, #tpu.memory_space<vmem>>, vector<1x16xf32>,
        %parallel_loop3A_1269 = vector.shape_cast %parallel_loop3A_1268 : vector<1x16xf32> to vector<16xf32>
        %parallel_loop3A_1270 = vector.broadcast %parallel_loop3A_1228 : f32 to vector<16xf32>
        %parallel_loop3A_1271 = arith.mulf %parallel_loop3A_1269, %parallel_loop3A_1270 : vector<16xf32>
        %parallel_loop3A_1272 = arith.index_cast %parallel_loop3A_1232 : i32 to index
        %parallel_loop3A_1273 = arith.constant 48 : index
        %parallel_loop3A_1274 = tpu.vector_load %arg8[%parallel_loop3A_1272, %parallel_loop3A_1273] {strides = array<i32>} : memref<128x128xf32, #tpu.memory_space<vmem>>, vector<1x16xf32>,
        %parallel_loop3A_1275 = vector.shape_cast %parallel_loop3A_1274 : vector<1x16xf32> to vector<16xf32>
        %parallel_loop3A_1276 = vector.shape_cast %parallel_loop3A_1271 : vector<16xf32> to vector<1x16xf32>
        tpu.vector_store %arg8[%parallel_loop3A_1272, %parallel_loop3A_1273], %parallel_loop3A_1276 {strides = array<i32>} : memref<128x128xf32, #tpu.memory_space<vmem>>, vector<1x16xf32>,
        %parallel_loop3A_1277 = arith.index_cast %parallel_loop3A_1232 : i32 to index
        %parallel_loop3A_1278 = arith.constant 64 : index
        %parallel_loop3A_1279 = tpu.vector_load %arg8[%parallel_loop3A_1277, %parallel_loop3A_1278] {strides = array<i32>} : memref<128x128xf32, #tpu.memory_space<vmem>>, vector<1x16xf32>,
        %parallel_loop3A_1280 = vector.shape_cast %parallel_loop3A_1279 : vector<1x16xf32> to vector<16xf32>
        %parallel_loop3A_1281 = vector.broadcast %parallel_loop3A_1228 : f32 to vector<16xf32>
        %parallel_loop3A_1282 = arith.mulf %parallel_loop3A_1280, %parallel_loop3A_1281 : vector<16xf32>
        %parallel_loop3A_1283 = arith.index_cast %parallel_loop3A_1232 : i32 to index
        %parallel_loop3A_1284 = arith.constant 64 : index
        %parallel_loop3A_1285 = tpu.vector_load %arg8[%parallel_loop3A_1283, %parallel_loop3A_1284] {strides = array<i32>} : memref<128x128xf32, #tpu.memory_space<vmem>>, vector<1x16xf32>,
        %parallel_loop3A_1286 = vector.shape_cast %parallel_loop3A_1285 : vector<1x16xf32> to vector<16xf32>
        %parallel_loop3A_1287 = vector.shape_cast %parallel_loop3A_1282 : vector<16xf32> to vector<1x16xf32>
        tpu.vector_store %arg8[%parallel_loop3A_1283, %parallel_loop3A_1284], %parallel_loop3A_1287 {strides = array<i32>} : memref<128x128xf32, #tpu.memory_space<vmem>>, vector<1x16xf32>,
        %parallel_loop3A_1288 = arith.index_cast %parallel_loop3A_1232 : i32 to index
        %parallel_loop3A_1289 = arith.constant 80 : index
        %parallel_loop3A_1290 = tpu.vector_load %arg8[%parallel_loop3A_1288, %parallel_loop3A_1289] {strides = array<i32>} : memref<128x128xf32, #tpu.memory_space<vmem>>, vector<1x16xf32>,
        %parallel_loop3A_1291 = vector.shape_cast %parallel_loop3A_1290 : vector<1x16xf32> to vector<16xf32>
        %parallel_loop3A_1292 = vector.broadcast %parallel_loop3A_1228 : f32 to vector<16xf32>
        %parallel_loop3A_1293 = arith.mulf %parallel_loop3A_1291, %parallel_loop3A_1292 : vector<16xf32>
        %parallel_loop3A_1294 = arith.index_cast %parallel_loop3A_1232 : i32 to index
        %parallel_loop3A_1295 = arith.constant 80 : index
        %parallel_loop3A_1296 = tpu.vector_load %arg8[%parallel_loop3A_1294, %parallel_loop3A_1295] {strides = array<i32>} : memref<128x128xf32, #tpu.memory_space<vmem>>, vector<1x16xf32>,
        %parallel_loop3A_1297 = vector.shape_cast %parallel_loop3A_1296 : vector<1x16xf32> to vector<16xf32>
        %parallel_loop3A_1298 = vector.shape_cast %parallel_loop3A_1293 : vector<16xf32> to vector<1x16xf32>
        tpu.vector_store %arg8[%parallel_loop3A_1294, %parallel_loop3A_1295], %parallel_loop3A_1298 {strides = array<i32>} : memref<128x128xf32, #tpu.memory_space<vmem>>, vector<1x16xf32>,
        %parallel_loop3A_1299 = arith.index_cast %parallel_loop3A_1232 : i32 to index
        %parallel_loop3A_1300 = arith.constant 96 : index
        %parallel_loop3A_1301 = tpu.vector_load %arg8[%parallel_loop3A_1299, %parallel_loop3A_1300] {strides = array<i32>} : memref<128x128xf32, #tpu.memory_space<vmem>>, vector<1x16xf32>,
        %parallel_loop3A_1302 = vector.shape_cast %parallel_loop3A_1301 : vector<1x16xf32> to vector<16xf32>
        %parallel_loop3A_1303 = vector.broadcast %parallel_loop3A_1228 : f32 to vector<16xf32>
        %parallel_loop3A_1304 = arith.mulf %parallel_loop3A_1302, %parallel_loop3A_1303 : vector<16xf32>
        %parallel_loop3A_1305 = arith.index_cast %parallel_loop3A_1232 : i32 to index
        %parallel_loop3A_1306 = arith.constant 96 : index
        %parallel_loop3A_1307 = tpu.vector_load %arg8[%parallel_loop3A_1305, %parallel_loop3A_1306] {strides = array<i32>} : memref<128x128xf32, #tpu.memory_space<vmem>>, vector<1x16xf32>,
        %parallel_loop3A_1308 = vector.shape_cast %parallel_loop3A_1307 : vector<1x16xf32> to vector<16xf32>
        %parallel_loop3A_1309 = vector.shape_cast %parallel_loop3A_1304 : vector<16xf32> to vector<1x16xf32>
        tpu.vector_store %arg8[%parallel_loop3A_1305, %parallel_loop3A_1306], %parallel_loop3A_1309 {strides = array<i32>} : memref<128x128xf32, #tpu.memory_space<vmem>>, vector<1x16xf32>,
        %parallel_loop3A_1310 = arith.index_cast %parallel_loop3A_1232 : i32 to index
        %parallel_loop3A_1311 = arith.constant 112 : index
        %parallel_loop3A_1312 = tpu.vector_load %arg8[%parallel_loop3A_1310, %parallel_loop3A_1311] {strides = array<i32>} : memref<128x128xf32, #tpu.memory_space<vmem>>, vector<1x16xf32>,
        %parallel_loop3A_1313 = vector.shape_cast %parallel_loop3A_1312 : vector<1x16xf32> to vector<16xf32>
        %parallel_loop3A_1314 = vector.broadcast %parallel_loop3A_1228 : f32 to vector<16xf32>
        %parallel_loop3A_1315 = arith.mulf %parallel_loop3A_1313, %parallel_loop3A_1314 : vector<16xf32>
        %parallel_loop3A_1316 = arith.index_cast %parallel_loop3A_1232 : i32 to index
        %parallel_loop3A_1317 = arith.constant 112 : index
        %parallel_loop3A_1318 = tpu.vector_load %arg8[%parallel_loop3A_1316, %parallel_loop3A_1317] {strides = array<i32>} : memref<128x128xf32, #tpu.memory_space<vmem>>, vector<1x16xf32>,
        %parallel_loop3A_1319 = vector.shape_cast %parallel_loop3A_1318 : vector<1x16xf32> to vector<16xf32>
        %parallel_loop3A_1320 = vector.shape_cast %parallel_loop3A_1315 : vector<16xf32> to vector<1x16xf32>
        tpu.vector_store %arg8[%parallel_loop3A_1316, %parallel_loop3A_1317], %parallel_loop3A_1320 {strides = array<i32>} : memref<128x128xf32, #tpu.memory_space<vmem>>, vector<1x16xf32>,
        %parallel_loop3A_1321 = vector.extract_strided_slice %parallel_loop3A_98 {offsets = [13], sizes = [1], strides = [1]} : vector<16xf32> to vector<1xf32>
        %parallel_loop3A_1322 = vector.extract %parallel_loop3A_1321[0] : f32 from vector<1xf32>
        %parallel_loop3A_1323 = arith.constant 16 : i32
        %parallel_loop3A_1324 = arith.muli %parallel_loop3A_93, %parallel_loop3A_1323 : i32
        %parallel_loop3A_1325 = arith.constant 13 : i32
        %parallel_loop3A_1326 = arith.addi %parallel_loop3A_1324, %parallel_loop3A_1325 : i32
        %parallel_loop3A_1327 = arith.index_cast %parallel_loop3A_1326 : i32 to index
        %parallel_loop3A_1328 = arith.constant 0 : index
        %parallel_loop3A_1329 = tpu.vector_load %arg8[%parallel_loop3A_1327, %parallel_loop3A_1328] {strides = array<i32>} : memref<128x128xf32, #tpu.memory_space<vmem>>, vector<1x16xf32>,
        %parallel_loop3A_1330 = vector.shape_cast %parallel_loop3A_1329 : vector<1x16xf32> to vector<16xf32>
        %parallel_loop3A_1331 = vector.broadcast %parallel_loop3A_1322 : f32 to vector<16xf32>
        %parallel_loop3A_1332 = arith.mulf %parallel_loop3A_1330, %parallel_loop3A_1331 : vector<16xf32>
        %parallel_loop3A_1333 = arith.index_cast %parallel_loop3A_1326 : i32 to index
        %parallel_loop3A_1334 = arith.constant 0 : index
        %parallel_loop3A_1335 = tpu.vector_load %arg8[%parallel_loop3A_1333, %parallel_loop3A_1334] {strides = array<i32>} : memref<128x128xf32, #tpu.memory_space<vmem>>, vector<1x16xf32>,
        %parallel_loop3A_1336 = vector.shape_cast %parallel_loop3A_1335 : vector<1x16xf32> to vector<16xf32>
        %parallel_loop3A_1337 = vector.shape_cast %parallel_loop3A_1332 : vector<16xf32> to vector<1x16xf32>
        tpu.vector_store %arg8[%parallel_loop3A_1333, %parallel_loop3A_1334], %parallel_loop3A_1337 {strides = array<i32>} : memref<128x128xf32, #tpu.memory_space<vmem>>, vector<1x16xf32>,
        %parallel_loop3A_1338 = arith.index_cast %parallel_loop3A_1326 : i32 to index
        %parallel_loop3A_1339 = arith.constant 16 : index
        %parallel_loop3A_1340 = tpu.vector_load %arg8[%parallel_loop3A_1338, %parallel_loop3A_1339] {strides = array<i32>} : memref<128x128xf32, #tpu.memory_space<vmem>>, vector<1x16xf32>,
        %parallel_loop3A_1341 = vector.shape_cast %parallel_loop3A_1340 : vector<1x16xf32> to vector<16xf32>
        %parallel_loop3A_1342 = vector.broadcast %parallel_loop3A_1322 : f32 to vector<16xf32>
        %parallel_loop3A_1343 = arith.mulf %parallel_loop3A_1341, %parallel_loop3A_1342 : vector<16xf32>
        %parallel_loop3A_1344 = arith.index_cast %parallel_loop3A_1326 : i32 to index
        %parallel_loop3A_1345 = arith.constant 16 : index
        %parallel_loop3A_1346 = tpu.vector_load %arg8[%parallel_loop3A_1344, %parallel_loop3A_1345] {strides = array<i32>} : memref<128x128xf32, #tpu.memory_space<vmem>>, vector<1x16xf32>,
        %parallel_loop3A_1347 = vector.shape_cast %parallel_loop3A_1346 : vector<1x16xf32> to vector<16xf32>
        %parallel_loop3A_1348 = vector.shape_cast %parallel_loop3A_1343 : vector<16xf32> to vector<1x16xf32>
        tpu.vector_store %arg8[%parallel_loop3A_1344, %parallel_loop3A_1345], %parallel_loop3A_1348 {strides = array<i32>} : memref<128x128xf32, #tpu.memory_space<vmem>>, vector<1x16xf32>,
        %parallel_loop3A_1349 = arith.index_cast %parallel_loop3A_1326 : i32 to index
        %parallel_loop3A_1350 = arith.constant 32 : index
        %parallel_loop3A_1351 = tpu.vector_load %arg8[%parallel_loop3A_1349, %parallel_loop3A_1350] {strides = array<i32>} : memref<128x128xf32, #tpu.memory_space<vmem>>, vector<1x16xf32>,
        %parallel_loop3A_1352 = vector.shape_cast %parallel_loop3A_1351 : vector<1x16xf32> to vector<16xf32>
        %parallel_loop3A_1353 = vector.broadcast %parallel_loop3A_1322 : f32 to vector<16xf32>
        %parallel_loop3A_1354 = arith.mulf %parallel_loop3A_1352, %parallel_loop3A_1353 : vector<16xf32>
        %parallel_loop3A_1355 = arith.index_cast %parallel_loop3A_1326 : i32 to index
        %parallel_loop3A_1356 = arith.constant 32 : index
        %parallel_loop3A_1357 = tpu.vector_load %arg8[%parallel_loop3A_1355, %parallel_loop3A_1356] {strides = array<i32>} : memref<128x128xf32, #tpu.memory_space<vmem>>, vector<1x16xf32>,
        %parallel_loop3A_1358 = vector.shape_cast %parallel_loop3A_1357 : vector<1x16xf32> to vector<16xf32>
        %parallel_loop3A_1359 = vector.shape_cast %parallel_loop3A_1354 : vector<16xf32> to vector<1x16xf32>
        tpu.vector_store %arg8[%parallel_loop3A_1355, %parallel_loop3A_1356], %parallel_loop3A_1359 {strides = array<i32>} : memref<128x128xf32, #tpu.memory_space<vmem>>, vector<1x16xf32>,
        %parallel_loop3A_1360 = arith.index_cast %parallel_loop3A_1326 : i32 to index
        %parallel_loop3A_1361 = arith.constant 48 : index
        %parallel_loop3A_1362 = tpu.vector_load %arg8[%parallel_loop3A_1360, %parallel_loop3A_1361] {strides = array<i32>} : memref<128x128xf32, #tpu.memory_space<vmem>>, vector<1x16xf32>,
        %parallel_loop3A_1363 = vector.shape_cast %parallel_loop3A_1362 : vector<1x16xf32> to vector<16xf32>
        %parallel_loop3A_1364 = vector.broadcast %parallel_loop3A_1322 : f32 to vector<16xf32>
        %parallel_loop3A_1365 = arith.mulf %parallel_loop3A_1363, %parallel_loop3A_1364 : vector<16xf32>
        %parallel_loop3A_1366 = arith.index_cast %parallel_loop3A_1326 : i32 to index
        %parallel_loop3A_1367 = arith.constant 48 : index
        %parallel_loop3A_1368 = tpu.vector_load %arg8[%parallel_loop3A_1366, %parallel_loop3A_1367] {strides = array<i32>} : memref<128x128xf32, #tpu.memory_space<vmem>>, vector<1x16xf32>,
        %parallel_loop3A_1369 = vector.shape_cast %parallel_loop3A_1368 : vector<1x16xf32> to vector<16xf32>
        %parallel_loop3A_1370 = vector.shape_cast %parallel_loop3A_1365 : vector<16xf32> to vector<1x16xf32>
        tpu.vector_store %arg8[%parallel_loop3A_1366, %parallel_loop3A_1367], %parallel_loop3A_1370 {strides = array<i32>} : memref<128x128xf32, #tpu.memory_space<vmem>>, vector<1x16xf32>,
        %parallel_loop3A_1371 = arith.index_cast %parallel_loop3A_1326 : i32 to index
        %parallel_loop3A_1372 = arith.constant 64 : index
        %parallel_loop3A_1373 = tpu.vector_load %arg8[%parallel_loop3A_1371, %parallel_loop3A_1372] {strides = array<i32>} : memref<128x128xf32, #tpu.memory_space<vmem>>, vector<1x16xf32>,
        %parallel_loop3A_1374 = vector.shape_cast %parallel_loop3A_1373 : vector<1x16xf32> to vector<16xf32>
        %parallel_loop3A_1375 = vector.broadcast %parallel_loop3A_1322 : f32 to vector<16xf32>
        %parallel_loop3A_1376 = arith.mulf %parallel_loop3A_1374, %parallel_loop3A_1375 : vector<16xf32>
        %parallel_loop3A_1377 = arith.index_cast %parallel_loop3A_1326 : i32 to index
        %parallel_loop3A_1378 = arith.constant 64 : index
        %parallel_loop3A_1379 = tpu.vector_load %arg8[%parallel_loop3A_1377, %parallel_loop3A_1378] {strides = array<i32>} : memref<128x128xf32, #tpu.memory_space<vmem>>, vector<1x16xf32>,
        %parallel_loop3A_1380 = vector.shape_cast %parallel_loop3A_1379 : vector<1x16xf32> to vector<16xf32>
        %parallel_loop3A_1381 = vector.shape_cast %parallel_loop3A_1376 : vector<16xf32> to vector<1x16xf32>
        tpu.vector_store %arg8[%parallel_loop3A_1377, %parallel_loop3A_1378], %parallel_loop3A_1381 {strides = array<i32>} : memref<128x128xf32, #tpu.memory_space<vmem>>, vector<1x16xf32>,
        %parallel_loop3A_1382 = arith.index_cast %parallel_loop3A_1326 : i32 to index
        %parallel_loop3A_1383 = arith.constant 80 : index
        %parallel_loop3A_1384 = tpu.vector_load %arg8[%parallel_loop3A_1382, %parallel_loop3A_1383] {strides = array<i32>} : memref<128x128xf32, #tpu.memory_space<vmem>>, vector<1x16xf32>,
        %parallel_loop3A_1385 = vector.shape_cast %parallel_loop3A_1384 : vector<1x16xf32> to vector<16xf32>
        %parallel_loop3A_1386 = vector.broadcast %parallel_loop3A_1322 : f32 to vector<16xf32>
        %parallel_loop3A_1387 = arith.mulf %parallel_loop3A_1385, %parallel_loop3A_1386 : vector<16xf32>
        %parallel_loop3A_1388 = arith.index_cast %parallel_loop3A_1326 : i32 to index
        %parallel_loop3A_1389 = arith.constant 80 : index
        %parallel_loop3A_1390 = tpu.vector_load %arg8[%parallel_loop3A_1388, %parallel_loop3A_1389] {strides = array<i32>} : memref<128x128xf32, #tpu.memory_space<vmem>>, vector<1x16xf32>,
        %parallel_loop3A_1391 = vector.shape_cast %parallel_loop3A_1390 : vector<1x16xf32> to vector<16xf32>
        %parallel_loop3A_1392 = vector.shape_cast %parallel_loop3A_1387 : vector<16xf32> to vector<1x16xf32>
        tpu.vector_store %arg8[%parallel_loop3A_1388, %parallel_loop3A_1389], %parallel_loop3A_1392 {strides = array<i32>} : memref<128x128xf32, #tpu.memory_space<vmem>>, vector<1x16xf32>,
        %parallel_loop3A_1393 = arith.index_cast %parallel_loop3A_1326 : i32 to index
        %parallel_loop3A_1394 = arith.constant 96 : index
        %parallel_loop3A_1395 = tpu.vector_load %arg8[%parallel_loop3A_1393, %parallel_loop3A_1394] {strides = array<i32>} : memref<128x128xf32, #tpu.memory_space<vmem>>, vector<1x16xf32>,
        %parallel_loop3A_1396 = vector.shape_cast %parallel_loop3A_1395 : vector<1x16xf32> to vector<16xf32>
        %parallel_loop3A_1397 = vector.broadcast %parallel_loop3A_1322 : f32 to vector<16xf32>
        %parallel_loop3A_1398 = arith.mulf %parallel_loop3A_1396, %parallel_loop3A_1397 : vector<16xf32>
        %parallel_loop3A_1399 = arith.index_cast %parallel_loop3A_1326 : i32 to index
        %parallel_loop3A_1400 = arith.constant 96 : index
        %parallel_loop3A_1401 = tpu.vector_load %arg8[%parallel_loop3A_1399, %parallel_loop3A_1400] {strides = array<i32>} : memref<128x128xf32, #tpu.memory_space<vmem>>, vector<1x16xf32>,
        %parallel_loop3A_1402 = vector.shape_cast %parallel_loop3A_1401 : vector<1x16xf32> to vector<16xf32>
        %parallel_loop3A_1403 = vector.shape_cast %parallel_loop3A_1398 : vector<16xf32> to vector<1x16xf32>
        tpu.vector_store %arg8[%parallel_loop3A_1399, %parallel_loop3A_1400], %parallel_loop3A_1403 {strides = array<i32>} : memref<128x128xf32, #tpu.memory_space<vmem>>, vector<1x16xf32>,
        %parallel_loop3A_1404 = arith.index_cast %parallel_loop3A_1326 : i32 to index
        %parallel_loop3A_1405 = arith.constant 112 : index
        %parallel_loop3A_1406 = tpu.vector_load %arg8[%parallel_loop3A_1404, %parallel_loop3A_1405] {strides = array<i32>} : memref<128x128xf32, #tpu.memory_space<vmem>>, vector<1x16xf32>,
        %parallel_loop3A_1407 = vector.shape_cast %parallel_loop3A_1406 : vector<1x16xf32> to vector<16xf32>
        %parallel_loop3A_1408 = vector.broadcast %parallel_loop3A_1322 : f32 to vector<16xf32>
        %parallel_loop3A_1409 = arith.mulf %parallel_loop3A_1407, %parallel_loop3A_1408 : vector<16xf32>
        %parallel_loop3A_1410 = arith.index_cast %parallel_loop3A_1326 : i32 to index
        %parallel_loop3A_1411 = arith.constant 112 : index
        %parallel_loop3A_1412 = tpu.vector_load %arg8[%parallel_loop3A_1410, %parallel_loop3A_1411] {strides = array<i32>} : memref<128x128xf32, #tpu.memory_space<vmem>>, vector<1x16xf32>,
        %parallel_loop3A_1413 = vector.shape_cast %parallel_loop3A_1412 : vector<1x16xf32> to vector<16xf32>
        %parallel_loop3A_1414 = vector.shape_cast %parallel_loop3A_1409 : vector<16xf32> to vector<1x16xf32>
        tpu.vector_store %arg8[%parallel_loop3A_1410, %parallel_loop3A_1411], %parallel_loop3A_1414 {strides = array<i32>} : memref<128x128xf32, #tpu.memory_space<vmem>>, vector<1x16xf32>,
        %parallel_loop3A_1415 = vector.extract_strided_slice %parallel_loop3A_98 {offsets = [14], sizes = [1], strides = [1]} : vector<16xf32> to vector<1xf32>
        %parallel_loop3A_1416 = vector.extract %parallel_loop3A_1415[0] : f32 from vector<1xf32>
        %parallel_loop3A_1417 = arith.constant 16 : i32
        %parallel_loop3A_1418 = arith.muli %parallel_loop3A_93, %parallel_loop3A_1417 : i32
        %parallel_loop3A_1419 = arith.constant 14 : i32
        %parallel_loop3A_1420 = arith.addi %parallel_loop3A_1418, %parallel_loop3A_1419 : i32
        %parallel_loop3A_1421 = arith.index_cast %parallel_loop3A_1420 : i32 to index
        %parallel_loop3A_1422 = arith.constant 0 : index
        %parallel_loop3A_1423 = tpu.vector_load %arg8[%parallel_loop3A_1421, %parallel_loop3A_1422] {strides = array<i32>} : memref<128x128xf32, #tpu.memory_space<vmem>>, vector<1x16xf32>,
        %parallel_loop3A_1424 = vector.shape_cast %parallel_loop3A_1423 : vector<1x16xf32> to vector<16xf32>
        %parallel_loop3A_1425 = vector.broadcast %parallel_loop3A_1416 : f32 to vector<16xf32>
        %parallel_loop3A_1426 = arith.mulf %parallel_loop3A_1424, %parallel_loop3A_1425 : vector<16xf32>
        %parallel_loop3A_1427 = arith.index_cast %parallel_loop3A_1420 : i32 to index
        %parallel_loop3A_1428 = arith.constant 0 : index
        %parallel_loop3A_1429 = tpu.vector_load %arg8[%parallel_loop3A_1427, %parallel_loop3A_1428] {strides = array<i32>} : memref<128x128xf32, #tpu.memory_space<vmem>>, vector<1x16xf32>,
        %parallel_loop3A_1430 = vector.shape_cast %parallel_loop3A_1429 : vector<1x16xf32> to vector<16xf32>
        %parallel_loop3A_1431 = vector.shape_cast %parallel_loop3A_1426 : vector<16xf32> to vector<1x16xf32>
        tpu.vector_store %arg8[%parallel_loop3A_1427, %parallel_loop3A_1428], %parallel_loop3A_1431 {strides = array<i32>} : memref<128x128xf32, #tpu.memory_space<vmem>>, vector<1x16xf32>,
        %parallel_loop3A_1432 = arith.index_cast %parallel_loop3A_1420 : i32 to index
        %parallel_loop3A_1433 = arith.constant 16 : index
        %parallel_loop3A_1434 = tpu.vector_load %arg8[%parallel_loop3A_1432, %parallel_loop3A_1433] {strides = array<i32>} : memref<128x128xf32, #tpu.memory_space<vmem>>, vector<1x16xf32>,
        %parallel_loop3A_1435 = vector.shape_cast %parallel_loop3A_1434 : vector<1x16xf32> to vector<16xf32>
        %parallel_loop3A_1436 = vector.broadcast %parallel_loop3A_1416 : f32 to vector<16xf32>
        %parallel_loop3A_1437 = arith.mulf %parallel_loop3A_1435, %parallel_loop3A_1436 : vector<16xf32>
        %parallel_loop3A_1438 = arith.index_cast %parallel_loop3A_1420 : i32 to index
        %parallel_loop3A_1439 = arith.constant 16 : index
        %parallel_loop3A_1440 = tpu.vector_load %arg8[%parallel_loop3A_1438, %parallel_loop3A_1439] {strides = array<i32>} : memref<128x128xf32, #tpu.memory_space<vmem>>, vector<1x16xf32>,
        %parallel_loop3A_1441 = vector.shape_cast %parallel_loop3A_1440 : vector<1x16xf32> to vector<16xf32>
        %parallel_loop3A_1442 = vector.shape_cast %parallel_loop3A_1437 : vector<16xf32> to vector<1x16xf32>
        tpu.vector_store %arg8[%parallel_loop3A_1438, %parallel_loop3A_1439], %parallel_loop3A_1442 {strides = array<i32>} : memref<128x128xf32, #tpu.memory_space<vmem>>, vector<1x16xf32>,
        %parallel_loop3A_1443 = arith.index_cast %parallel_loop3A_1420 : i32 to index
        %parallel_loop3A_1444 = arith.constant 32 : index
        %parallel_loop3A_1445 = tpu.vector_load %arg8[%parallel_loop3A_1443, %parallel_loop3A_1444] {strides = array<i32>} : memref<128x128xf32, #tpu.memory_space<vmem>>, vector<1x16xf32>,
        %parallel_loop3A_1446 = vector.shape_cast %parallel_loop3A_1445 : vector<1x16xf32> to vector<16xf32>
        %parallel_loop3A_1447 = vector.broadcast %parallel_loop3A_1416 : f32 to vector<16xf32>
        %parallel_loop3A_1448 = arith.mulf %parallel_loop3A_1446, %parallel_loop3A_1447 : vector<16xf32>
        %parallel_loop3A_1449 = arith.index_cast %parallel_loop3A_1420 : i32 to index
        %parallel_loop3A_1450 = arith.constant 32 : index
        %parallel_loop3A_1451 = tpu.vector_load %arg8[%parallel_loop3A_1449, %parallel_loop3A_1450] {strides = array<i32>} : memref<128x128xf32, #tpu.memory_space<vmem>>, vector<1x16xf32>,
        %parallel_loop3A_1452 = vector.shape_cast %parallel_loop3A_1451 : vector<1x16xf32> to vector<16xf32>
        %parallel_loop3A_1453 = vector.shape_cast %parallel_loop3A_1448 : vector<16xf32> to vector<1x16xf32>
        tpu.vector_store %arg8[%parallel_loop3A_1449, %parallel_loop3A_1450], %parallel_loop3A_1453 {strides = array<i32>} : memref<128x128xf32, #tpu.memory_space<vmem>>, vector<1x16xf32>,
        %parallel_loop3A_1454 = arith.index_cast %parallel_loop3A_1420 : i32 to index
        %parallel_loop3A_1455 = arith.constant 48 : index
        %parallel_loop3A_1456 = tpu.vector_load %arg8[%parallel_loop3A_1454, %parallel_loop3A_1455] {strides = array<i32>} : memref<128x128xf32, #tpu.memory_space<vmem>>, vector<1x16xf32>,
        %parallel_loop3A_1457 = vector.shape_cast %parallel_loop3A_1456 : vector<1x16xf32> to vector<16xf32>
        %parallel_loop3A_1458 = vector.broadcast %parallel_loop3A_1416 : f32 to vector<16xf32>
        %parallel_loop3A_1459 = arith.mulf %parallel_loop3A_1457, %parallel_loop3A_1458 : vector<16xf32>
        %parallel_loop3A_1460 = arith.index_cast %parallel_loop3A_1420 : i32 to index
        %parallel_loop3A_1461 = arith.constant 48 : index
        %parallel_loop3A_1462 = tpu.vector_load %arg8[%parallel_loop3A_1460, %parallel_loop3A_1461] {strides = array<i32>} : memref<128x128xf32, #tpu.memory_space<vmem>>, vector<1x16xf32>,
        %parallel_loop3A_1463 = vector.shape_cast %parallel_loop3A_1462 : vector<1x16xf32> to vector<16xf32>
        %parallel_loop3A_1464 = vector.shape_cast %parallel_loop3A_1459 : vector<16xf32> to vector<1x16xf32>
        tpu.vector_store %arg8[%parallel_loop3A_1460, %parallel_loop3A_1461], %parallel_loop3A_1464 {strides = array<i32>} : memref<128x128xf32, #tpu.memory_space<vmem>>, vector<1x16xf32>,
        %parallel_loop3A_1465 = arith.index_cast %parallel_loop3A_1420 : i32 to index
        %parallel_loop3A_1466 = arith.constant 64 : index
        %parallel_loop3A_1467 = tpu.vector_load %arg8[%parallel_loop3A_1465, %parallel_loop3A_1466] {strides = array<i32>} : memref<128x128xf32, #tpu.memory_space<vmem>>, vector<1x16xf32>,
        %parallel_loop3A_1468 = vector.shape_cast %parallel_loop3A_1467 : vector<1x16xf32> to vector<16xf32>
        %parallel_loop3A_1469 = vector.broadcast %parallel_loop3A_1416 : f32 to vector<16xf32>
        %parallel_loop3A_1470 = arith.mulf %parallel_loop3A_1468, %parallel_loop3A_1469 : vector<16xf32>
        %parallel_loop3A_1471 = arith.index_cast %parallel_loop3A_1420 : i32 to index
        %parallel_loop3A_1472 = arith.constant 64 : index
        %parallel_loop3A_1473 = tpu.vector_load %arg8[%parallel_loop3A_1471, %parallel_loop3A_1472] {strides = array<i32>} : memref<128x128xf32, #tpu.memory_space<vmem>>, vector<1x16xf32>,
        %parallel_loop3A_1474 = vector.shape_cast %parallel_loop3A_1473 : vector<1x16xf32> to vector<16xf32>
        %parallel_loop3A_1475 = vector.shape_cast %parallel_loop3A_1470 : vector<16xf32> to vector<1x16xf32>
        tpu.vector_store %arg8[%parallel_loop3A_1471, %parallel_loop3A_1472], %parallel_loop3A_1475 {strides = array<i32>} : memref<128x128xf32, #tpu.memory_space<vmem>>, vector<1x16xf32>,
        %parallel_loop3A_1476 = arith.index_cast %parallel_loop3A_1420 : i32 to index
        %parallel_loop3A_1477 = arith.constant 80 : index
        %parallel_loop3A_1478 = tpu.vector_load %arg8[%parallel_loop3A_1476, %parallel_loop3A_1477] {strides = array<i32>} : memref<128x128xf32, #tpu.memory_space<vmem>>, vector<1x16xf32>,
        %parallel_loop3A_1479 = vector.shape_cast %parallel_loop3A_1478 : vector<1x16xf32> to vector<16xf32>
        %parallel_loop3A_1480 = vector.broadcast %parallel_loop3A_1416 : f32 to vector<16xf32>
        %parallel_loop3A_1481 = arith.mulf %parallel_loop3A_1479, %parallel_loop3A_1480 : vector<16xf32>
        %parallel_loop3A_1482 = arith.index_cast %parallel_loop3A_1420 : i32 to index
        %parallel_loop3A_1483 = arith.constant 80 : index
        %parallel_loop3A_1484 = tpu.vector_load %arg8[%parallel_loop3A_1482, %parallel_loop3A_1483] {strides = array<i32>} : memref<128x128xf32, #tpu.memory_space<vmem>>, vector<1x16xf32>,
        %parallel_loop3A_1485 = vector.shape_cast %parallel_loop3A_1484 : vector<1x16xf32> to vector<16xf32>
        %parallel_loop3A_1486 = vector.shape_cast %parallel_loop3A_1481 : vector<16xf32> to vector<1x16xf32>
        tpu.vector_store %arg8[%parallel_loop3A_1482, %parallel_loop3A_1483], %parallel_loop3A_1486 {strides = array<i32>} : memref<128x128xf32, #tpu.memory_space<vmem>>, vector<1x16xf32>,
        %parallel_loop3A_1487 = arith.index_cast %parallel_loop3A_1420 : i32 to index
        %parallel_loop3A_1488 = arith.constant 96 : index
        %parallel_loop3A_1489 = tpu.vector_load %arg8[%parallel_loop3A_1487, %parallel_loop3A_1488] {strides = array<i32>} : memref<128x128xf32, #tpu.memory_space<vmem>>, vector<1x16xf32>,
        %parallel_loop3A_1490 = vector.shape_cast %parallel_loop3A_1489 : vector<1x16xf32> to vector<16xf32>
        %parallel_loop3A_1491 = vector.broadcast %parallel_loop3A_1416 : f32 to vector<16xf32>
        %parallel_loop3A_1492 = arith.mulf %parallel_loop3A_1490, %parallel_loop3A_1491 : vector<16xf32>
        %parallel_loop3A_1493 = arith.index_cast %parallel_loop3A_1420 : i32 to index
        %parallel_loop3A_1494 = arith.constant 96 : index
        %parallel_loop3A_1495 = tpu.vector_load %arg8[%parallel_loop3A_1493, %parallel_loop3A_1494] {strides = array<i32>} : memref<128x128xf32, #tpu.memory_space<vmem>>, vector<1x16xf32>,
        %parallel_loop3A_1496 = vector.shape_cast %parallel_loop3A_1495 : vector<1x16xf32> to vector<16xf32>
        %parallel_loop3A_1497 = vector.shape_cast %parallel_loop3A_1492 : vector<16xf32> to vector<1x16xf32>
        tpu.vector_store %arg8[%parallel_loop3A_1493, %parallel_loop3A_1494], %parallel_loop3A_1497 {strides = array<i32>} : memref<128x128xf32, #tpu.memory_space<vmem>>, vector<1x16xf32>,
        %parallel_loop3A_1498 = arith.index_cast %parallel_loop3A_1420 : i32 to index
        %parallel_loop3A_1499 = arith.constant 112 : index
        %parallel_loop3A_1500 = tpu.vector_load %arg8[%parallel_loop3A_1498, %parallel_loop3A_1499] {strides = array<i32>} : memref<128x128xf32, #tpu.memory_space<vmem>>, vector<1x16xf32>,
        %parallel_loop3A_1501 = vector.shape_cast %parallel_loop3A_1500 : vector<1x16xf32> to vector<16xf32>
        %parallel_loop3A_1502 = vector.broadcast %parallel_loop3A_1416 : f32 to vector<16xf32>
        %parallel_loop3A_1503 = arith.mulf %parallel_loop3A_1501, %parallel_loop3A_1502 : vector<16xf32>
        %parallel_loop3A_1504 = arith.index_cast %parallel_loop3A_1420 : i32 to index
        %parallel_loop3A_1505 = arith.constant 112 : index
        %parallel_loop3A_1506 = tpu.vector_load %arg8[%parallel_loop3A_1504, %parallel_loop3A_1505] {strides = array<i32>} : memref<128x128xf32, #tpu.memory_space<vmem>>, vector<1x16xf32>,
        %parallel_loop3A_1507 = vector.shape_cast %parallel_loop3A_1506 : vector<1x16xf32> to vector<16xf32>
        %parallel_loop3A_1508 = vector.shape_cast %parallel_loop3A_1503 : vector<16xf32> to vector<1x16xf32>
        tpu.vector_store %arg8[%parallel_loop3A_1504, %parallel_loop3A_1505], %parallel_loop3A_1508 {strides = array<i32>} : memref<128x128xf32, #tpu.memory_space<vmem>>, vector<1x16xf32>,
        %parallel_loop3A_1509 = vector.extract_strided_slice %parallel_loop3A_98 {offsets = [15], sizes = [1], strides = [1]} : vector<16xf32> to vector<1xf32>
        %parallel_loop3A_1510 = vector.extract %parallel_loop3A_1509[0] : f32 from vector<1xf32>
        %parallel_loop3A_1511 = arith.constant 16 : i32
        %parallel_loop3A_1512 = arith.muli %parallel_loop3A_93, %parallel_loop3A_1511 : i32
        %parallel_loop3A_1513 = arith.constant 15 : i32
        %parallel_loop3A_1514 = arith.addi %parallel_loop3A_1512, %parallel_loop3A_1513 : i32
        %parallel_loop3A_1515 = arith.index_cast %parallel_loop3A_1514 : i32 to index
        %parallel_loop3A_1516 = arith.constant 0 : index
        %parallel_loop3A_1517 = tpu.vector_load %arg8[%parallel_loop3A_1515, %parallel_loop3A_1516] {strides = array<i32>} : memref<128x128xf32, #tpu.memory_space<vmem>>, vector<1x16xf32>,
        %parallel_loop3A_1518 = vector.shape_cast %parallel_loop3A_1517 : vector<1x16xf32> to vector<16xf32>
        %parallel_loop3A_1519 = vector.broadcast %parallel_loop3A_1510 : f32 to vector<16xf32>
        %parallel_loop3A_1520 = arith.mulf %parallel_loop3A_1518, %parallel_loop3A_1519 : vector<16xf32>
        %parallel_loop3A_1521 = arith.index_cast %parallel_loop3A_1514 : i32 to index
        %parallel_loop3A_1522 = arith.constant 0 : index
        %parallel_loop3A_1523 = tpu.vector_load %arg8[%parallel_loop3A_1521, %parallel_loop3A_1522] {strides = array<i32>} : memref<128x128xf32, #tpu.memory_space<vmem>>, vector<1x16xf32>,
        %parallel_loop3A_1524 = vector.shape_cast %parallel_loop3A_1523 : vector<1x16xf32> to vector<16xf32>
        %parallel_loop3A_1525 = vector.shape_cast %parallel_loop3A_1520 : vector<16xf32> to vector<1x16xf32>
        tpu.vector_store %arg8[%parallel_loop3A_1521, %parallel_loop3A_1522], %parallel_loop3A_1525 {strides = array<i32>} : memref<128x128xf32, #tpu.memory_space<vmem>>, vector<1x16xf32>,
        %parallel_loop3A_1526 = arith.index_cast %parallel_loop3A_1514 : i32 to index
        %parallel_loop3A_1527 = arith.constant 16 : index
        %parallel_loop3A_1528 = tpu.vector_load %arg8[%parallel_loop3A_1526, %parallel_loop3A_1527] {strides = array<i32>} : memref<128x128xf32, #tpu.memory_space<vmem>>, vector<1x16xf32>,
        %parallel_loop3A_1529 = vector.shape_cast %parallel_loop3A_1528 : vector<1x16xf32> to vector<16xf32>
        %parallel_loop3A_1530 = vector.broadcast %parallel_loop3A_1510 : f32 to vector<16xf32>
        %parallel_loop3A_1531 = arith.mulf %parallel_loop3A_1529, %parallel_loop3A_1530 : vector<16xf32>
        %parallel_loop3A_1532 = arith.index_cast %parallel_loop3A_1514 : i32 to index
        %parallel_loop3A_1533 = arith.constant 16 : index
        %parallel_loop3A_1534 = tpu.vector_load %arg8[%parallel_loop3A_1532, %parallel_loop3A_1533] {strides = array<i32>} : memref<128x128xf32, #tpu.memory_space<vmem>>, vector<1x16xf32>,
        %parallel_loop3A_1535 = vector.shape_cast %parallel_loop3A_1534 : vector<1x16xf32> to vector<16xf32>
        %parallel_loop3A_1536 = vector.shape_cast %parallel_loop3A_1531 : vector<16xf32> to vector<1x16xf32>
        tpu.vector_store %arg8[%parallel_loop3A_1532, %parallel_loop3A_1533], %parallel_loop3A_1536 {strides = array<i32>} : memref<128x128xf32, #tpu.memory_space<vmem>>, vector<1x16xf32>,
        %parallel_loop3A_1537 = arith.index_cast %parallel_loop3A_1514 : i32 to index
        %parallel_loop3A_1538 = arith.constant 32 : index
        %parallel_loop3A_1539 = tpu.vector_load %arg8[%parallel_loop3A_1537, %parallel_loop3A_1538] {strides = array<i32>} : memref<128x128xf32, #tpu.memory_space<vmem>>, vector<1x16xf32>,
        %parallel_loop3A_1540 = vector.shape_cast %parallel_loop3A_1539 : vector<1x16xf32> to vector<16xf32>
        %parallel_loop3A_1541 = vector.broadcast %parallel_loop3A_1510 : f32 to vector<16xf32>
        %parallel_loop3A_1542 = arith.mulf %parallel_loop3A_1540, %parallel_loop3A_1541 : vector<16xf32>
        %parallel_loop3A_1543 = arith.index_cast %parallel_loop3A_1514 : i32 to index
        %parallel_loop3A_1544 = arith.constant 32 : index
        %parallel_loop3A_1545 = tpu.vector_load %arg8[%parallel_loop3A_1543, %parallel_loop3A_1544] {strides = array<i32>} : memref<128x128xf32, #tpu.memory_space<vmem>>, vector<1x16xf32>,
        %parallel_loop3A_1546 = vector.shape_cast %parallel_loop3A_1545 : vector<1x16xf32> to vector<16xf32>
        %parallel_loop3A_1547 = vector.shape_cast %parallel_loop3A_1542 : vector<16xf32> to vector<1x16xf32>
        tpu.vector_store %arg8[%parallel_loop3A_1543, %parallel_loop3A_1544], %parallel_loop3A_1547 {strides = array<i32>} : memref<128x128xf32, #tpu.memory_space<vmem>>, vector<1x16xf32>,
        %parallel_loop3A_1548 = arith.index_cast %parallel_loop3A_1514 : i32 to index
        %parallel_loop3A_1549 = arith.constant 48 : index
        %parallel_loop3A_1550 = tpu.vector_load %arg8[%parallel_loop3A_1548, %parallel_loop3A_1549] {strides = array<i32>} : memref<128x128xf32, #tpu.memory_space<vmem>>, vector<1x16xf32>,
        %parallel_loop3A_1551 = vector.shape_cast %parallel_loop3A_1550 : vector<1x16xf32> to vector<16xf32>
        %parallel_loop3A_1552 = vector.broadcast %parallel_loop3A_1510 : f32 to vector<16xf32>
        %parallel_loop3A_1553 = arith.mulf %parallel_loop3A_1551, %parallel_loop3A_1552 : vector<16xf32>
        %parallel_loop3A_1554 = arith.index_cast %parallel_loop3A_1514 : i32 to index
        %parallel_loop3A_1555 = arith.constant 48 : index
        %parallel_loop3A_1556 = tpu.vector_load %arg8[%parallel_loop3A_1554, %parallel_loop3A_1555] {strides = array<i32>} : memref<128x128xf32, #tpu.memory_space<vmem>>, vector<1x16xf32>,
        %parallel_loop3A_1557 = vector.shape_cast %parallel_loop3A_1556 : vector<1x16xf32> to vector<16xf32>
        %parallel_loop3A_1558 = vector.shape_cast %parallel_loop3A_1553 : vector<16xf32> to vector<1x16xf32>
        tpu.vector_store %arg8[%parallel_loop3A_1554, %parallel_loop3A_1555], %parallel_loop3A_1558 {strides = array<i32>} : memref<128x128xf32, #tpu.memory_space<vmem>>, vector<1x16xf32>,
        %parallel_loop3A_1559 = arith.index_cast %parallel_loop3A_1514 : i32 to index
        %parallel_loop3A_1560 = arith.constant 64 : index
        %parallel_loop3A_1561 = tpu.vector_load %arg8[%parallel_loop3A_1559, %parallel_loop3A_1560] {strides = array<i32>} : memref<128x128xf32, #tpu.memory_space<vmem>>, vector<1x16xf32>,
        %parallel_loop3A_1562 = vector.shape_cast %parallel_loop3A_1561 : vector<1x16xf32> to vector<16xf32>
        %parallel_loop3A_1563 = vector.broadcast %parallel_loop3A_1510 : f32 to vector<16xf32>
        %parallel_loop3A_1564 = arith.mulf %parallel_loop3A_1562, %parallel_loop3A_1563 : vector<16xf32>
        %parallel_loop3A_1565 = arith.index_cast %parallel_loop3A_1514 : i32 to index
        %parallel_loop3A_1566 = arith.constant 64 : index
        %parallel_loop3A_1567 = tpu.vector_load %arg8[%parallel_loop3A_1565, %parallel_loop3A_1566] {strides = array<i32>} : memref<128x128xf32, #tpu.memory_space<vmem>>, vector<1x16xf32>,
        %parallel_loop3A_1568 = vector.shape_cast %parallel_loop3A_1567 : vector<1x16xf32> to vector<16xf32>
        %parallel_loop3A_1569 = vector.shape_cast %parallel_loop3A_1564 : vector<16xf32> to vector<1x16xf32>
        tpu.vector_store %arg8[%parallel_loop3A_1565, %parallel_loop3A_1566], %parallel_loop3A_1569 {strides = array<i32>} : memref<128x128xf32, #tpu.memory_space<vmem>>, vector<1x16xf32>,
        %parallel_loop3A_1570 = arith.index_cast %parallel_loop3A_1514 : i32 to index
        %parallel_loop3A_1571 = arith.constant 80 : index
        %parallel_loop3A_1572 = tpu.vector_load %arg8[%parallel_loop3A_1570, %parallel_loop3A_1571] {strides = array<i32>} : memref<128x128xf32, #tpu.memory_space<vmem>>, vector<1x16xf32>,
        %parallel_loop3A_1573 = vector.shape_cast %parallel_loop3A_1572 : vector<1x16xf32> to vector<16xf32>
        %parallel_loop3A_1574 = vector.broadcast %parallel_loop3A_1510 : f32 to vector<16xf32>
        %parallel_loop3A_1575 = arith.mulf %parallel_loop3A_1573, %parallel_loop3A_1574 : vector<16xf32>
        %parallel_loop3A_1576 = arith.index_cast %parallel_loop3A_1514 : i32 to index
        %parallel_loop3A_1577 = arith.constant 80 : index
        %parallel_loop3A_1578 = tpu.vector_load %arg8[%parallel_loop3A_1576, %parallel_loop3A_1577] {strides = array<i32>} : memref<128x128xf32, #tpu.memory_space<vmem>>, vector<1x16xf32>,
        %parallel_loop3A_1579 = vector.shape_cast %parallel_loop3A_1578 : vector<1x16xf32> to vector<16xf32>
        %parallel_loop3A_1580 = vector.shape_cast %parallel_loop3A_1575 : vector<16xf32> to vector<1x16xf32>
        tpu.vector_store %arg8[%parallel_loop3A_1576, %parallel_loop3A_1577], %parallel_loop3A_1580 {strides = array<i32>} : memref<128x128xf32, #tpu.memory_space<vmem>>, vector<1x16xf32>,
        %parallel_loop3A_1581 = arith.index_cast %parallel_loop3A_1514 : i32 to index
        %parallel_loop3A_1582 = arith.constant 96 : index
        %parallel_loop3A_1583 = tpu.vector_load %arg8[%parallel_loop3A_1581, %parallel_loop3A_1582] {strides = array<i32>} : memref<128x128xf32, #tpu.memory_space<vmem>>, vector<1x16xf32>,
        %parallel_loop3A_1584 = vector.shape_cast %parallel_loop3A_1583 : vector<1x16xf32> to vector<16xf32>
        %parallel_loop3A_1585 = vector.broadcast %parallel_loop3A_1510 : f32 to vector<16xf32>
        %parallel_loop3A_1586 = arith.mulf %parallel_loop3A_1584, %parallel_loop3A_1585 : vector<16xf32>
        %parallel_loop3A_1587 = arith.index_cast %parallel_loop3A_1514 : i32 to index
        %parallel_loop3A_1588 = arith.constant 96 : index
        %parallel_loop3A_1589 = tpu.vector_load %arg8[%parallel_loop3A_1587, %parallel_loop3A_1588] {strides = array<i32>} : memref<128x128xf32, #tpu.memory_space<vmem>>, vector<1x16xf32>,
        %parallel_loop3A_1590 = vector.shape_cast %parallel_loop3A_1589 : vector<1x16xf32> to vector<16xf32>
        %parallel_loop3A_1591 = vector.shape_cast %parallel_loop3A_1586 : vector<16xf32> to vector<1x16xf32>
        tpu.vector_store %arg8[%parallel_loop3A_1587, %parallel_loop3A_1588], %parallel_loop3A_1591 {strides = array<i32>} : memref<128x128xf32, #tpu.memory_space<vmem>>, vector<1x16xf32>,
        %parallel_loop3A_1592 = arith.index_cast %parallel_loop3A_1514 : i32 to index
        %parallel_loop3A_1593 = arith.constant 112 : index
        %parallel_loop3A_1594 = tpu.vector_load %arg8[%parallel_loop3A_1592, %parallel_loop3A_1593] {strides = array<i32>} : memref<128x128xf32, #tpu.memory_space<vmem>>, vector<1x16xf32>,
        %parallel_loop3A_1595 = vector.shape_cast %parallel_loop3A_1594 : vector<1x16xf32> to vector<16xf32>
        %parallel_loop3A_1596 = vector.broadcast %parallel_loop3A_1510 : f32 to vector<16xf32>
        %parallel_loop3A_1597 = arith.mulf %parallel_loop3A_1595, %parallel_loop3A_1596 : vector<16xf32>
        %parallel_loop3A_1598 = arith.index_cast %parallel_loop3A_1514 : i32 to index
        %parallel_loop3A_1599 = arith.constant 112 : index
        %parallel_loop3A_1600 = tpu.vector_load %arg8[%parallel_loop3A_1598, %parallel_loop3A_1599] {strides = array<i32>} : memref<128x128xf32, #tpu.memory_space<vmem>>, vector<1x16xf32>,
        %parallel_loop3A_1601 = vector.shape_cast %parallel_loop3A_1600 : vector<1x16xf32> to vector<16xf32>
        %parallel_loop3A_1602 = vector.shape_cast %parallel_loop3A_1597 : vector<16xf32> to vector<1x16xf32>
        tpu.vector_store %arg8[%parallel_loop3A_1598, %parallel_loop3A_1599], %parallel_loop3A_1602 {strides = array<i32>} : memref<128x128xf32, #tpu.memory_space<vmem>>, vector<1x16xf32>,
      } {sc.loop_unroll_factor = 2 : i64, sc.parallel_access}
      %run_scoped3A = arith.constant 0 : i32
      "tpu.region"() ({
        %run_scoped3A_93 = tpu.sem_alloc : memref<!tpu.dma_semaphore, #tpu.memory_space<semaphore_mem>>
        %dma_start3A_94 = arith.constant 0 : i32
        %dma_start3A_95 = tpu.memref_slice %arg6[%run_scoped3A, %dma_start3A_94] : memref<2x128xi32, #tpu.memory_space<vmem>> -> memref<1x128xi32, #tpu.memory_space<vmem>>
        %dma_start3A_96 = tpu.memref_squeeze %dma_start3A_95 : memref<1x128xi32, #tpu.memory_space<vmem>> -> memref<128xi32, #tpu.memory_space<vmem>>
        %dma_start3A_97 = arith.constant 0 : i32
        %dma_start3A_98 = arith.constant 0 : i32
        %dma_start3A_99 = tpu.memref_slice %arg10[%dma_start3A_97, %dma_start3A_98] : memref<10240x128xf32, #tpu.memory_space<vmem_shared>> -> memref<10240x128xf32, #tpu.memory_space<vmem_shared>>
        tpu.enqueue_indirect_dma source(%arg8 : memref<128x128xf32, #tpu.memory_space<vmem>>) target(%dma_start3A_99 : memref<10240x128xf32, #tpu.memory_space<vmem_shared>>) offsets(%dma_start3A_96 : memref<128xi32, #tpu.memory_space<vmem>>) semaphore(%run_scoped3A_93 : memref<!tpu.dma_semaphore, #tpu.memory_space<semaphore_mem>>) {add = true}
        %dma_wait3A_100 = arith.constant 0 : i32
        %dma_wait3A_101 = tpu.memref_slice %arg6[%run_scoped3A, %dma_wait3A_100] : memref<2x128xi32, #tpu.memory_space<vmem>> -> memref<1x128xi32, #tpu.memory_space<vmem>>
        %dma_wait3A_102 = tpu.memref_squeeze %dma_wait3A_101 : memref<1x128xi32, #tpu.memory_space<vmem>> -> memref<128xi32, #tpu.memory_space<vmem>>
        %dma_wait3A_103 = arith.constant 0 : i32
        %dma_wait3A_104 = arith.constant 0 : i32
        %dma_wait3A_105 = tpu.memref_slice %arg10[%dma_wait3A_103, %dma_wait3A_104] : memref<10240x128xf32, #tpu.memory_space<vmem_shared>> -> memref<10240x128xf32, #tpu.memory_space<vmem_shared>>
        tpu.wait_indirect_dma semaphore(%run_scoped3A_93 : memref<!tpu.dma_semaphore, #tpu.memory_space<semaphore_mem>>) src(%arg8 : memref<128x128xf32, #tpu.memory_space<vmem>>) dst(%dma_wait3A_105 : memref<10240x128xf32, #tpu.memory_space<vmem_shared>>)
        tpu.yield
      }) : () -> ()
    }
    %scan3A_33 = arith.constant 79 : i32
    %barrier3A_34 = arith.constant 0 : index
    tpu.barrier barrier_id(%barrier3A_34)
    %mul3A_35 = arith.constant 640 : i32
    %mul3A_36 = arith.muli %arg1, %mul3A_35 : i32
    %add3A_37 = arith.constant 0 : i32
    %add3A_38 = arith.addi %mul3A_36, %add3A_37 : i32
    "tpu.region"() ({
      %run_scoped3A = tpu.sem_alloc : memref<!tpu.dma_semaphore, #tpu.memory_space<semaphore_mem>>
      %dma_start3A = arith.constant 0 : i32
      %dma_start3A_75 = tpu.memref_slice %arg10[%add3A_38, %dma_start3A] : memref<10240x128xf32, #tpu.memory_space<vmem_shared>> -> memref<128x128xf32, #tpu.memory_space<vmem_shared>>
      %dma_start3A_76 = arith.constant 0 : i32
      %dma_start3A_77 = tpu.memref_slice %arg10[%add3A_38, %dma_start3A_76] : memref<10240x128xf32, #tpu.memory_space<vmem_shared>> -> memref<128x128xf32, #tpu.memory_space<vmem_shared>>
      tpu.enqueue_dma source(%dma_start3A_77 : memref<128x128xf32, #tpu.memory_space<vmem_shared>>) target(%arg9 : memref<128x128xf32, #tpu.memory_space<vmem>>) target_semaphore(%run_scoped3A : memref<!tpu.dma_semaphore, #tpu.memory_space<semaphore_mem>>)
      %dma_wait3A = arith.constant 0 : i32
      %dma_wait3A_78 = tpu.memref_slice %arg10[%add3A_38, %dma_wait3A] : memref<10240x128xf32, #tpu.memory_space<vmem_shared>> -> memref<128x128xf32, #tpu.memory_space<vmem_shared>>
      %dma_wait3A_79 = arith.constant 0 : i32
      %dma_wait3A_80 = tpu.memref_slice %arg10[%add3A_38, %dma_wait3A_79] : memref<10240x128xf32, #tpu.memory_space<vmem_shared>> -> memref<128x128xf32, #tpu.memory_space<vmem_shared>>
      tpu.wait_dma2 semaphore(%run_scoped3A : memref<!tpu.dma_semaphore, #tpu.memory_space<semaphore_mem>>) src(%dma_wait3A_80 : memref<128x128xf32, #tpu.memory_space<vmem_shared>>) dst(%arg9 : memref<128x128xf32, #tpu.memory_space<vmem>>)
      tpu.yield
    }) : () -> ()
    %mul3A_39 = arith.constant 640 : i32
    %mul3A_40 = arith.muli %arg1, %mul3A_39 : i32
    %add3A_41 = arith.constant 0 : i32
    %add3A_42 = arith.addi %mul3A_40, %add3A_41 : i32
    "tpu.region"() ({
      %run_scoped3A = tpu.sem_alloc : memref<!tpu.dma_semaphore, #tpu.memory_space<semaphore_mem>>
      %dma_start3A = arith.constant 0 : i32
      %dma_start3A_75 = tpu.memref_slice %arg5[%arg0, %add3A_42, %dma_start3A] : memref<2x10240x128xf32, #tpu.memory_space<hbm>> -> memref<1x128x128xf32, #tpu.memory_space<hbm>>
      %dma_start3A_76 = tpu.memref_squeeze %dma_start3A_75 : memref<1x128x128xf32, #tpu.memory_space<hbm>> -> memref<128x128xf32, #tpu.memory_space<hbm>>
      %dma_start3A_77 = arith.constant 0 : i32
      %dma_start3A_78 = tpu.memref_slice %arg5[%arg0, %add3A_42, %dma_start3A_77] : memref<2x10240x128xf32, #tpu.memory_space<hbm>> -> memref<1x128x128xf32, #tpu.memory_space<hbm>>
      %dma_start3A_79 = tpu.memref_squeeze %dma_start3A_78 : memref<1x128x128xf32, #tpu.memory_space<hbm>> -> memref<128x128xf32, #tpu.memory_space<hbm>>
      tpu.enqueue_dma source(%arg9 : memref<128x128xf32, #tpu.memory_space<vmem>>) target(%dma_start3A_79 : memref<128x128xf32, #tpu.memory_space<hbm>>) target_semaphore(%run_scoped3A : memref<!tpu.dma_semaphore, #tpu.memory_space<semaphore_mem>>)
      %dma_wait3A = arith.constant 0 : i32
      %dma_wait3A_80 = tpu.memref_slice %arg5[%arg0, %add3A_42, %dma_wait3A] : memref<2x10240x128xf32, #tpu.memory_space<hbm>> -> memref<1x128x128xf32, #tpu.memory_space<hbm>>
      %dma_wait3A_81 = tpu.memref_squeeze %dma_wait3A_80 : memref<1x128x128xf32, #tpu.memory_space<hbm>> -> memref<128x128xf32, #tpu.memory_space<hbm>>
      %dma_wait3A_82 = arith.constant 0 : i32
      %dma_wait3A_83 = tpu.memref_slice %arg5[%arg0, %add3A_42, %dma_wait3A_82] : memref<2x10240x128xf32, #tpu.memory_space<hbm>> -> memref<1x128x128xf32, #tpu.memory_space<hbm>>
      %dma_wait3A_84 = tpu.memref_squeeze %dma_wait3A_83 : memref<1x128x128xf32, #tpu.memory_space<hbm>> -> memref<128x128xf32, #tpu.memory_space<hbm>>
      tpu.wait_dma2 semaphore(%run_scoped3A : memref<!tpu.dma_semaphore, #tpu.memory_space<semaphore_mem>>) src(%arg9 : memref<128x128xf32, #tpu.memory_space<vmem>>) dst(%dma_wait3A_84 : memref<128x128xf32, #tpu.memory_space<hbm>>)
      tpu.yield
    }) : () -> ()
    %mul3A_43 = arith.constant 640 : i32
    %mul3A_44 = arith.muli %arg1, %mul3A_43 : i32
    %add3A_45 = arith.constant 128 : i32
    %add3A_46 = arith.addi %mul3A_44, %add3A_45 : i32
    "tpu.region"() ({
      %run_scoped3A = tpu.sem_alloc : memref<!tpu.dma_semaphore, #tpu.memory_space<semaphore_mem>>
      %dma_start3A = arith.constant 0 : i32
      %dma_start3A_75 = tpu.memref_slice %arg10[%add3A_46, %dma_start3A] : memref<10240x128xf32, #tpu.memory_space<vmem_shared>> -> memref<128x128xf32, #tpu.memory_space<vmem_shared>>
      %dma_start3A_76 = arith.constant 0 : i32
      %dma_start3A_77 = tpu.memref_slice %arg10[%add3A_46, %dma_start3A_76] : memref<10240x128xf32, #tpu.memory_space<vmem_shared>> -> memref<128x128xf32, #tpu.memory_space<vmem_shared>>
      tpu.enqueue_dma source(%dma_start3A_77 : memref<128x128xf32, #tpu.memory_space<vmem_shared>>) target(%arg9 : memref<128x128xf32, #tpu.memory_space<vmem>>) target_semaphore(%run_scoped3A : memref<!tpu.dma_semaphore, #tpu.memory_space<semaphore_mem>>)
      %dma_wait3A = arith.constant 0 : i32
      %dma_wait3A_78 = tpu.memref_slice %arg10[%add3A_46, %dma_wait3A] : memref<10240x128xf32, #tpu.memory_space<vmem_shared>> -> memref<128x128xf32, #tpu.memory_space<vmem_shared>>
      %dma_wait3A_79 = arith.constant 0 : i32
      %dma_wait3A_80 = tpu.memref_slice %arg10[%add3A_46, %dma_wait3A_79] : memref<10240x128xf32, #tpu.memory_space<vmem_shared>> -> memref<128x128xf32, #tpu.memory_space<vmem_shared>>
      tpu.wait_dma2 semaphore(%run_scoped3A : memref<!tpu.dma_semaphore, #tpu.memory_space<semaphore_mem>>) src(%dma_wait3A_80 : memref<128x128xf32, #tpu.memory_space<vmem_shared>>) dst(%arg9 : memref<128x128xf32, #tpu.memory_space<vmem>>)
      tpu.yield
    }) : () -> ()
    %mul3A_47 = arith.constant 640 : i32
    %mul3A_48 = arith.muli %arg1, %mul3A_47 : i32
    %add3A_49 = arith.constant 128 : i32
    %add3A_50 = arith.addi %mul3A_48, %add3A_49 : i32
    "tpu.region"() ({
      %run_scoped3A = tpu.sem_alloc : memref<!tpu.dma_semaphore, #tpu.memory_space<semaphore_mem>>
      %dma_start3A = arith.constant 0 : i32
      %dma_start3A_75 = tpu.memref_slice %arg5[%arg0, %add3A_50, %dma_start3A] : memref<2x10240x128xf32, #tpu.memory_space<hbm>> -> memref<1x128x128xf32, #tpu.memory_space<hbm>>
      %dma_start3A_76 = tpu.memref_squeeze %dma_start3A_75 : memref<1x128x128xf32, #tpu.memory_space<hbm>> -> memref<128x128xf32, #tpu.memory_space<hbm>>
      %dma_start3A_77 = arith.constant 0 : i32
      %dma_start3A_78 = tpu.memref_slice %arg5[%arg0, %add3A_50, %dma_start3A_77] : memref<2x10240x128xf32, #tpu.memory_space<hbm>> -> memref<1x128x128xf32, #tpu.memory_space<hbm>>
      %dma_start3A_79 = tpu.memref_squeeze %dma_start3A_78 : memref<1x128x128xf32, #tpu.memory_space<hbm>> -> memref<128x128xf32, #tpu.memory_space<hbm>>
      tpu.enqueue_dma source(%arg9 : memref<128x128xf32, #tpu.memory_space<vmem>>) target(%dma_start3A_79 : memref<128x128xf32, #tpu.memory_space<hbm>>) target_semaphore(%run_scoped3A : memref<!tpu.dma_semaphore, #tpu.memory_space<semaphore_mem>>)
      %dma_wait3A = arith.constant 0 : i32
      %dma_wait3A_80 = tpu.memref_slice %arg5[%arg0, %add3A_50, %dma_wait3A] : memref<2x10240x128xf32, #tpu.memory_space<hbm>> -> memref<1x128x128xf32, #tpu.memory_space<hbm>>
      %dma_wait3A_81 = tpu.memref_squeeze %dma_wait3A_80 : memref<1x128x128xf32, #tpu.memory_space<hbm>> -> memref<128x128xf32, #tpu.memory_space<hbm>>
      %dma_wait3A_82 = arith.constant 0 : i32
      %dma_wait3A_83 = tpu.memref_slice %arg5[%arg0, %add3A_50, %dma_wait3A_82] : memref<2x10240x128xf32, #tpu.memory_space<hbm>> -> memref<1x128x128xf32, #tpu.memory_space<hbm>>
      %dma_wait3A_84 = tpu.memref_squeeze %dma_wait3A_83 : memref<1x128x128xf32, #tpu.memory_space<hbm>> -> memref<128x128xf32, #tpu.memory_space<hbm>>
      tpu.wait_dma2 semaphore(%run_scoped3A : memref<!tpu.dma_semaphore, #tpu.memory_space<semaphore_mem>>) src(%arg9 : memref<128x128xf32, #tpu.memory_space<vmem>>) dst(%dma_wait3A_84 : memref<128x128xf32, #tpu.memory_space<hbm>>)
      tpu.yield
    }) : () -> ()
    %mul3A_51 = arith.constant 640 : i32
    %mul3A_52 = arith.muli %arg1, %mul3A_51 : i32
    %add3A_53 = arith.constant 256 : i32
    %add3A_54 = arith.addi %mul3A_52, %add3A_53 : i32
    "tpu.region"() ({
      %run_scoped3A = tpu.sem_alloc : memref<!tpu.dma_semaphore, #tpu.memory_space<semaphore_mem>>
      %dma_start3A = arith.constant 0 : i32
      %dma_start3A_75 = tpu.memref_slice %arg10[%add3A_54, %dma_start3A] : memref<10240x128xf32, #tpu.memory_space<vmem_shared>> -> memref<128x128xf32, #tpu.memory_space<vmem_shared>>
      %dma_start3A_76 = arith.constant 0 : i32
      %dma_start3A_77 = tpu.memref_slice %arg10[%add3A_54, %dma_start3A_76] : memref<10240x128xf32, #tpu.memory_space<vmem_shared>> -> memref<128x128xf32, #tpu.memory_space<vmem_shared>>
      tpu.enqueue_dma source(%dma_start3A_77 : memref<128x128xf32, #tpu.memory_space<vmem_shared>>) target(%arg9 : memref<128x128xf32, #tpu.memory_space<vmem>>) target_semaphore(%run_scoped3A : memref<!tpu.dma_semaphore, #tpu.memory_space<semaphore_mem>>)
      %dma_wait3A = arith.constant 0 : i32
      %dma_wait3A_78 = tpu.memref_slice %arg10[%add3A_54, %dma_wait3A] : memref<10240x128xf32, #tpu.memory_space<vmem_shared>> -> memref<128x128xf32, #tpu.memory_space<vmem_shared>>
      %dma_wait3A_79 = arith.constant 0 : i32
      %dma_wait3A_80 = tpu.memref_slice %arg10[%add3A_54, %dma_wait3A_79] : memref<10240x128xf32, #tpu.memory_space<vmem_shared>> -> memref<128x128xf32, #tpu.memory_space<vmem_shared>>
      tpu.wait_dma2 semaphore(%run_scoped3A : memref<!tpu.dma_semaphore, #tpu.memory_space<semaphore_mem>>) src(%dma_wait3A_80 : memref<128x128xf32, #tpu.memory_space<vmem_shared>>) dst(%arg9 : memref<128x128xf32, #tpu.memory_space<vmem>>)
      tpu.yield
    }) : () -> ()
    %mul3A_55 = arith.constant 640 : i32
    %mul3A_56 = arith.muli %arg1, %mul3A_55 : i32
    %add3A_57 = arith.constant 256 : i32
    %add3A_58 = arith.addi %mul3A_56, %add3A_57 : i32
    "tpu.region"() ({
      %run_scoped3A = tpu.sem_alloc : memref<!tpu.dma_semaphore, #tpu.memory_space<semaphore_mem>>
      %dma_start3A = arith.constant 0 : i32
      %dma_start3A_75 = tpu.memref_slice %arg5[%arg0, %add3A_58, %dma_start3A] : memref<2x10240x128xf32, #tpu.memory_space<hbm>> -> memref<1x128x128xf32, #tpu.memory_space<hbm>>
      %dma_start3A_76 = tpu.memref_squeeze %dma_start3A_75 : memref<1x128x128xf32, #tpu.memory_space<hbm>> -> memref<128x128xf32, #tpu.memory_space<hbm>>
      %dma_start3A_77 = arith.constant 0 : i32
      %dma_start3A_78 = tpu.memref_slice %arg5[%arg0, %add3A_58, %dma_start3A_77] : memref<2x10240x128xf32, #tpu.memory_space<hbm>> -> memref<1x128x128xf32, #tpu.memory_space<hbm>>
      %dma_start3A_79 = tpu.memref_squeeze %dma_start3A_78 : memref<1x128x128xf32, #tpu.memory_space<hbm>> -> memref<128x128xf32, #tpu.memory_space<hbm>>
      tpu.enqueue_dma source(%arg9 : memref<128x128xf32, #tpu.memory_space<vmem>>) target(%dma_start3A_79 : memref<128x128xf32, #tpu.memory_space<hbm>>) target_semaphore(%run_scoped3A : memref<!tpu.dma_semaphore, #tpu.memory_space<semaphore_mem>>)
      %dma_wait3A = arith.constant 0 : i32
      %dma_wait3A_80 = tpu.memref_slice %arg5[%arg0, %add3A_58, %dma_wait3A] : memref<2x10240x128xf32, #tpu.memory_space<hbm>> -> memref<1x128x128xf32, #tpu.memory_space<hbm>>
      %dma_wait3A_81 = tpu.memref_squeeze %dma_wait3A_80 : memref<1x128x128xf32, #tpu.memory_space<hbm>> -> memref<128x128xf32, #tpu.memory_space<hbm>>
      %dma_wait3A_82 = arith.constant 0 : i32
      %dma_wait3A_83 = tpu.memref_slice %arg5[%arg0, %add3A_58, %dma_wait3A_82] : memref<2x10240x128xf32, #tpu.memory_space<hbm>> -> memref<1x128x128xf32, #tpu.memory_space<hbm>>
      %dma_wait3A_84 = tpu.memref_squeeze %dma_wait3A_83 : memref<1x128x128xf32, #tpu.memory_space<hbm>> -> memref<128x128xf32, #tpu.memory_space<hbm>>
      tpu.wait_dma2 semaphore(%run_scoped3A : memref<!tpu.dma_semaphore, #tpu.memory_space<semaphore_mem>>) src(%arg9 : memref<128x128xf32, #tpu.memory_space<vmem>>) dst(%dma_wait3A_84 : memref<128x128xf32, #tpu.memory_space<hbm>>)
      tpu.yield
    }) : () -> ()
    %mul3A_59 = arith.constant 640 : i32
    %mul3A_60 = arith.muli %arg1, %mul3A_59 : i32
    %add3A_61 = arith.constant 384 : i32
    %add3A_62 = arith.addi %mul3A_60, %add3A_61 : i32
    "tpu.region"() ({
      %run_scoped3A = tpu.sem_alloc : memref<!tpu.dma_semaphore, #tpu.memory_space<semaphore_mem>>
      %dma_start3A = arith.constant 0 : i32
      %dma_start3A_75 = tpu.memref_slice %arg10[%add3A_62, %dma_start3A] : memref<10240x128xf32, #tpu.memory_space<vmem_shared>> -> memref<128x128xf32, #tpu.memory_space<vmem_shared>>
      %dma_start3A_76 = arith.constant 0 : i32
      %dma_start3A_77 = tpu.memref_slice %arg10[%add3A_62, %dma_start3A_76] : memref<10240x128xf32, #tpu.memory_space<vmem_shared>> -> memref<128x128xf32, #tpu.memory_space<vmem_shared>>
      tpu.enqueue_dma source(%dma_start3A_77 : memref<128x128xf32, #tpu.memory_space<vmem_shared>>) target(%arg9 : memref<128x128xf32, #tpu.memory_space<vmem>>) target_semaphore(%run_scoped3A : memref<!tpu.dma_semaphore, #tpu.memory_space<semaphore_mem>>)
      %dma_wait3A = arith.constant 0 : i32
      %dma_wait3A_78 = tpu.memref_slice %arg10[%add3A_62, %dma_wait3A] : memref<10240x128xf32, #tpu.memory_space<vmem_shared>> -> memref<128x128xf32, #tpu.memory_space<vmem_shared>>
      %dma_wait3A_79 = arith.constant 0 : i32
      %dma_wait3A_80 = tpu.memref_slice %arg10[%add3A_62, %dma_wait3A_79] : memref<10240x128xf32, #tpu.memory_space<vmem_shared>> -> memref<128x128xf32, #tpu.memory_space<vmem_shared>>
      tpu.wait_dma2 semaphore(%run_scoped3A : memref<!tpu.dma_semaphore, #tpu.memory_space<semaphore_mem>>) src(%dma_wait3A_80 : memref<128x128xf32, #tpu.memory_space<vmem_shared>>) dst(%arg9 : memref<128x128xf32, #tpu.memory_space<vmem>>)
      tpu.yield
    }) : () -> ()
    %mul3A_63 = arith.constant 640 : i32
    %mul3A_64 = arith.muli %arg1, %mul3A_63 : i32
    %add3A_65 = arith.constant 384 : i32
    %add3A_66 = arith.addi %mul3A_64, %add3A_65 : i32
    "tpu.region"() ({
      %run_scoped3A = tpu.sem_alloc : memref<!tpu.dma_semaphore, #tpu.memory_space<semaphore_mem>>
      %dma_start3A = arith.constant 0 : i32
      %dma_start3A_75 = tpu.memref_slice %arg5[%arg0, %add3A_66, %dma_start3A] : memref<2x10240x128xf32, #tpu.memory_space<hbm>> -> memref<1x128x128xf32, #tpu.memory_space<hbm>>
      %dma_start3A_76 = tpu.memref_squeeze %dma_start3A_75 : memref<1x128x128xf32, #tpu.memory_space<hbm>> -> memref<128x128xf32, #tpu.memory_space<hbm>>
      %dma_start3A_77 = arith.constant 0 : i32
      %dma_start3A_78 = tpu.memref_slice %arg5[%arg0, %add3A_66, %dma_start3A_77] : memref<2x10240x128xf32, #tpu.memory_space<hbm>> -> memref<1x128x128xf32, #tpu.memory_space<hbm>>
      %dma_start3A_79 = tpu.memref_squeeze %dma_start3A_78 : memref<1x128x128xf32, #tpu.memory_space<hbm>> -> memref<128x128xf32, #tpu.memory_space<hbm>>
      tpu.enqueue_dma source(%arg9 : memref<128x128xf32, #tpu.memory_space<vmem>>) target(%dma_start3A_79 : memref<128x128xf32, #tpu.memory_space<hbm>>) target_semaphore(%run_scoped3A : memref<!tpu.dma_semaphore, #tpu.memory_space<semaphore_mem>>)
      %dma_wait3A = arith.constant 0 : i32
      %dma_wait3A_80 = tpu.memref_slice %arg5[%arg0, %add3A_66, %dma_wait3A] : memref<2x10240x128xf32, #tpu.memory_space<hbm>> -> memref<1x128x128xf32, #tpu.memory_space<hbm>>
      %dma_wait3A_81 = tpu.memref_squeeze %dma_wait3A_80 : memref<1x128x128xf32, #tpu.memory_space<hbm>> -> memref<128x128xf32, #tpu.memory_space<hbm>>
      %dma_wait3A_82 = arith.constant 0 : i32
      %dma_wait3A_83 = tpu.memref_slice %arg5[%arg0, %add3A_66, %dma_wait3A_82] : memref<2x10240x128xf32, #tpu.memory_space<hbm>> -> memref<1x128x128xf32, #tpu.memory_space<hbm>>
      %dma_wait3A_84 = tpu.memref_squeeze %dma_wait3A_83 : memref<1x128x128xf32, #tpu.memory_space<hbm>> -> memref<128x128xf32, #tpu.memory_space<hbm>>
      tpu.wait_dma2 semaphore(%run_scoped3A : memref<!tpu.dma_semaphore, #tpu.memory_space<semaphore_mem>>) src(%arg9 : memref<128x128xf32, #tpu.memory_space<vmem>>) dst(%dma_wait3A_84 : memref<128x128xf32, #tpu.memory_space<hbm>>)
      tpu.yield
    }) : () -> ()
    %mul3A_67 = arith.constant 640 : i32
    %mul3A_68 = arith.muli %arg1, %mul3A_67 : i32
    %add3A_69 = arith.constant 512 : i32
    %add3A_70 = arith.addi %mul3A_68, %add3A_69 : i32
    "tpu.region"() ({
      %run_scoped3A = tpu.sem_alloc : memref<!tpu.dma_semaphore, #tpu.memory_space<semaphore_mem>>
      %dma_start3A = arith.constant 0 : i32
      %dma_start3A_75 = tpu.memref_slice %arg10[%add3A_70, %dma_start3A] : memref<10240x128xf32, #tpu.memory_space<vmem_shared>> -> memref<128x128xf32, #tpu.memory_space<vmem_shared>>
      %dma_start3A_76 = arith.constant 0 : i32
      %dma_start3A_77 = tpu.memref_slice %arg10[%add3A_70, %dma_start3A_76] : memref<10240x128xf32, #tpu.memory_space<vmem_shared>> -> memref<128x128xf32, #tpu.memory_space<vmem_shared>>
      tpu.enqueue_dma source(%dma_start3A_77 : memref<128x128xf32, #tpu.memory_space<vmem_shared>>) target(%arg9 : memref<128x128xf32, #tpu.memory_space<vmem>>) target_semaphore(%run_scoped3A : memref<!tpu.dma_semaphore, #tpu.memory_space<semaphore_mem>>)
      %dma_wait3A = arith.constant 0 : i32
      %dma_wait3A_78 = tpu.memref_slice %arg10[%add3A_70, %dma_wait3A] : memref<10240x128xf32, #tpu.memory_space<vmem_shared>> -> memref<128x128xf32, #tpu.memory_space<vmem_shared>>
      %dma_wait3A_79 = arith.constant 0 : i32
      %dma_wait3A_80 = tpu.memref_slice %arg10[%add3A_70, %dma_wait3A_79] : memref<10240x128xf32, #tpu.memory_space<vmem_shared>> -> memref<128x128xf32, #tpu.memory_space<vmem_shared>>
      tpu.wait_dma2 semaphore(%run_scoped3A : memref<!tpu.dma_semaphore, #tpu.memory_space<semaphore_mem>>) src(%dma_wait3A_80 : memref<128x128xf32, #tpu.memory_space<vmem_shared>>) dst(%arg9 : memref<128x128xf32, #tpu.memory_space<vmem>>)
      tpu.yield
    }) : () -> ()
    %mul3A_71 = arith.constant 640 : i32
    %mul3A_72 = arith.muli %arg1, %mul3A_71 : i32
    %add3A_73 = arith.constant 512 : i32
    %add3A_74 = arith.addi %mul3A_72, %add3A_73 : i32
    "tpu.region"() ({
      %run_scoped3A = tpu.sem_alloc : memref<!tpu.dma_semaphore, #tpu.memory_space<semaphore_mem>>
      %dma_start3A = arith.constant 0 : i32
      %dma_start3A_75 = tpu.memref_slice %arg5[%arg0, %add3A_74, %dma_start3A] : memref<2x10240x128xf32, #tpu.memory_space<hbm>> -> memref<1x128x128xf32, #tpu.memory_space<hbm>>
      %dma_start3A_76 = tpu.memref_squeeze %dma_start3A_75 : memref<1x128x128xf32, #tpu.memory_space<hbm>> -> memref<128x128xf32, #tpu.memory_space<hbm>>
      %dma_start3A_77 = arith.constant 0 : i32
      %dma_start3A_78 = tpu.memref_slice %arg5[%arg0, %add3A_74, %dma_start3A_77] : memref<2x10240x128xf32, #tpu.memory_space<hbm>> -> memref<1x128x128xf32, #tpu.memory_space<hbm>>
      %dma_start3A_79 = tpu.memref_squeeze %dma_start3A_78 : memref<1x128x128xf32, #tpu.memory_space<hbm>> -> memref<128x128xf32, #tpu.memory_space<hbm>>
      tpu.enqueue_dma source(%arg9 : memref<128x128xf32, #tpu.memory_space<vmem>>) target(%dma_start3A_79 : memref<128x128xf32, #tpu.memory_space<hbm>>) target_semaphore(%run_scoped3A : memref<!tpu.dma_semaphore, #tpu.memory_space<semaphore_mem>>)
      %dma_wait3A = arith.constant 0 : i32
      %dma_wait3A_80 = tpu.memref_slice %arg5[%arg0, %add3A_74, %dma_wait3A] : memref<2x10240x128xf32, #tpu.memory_space<hbm>> -> memref<1x128x128xf32, #tpu.memory_space<hbm>>
      %dma_wait3A_81 = tpu.memref_squeeze %dma_wait3A_80 : memref<1x128x128xf32, #tpu.memory_space<hbm>> -> memref<128x128xf32, #tpu.memory_space<hbm>>
      %dma_wait3A_82 = arith.constant 0 : i32
      %dma_wait3A_83 = tpu.memref_slice %arg5[%arg0, %add3A_74, %dma_wait3A_82] : memref<2x10240x128xf32, #tpu.memory_space<hbm>> -> memref<1x128x128xf32, #tpu.memory_space<hbm>>
      %dma_wait3A_84 = tpu.memref_squeeze %dma_wait3A_83 : memref<1x128x128xf32, #tpu.memory_space<hbm>> -> memref<128x128xf32, #tpu.memory_space<hbm>>
      tpu.wait_dma2 semaphore(%run_scoped3A : memref<!tpu.dma_semaphore, #tpu.memory_space<semaphore_mem>>) src(%arg9 : memref<128x128xf32, #tpu.memory_space<vmem>>) dst(%dma_wait3A_84 : memref<128x128xf32, #tpu.memory_space<hbm>>)
      tpu.yield
    }) : () -> ()
    return
  }
}

module attributes {stable_mosaic.version = 14 : i64} {
  func.func @_k1_body(%arg0: i32, %arg1: memref<1024x128xf32, #tpu.memory_space<vmem>>, %arg2: memref<128x128xf32, #tpu.memory_space<vmem>>, %arg3: memref<1x128xf32, #tpu.memory_space<vmem>>, %arg4: memref<128x128xf32, #tpu.memory_space<vmem>>, %arg5: memref<1x128xf32, #tpu.memory_space<vmem>>, %arg6: memref<2x128xf32, #tpu.memory_space<vmem>>, %arg7: memref<1024x128xf32, #tpu.memory_space<vmem>>, %arg8: memref<2x1024xf32, #tpu.memory_space<vmem>>) attributes {dimension_semantics = [#tpu.dimension_semantics<arbitrary>], iteration_bounds = array<i64: 10>, scalar_prefetch = 0 : i64, scratch_operands = 0 : i64, tpu.core_type = #tpu.core_type<tc>, window_params = [{transform_indices = @transform_0, window_bounds = array<i64: 1024, 128>}, {pipeline_mode = #tpu.pipeline_mode<synchronous>, transform_indices = @transform_1, window_bounds = array<i64: 128, 128>}, {pipeline_mode = #tpu.pipeline_mode<synchronous>, transform_indices = @transform_2, window_bounds = array<i64: 1, 128>}, {pipeline_mode = #tpu.pipeline_mode<synchronous>, transform_indices = @transform_3, window_bounds = array<i64: 128, 128>}, {pipeline_mode = #tpu.pipeline_mode<synchronous>, transform_indices = @transform_4, window_bounds = array<i64: 1, 128>}, {pipeline_mode = #tpu.pipeline_mode<synchronous>, transform_indices = @transform_5, window_bounds = array<i64: 2, 128>}, {transform_indices = @transform_6, window_bounds = array<i64: 1024, 128>}, {transform_indices = @transform_7, window_bounds = array<i64: 2, 1024>}]} {
    %get3A = arith.constant 0 : index
    %get3A_0 = arith.constant 0 : index
    %get3A_1 = vector.load %arg1[%get3A, %get3A_0] : memref<1024x128xf32, #tpu.memory_space<vmem>>, vector<1024x128xf32>
    %get3A_2 = arith.constant 0 : index
    %get3A_3 = arith.constant 0 : index
    %get3A_4 = vector.load %arg2[%get3A_2, %get3A_3] : memref<128x128xf32, #tpu.memory_space<vmem>>, vector<128x128xf32>
    %transpose3A = tpu.transpose %get3A_4, [1, 0] : vector<128x128xf32> -> vector<128x128xf32>
    %dot_general3A = arith.constant dense<0.000000e+00> : vector<1024x128xf32>
    %dot_general3A_5 = tpu.matmul %get3A_1, %transpose3A, %dot_general3A {dimension_numbers = #tpu.dot_dimension_numbers<[1], [0], [0], [1], [0, 0, 1, 1], [], []>, transpose_lhs_hint = false} : vector<1024x128xf32>, vector<128x128xf32>, vector<1024x128xf32> -> vector<1024x128xf32>
    %get3A_6 = arith.constant 0 : index
    %get3A_7 = arith.constant 0 : index
    %get3A_8 = vector.load %arg3[%get3A_6, %get3A_7] : memref<1x128xf32, #tpu.memory_space<vmem>>, vector<1x128xf32>
    %add3A = vector.broadcast %get3A_8 : vector<1x128xf32> to vector<1024x128xf32>
    %add3A_9 = arith.addf %dot_general3A_5, %add3A : vector<1024x128xf32>
    %swap3A = arith.constant 0 : index
    %swap3A_10 = arith.constant 0 : index
    %swap3A_11 = vector.load %arg7[%swap3A, %swap3A_10] : memref<1024x128xf32, #tpu.memory_space<vmem>>, vector<1024x128xf32>
    tpu.vector_store %arg7[%swap3A, %swap3A_10], %add3A_9 {strides = array<i32>} : memref<1024x128xf32, #tpu.memory_space<vmem>>, vector<1024x128xf32>,
    %get3A_12 = arith.constant 0 : index
    %get3A_13 = arith.constant 0 : index
    %get3A_14 = vector.load %arg6[%get3A_12, %get3A_13] : memref<2x128xf32, #tpu.memory_space<vmem>>, vector<2x128xf32>
    %get3A_15 = arith.constant 0 : index
    %get3A_16 = arith.constant 0 : index
    %get3A_17 = vector.load %arg4[%get3A_15, %get3A_16] : memref<128x128xf32, #tpu.memory_space<vmem>>, vector<128x128xf32>
    %dot_general3A_18 = arith.constant dense<0.000000e+00> : vector<2x128xf32>
    %dot_general3A_19 = tpu.matmul %get3A_14, %get3A_17, %dot_general3A_18 {dimension_numbers = #tpu.dot_dimension_numbers<[1], [0], [0], [1], [0, 0, 1, 1], [], []>, transpose_lhs_hint = false} : vector<2x128xf32>, vector<128x128xf32>, vector<2x128xf32> -> vector<2x128xf32>
    %get3A_20 = arith.constant 0 : index
    %get3A_21 = arith.constant 0 : index
    %get3A_22 = vector.load %arg6[%get3A_20, %get3A_21] : memref<2x128xf32, #tpu.memory_space<vmem>>, vector<2x128xf32>
    %get3A_23 = arith.constant 0 : index
    %get3A_24 = arith.constant 0 : index
    %get3A_25 = vector.load %arg5[%get3A_23, %get3A_24] : memref<1x128xf32, #tpu.memory_space<vmem>>, vector<1x128xf32>
    %transpose3A_26 = tpu.transpose %get3A_25, [1, 0] : vector<1x128xf32> -> vector<128x1xf32>
    %dot_general3A_27 = arith.constant dense<0.000000e+00> : vector<2x1xf32>
    %dot_general3A_28 = tpu.matmul %get3A_22, %transpose3A_26, %dot_general3A_27 {dimension_numbers = #tpu.dot_dimension_numbers<[1], [0], [0], [1], [0, 0, 1, 1], [], []>, transpose_lhs_hint = false} : vector<2x128xf32>, vector<128x1xf32>, vector<2x1xf32> -> vector<2x1xf32>
    %transpose3A_29 = tpu.transpose %get3A_1, [1, 0] : vector<1024x128xf32> -> vector<128x1024xf32>
    %dot_general3A_30 = arith.constant dense<0.000000e+00> : vector<2x1024xf32>
    %dot_general3A_31 = tpu.matmul %dot_general3A_19, %transpose3A_29, %dot_general3A_30 {dimension_numbers = #tpu.dot_dimension_numbers<[1], [0], [0], [1], [0, 0, 1, 1], [], []>, transpose_lhs_hint = false} : vector<2x128xf32>, vector<128x1024xf32>, vector<2x1024xf32> -> vector<2x1024xf32>
    %add3A_32 = vector.broadcast %dot_general3A_28 : vector<2x1xf32> to vector<2x1024xf32>
    %add3A_33 = arith.addf %dot_general3A_31, %add3A_32 : vector<2x1024xf32>
    %swap3A_34 = arith.constant 0 : index
    %swap3A_35 = arith.constant 0 : index
    %swap3A_36 = vector.load %arg8[%swap3A_34, %swap3A_35] : memref<2x1024xf32, #tpu.memory_space<vmem>>, vector<2x1024xf32>
    tpu.vector_store %arg8[%swap3A_34, %swap3A_35], %add3A_33 {strides = array<i32>} : memref<2x1024xf32, #tpu.memory_space<vmem>>, vector<2x1024xf32>,
    return
  }
  func.func @transform_0(%arg0: i32) -> (i32, i32) {
    %c0_i32 = arith.constant 0 : i32
    %c0_i32_0 = arith.constant 0 : i32
    return %arg0, %c0_i32 : i32, i32
  }
  func.func @transform_1(%arg0: i32) -> (i32, i32) {
    %c0_i32 = arith.constant 0 : i32
    %c0_i32_0 = arith.constant 0 : i32
    %c0_i32_1 = arith.constant 0 : i32
    return %c0_i32, %c0_i32_0 : i32, i32
  }
  func.func @transform_2(%arg0: i32) -> (i32, i32) {
    %c0_i32 = arith.constant 0 : i32
    %c0_i32_0 = arith.constant 0 : i32
    %c0_i32_1 = arith.constant 0 : i32
    return %c0_i32, %c0_i32_0 : i32, i32
  }
  func.func @transform_3(%arg0: i32) -> (i32, i32) {
    %c0_i32 = arith.constant 0 : i32
    %c0_i32_0 = arith.constant 0 : i32
    %c0_i32_1 = arith.constant 0 : i32
    return %c0_i32, %c0_i32_0 : i32, i32
  }
  func.func @transform_4(%arg0: i32) -> (i32, i32) {
    %c0_i32 = arith.constant 0 : i32
    %c0_i32_0 = arith.constant 0 : i32
    %c0_i32_1 = arith.constant 0 : i32
    return %c0_i32, %c0_i32_0 : i32, i32
  }
  func.func @transform_5(%arg0: i32) -> (i32, i32) {
    %c0_i32 = arith.constant 0 : i32
    %c0_i32_0 = arith.constant 0 : i32
    %c0_i32_1 = arith.constant 0 : i32
    return %c0_i32, %c0_i32_0 : i32, i32
  }
  func.func @transform_6(%arg0: i32) -> (i32, i32) {
    %c0_i32 = arith.constant 0 : i32
    %c0_i32_0 = arith.constant 0 : i32
    return %arg0, %c0_i32 : i32, i32
  }
  func.func @transform_7(%arg0: i32) -> (i32, i32) {
    %c0_i32 = arith.constant 0 : i32
    %c0_i32_0 = arith.constant 0 : i32
    return %c0_i32, %arg0 : i32, i32
  }
}

module attributes {stable_mosaic.version = 14 : i64} {
  func.func @_k3_body(%arg0: i32, %arg1: memref<1024x128xf32, #tpu.memory_space<vmem>>, %arg2: memref<2x1024xf32, #tpu.memory_space<vmem>>, %arg3: memref<1024x128xf32, #tpu.memory_space<vmem>>) attributes {dimension_semantics = [#tpu.dimension_semantics<arbitrary>], iteration_bounds = array<i64: 10>, scalar_prefetch = 0 : i64, scratch_operands = 0 : i64, tpu.core_type = #tpu.core_type<tc>, window_params = [{transform_indices = @transform_0, window_bounds = array<i64: 1024, 128>}, {transform_indices = @transform_1, window_bounds = array<i64: 2, 1024>}, {transform_indices = @transform_2, window_bounds = array<i64: 1024, 128>}]} {
    %get3A = arith.constant 0 : index
    %get3A_0 = arith.constant 0 : index
    %get3A_1 = vector.load %arg2[%get3A, %get3A_0] : memref<2x1024xf32, #tpu.memory_space<vmem>>, vector<1x1024xf32>
    %get3A_2 = vector.shape_cast %get3A_1 : vector<1x1024xf32> to vector<1024xf32>
    %get3A_3 = arith.constant 1 : index
    %get3A_4 = arith.constant 0 : index
    %get3A_5 = vector.load %arg2[%get3A_3, %get3A_4] : memref<2x1024xf32, #tpu.memory_space<vmem>>, vector<1x1024xf32>
    %get3A_6 = vector.shape_cast %get3A_5 : vector<1x1024xf32> to vector<1024xf32>
    %add3A = arith.addf %get3A_2, %get3A_6 : vector<1024xf32>
    %add3A_7 = arith.constant 9.99999971E-10 : f32
    %add3A_8 = vector.broadcast %add3A_7 : f32 to vector<1024xf32>
    %add3A_9 = arith.addf %add3A, %add3A_8 : vector<1024xf32>
    %get3A_10 = arith.constant 0 : index
    %get3A_11 = arith.constant 0 : index
    %get3A_12 = vector.load %arg1[%get3A_10, %get3A_11] : memref<1024x128xf32, #tpu.memory_space<vmem>>, vector<1024x128xf32>
    %broadcast_in_dim3A = vector.shape_cast %add3A_9 : vector<1024xf32> to vector<1024x1xf32>
    %div3A = vector.broadcast %broadcast_in_dim3A : vector<1024x1xf32> to vector<1024x128xf32>
    %div3A_13 = arith.divf %get3A_12, %div3A : vector<1024x128xf32>
    %swap3A = arith.constant 0 : index
    %swap3A_14 = arith.constant 0 : index
    %swap3A_15 = vector.load %arg3[%swap3A, %swap3A_14] : memref<1024x128xf32, #tpu.memory_space<vmem>>, vector<1024x128xf32>
    tpu.vector_store %arg3[%swap3A, %swap3A_14], %div3A_13 {strides = array<i32>} : memref<1024x128xf32, #tpu.memory_space<vmem>>, vector<1024x128xf32>,
    return
  }
  func.func @transform_0(%arg0: i32) -> (i32, i32) {
    %c0_i32 = arith.constant 0 : i32
    %c0_i32_0 = arith.constant 0 : i32
    return %arg0, %c0_i32 : i32, i32
  }
  func.func @transform_1(%arg0: i32) -> (i32, i32) {
    %c0_i32 = arith.constant 0 : i32
    %c0_i32_0 = arith.constant 0 : i32
    return %c0_i32, %arg0 : i32, i32
  }
  func.func @transform_2(%arg0: i32) -> (i32, i32) {
    %c0_i32 = arith.constant 0 : i32
    %c0_i32_0 = arith.constant 0 : i32
    return %arg0, %c0_i32 : i32, i32
  }
}

module attributes {stable_mosaic.version = 14 : i64} {
  func.func @_k5_body(%arg0: i32, %arg1: memref<1024x128xf32, #tpu.memory_space<vmem>>, %arg2: memref<2x1024x128xf32, #tpu.memory_space<vmem>>, %arg3: memref<128x128xf32, #tpu.memory_space<vmem>>, %arg4: memref<1x128xf32, #tpu.memory_space<vmem>>, %arg5: memref<1024x128xf32, #tpu.memory_space<vmem>>) attributes {dimension_semantics = [#tpu.dimension_semantics<arbitrary>], iteration_bounds = array<i64: 10>, scalar_prefetch = 0 : i64, scratch_operands = 0 : i64, tpu.core_type = #tpu.core_type<tc>, window_params = [{transform_indices = @transform_0, window_bounds = array<i64: 1024, 128>}, {transform_indices = @transform_1, window_bounds = array<i64: 2, 1024, 128>}, {pipeline_mode = #tpu.pipeline_mode<synchronous>, transform_indices = @transform_2, window_bounds = array<i64: 128, 128>}, {pipeline_mode = #tpu.pipeline_mode<synchronous>, transform_indices = @transform_3, window_bounds = array<i64: 1, 128>}, {transform_indices = @transform_4, window_bounds = array<i64: 1024, 128>}]} {
    %get3A = arith.constant 0 : index
    %get3A_0 = arith.constant 0 : index
    %get3A_1 = vector.load %arg1[%get3A, %get3A_0] : memref<1024x128xf32, #tpu.memory_space<vmem>>, vector<1024x128xf32>
    %get3A_2 = arith.constant 0 : index
    %get3A_3 = arith.constant 0 : index
    %get3A_4 = arith.constant 0 : index
    %get3A_5 = vector.load %arg2[%get3A_2, %get3A_3, %get3A_4] : memref<2x1024x128xf32, #tpu.memory_space<vmem>>, vector<1x1024x128xf32>
    %get3A_6 = vector.shape_cast %get3A_5 : vector<1x1024x128xf32> to vector<1024x128xf32>
    %get3A_7 = arith.constant 1 : index
    %get3A_8 = arith.constant 0 : index
    %get3A_9 = arith.constant 0 : index
    %get3A_10 = vector.load %arg2[%get3A_7, %get3A_8, %get3A_9] : memref<2x1024x128xf32, #tpu.memory_space<vmem>>, vector<1x1024x128xf32>
    %get3A_11 = vector.shape_cast %get3A_10 : vector<1x1024x128xf32> to vector<1024x128xf32>
    %add3A = arith.addf %get3A_6, %get3A_11 : vector<1024x128xf32>
    %mul3A = arith.mulf %get3A_1, %add3A : vector<1024x128xf32>
    %get3A_12 = arith.constant 0 : index
    %get3A_13 = arith.constant 0 : index
    %get3A_14 = vector.load %arg3[%get3A_12, %get3A_13] : memref<128x128xf32, #tpu.memory_space<vmem>>, vector<128x128xf32>
    %transpose3A = tpu.transpose %get3A_14, [1, 0] : vector<128x128xf32> -> vector<128x128xf32>
    %dot_general3A = arith.constant dense<0.000000e+00> : vector<1024x128xf32>
    %dot_general3A_15 = tpu.matmul %mul3A, %transpose3A, %dot_general3A {dimension_numbers = #tpu.dot_dimension_numbers<[1], [0], [0], [1], [0, 0, 1, 1], [], []>, transpose_lhs_hint = false} : vector<1024x128xf32>, vector<128x128xf32>, vector<1024x128xf32> -> vector<1024x128xf32>
    %get3A_16 = arith.constant 0 : index
    %get3A_17 = arith.constant 0 : index
    %get3A_18 = vector.load %arg4[%get3A_16, %get3A_17] : memref<1x128xf32, #tpu.memory_space<vmem>>, vector<1x128xf32>
    %add3A_19 = vector.broadcast %get3A_18 : vector<1x128xf32> to vector<1024x128xf32>
    %add3A_20 = arith.addf %dot_general3A_15, %add3A_19 : vector<1024x128xf32>
    %add3A_21 = arith.addf %get3A_1, %add3A : vector<1024x128xf32>
    %add3A_22 = arith.addf %add3A_21, %add3A_20 : vector<1024x128xf32>
    %ge3A = arith.constant 0.000000e+00 : f32
    %ge3A_23 = vector.broadcast %ge3A : f32 to vector<1024x128xf32>
    %ge3A_24 = arith.cmpf oge, %add3A_22, %ge3A_23 : vector<1024x128xf32>
    %mul3A_25 = arith.constant 0.00999999977 : f32
    %mul3A_26 = vector.broadcast %mul3A_25 : f32 to vector<1024x128xf32>
    %mul3A_27 = arith.mulf %add3A_22, %mul3A_26 : vector<1024x128xf32>
    %select_n3A = arith.select %ge3A_24, %add3A_22, %mul3A_27 : vector<1024x128xi1>, vector<1024x128xf32>
    %swap3A = arith.constant 0 : index
    %swap3A_28 = arith.constant 0 : index
    %swap3A_29 = vector.load %arg5[%swap3A, %swap3A_28] : memref<1024x128xf32, #tpu.memory_space<vmem>>, vector<1024x128xf32>
    tpu.vector_store %arg5[%swap3A, %swap3A_28], %select_n3A {strides = array<i32>} : memref<1024x128xf32, #tpu.memory_space<vmem>>, vector<1024x128xf32>,
    return
  }
  func.func @transform_0(%arg0: i32) -> (i32, i32) {
    %c0_i32 = arith.constant 0 : i32
    %c0_i32_0 = arith.constant 0 : i32
    return %arg0, %c0_i32 : i32, i32
  }
  func.func @transform_1(%arg0: i32) -> (i32, i32, i32) {
    %c0_i32 = arith.constant 0 : i32
    %c0_i32_0 = arith.constant 0 : i32
    %c0_i32_1 = arith.constant 0 : i32
    return %c0_i32, %arg0, %c0_i32_0 : i32, i32, i32
  }
  func.func @transform_2(%arg0: i32) -> (i32, i32) {
    %c0_i32 = arith.constant 0 : i32
    %c0_i32_0 = arith.constant 0 : i32
    %c0_i32_1 = arith.constant 0 : i32
    return %c0_i32, %c0_i32_0 : i32, i32
  }
  func.func @transform_3(%arg0: i32) -> (i32, i32) {
    %c0_i32 = arith.constant 0 : i32
    %c0_i32_0 = arith.constant 0 : i32
    %c0_i32_1 = arith.constant 0 : i32
    return %c0_i32, %c0_i32_0 : i32, i32
  }
  func.func @transform_4(%arg0: i32) -> (i32, i32) {
    %c0_i32 = arith.constant 0 : i32
    %c0_i32_0 = arith.constant 0 : i32
    return %arg0, %c0_i32 : i32, i32
  }
}

</mosaic_0001>

<sc_bundles>
// kernel: _run.10.cloned.1.call-start
scs
__scs_entry_jumppad:
0x0: {  	(pc) =	sbr.rel $0x88, $3  }
0x1: {  	(tag) =	ssettag $0x0;
	lr =	simm.s32 $0x1  }
0x2: {  	[smem:$0x3F98] =	sst lr;
	_ =	strace $0xD0000000  }
0x3: {  	_ = 	snop  }
0x4: {  	_ = 	snop  }
0x5: {  	_ = 	snop  }
0x6: {  	_ = 	snop  }
0x7: {  	_ = 	snop  }
__scs_overlays_trampoline_lowered:
0x8: {  	[smem:$0x3FA7] =	sst s0  }
0x9: {  	[smem:$0x3FA8] =	sst s1  }
0xa: {  	[smem:$0x3FA9] =	sst s2  }
0xb: {  	[smem:$0x3FAA] =	sst s3  }
0xc: {  	[smem:$0x3FAB] =	sst s4  }
0xd: {  	[smem:$0x3FAC] =	sst s5  }
0xe: {  	[smem:$0x3FAD] =	sst s6  }
0xf: {  	[smem:$0x3FAE] =	sst s7  }
0x10: {  	[smem:$0x3FAF] =	sst s8  }
0x11: {  	[smem:$0x3FB0] =	sst s9;
	s0 =	simm.s32 @!p0 $0x0  }
0x12: {  	s1 =	sld [smem:$0x3F96];
	s0 =	simm.s32 @p0 $0x1  }
0x13: {  	[smem:$0x3FB1] =	sst s0;
	s0 =	simm.s32 @!p1 $0x0  }
0x14: {  	s2 =	sld [smem:$0x3F95];
	s0 =	simm.s32 @p1 $0x1  }
0x15: {  	[smem:$0x3FB2] =	sst s0;
	s0 =	simm.s32 @!p2 $0x0  }
0x16: {  	s3 =	sld [smem:$0x3FDB];
	s0 =	simm.s32 @p2 $0x1  }
0x17: {  	s4 =	simm.s32 $0x1BF5;
	[smem:$0x3FB4] =	sst s0  }
0x18: {  	s0 =	sld [smem:$0x3F97];
	_ =	swait.ge [sflag:s4], $0x0  }
0x19: {  	s7 =	sld [smem:$0x3F98]  }
0x1a: {  	s8 =	sadd.s32 $0xFFFFE003, lr  }
0x1b: {  	s9 =	sadd.s32 $0xFFFFFEF7, lr;
	s5 =	simm.s32 $0xFFFFFFFF;
	p2 =	slt.u32 s8, $0xFFFFF086  }
0x1c: {  	p1 =	slt.u32 s9, $0xF7A;
	s5 =	simm.s32 @!p2 $0x0  }
0x1d: {  	s5 =	simm.s32 @p1 $0x1;
	p0 =	seq.s32 s7, s2  }
0x1e: {  	s7 =	smul.u32 @!p0 $0xF7A, s2;
	p2 =	seq.s32 @!p0 s5, $0x0  }
0x1f: {  	s9 =	smul.u32 $0xF7A, s1;
	s8 =	simm.s32 @!p0 $0x1BF5;
	p2 =	por !p2, p0  }
0x20: {  	[sflag:s8] =	ssyncset.s32 @!p0 $0xFFFFF086;
	s6 =	sadd.s32 @!p0 s3, s7;
	s7 =	simm.s32 @!p0 $0x108  }
0x21: {  	s3 =	sadd.s32 s3, s9;
	s6 =	sadd.s32 @!p0 $0x88, s6;
	s7 =	simm.s32 @p2 $0x1082  }
0x22: {  	[simem:s7], [sflag:s8] =	dma.local @!p0 [hbm:s6], $0xF7A  }
0x23: {  	s9 =	sor.u32 $0xD0000000, s2;
	s6 =	simm.s32 $0x108;
	_ =	swait.ge @!p0 [sflag:s8], $0x0  }
0x24: {  	s3 =	sadd.s32 $0x88, s3;
	s6 =	simm.s32 @!p1 $0x1082;
	[sflag:s4] =	ssyncset.s32 $0xFFFFF086  }
0x25: {  	[simem:s6], [sflag:s4] =	dma.local [hbm:s3], $0xF7A  }
0x26: {  	[smem:$0x3F98] =	sst s1;
	(tag) =	ssettag s2;
	_ =	strace s9  }
0x27: {  	s1 =	sld [smem:$0x3FA8]  }
0x28: {  	s2 =	sld [smem:$0x3FA9]  }
0x29: {  	s4 =	sld [smem:$0x3FAB]  }
0x2a: {  	p0 =	seq.s32 s5, $0x0;
	s5 =	sld [smem:$0x3FAC]  }
0x2b: {  	s6 =	sld [smem:$0x3FAD]  }
0x2c: {  	s7 =	sld [smem:$0x3FAE]  }
0x2d: {  	s3 =	simm.s32 $0x108;
	s8 =	sld [smem:$0x3FAF]  }
0x2e: {  	s3 =	simm.s32 @!p0 $0x1082;
	s9 =	sld [smem:$0x3FB0]  }
0x2f: {  	lr =	sadd.s32 s0, s3;
	s0 =	sld [smem:$0x3FA7]  }
0x30: {  	s3 =	sld [smem:$0x3FAA]  }
0x31: {  	[smem:$0x3FB3] =	sst s10  }
0x32: {  	s10 =	sld [smem:$0x3FB1];
	_ =	sdelay $0x3  }
0x33: {  	p0 =	seq.s32 s10, $0x1;
	s10 =	sld [smem:$0x3FB3];
	_ =	sdelay $0x3  }
0x34: {  	[smem:$0x3FB3] =	sst s10  }
0x35: {  	s10 =	sld [smem:$0x3FB2];
	_ =	sdelay $0x3  }
0x36: {  	p1 =	seq.s32 s10, $0x1;
	s10 =	sld [smem:$0x3FB3];
	_ =	sdelay $0x3  }
0x37: {  	[smem:$0x3FB3] =	sst s10  }
0x38: {  	s10 =	sld [smem:$0x3FB4]  }
0x39: {  	_ = 	snop;
	(pc) =	sbr.ind lr, $3  }
0x3a: {  	_ = 	snop  }
0x3b: {  	_ = 	snop  }
0x3c: {  	p2 =	seq.s32 s10, $0x1;
	s10 =	sld [smem:$0x3FB3]  }
0x3d: {  	_ =	shalt  }
0x3e: {  	_ =	shalt  }
0x3f: {  	_ =	shalt  }
0x40: {  	_ =	shalt  }
0x41: {  	_ =	shalt  }
0x42: {  	_ =	shalt  }
0x43: {  	_ =	shalt  }
0x44: {  	_ =	shalt  }
0x45: {  	_ =	shalt  }
0x46: {  	_ =	shalt  }
0x47: {  	_ =	shalt  }
0x48: {  	_ =	shalt  }
0x49: {  	_ =	shalt  }
0x4a: {  	_ =	shalt  }
0x4b: {  	_ =	shalt  }
0x4c: {  	_ =	shalt  }
0x4d: {  	_ =	shalt  }
0x4e: {  	_ =	shalt  }
0x4f: {  	_ =	shalt  }
0x50: {  	_ =	shalt  }
0x51: {  	_ =	shalt  }
0x52: {  	_ =	shalt  }
0x53: {  	_ =	shalt  }
0x54: {  	_ =	shalt  }
0x55: {  	_ =	shalt  }
0x56: {  	_ =	shalt  }
0x57: {  	_ =	shalt  }
0x58: {  	_ =	shalt  }
0x59: {  	_ =	shalt  }
0x5a: {  	_ =	shalt  }
0x5b: {  	_ =	shalt  }
0x5c: {  	_ =	shalt  }
0x5d: {  	_ =	shalt  }
0x5e: {  	_ =	shalt  }
0x5f: {  	_ =	shalt  }
0x60: {  	_ =	shalt  }
0x61: {  	_ =	shalt  }
0x62: {  	_ =	shalt  }
0x63: {  	_ =	shalt  }
0x64: {  	_ =	shalt  }
0x65: {  	_ =	shalt  }
0x66: {  	_ =	shalt  }
0x67: {  	_ =	shalt  }
0x68: {  	_ =	shalt  }
0x69: {  	_ =	shalt  }
0x6a: {  	_ =	shalt  }
0x6b: {  	_ =	shalt  }
0x6c: {  	_ =	shalt  }
0x6d: {  	_ =	shalt  }
0x6e: {  	_ =	shalt  }
0x6f: {  	_ =	shalt  }
0x70: {  	_ =	shalt  }
0x71: {  	_ =	shalt  }
0x72: {  	_ =	shalt  }
0x73: {  	_ =	shalt  }
0x74: {  	_ =	shalt  }
0x75: {  	_ =	shalt  }
0x76: {  	_ =	shalt  }
0x77: {  	_ =	shalt  }
0x78: {  	_ =	shalt  }
0x79: {  	_ =	shalt  }
0x7a: {  	_ =	shalt  }
0x7b: {  	_ =	shalt  }
0x7c: {  	_ =	shalt  }
0x7d: {  	_ =	shalt  }
0x7e: {  	_ =	shalt  }
0x7f: {  	_ =	shalt  }
0x80: {  	_ =	shalt  }
0x81: {  	_ =	shalt  }
0x82: {  	_ =	shalt  }
0x83: {  	_ =	shalt  }
0x84: {  	_ =	shalt  }
0x85: {  	_ =	shalt  }
0x86: {  	_ =	shalt  }
0x87: {  	_ =	shalt  }
.Lfunc_end0:
.L_simem_size_0:
called_computation.1_lowered:
.L_overlay_start_0:
0x88: {  	s2 =	sld [smem:$0x3FD9]  }
0x89: {  	s3 =	sld [smem:$0x3FFE];
	_ =	sdelay $0x1  }
0x8a: {  	s1 =	srdreg.scid  }
0x8b: {  	s0 =	sand.u32 $0x1, s1  }
0x8c: {  	s17 =	sshll.u32 s0, $0xA;
	s2 =	sadd.s32 s3, s2  }
0x8d: {  	s2 =	sadd.s32 s2, s17  }
0x8e: {  	[smem:$0x3FBF] =	sst s2  }
0x8f: {  	_ = 	snop  }
0x90: {  	s2 =	sld [smem:$0x3FD0];
	(tm) =	ssettm $0x1  }
0x91: {  	s18 =	sld [smem:$0x3FFB];
	_ =	sdelay $0x3  }
0x92: {  	_ =	strace s18  }
0x93: {  	s3 =	sld [smem:$0x3FFC];
	_ =	sdelay $0x3  }
0x94: {  	_ =	strace s3  }
0x95: {  	s3 =	sld [smem:$0x3FFD];
	_ =	sdelay $0x3  }
0x96: {  	_ =	strace s3  }
0x97: {  	_ =	strace $0x8FFFFFFF  }
0x98: {  	s19 =	sld [smem:$0x3FDB];
	_ =	sdelay $0x1  }
0x99: {  	s4 =	simm.s32 $_scs_section_size  }
0x9a: {  	s5 =	simm.s32 $_size__tile_overlayer_lowered;
	s6 =	simm.s32 $_tile_overlayer_lowered  }
0x9b: {  	s22 =	simm.s32 $0x1BFF;
	s21 =	sshll.u32 s6, $0x1;
	s3 =	sadd.s32 s4, s19  }
0x9c: {  	s7 =	simm.s32 $0x0;
	s20 =	sshll.u32 s5, $0x1;
	s5 =	sadd.s32 s21, s3  }
0x9d: {  	[timem:s7], [sflag:s22] =	dma.local [hbm:s5], s20  }
0x9e: {  	_ =	swait.ge [sflag:s22], s20  }
0x9f: {  	s4 =	ssub.s32 $0x0, s20;
	[sflag:s22] =	ssyncset.done $0x0  }
0xa0: {  	[sflag:s22] =	ssyncadd.s32 s4;
	_ =	sdelay $0x1  }
0xa1: {  	s23 =	simm.s32 $0x1B8B  }
0xa2: {  	_ =	swait.ge [sflag:s23], $0x1  }
0xa3: {  	[sflag:s23] =	ssyncset.done $0x0  }
0xa4: {  	s25 =	simm.s32 $0x1B8E;
	s24 =	sld [smem:$0x3FFE];
	[sflag:s23] =	ssyncadd.s32 $0xFFFFFFFF  }
0xa5: {  	s26 =	simm.s32 $execute0_lowered;
	[smem:$0x3FD2] =	sst s25  }
0xa6: {  	s5 =	sshll.u32 s26, $0x1;
	_ =	strace $0x80000049;
	[dreg:$0x1] =	wrdreg $0xFFFFFFFF  }
0xa7: {  	s28 =	simm.s32 $_size_execute0_lowered;
	s3 =	sadd.s32 s3, s5;
	[dreg:$0x0] =	wrdreg $0x0  }
0xa8: {  	s5 =	sshll.u32 s28, $0x1;
	[dreg:$0x2] =	wrdreg s3  }
0xa9: {  	[dreg:$0x3] =	wrdreg s5  }
0xaa: {  	[dreg:$0x4] =	wrdreg $0xC0  }
0xab: {  	_ =	task [dreg:s7], $0x5FFFF  }
0xac: {  	[dreg:$0x1] =	wrdreg $0xFFFFFFFF  }
0xad: {  	[dreg:$0x0] =	wrdreg $0x60  }
0xae: {  	[dreg:$0x2] =	wrdreg s2  }
0xaf: {  	[dreg:$0x3] =	wrdreg s24  }
0xb0: {  	[dreg:$0x4] =	wrdreg $0x81800  }
0xb1: {  	[dreg:$0x5] =	wrdreg $0x9  }
0xb2: {  	_ =	task.clear_ibuf [dreg:s7], $0x6FFFF;
	_ =	strace $0x90000049  }
0xb3: {  	s29 =	simm.s32 $0x9;
	_ =	strace $0x8000004B  }
0xb4: {  	_ =	swait.ge [sflag:s29], $0x1  }
0xb5: {  	[sflag:s29] =	ssyncadd.s32 $0xFFFFFFFF  }
0xb6: {  	_ =	strace $0x9000004B  }
0xb7: {  	_ =	sfence  }
0xb8: {  	s30 =	sld [smem:$0x0];
	_ =	sdelay $0x2  }
0xb9: {  	s31 =	sshll.u32 s1, $0xD;
	s1 =	sshrl.u32 s1, $0x2  }
0xba: {  	s3 =	sand.u32 $0x4000, s31;
	s1 =	sadd.s32 s1, s30  }
0xbb: {  	s0 =	sor.u32 s3, s0;
	s1 =	sshll.u32 s1, $0x11  }
0xbc: {  	s0 =	sor.u32 s1, s0  }
0xbd: {  	s0 =	sadd.s32 $0x8F2B, s0  }
0xbe: {  	[sflag:s0] =	ssyncadd.remote.s32 $0x1  }
0xbf: {  	_ =	sfence.sel $0xFFFF  }
0xc0: {  	[dreg:$0x0] =	wrdreg $0xFFFFFFFF;
	(pc) =	sbr.abs _section_cstart, $3  }
0xc1: {  	[dreg:$0x1] =	wrdreg $0xFFFFFFFF  }
0xc2: {  	_ =	task.clear_ibuf [dreg:s7], $0x2FFFF;
	_ =	strace $0x9FFFFFFF  }
0xc3: {  	(tm) =	ssettm $0x7FFFFFFF  }
tec
execute0_lowered:
.L_overlay_start_1:
0x0: {  	(tag) =	ssettag $0x1  }
0x1: {  	s1 =	rddreg [dreg:$0x0]  }
0x2: {  	s0 =	rddreg [dreg:$0x1]  }
0x3: {  	s2 =	rddreg [dreg:$0x2]  }
0x4: {  	s4 =	simm.s32 $0x0;
	s5 =	srdreg.scid;
	s3 =	stileid.u32  }
0x5: {  	s21 =	simm.s32 $0x100;
	s22 =	simm.s32 $0x80;
	s23 =	simm.s32 $0x180  }
0x6: {  	s24 =	simm.s32 $0x1;
	s25 =	simm.s32 $0x0;
	[smem:$0x7FF] =	sst s4  }
0x7: {  	s8 =	sand.u32 $0x1, s5;
	s5 =	sadd.s32 $0x3C00, s0;
	s9 =	smul.u32 $0x50000, s3  }
0x8: {  	s6 =	sadd.s32 $0xDA00, s0;
	s0 =	sadd.s32 $0x35A00, s0;
	s11 =	sshll.u32 s3, $0x1  }
0x9: {  	s12 =	smul.u32 $0x14000, s3;
	_ =	strace $0x8000004A;
	s7 =	ssub.s32 $0x2, s8  }
0xa: {  	s13 =	sor.u32 s8, s11;
	s16 =	smul.u32 $0x140000, s8;
	s10 =	sshrl.u32 s7, $0x1  }
0xb: {  	s9 =	sshrl.u32 s9, $0x2;
	s14 =	sadd.s32 $0x4000, s12;
	s15 =	sadd.s32 $0x8000, s12  }
0xc: {  	s17 =	sadd.s32 $0xC000, s12;
	s19 =	sadd.s32 $0x10000, s12;
	s18 =	ssub.s32 s7, s10  }
0xd: {  	s7 =	sadd.s32 s9, s2;
	s8 =	sadd.s32 s14, s2;
	s9 =	sadd.s32 s15, s2  }
0xe: {  	s10 =	sadd.s32 s17, s2;
	s12 =	sadd.s32 s12, s16;
	s11 =	sadd.s32 s19, s2  }
0xf: {  	s14 =	sadd.s32 s16, s14;
	s15 =	sadd.s32 s16, s15;
	s17 =	sadd.s32 s16, s17  }
0x10: {  	s19 =	sadd.s32 s16, s19;
	s20 =	sshrl.u32 s12, $0x3;
	s12 =	smul.u32 $0x4F, s13  }
0x11: {  	s14 =	sshrl.u32 s14, $0x3;
	s15 =	sshrl.u32 s15, $0x3;
	s17 =	sshrl.u32 s17, $0x3  }
0x12: {  	s31 =	sshrl.u32 s19, $0x3;
	s18 =	smax.u32 s18, $0x1;
	s19 =	simm.s32 $0x4180  }
0x13: {  	s13 =	sadd.s32 s0, s20;
	s14 =	sadd.s32 s0, s14;
	s15 =	sadd.s32 s0, s15  }
0x14: {  	v0 =	vimm.f32 $0.0e+00;
	s16 =	sadd.s32 s0, s17;
	s17 =	sadd.s32 s0, s31;
	s20 =	simm.s32 $0x2  }
.LBB2_1:
0x15: {  	s0 =	simm.s32 $0x0;
	s26 =	simm.s32 $0x200  }
.LBB2_2:
0x16: {  	p0 =	sne.s32 s26, $0xFE00;
	[tilespmem:s0+$0x41F0] =	vst v0  }
0x17: {  	[tilespmem:s0+$0x4180] =	vst v0  }
0x18: {  	[tilespmem:s0+$0x4190] =	vst v0  }
.Ltmp0:
0x19: {  	[tilespmem:s0+$0x41A0] =	vst v0;
	(pc) =	sbr.rel @p0 .LBB2_2-.Ltmp0, $4  }
0x1a: {  	[tilespmem:s0+$0x41B0] =	vst v0  }
0x1b: {  	[tilespmem:s0+$0x41C0] =	vst v0  }
0x1c: {  	[tilespmem:s0+$0x41D0] =	vst v0  }
0x1d: {  	[tilespmem:s0+$0x41E0] =	vst v0;
	s0 =	sshra.s32 s26, $0x2;
	s26 =	sadd.s32 $0x200, s26  }
0x1e: {  	[tilespmem:s0+$0x41F0] =	vst v0  }
0x1f: {  	[tilespmem:s0+$0x4180] =	vst v0  }
0x20: {  	[tilespmem:s0+$0x4190] =	vst v0  }
0x21: {  	[tilespmem:s0+$0x41A0] =	vst v0  }
0x22: {  	[tilespmem:s0+$0x41B0] =	vst v0  }
0x23: {  	[tilespmem:s0+$0x41C0] =	vst v0  }
0x24: {  	[tilespmem:s0+$0x41D0] =	vst v0  }
0x25: {  	[tilespmem:s0+$0x41E0] =	vst v0  }
0x26: {  	[spmem:s7] =	stream.linear.scatter [tilespmem:s19], [sflag:$0x2], $0x4000, $0x38;
	[tilespmem:$0x1C180] =	vst v63  }
0x27: {  	_ =	swait.ge [sflag:s20], $0x4000  }
0x28: {  	[sflag:s20] =	ssyncset.done $0x0  }
0x29: {  	[sflag:s20] =	ssyncadd.s32 $0xFFFFC000  }
0x2a: {  	[spmem:s8] =	stream.linear.scatter [tilespmem:s19], [sflag:$0x2], $0x4000, $0x38;
	[tilespmem:$0x1C180] =	vst v63  }
0x2b: {  	_ =	swait.ge [sflag:s20], $0x4000  }
0x2c: {  	[sflag:s20] =	ssyncset.done $0x0  }
0x2d: {  	[sflag:s20] =	ssyncadd.s32 $0xFFFFC000  }
0x2e: {  	[spmem:s9] =	stream.linear.scatter [tilespmem:s19], [sflag:$0x2], $0x4000, $0x38;
	[tilespmem:$0x1C180] =	vst v63  }
0x2f: {  	_ =	swait.ge [sflag:s20], $0x4000  }
0x30: {  	[sflag:s20] =	ssyncset.done $0x0  }
0x31: {  	[sflag:s20] =	ssyncadd.s32 $0xFFFFC000  }
0x32: {  	[spmem:s10] =	stream.linear.scatter [tilespmem:s19], [sflag:$0x2], $0x4000, $0x38;
	[tilespmem:$0x1C180] =	vst v63  }
0x33: {  	_ =	swait.ge [sflag:s20], $0x4000  }
0x34: {  	[sflag:s20] =	ssyncset.done $0x0  }
0x35: {  	[sflag:s20] =	ssyncadd.s32 $0xFFFFC000  }
0x36: {  	[spmem:s11] =	stream.linear.scatter [tilespmem:s19], [sflag:$0x2], $0x4000, $0x38;
	[tilespmem:$0x1C180] =	vst v63  }
0x37: {  	_ =	swait.ge [sflag:s20], $0x4000  }
0x38: {  	[sflag:s20] =	ssyncset.done $0x0  }
0x39: {  	[sflag:s20] =	ssyncadd.s32 $0xFFFFC000  }
0x3a: {  	s26 =	simm.s32 $0x0;
	s28 =	simm.s32 $0x0;
	[bflag:$0x0] =	sbarrier.arrive $0xFFFF  }
.LBB2_4:
0x3b: {  	s0 =	sadd.s32 s12, s28  }
0x3c: {  	s29 =	sshll.u32 s0, $0x5  }
0x3d: {  	s29 =	sadd.s32 s1, s29  }
0x3e: {  	[tilespmem:s26], [sflag:$0x2] =	stream.linear.gather [hbm4b:s29+s26], $0x100, $0x38;
	[tilespmem:$0x1C180] =	vst v63  }
0x3f: {  	_ =	swait.ge [sflag:s20], $0x100  }
0x40: {  	s0 =	sshll.u32 s0, $0x4;
	[sflag:s20] =	ssyncset.done $0x0  }
0x41: {  	s0 =	sadd.s32 s5, s0;
	[sflag:s20] =	ssyncadd.s32 $0xFFFFFF00  }
0x42: {  	[tilespmem:s21], [sflag:$0x2] =	stream.linear.gather [hbm4b:s0+s26], $0x80, $0x38;
	[tilespmem:$0x1C180] =	vst v63  }
0x43: {  	_ =	swait.ge [sflag:s20], $0x80  }
0x44: {  	[sflag:s20] =	ssyncset.done $0x0  }
0x45: {  	[sflag:s20] =	ssyncadd.s32 $0xFFFFFF80  }
0x46: {  	[tilespmem:s23], [sflag:$0x1] =	stream.indirect.gather [hbm4b:s6+s22], $0x80, s22, s22, $0xb8;
	[tilespmem:$0x1C180] =	vst v63  }
0x47: {  	_ =	swait.ge [sflag:s24], $0x4000  }
0x48: {  	[sflag:s24] =	ssyncset.done $0x0  }
0x49: {  	s29 =	simm.s32 $0x0;
	[sflag:s24] =	ssyncadd.s32 $0xFFFFC000  }
.LBB2_5:
0x4a: {  	s31 =	sshll.u32 s29, $0x4  }
0x4b: {  	s0 =	sand.u32 $0x3FFFFFF0, s31  }
0x4c: {  	v2 =	vld [tilespmem:s0+$0x100];
	s0 =	sshll.u32 s29, $0xB  }
0x4d: {  	s30 =	sand.u32 $0x3FFFF800, s0  }
0x4e: {  	v1 =	vld [tilespmem:s30+$0x180]  }
0x4f: {  	v3 =	vld [tilespmem:s30+$0x190]  }
0x50: {  	v4 =	vld [tilespmem:s30+$0x1A0]  }
0x51: {  	v6 =	vld [tilespmem:s30+$0x1B0];
	v5 =	vbroadcast v2, $0x0  }
0x52: {  	v7 =	vld [tilespmem:s30+$0x1C0]  }
0x53: {  	v8 =	vld [tilespmem:s30+$0x1D0];
	v1 =	vmul.f32 v5, v1  }
0x54: {  	v9 =	vld [tilespmem:s30+$0x1E0];
	v3 =	vmul.f32 v3, v5  }
0x55: {  	[tilespmem:s30+$0x180] =	vst v1;
	v1 =	vmul.f32 v4, v5  }
0x56: {  	[tilespmem:s30+$0x190] =	vst v3;
	v3 =	vmul.f32 v6, v5  }
0x57: {  	[tilespmem:s30+$0x1A0] =	vst v1;
	v1 =	vmul.f32 v7, v5  }
0x58: {  	[tilespmem:s30+$0x1B0] =	vst v3;
	v3 =	vmul.f32 v8, v5  }
0x59: {  	[tilespmem:s30+$0x1C0] =	vst v1;
	v1 =	vmul.f32 v9, v5  }
0x5a: {  	[tilespmem:s30+$0x1D0] =	vst v3  }
0x5b: {  	[tilespmem:s30+$0x1E0] =	vst v1  }
0x5c: {  	v1 =	vld [tilespmem:s30+$0x1F0]  }
0x5d: {  	v3 =	vld [tilespmem:s30+$0x200]  }
0x5e: {  	v46 =	vld [tilespmem:s30+$0x210]  }
0x5f: {  	v47 =	vld [tilespmem:s30+$0x220]  }
0x60: {  	v48 =	vld [tilespmem:s30+$0x230]  }
0x61: {  	v49 =	vbroadcast v2, $0x1;
	v50 =	vld [tilespmem:s30+$0x240]  }
0x62: {  	v51 =	vld [tilespmem:s30+$0x250];
	v1 =	vmul.f32 v1, v5  }
0x63: {  	v10 =	vld [tilespmem:s30+$0x260];
	v3 =	vmul.f32 v3, v49  }
0x64: {  	v52 =	vld [tilespmem:s30+$0x270];
	[tilespmem:s30+$0x1F0] =	vst v1;
	v1 =	vmul.f32 v46, v49  }
0x65: {  	v53 =	vld [tilespmem:s30+$0x280];
	[tilespmem:s30+$0x200] =	vst v3;
	v3 =	vmul.f32 v47, v49  }
0x66: {  	v54 =	vld [tilespmem:s30+$0x290];
	[tilespmem:s30+$0x210] =	vst v1;
	v1 =	vmul.f32 v48, v49  }
0x67: {  	v55 =	vld [tilespmem:s30+$0x2A0];
	[tilespmem:s30+$0x220] =	vst v3;
	v3 =	vmul.f32 v50, v49  }
0x68: {  	v56 =	vld [tilespmem:s30+$0x2B0];
	[tilespmem:s30+$0x230] =	vst v1;
	v1 =	vmul.f32 v51, v49  }
0x69: {  	v57 =	vbroadcast v2, $0x2;
	v11 =	vld [tilespmem:s30+$0x2C0];
	[tilespmem:s30+$0x240] =	vst v3;
	v3 =	vmul.f32 v10, v49  }
0x6a: {  	v58 =	vld [tilespmem:s30+$0x2D0];
	[tilespmem:s30+$0x250] =	vst v1;
	v1 =	vmul.f32 v52, v49  }
0x6b: {  	v59 =	vld [tilespmem:s30+$0x2E0];
	[tilespmem:s30+$0x260] =	vst v3;
	v3 =	vmul.f32 v53, v57  }
0x6c: {  	v60 =	vld [tilespmem:s30+$0x2F0];
	[tilespmem:s30+$0x270] =	vst v1;
	v1 =	vmul.f32 v54, v57  }
0x6d: {  	v61 =	vld [tilespmem:s30+$0x300];
	[tilespmem:s30+$0x280] =	vst v3;
	v3 =	vmul.f32 v55, v57  }
0x6e: {  	v62 =	vld [tilespmem:s30+$0x310];
	[tilespmem:s30+$0x290] =	vst v1;
	v1 =	vmul.f32 v56, v57  }
0x6f: {  	v63 =	vld [tilespmem:s30+$0x320];
	[tilespmem:s30+$0x2A0] =	vst v3;
	v3 =	vmul.f32 v11, v57  }
0x70: {  	v12 =	vld [tilespmem:s30+$0x330];
	[tilespmem:s30+$0x2B0] =	vst v1;
	v1 =	vmul.f32 v58, v57  }
0x71: {  	v13 =	vbroadcast v2, $0x3;
	v14 =	vld [tilespmem:s30+$0x340];
	[tilespmem:s30+$0x2C0] =	vst v3;
	v3 =	vmul.f32 v59, v57  }
0x72: {  	v15 =	vld [tilespmem:s30+$0x350];
	[tilespmem:s30+$0x2D0] =	vst v1;
	v1 =	vmul.f32 v60, v57  }
0x73: {  	v16 =	vld [tilespmem:s30+$0x360];
	[tilespmem:s30+$0x2E0] =	vst v3;
	v3 =	vmul.f32 v61, v13  }
0x74: {  	v17 =	vld [tilespmem:s30+$0x370];
	[tilespmem:s30+$0x2F0] =	vst v1;
	v1 =	vmul.f32 v62, v13  }
0x75: {  	v18 =	vld [tilespmem:s30+$0x380];
	[tilespmem:s30+$0x300] =	vst v3;
	v3 =	vmul.f32 v63, v13  }
0x76: {  	v19 =	vld [tilespmem:s30+$0x390];
	[tilespmem:s30+$0x310] =	vst v1;
	v1 =	vmul.f32 v12, v13  }
0x77: {  	v20 =	vld [tilespmem:s30+$0x3A0];
	[tilespmem:s30+$0x320] =	vst v3;
	v3 =	vmul.f32 v14, v13  }
0x78: {  	v21 =	vld [tilespmem:s30+$0x3B0];
	[tilespmem:s30+$0x330] =	vst v1;
	v1 =	vmul.f32 v15, v13  }
0x79: {  	v22 =	vbroadcast v2, $0x4;
	v23 =	vld [tilespmem:s30+$0x3C0];
	[tilespmem:s30+$0x340] =	vst v3;
	v3 =	vmul.f32 v16, v13  }
0x7a: {  	v24 =	vld [tilespmem:s30+$0x3D0];
	[tilespmem:s30+$0x350] =	vst v1;
	v1 =	vmul.f32 v17, v13  }
0x7b: {  	v25 =	vld [tilespmem:s30+$0x3E0];
	[tilespmem:s30+$0x360] =	vst v3;
	v3 =	vmul.f32 v18, v22  }
0x7c: {  	v26 =	vld [tilespmem:s30+$0x3F0];
	[tilespmem:s30+$0x370] =	vst v1;
	v1 =	vmul.f32 v19, v22  }
0x7d: {  	v27 =	vld [tilespmem:s30+$0x400];
	[tilespmem:s30+$0x380] =	vst v3;
	v3 =	vmul.f32 v20, v22  }
0x7e: {  	v28 =	vld [tilespmem:s30+$0x410];
	[tilespmem:s30+$0x390] =	vst v1;
	v1 =	vmul.f32 v21, v22  }
0x7f: {  	v29 =	vld [tilespmem:s30+$0x420];
	[tilespmem:s30+$0x3A0] =	vst v3;
	v3 =	vmul.f32 v23, v22  }
0x80: {  	v30 =	vld [tilespmem:s30+$0x430];
	[tilespmem:s30+$0x3B0] =	vst v1;
	v1 =	vmul.f32 v24, v22  }
0x81: {  	v31 =	vbroadcast v2, $0x5;
	v32 =	vld [tilespmem:s30+$0x440];
	[tilespmem:s30+$0x3C0] =	vst v3;
	v3 =	vmul.f32 v25, v22  }
0x82: {  	v33 =	vld [tilespmem:s30+$0x450];
	[tilespmem:s30+$0x3D0] =	vst v1;
	v1 =	vmul.f32 v26, v22  }
0x83: {  	v34 =	vld [tilespmem:s30+$0x460];
	[tilespmem:s30+$0x3E0] =	vst v3;
	v3 =	vmul.f32 v27, v31  }
0x84: {  	v35 =	vld [tilespmem:s30+$0x470];
	[tilespmem:s30+$0x3F0] =	vst v1;
	v1 =	vmul.f32 v28, v31  }
0x85: {  	v36 =	vld [tilespmem:s30+$0x480];
	[tilespmem:s30+$0x400] =	vst v3;
	v3 =	vmul.f32 v29, v31  }
0x86: {  	v37 =	vld [tilespmem:s30+$0x490];
	[tilespmem:s30+$0x410] =	vst v1;
	v1 =	vmul.f32 v30, v31  }
0x87: {  	v38 =	vld [tilespmem:s30+$0x4A0];
	[tilespmem:s30+$0x420] =	vst v3;
	v3 =	vmul.f32 v32, v31  }
0x88: {  	v39 =	vld [tilespmem:s30+$0x4B0];
	[tilespmem:s30+$0x430] =	vst v1;
	v1 =	vmul.f32 v33, v31  }
0x89: {  	v40 =	vbroadcast v2, $0x6;
	v41 =	vld [tilespmem:s30+$0x4C0];
	[tilespmem:s30+$0x440] =	vst v3;
	v3 =	vmul.f32 v34, v31  }
0x8a: {  	v42 =	vld [tilespmem:s30+$0x4D0];
	[tilespmem:s30+$0x450] =	vst v1;
	v1 =	vmul.f32 v35, v31  }
0x8b: {  	v43 =	vld [tilespmem:s30+$0x4E0];
	[tilespmem:s30+$0x460] =	vst v3;
	v3 =	vmul.f32 v36, v40  }
0x8c: {  	v44 =	vld [tilespmem:s30+$0x4F0];
	[tilespmem:s30+$0x470] =	vst v1;
	v1 =	vmul.f32 v37, v40  }
0x8d: {  	v45 =	vld [tilespmem:s30+$0x500];
	[tilespmem:s30+$0x480] =	vst v3;
	v3 =	vmul.f32 v38, v40  }
0x8e: {  	v46 =	vld [tilespmem:s30+$0x510];
	[tilespmem:s30+$0x490] =	vst v1;
	v1 =	vmul.f32 v39, v40  }
0x8f: {  	v47 =	vld [tilespmem:s30+$0x520];
	[tilespmem:s30+$0x4A0] =	vst v3;
	v3 =	vmul.f32 v41, v40  }
0x90: {  	v48 =	vld [tilespmem:s30+$0x530];
	[tilespmem:s30+$0x4B0] =	vst v1;
	v1 =	vmul.f32 v42, v40  }
0x91: {  	v50 =	vld [tilespmem:s30+$0x540];
	v49 =	vbroadcast v2, $0x7;
	[tilespmem:s30+$0x4C0] =	vst v3;
	v3 =	vmul.f32 v43, v40  }
0x92: {  	v51 =	vld [tilespmem:s30+$0x550];
	[tilespmem:s30+$0x4D0] =	vst v1;
	v1 =	vmul.f32 v44, v40  }
0x93: {  	v52 =	vld [tilespmem:s30+$0x560];
	[tilespmem:s30+$0x4E0] =	vst v3;
	v3 =	vmul.f32 v45, v49  }
0x94: {  	v53 =	vld [tilespmem:s30+$0x570];
	[tilespmem:s30+$0x4F0] =	vst v1;
	v1 =	vmul.f32 v46, v49  }
0x95: {  	v54 =	vld [tilespmem:s30+$0x580];
	[tilespmem:s30+$0x500] =	vst v3;
	v3 =	vmul.f32 v47, v49  }
0x96: {  	v55 =	vld [tilespmem:s30+$0x590];
	[tilespmem:s30+$0x510] =	vst v1;
	v1 =	vmul.f32 v48, v49  }
0x97: {  	v56 =	vld [tilespmem:s30+$0x5A0];
	[tilespmem:s30+$0x520] =	vst v3;
	v3 =	vmul.f32 v50, v49  }
0x98: {  	v59 =	vld [tilespmem:s30+$0x5C0];
	[tilespmem:s30+$0x530] =	vst v1;
	v1 =	vmul.f32 v51, v49  }
0x99: {  	v58 =	vbroadcast v2, $0x8;
	v57 =	vld [tilespmem:s30+$0x5B0];
	[tilespmem:s30+$0x540] =	vst v3;
	v3 =	vmul.f32 v52, v49  }
0x9a: {  	v60 =	vld [tilespmem:s30+$0x5D0];
	[tilespmem:s30+$0x550] =	vst v1;
	v1 =	vmul.f32 v53, v49  }
0x9b: {  	v61 =	vld [tilespmem:s30+$0x5E0];
	[tilespmem:s30+$0x560] =	vst v3;
	v3 =	vmul.f32 v54, v58  }
0x9c: {  	v62 =	vld [tilespmem:s30+$0x5F0];
	[tilespmem:s30+$0x570] =	vst v1;
	v1 =	vmul.f32 v55, v58  }
0x9d: {  	v63 =	vld [tilespmem:s30+$0x600];
	[tilespmem:s30+$0x580] =	vst v3;
	v3 =	vmul.f32 v56, v58  }
0x9e: {  	v12 =	vld [tilespmem:s30+$0x610];
	[tilespmem:s30+$0x590] =	vst v1;
	v1 =	vmul.f32 v57, v58  }
0x9f: {  	v14 =	vld [tilespmem:s30+$0x630];
	[tilespmem:s30+$0x5A0] =	vst v3;
	v3 =	vmul.f32 v59, v58  }
0xa0: {  	v13 =	vld [tilespmem:s30+$0x620];
	[tilespmem:s30+$0x5B0] =	vst v1;
	v1 =	vmul.f32 v60, v58  }
0xa1: {  	v15 =	vbroadcast v2, $0x9;
	v16 =	vld [tilespmem:s30+$0x640];
	[tilespmem:s30+$0x5C0] =	vst v3;
	v3 =	vmul.f32 v61, v58  }
0xa2: {  	v17 =	vld [tilespmem:s30+$0x650];
	[tilespmem:s30+$0x5D0] =	vst v1;
	v1 =	vmul.f32 v62, v58  }
0xa3: {  	v18 =	vld [tilespmem:s30+$0x660];
	[tilespmem:s30+$0x5E0] =	vst v3;
	v3 =	vmul.f32 v63, v15  }
0xa4: {  	v19 =	vld [tilespmem:s30+$0x670];
	[tilespmem:s30+$0x5F0] =	vst v1;
	v1 =	vmul.f32 v12, v15  }
0xa5: {  	v20 =	vld [tilespmem:s30+$0x680];
	[tilespmem:s30+$0x600] =	vst v3;
	v3 =	vmul.f32 v13, v15  }
0xa6: {  	v21 =	vld [tilespmem:s30+$0x690];
	[tilespmem:s30+$0x610] =	vst v1;
	v1 =	vmul.f32 v14, v15  }
0xa7: {  	v23 =	vld [tilespmem:s30+$0x6B0];
	[tilespmem:s30+$0x620] =	vst v3;
	v3 =	vmul.f32 v16, v15  }
0xa8: {  	v22 =	vld [tilespmem:s30+$0x6A0];
	[tilespmem:s30+$0x630] =	vst v1;
	v1 =	vmul.f32 v17, v15  }
0xa9: {  	v24 =	vbroadcast v2, $0xA;
	v25 =	vld [tilespmem:s30+$0x6C0];
	[tilespmem:s30+$0x640] =	vst v3;
	v3 =	vmul.f32 v18, v15  }
0xaa: {  	v26 =	vld [tilespmem:s30+$0x6D0];
	[tilespmem:s30+$0x650] =	vst v1;
	v1 =	vmul.f32 v19, v15  }
0xab: {  	v27 =	vld [tilespmem:s30+$0x6E0];
	[tilespmem:s30+$0x660] =	vst v3;
	v3 =	vmul.f32 v20, v24  }
0xac: {  	v28 =	vld [tilespmem:s30+$0x6F0];
	[tilespmem:s30+$0x670] =	vst v1;
	v1 =	vmul.f32 v21, v24  }
0xad: {  	v29 =	vld [tilespmem:s30+$0x700];
	[tilespmem:s30+$0x680] =	vst v3;
	v3 =	vmul.f32 v22, v24  }
0xae: {  	v30 =	vld [tilespmem:s30+$0x710];
	[tilespmem:s30+$0x690] =	vst v1;
	v1 =	vmul.f32 v23, v24  }
0xaf: {  	v32 =	vld [tilespmem:s30+$0x730];
	[tilespmem:s30+$0x6A0] =	vst v3;
	v3 =	vmul.f32 v25, v24  }
0xb0: {  	v31 =	vld [tilespmem:s30+$0x720];
	[tilespmem:s30+$0x6B0] =	vst v1;
	v1 =	vmul.f32 v26, v24  }
0xb1: {  	v33 =	vbroadcast v2, $0xB;
	v34 =	vld [tilespmem:s30+$0x740];
	[tilespmem:s30+$0x6C0] =	vst v3;
	v3 =	vmul.f32 v27, v24  }
0xb2: {  	v35 =	vld [tilespmem:s30+$0x750];
	[tilespmem:s30+$0x6D0] =	vst v1;
	v1 =	vmul.f32 v28, v24  }
0xb3: {  	v36 =	vld [tilespmem:s30+$0x760];
	[tilespmem:s30+$0x6E0] =	vst v3;
	v3 =	vmul.f32 v29, v33  }
0xb4: {  	v37 =	vld [tilespmem:s30+$0x770];
	[tilespmem:s30+$0x6F0] =	vst v1;
	v1 =	vmul.f32 v30, v33  }
0xb5: {  	v38 =	vld [tilespmem:s30+$0x780];
	[tilespmem:s30+$0x700] =	vst v3;
	v3 =	vmul.f32 v31, v33  }
0xb6: {  	v39 =	vld [tilespmem:s30+$0x790];
	[tilespmem:s30+$0x710] =	vst v1;
	v1 =	vmul.f32 v32, v33  }
0xb7: {  	v41 =	vld [tilespmem:s30+$0x7B0];
	[tilespmem:s30+$0x720] =	vst v3;
	v3 =	vmul.f32 v34, v33  }
0xb8: {  	v40 =	vld [tilespmem:s30+$0x7A0];
	[tilespmem:s30+$0x730] =	vst v1;
	v1 =	vmul.f32 v35, v33  }
0xb9: {  	v42 =	vbroadcast v2, $0xC;
	v43 =	vld [tilespmem:s30+$0x7C0];
	[tilespmem:s30+$0x740] =	vst v3;
	v3 =	vmul.f32 v36, v33  }
0xba: {  	v44 =	vld [tilespmem:s30+$0x7D0];
	[tilespmem:s30+$0x750] =	vst v1;
	v1 =	vmul.f32 v37, v33  }
0xbb: {  	v45 =	vld [tilespmem:s30+$0x7E0];
	[tilespmem:s30+$0x760] =	vst v3;
	v3 =	vmul.f32 v38, v42  }
0xbc: {  	v46 =	vld [tilespmem:s30+$0x7F0];
	[tilespmem:s30+$0x770] =	vst v1;
	v1 =	vmul.f32 v39, v42  }
0xbd: {  	v47 =	vld [tilespmem:s30+$0x800];
	[tilespmem:s30+$0x780] =	vst v3;
	v3 =	vmul.f32 v40, v42  }
0xbe: {  	v48 =	vld [tilespmem:s30+$0x810];
	[tilespmem:s30+$0x790] =	vst v1;
	v1 =	vmul.f32 v41, v42  }
0xbf: {  	v50 =	vld [tilespmem:s30+$0x830];
	[tilespmem:s30+$0x7A0] =	vst v3;
	v3 =	vmul.f32 v43, v42  }
0xc0: {  	v49 =	vld [tilespmem:s30+$0x820];
	[tilespmem:s30+$0x7B0] =	vst v1;
	v1 =	vmul.f32 v44, v42  }
0xc1: {  	v51 =	vbroadcast v2, $0xD;
	v52 =	vld [tilespmem:s30+$0x840];
	[tilespmem:s30+$0x7C0] =	vst v3;
	v3 =	vmul.f32 v45, v42  }
0xc2: {  	v53 =	vld [tilespmem:s30+$0x850];
	[tilespmem:s30+$0x7D0] =	vst v1;
	v1 =	vmul.f32 v46, v42  }
0xc3: {  	v54 =	vld [tilespmem:s30+$0x860];
	[tilespmem:s30+$0x7E0] =	vst v3;
	v3 =	vmul.f32 v47, v51  }
0xc4: {  	v55 =	vld [tilespmem:s30+$0x870];
	[tilespmem:s30+$0x7F0] =	vst v1;
	v1 =	vmul.f32 v48, v51  }
0xc5: {  	v56 =	vld [tilespmem:s30+$0x880];
	[tilespmem:s30+$0x800] =	vst v3;
	v3 =	vmul.f32 v49, v51  }
0xc6: {  	v57 =	vld [tilespmem:s30+$0x890];
	[tilespmem:s30+$0x810] =	vst v1;
	v1 =	vmul.f32 v50, v51  }
0xc7: {  	v59 =	vld [tilespmem:s30+$0x8B0];
	[tilespmem:s30+$0x820] =	vst v3;
	v3 =	vmul.f32 v52, v51  }
0xc8: {  	v58 =	vld [tilespmem:s30+$0x8A0];
	[tilespmem:s30+$0x830] =	vst v1;
	v1 =	vmul.f32 v53, v51  }
0xc9: {  	v60 =	vbroadcast v2, $0xE;
	v61 =	vld [tilespmem:s30+$0x8C0];
	[tilespmem:s30+$0x840] =	vst v3;
	v3 =	vmul.f32 v54, v51  }
0xca: {  	v62 =	vld [tilespmem:s30+$0x8D0];
	[tilespmem:s30+$0x850] =	vst v1;
	v1 =	vmul.f32 v55, v51  }
0xcb: {  	v63 =	vld [tilespmem:s30+$0x8E0];
	[tilespmem:s30+$0x860] =	vst v3;
	v3 =	vmul.f32 v56, v60  }
0xcc: {  	v6 =	vmul.f32 v57, v60;
	v12 =	vld [tilespmem:s30+$0x8F0];
	[tilespmem:s30+$0x870] =	vst v1  }
0xcd: {  	s0 =	sor.u32 $0x800, s0;
	[tilespmem:s30+$0x880] =	vst v3;
	v3 =	vmul.f32 v58, v60;
	v1 =	vld [tilespmem:s31+$0x110]  }
0xce: {  	s0 =	sand.u32 $0x3FFFF800, s0;
	v5 =	vmul.f32 v59, v60;
	v13 =	vld [tilespmem:s30+$0x900];
	[tilespmem:s30+$0x890] =	vst v6  }
0xcf: {  	v14 =	vld [tilespmem:s0+$0x180];
	[tilespmem:s30+$0x8A0] =	vst v3;
	v3 =	vmul.f32 v61, v60  }
0xd0: {  	[tilespmem:s30+$0x8B0] =	vst v5;
	v4 =	vmul.f32 v62, v60;
	v15 =	vld [tilespmem:s0+$0x190]  }
0xd1: {  	v2 =	vbroadcast v2, $0xF;
	v16 =	vld [tilespmem:s0+$0x1A0];
	[tilespmem:s30+$0x8C0] =	vst v3;
	v3 =	vmul.f32 v63, v60  }
0xd2: {  	[tilespmem:s30+$0x8D0] =	vst v4;
	v17 =	vmul.f32 v12, v60;
	v19 =	vld [tilespmem:s0+$0x1B0];
	v18 =	vbroadcast v1, $0x0  }
0xd3: {  	v20 =	vld [tilespmem:s0+$0x1C0];
	[tilespmem:s30+$0x8E0] =	vst v3;
	v3 =	vmul.f32 v13, v2  }
0xd4: {  	[tilespmem:s30+$0x8F0] =	vst v17;
	v22 =	vld [tilespmem:s0+$0x1D0];
	v21 =	vmul.f32 v18, v14  }
0xd5: {  	v23 =	vld [tilespmem:s0+$0x1E0];
	[tilespmem:s30+$0x900] =	vst v3;
	v3 =	vmul.f32 v15, v18  }
0xd6: {  	v25 =	vld [tilespmem:s0+$0x1F0];
	v24 =	vmul.f32 v16, v18;
	[tilespmem:s0+$0x180] =	vst v21  }
0xd7: {  	v9 =	vmul.f32 v19, v18;
	[tilespmem:s0+$0x190] =	vst v3;
	v3 =	vld [tilespmem:s30+$0x910]  }
0xd8: {  	v26 =	vld [tilespmem:s30+$0x920];
	v6 =	vmul.f32 v20, v18;
	[tilespmem:s0+$0x1A0] =	vst v24  }
0xd9: {  	v27 =	vld [tilespmem:s30+$0x930];
	v10 =	vmul.f32 v22, v18;
	[tilespmem:s0+$0x1B0] =	vst v9  }
0xda: {  	v28 =	vld [tilespmem:s30+$0x940];
	v5 =	vmul.f32 v23, v18;
	[tilespmem:s0+$0x1C0] =	vst v6  }
0xdb: {  	v29 =	vld [tilespmem:s30+$0x950];
	v7 =	vmul.f32 v25, v18;
	[tilespmem:s0+$0x1D0] =	vst v10  }
0xdc: {  	v30 =	vld [tilespmem:s30+$0x960];
	[tilespmem:s0+$0x1E0] =	vst v5;
	v3 =	vmul.f32 v3, v2  }
0xdd: {  	v31 =	vld [tilespmem:s30+$0x970];
	v4 =	vmul.f32 v26, v2;
	[tilespmem:s0+$0x1F0] =	vst v7  }
0xde: {  	v7 =	vld [tilespmem:s30+$0xA00];
	[tilespmem:s30+$0x910] =	vst v3;
	v3 =	vmul.f32 v27, v2  }
0xdf: {  	[tilespmem:s30+$0x920] =	vst v4;
	v32 =	vmul.f32 v28, v2;
	v33 =	vld [tilespmem:s30+$0xA10]  }
0xe0: {  	v34 =	vld [tilespmem:s30+$0xA20];
	[tilespmem:s30+$0x930] =	vst v3;
	v3 =	vmul.f32 v29, v2  }
0xe1: {  	[tilespmem:s30+$0x940] =	vst v32;
	v35 =	vmul.f32 v30, v2;
	v36 =	vbroadcast v1, $0x1;
	v37 =	vld [tilespmem:s30+$0xA30]  }
0xe2: {  	v2 =	vmul.f32 v31, v2;
	[tilespmem:s30+$0x950] =	vst v3;
	v3 =	vld [tilespmem:s30+$0xA40]  }
0xe3: {  	[tilespmem:s30+$0x960] =	vst v35;
	v39 =	vld [tilespmem:s30+$0xA50];
	v38 =	vmul.f32 v7, v36  }
0xe4: {  	v40 =	vld [tilespmem:s30+$0xA60];
	[tilespmem:s30+$0x970] =	vst v2;
	v2 =	vmul.f32 v33, v36  }
0xe5: {  	v42 =	vld [tilespmem:s30+$0xA70];
	v41 =	vmul.f32 v34, v36;
	[tilespmem:s30+$0xA00] =	vst v38  }
0xe6: {  	v43 =	vld [tilespmem:s30+$0xA80];
	[tilespmem:s30+$0xA10] =	vst v2;
	v2 =	vmul.f32 v37, v36  }
0xe7: {  	v44 =	vld [tilespmem:s30+$0xA90];
	[tilespmem:s30+$0xA20] =	vst v41;
	v3 =	vmul.f32 v3, v36  }
0xe8: {  	v45 =	vld [tilespmem:s30+$0xAA0];
	[tilespmem:s30+$0xA30] =	vst v2;
	v2 =	vmul.f32 v39, v36  }
0xe9: {  	v46 =	vbroadcast v1, $0x2;
	v47 =	vld [tilespmem:s30+$0xAB0];
	[tilespmem:s30+$0xA40] =	vst v3;
	v3 =	vmul.f32 v40, v36  }
0xea: {  	v48 =	vld [tilespmem:s30+$0xAC0];
	[tilespmem:s30+$0xA50] =	vst v2;
	v2 =	vmul.f32 v42, v36  }
0xeb: {  	v49 =	vld [tilespmem:s30+$0xAD0];
	[tilespmem:s30+$0xA60] =	vst v3;
	v3 =	vmul.f32 v43, v46  }
0xec: {  	v50 =	vld [tilespmem:s30+$0xAE0];
	[tilespmem:s30+$0xA70] =	vst v2;
	v2 =	vmul.f32 v44, v46  }
0xed: {  	v51 =	vld [tilespmem:s30+$0xAF0];
	[tilespmem:s30+$0xA80] =	vst v3;
	v3 =	vmul.f32 v45, v46  }
0xee: {  	v52 =	vld [tilespmem:s30+$0xB00];
	[tilespmem:s30+$0xA90] =	vst v2;
	v2 =	vmul.f32 v47, v46  }
0xef: {  	v53 =	vld [tilespmem:s30+$0xB10];
	[tilespmem:s30+$0xAA0] =	vst v3;
	v3 =	vmul.f32 v48, v46  }
0xf0: {  	v54 =	vld [tilespmem:s30+$0xB20];
	[tilespmem:s30+$0xAB0] =	vst v2;
	v2 =	vmul.f32 v49, v46  }
0xf1: {  	v55 =	vbroadcast v1, $0x3;
	v56 =	vld [tilespmem:s30+$0xB30];
	[tilespmem:s30+$0xAC0] =	vst v3;
	v3 =	vmul.f32 v50, v46  }
0xf2: {  	v57 =	vld [tilespmem:s30+$0xB40];
	[tilespmem:s30+$0xAD0] =	vst v2;
	v2 =	vmul.f32 v51, v46  }
0xf3: {  	v58 =	vld [tilespmem:s30+$0xB50];
	[tilespmem:s30+$0xAE0] =	vst v3;
	v3 =	vmul.f32 v52, v55  }
0xf4: {  	v59 =	vld [tilespmem:s30+$0xB60];
	[tilespmem:s30+$0xAF0] =	vst v2;
	v2 =	vmul.f32 v53, v55  }
0xf5: {  	v60 =	vld [tilespmem:s30+$0xB70];
	[tilespmem:s30+$0xB00] =	vst v3;
	v3 =	vmul.f32 v54, v55  }
0xf6: {  	v61 =	vld [tilespmem:s30+$0xB80];
	[tilespmem:s30+$0xB10] =	vst v2;
	v2 =	vmul.f32 v56, v55  }
0xf7: {  	v62 =	vld [tilespmem:s30+$0xB90];
	[tilespmem:s30+$0xB20] =	vst v3;
	v3 =	vmul.f32 v57, v55  }
0xf8: {  	v63 =	vld [tilespmem:s30+$0xBA0];
	[tilespmem:s30+$0xB30] =	vst v2;
	v2 =	vmul.f32 v58, v55  }
0xf9: {  	v12 =	vbroadcast v1, $0x4;
	v13 =	vld [tilespmem:s30+$0xBB0];
	[tilespmem:s30+$0xB40] =	vst v3;
	v3 =	vmul.f32 v59, v55  }
0xfa: {  	v14 =	vld [tilespmem:s30+$0xBC0];
	[tilespmem:s30+$0xB50] =	vst v2;
	v2 =	vmul.f32 v60, v55  }
0xfb: {  	v15 =	vld [tilespmem:s30+$0xBD0];
	[tilespmem:s30+$0xB60] =	vst v3;
	v3 =	vmul.f32 v61, v12  }
0xfc: {  	v16 =	vld [tilespmem:s30+$0xBE0];
	[tilespmem:s30+$0xB70] =	vst v2;
	v2 =	vmul.f32 v62, v12  }
0xfd: {  	v17 =	vld [tilespmem:s30+$0xBF0];
	[tilespmem:s30+$0xB80] =	vst v3;
	v3 =	vmul.f32 v63, v12  }
0xfe: {  	v18 =	vld [tilespmem:s30+$0xC00];
	[tilespmem:s30+$0xB90] =	vst v2;
	v2 =	vmul.f32 v13, v12  }
0xff: {  	v19 =	vld [tilespmem:s30+$0xC10];
	[tilespmem:s30+$0xBA0] =	vst v3;
	v3 =	vmul.f32 v14, v12  }
0x100: {  	v20 =	vld [tilespmem:s30+$0xC20];
	[tilespmem:s30+$0xBB0] =	vst v2;
	v2 =	vmul.f32 v15, v12  }
0x101: {  	v21 =	vbroadcast v1, $0x5;
	v22 =	vld [tilespmem:s30+$0xC30];
	[tilespmem:s30+$0xBC0] =	vst v3;
	v3 =	vmul.f32 v16, v12  }
0x102: {  	v23 =	vld [tilespmem:s30+$0xC40];
	[tilespmem:s30+$0xBD0] =	vst v2;
	v2 =	vmul.f32 v17, v12  }
0x103: {  	v24 =	vld [tilespmem:s30+$0xC50];
	[tilespmem:s30+$0xBE0] =	vst v3;
	v3 =	vmul.f32 v18, v21  }
0x104: {  	v25 =	vld [tilespmem:s30+$0xC60];
	[tilespmem:s30+$0xBF0] =	vst v2;
	v2 =	vmul.f32 v19, v21  }
0x105: {  	v26 =	vld [tilespmem:s30+$0xC70];
	[tilespmem:s30+$0xC00] =	vst v3;
	v3 =	vmul.f32 v20, v21  }
0x106: {  	v27 =	vld [tilespmem:s30+$0xC80];
	[tilespmem:s30+$0xC10] =	vst v2;
	v2 =	vmul.f32 v22, v21  }
0x107: {  	v28 =	vld [tilespmem:s30+$0xC90];
	[tilespmem:s30+$0xC20] =	vst v3;
	v3 =	vmul.f32 v23, v21  }
0x108: {  	v29 =	vld [tilespmem:s30+$0xCA0];
	[tilespmem:s30+$0xC30] =	vst v2;
	v2 =	vmul.f32 v24, v21  }
0x109: {  	v30 =	vbroadcast v1, $0x6;
	v31 =	vld [tilespmem:s30+$0xCB0];
	[tilespmem:s30+$0xC40] =	vst v3;
	v3 =	vmul.f32 v25, v21  }
0x10a: {  	v32 =	vld [tilespmem:s30+$0xCC0];
	[tilespmem:s30+$0xC50] =	vst v2;
	v2 =	vmul.f32 v26, v21  }
0x10b: {  	v33 =	vld [tilespmem:s30+$0xCD0];
	[tilespmem:s30+$0xC60] =	vst v3;
	v3 =	vmul.f32 v27, v30  }
0x10c: {  	v34 =	vld [tilespmem:s30+$0xCE0];
	[tilespmem:s30+$0xC70] =	vst v2;
	v2 =	vmul.f32 v28, v30  }
0x10d: {  	v35 =	vld [tilespmem:s30+$0xCF0];
	[tilespmem:s30+$0xC80] =	vst v3;
	v3 =	vmul.f32 v29, v30  }
0x10e: {  	v36 =	vld [tilespmem:s30+$0xD00];
	[tilespmem:s30+$0xC90] =	vst v2;
	v2 =	vmul.f32 v31, v30  }
0x10f: {  	v37 =	vld [tilespmem:s30+$0xD10];
	[tilespmem:s30+$0xCA0] =	vst v3;
	v3 =	vmul.f32 v32, v30  }
0x110: {  	v38 =	vld [tilespmem:s30+$0xD20];
	[tilespmem:s30+$0xCB0] =	vst v2;
	v2 =	vmul.f32 v33, v30  }
0x111: {  	v39 =	vbroadcast v1, $0x7;
	v40 =	vld [tilespmem:s30+$0xD30];
	[tilespmem:s30+$0xCC0] =	vst v3;
	v3 =	vmul.f32 v34, v30  }
0x112: {  	v41 =	vld [tilespmem:s30+$0xD40];
	[tilespmem:s30+$0xCD0] =	vst v2;
	v2 =	vmul.f32 v35, v30  }
0x113: {  	v42 =	vld [tilespmem:s30+$0xD50];
	[tilespmem:s30+$0xCE0] =	vst v3;
	v3 =	vmul.f32 v36, v39  }
0x114: {  	v43 =	vld [tilespmem:s30+$0xD60];
	[tilespmem:s30+$0xCF0] =	vst v2;
	v2 =	vmul.f32 v37, v39  }
0x115: {  	v44 =	vld [tilespmem:s30+$0xD70];
	[tilespmem:s30+$0xD00] =	vst v3;
	v3 =	vmul.f32 v38, v39  }
0x116: {  	v45 =	vld [tilespmem:s30+$0xD80];
	[tilespmem:s30+$0xD10] =	vst v2;
	v2 =	vmul.f32 v40, v39  }
0x117: {  	v46 =	vld [tilespmem:s30+$0xD90];
	[tilespmem:s30+$0xD20] =	vst v3;
	v3 =	vmul.f32 v41, v39  }
0x118: {  	v47 =	vld [tilespmem:s30+$0xDA0];
	[tilespmem:s30+$0xD30] =	vst v2;
	v2 =	vmul.f32 v42, v39  }
0x119: {  	v49 =	vld [tilespmem:s30+$0xDB0];
	v48 =	vbroadcast v1, $0x8;
	[tilespmem:s30+$0xD40] =	vst v3;
	v3 =	vmul.f32 v43, v39  }
0x11a: {  	v50 =	vld [tilespmem:s30+$0xDC0];
	[tilespmem:s30+$0xD50] =	vst v2;
	v2 =	vmul.f32 v44, v39  }
0x11b: {  	v51 =	vld [tilespmem:s30+$0xDD0];
	[tilespmem:s30+$0xD60] =	vst v3;
	v3 =	vmul.f32 v45, v48  }
0x11c: {  	v52 =	vld [tilespmem:s30+$0xDE0];
	[tilespmem:s30+$0xD70] =	vst v2;
	v2 =	vmul.f32 v46, v48  }
0x11d: {  	v53 =	vld [tilespmem:s30+$0xDF0];
	[tilespmem:s30+$0xD80] =	vst v3;
	v3 =	vmul.f32 v47, v48  }
0x11e: {  	v54 =	vld [tilespmem:s30+$0xE00];
	[tilespmem:s30+$0xD90] =	vst v2;
	v2 =	vmul.f32 v49, v48  }
0x11f: {  	v55 =	vld [tilespmem:s30+$0xE10];
	[tilespmem:s30+$0xDA0] =	vst v3;
	v3 =	vmul.f32 v50, v48  }
0x120: {  	v56 =	vld [tilespmem:s30+$0xE20];
	[tilespmem:s30+$0xDB0] =	vst v2;
	v2 =	vmul.f32 v51, v48  }
0x121: {  	v58 =	vld [tilespmem:s30+$0xE30];
	v57 =	vbroadcast v1, $0x9;
	[tilespmem:s30+$0xDC0] =	vst v3;
	v3 =	vmul.f32 v52, v48  }
0x122: {  	v59 =	vld [tilespmem:s30+$0xE40];
	[tilespmem:s30+$0xDD0] =	vst v2;
	v2 =	vmul.f32 v53, v48  }
0x123: {  	v60 =	vld [tilespmem:s30+$0xE50];
	[tilespmem:s30+$0xDE0] =	vst v3;
	v3 =	vmul.f32 v54, v57  }
0x124: {  	v61 =	vld [tilespmem:s30+$0xE60];
	[tilespmem:s30+$0xDF0] =	vst v2;
	v2 =	vmul.f32 v55, v57  }
0x125: {  	v62 =	vld [tilespmem:s30+$0xE70];
	[tilespmem:s30+$0xE00] =	vst v3;
	v3 =	vmul.f32 v56, v57  }
0x126: {  	v63 =	vld [tilespmem:s30+$0xE80];
	[tilespmem:s30+$0xE10] =	vst v2;
	v2 =	vmul.f32 v58, v57  }
0x127: {  	v12 =	vld [tilespmem:s30+$0xE90];
	[tilespmem:s30+$0xE20] =	vst v3;
	v3 =	vmul.f32 v59, v57  }
0x128: {  	v13 =	vld [tilespmem:s30+$0xEA0];
	[tilespmem:s30+$0xE30] =	vst v2;
	v2 =	vmul.f32 v60, v57  }
0x129: {  	v15 =	vld [tilespmem:s30+$0xEB0];
	v14 =	vbroadcast v1, $0xA;
	[tilespmem:s30+$0xE40] =	vst v3;
	v3 =	vmul.f32 v61, v57  }
0x12a: {  	v16 =	vld [tilespmem:s30+$0xEC0];
	[tilespmem:s30+$0xE50] =	vst v2;
	v2 =	vmul.f32 v62, v57  }
0x12b: {  	v17 =	vld [tilespmem:s30+$0xED0];
	[tilespmem:s30+$0xE60] =	vst v3;
	v3 =	vmul.f32 v63, v14  }
0x12c: {  	v18 =	vld [tilespmem:s30+$0xEE0];
	[tilespmem:s30+$0xE70] =	vst v2;
	v2 =	vmul.f32 v12, v14  }
0x12d: {  	v19 =	vld [tilespmem:s30+$0xEF0];
	[tilespmem:s30+$0xE80] =	vst v3;
	v3 =	vmul.f32 v13, v14  }
0x12e: {  	v20 =	vld [tilespmem:s30+$0xF00];
	[tilespmem:s30+$0xE90] =	vst v2;
	v2 =	vmul.f32 v15, v14  }
0x12f: {  	v21 =	vld [tilespmem:s30+$0xF10];
	[tilespmem:s30+$0xEA0] =	vst v3;
	v3 =	vmul.f32 v16, v14  }
0x130: {  	v22 =	vld [tilespmem:s30+$0xF20];
	[tilespmem:s30+$0xEB0] =	vst v2;
	v2 =	vmul.f32 v17, v14  }
0x131: {  	v24 =	vld [tilespmem:s30+$0xF30];
	v23 =	vbroadcast v1, $0xB;
	[tilespmem:s30+$0xEC0] =	vst v3;
	v3 =	vmul.f32 v18, v14  }
0x132: {  	v25 =	vld [tilespmem:s30+$0xF40];
	[tilespmem:s30+$0xED0] =	vst v2;
	v2 =	vmul.f32 v19, v14  }
0x133: {  	v26 =	vld [tilespmem:s30+$0xF50];
	[tilespmem:s30+$0xEE0] =	vst v3;
	v3 =	vmul.f32 v20, v23  }
0x134: {  	v27 =	vld [tilespmem:s30+$0xF60];
	[tilespmem:s30+$0xEF0] =	vst v2;
	v2 =	vmul.f32 v21, v23  }
0x135: {  	v28 =	vld [tilespmem:s30+$0xF70];
	[tilespmem:s30+$0xF00] =	vst v3;
	v3 =	vmul.f32 v22, v23  }
0x136: {  	v29 =	vld [tilespmem:s30+$0xF80];
	[tilespmem:s30+$0xF10] =	vst v2;
	v2 =	vmul.f32 v24, v23  }
0x137: {  	v30 =	vld [tilespmem:s30+$0xF90];
	[tilespmem:s30+$0xF20] =	vst v3;
	v3 =	vmul.f32 v25, v23  }
0x138: {  	v31 =	vld [tilespmem:s30+$0xFA0];
	[tilespmem:s30+$0xF30] =	vst v2;
	v2 =	vmul.f32 v26, v23  }
0x139: {  	v33 =	vld [tilespmem:s30+$0xFB0];
	v32 =	vbroadcast v1, $0xC;
	[tilespmem:s30+$0xF40] =	vst v3;
	v3 =	vmul.f32 v27, v23  }
0x13a: {  	v34 =	vld [tilespmem:s30+$0xFC0];
	[tilespmem:s30+$0xF50] =	vst v2;
	v2 =	vmul.f32 v28, v23  }
0x13b: {  	v35 =	vld [tilespmem:s30+$0xFD0];
	[tilespmem:s30+$0xF60] =	vst v3;
	v3 =	vmul.f32 v29, v32  }
0x13c: {  	v36 =	vld [tilespmem:s30+$0xFE0];
	[tilespmem:s30+$0xF70] =	vst v2;
	v2 =	vmul.f32 v30, v32  }
0x13d: {  	v37 =	vld [tilespmem:s30+$0xFF0];
	[tilespmem:s30+$0xF80] =	vst v3;
	v3 =	vmul.f32 v31, v32  }
0x13e: {  	v38 =	vld [tilespmem:s30+$0x1000];
	[tilespmem:s30+$0xF90] =	vst v2;
	v2 =	vmul.f32 v33, v32  }
0x13f: {  	v39 =	vld [tilespmem:s30+$0x1010];
	[tilespmem:s30+$0xFA0] =	vst v3;
	v3 =	vmul.f32 v34, v32  }
0x140: {  	v40 =	vld [tilespmem:s30+$0x1020];
	[tilespmem:s30+$0xFB0] =	vst v2;
	v2 =	vmul.f32 v35, v32  }
0x141: {  	v42 =	vld [tilespmem:s30+$0x1030];
	v41 =	vbroadcast v1, $0xD;
	[tilespmem:s30+$0xFC0] =	vst v3;
	v3 =	vmul.f32 v36, v32  }
0x142: {  	v43 =	vld [tilespmem:s30+$0x1040];
	[tilespmem:s30+$0xFD0] =	vst v2;
	v2 =	vmul.f32 v37, v32  }
0x143: {  	v44 =	vld [tilespmem:s30+$0x1050];
	[tilespmem:s30+$0xFE0] =	vst v3;
	v3 =	vmul.f32 v38, v41  }
0x144: {  	v45 =	vld [tilespmem:s30+$0x1060];
	[tilespmem:s30+$0xFF0] =	vst v2;
	v2 =	vmul.f32 v39, v41  }
0x145: {  	v46 =	vld [tilespmem:s30+$0x1070];
	[tilespmem:s30+$0x1000] =	vst v3;
	v3 =	vmul.f32 v40, v41  }
0x146: {  	v47 =	vld [tilespmem:s30+$0x1080];
	[tilespmem:s30+$0x1010] =	vst v2;
	v2 =	vmul.f32 v42, v41  }
0x147: {  	v48 =	vld [tilespmem:s30+$0x1090];
	[tilespmem:s30+$0x1020] =	vst v3;
	v3 =	vmul.f32 v43, v41  }
0x148: {  	v49 =	vld [tilespmem:s30+$0x10A0];
	[tilespmem:s30+$0x1030] =	vst v2;
	v2 =	vmul.f32 v44, v41  }
0x149: {  	v51 =	vld [tilespmem:s30+$0x10B0];
	v50 =	vbroadcast v1, $0xE;
	[tilespmem:s30+$0x1040] =	vst v3;
	v3 =	vmul.f32 v45, v41  }
0x14a: {  	v52 =	vld [tilespmem:s30+$0x10C0];
	[tilespmem:s30+$0x1050] =	vst v2;
	v2 =	vmul.f32 v46, v41  }
0x14b: {  	v53 =	vld [tilespmem:s30+$0x10D0];
	[tilespmem:s30+$0x1060] =	vst v3;
	v3 =	vmul.f32 v47, v50  }
0x14c: {  	v54 =	vld [tilespmem:s30+$0x10E0];
	[tilespmem:s30+$0x1070] =	vst v2;
	v2 =	vmul.f32 v48, v50  }
0x14d: {  	v55 =	vld [tilespmem:s30+$0x10F0];
	[tilespmem:s30+$0x1080] =	vst v3;
	v3 =	vmul.f32 v49, v50  }
0x14e: {  	v56 =	vld [tilespmem:s30+$0x1100];
	[tilespmem:s30+$0x1090] =	vst v2;
	v2 =	vmul.f32 v51, v50  }
0x14f: {  	v57 =	vld [tilespmem:s30+$0x1110];
	[tilespmem:s30+$0x10A0] =	vst v3;
	v3 =	vmul.f32 v52, v50  }
0x150: {  	v58 =	vld [tilespmem:s30+$0x1120];
	[tilespmem:s30+$0x10B0] =	vst v2;
	v2 =	vmul.f32 v53, v50  }
0x151: {  	v1 =	vbroadcast v1, $0xF;
	v59 =	vld [tilespmem:s30+$0x1130];
	[tilespmem:s30+$0x10C0] =	vst v3;
	v3 =	vmul.f32 v54, v50  }
0x152: {  	v60 =	vld [tilespmem:s30+$0x1140];
	[tilespmem:s30+$0x10D0] =	vst v2;
	v2 =	vmul.f32 v55, v50  }
0x153: {  	v61 =	vld [tilespmem:s30+$0x1150];
	[tilespmem:s30+$0x10E0] =	vst v3;
	v3 =	vmul.f32 v56, v1  }
0x154: {  	v62 =	vld [tilespmem:s30+$0x1160];
	[tilespmem:s30+$0x10F0] =	vst v2;
	v2 =	vmul.f32 v57, v1  }
0x155: {  	v63 =	vld [tilespmem:s30+$0x1170];
	[tilespmem:s30+$0x1100] =	vst v3;
	v3 =	vmul.f32 v58, v1  }
0x156: {  	[tilespmem:s30+$0x1110] =	vst v2;
	v2 =	vmul.f32 v59, v1  }
0x157: {  	p0 =	slt.u32 s29, $0x6;
	[tilespmem:s30+$0x1120] =	vst v3;
	v3 =	vmul.f32 v60, v1  }
.Ltmp1:
0x158: {  	[tilespmem:s30+$0x1130] =	vst v2;
	v2 =	vmul.f32 v61, v1;
	(pc) =	sbr.rel @p0 .LBB2_5-.Ltmp1, $4  }
0x159: {  	[tilespmem:s30+$0x1140] =	vst v3;
	v3 =	vmul.f32 v62, v1  }
0x15a: {  	[tilespmem:s30+$0x1150] =	vst v2;
	v1 =	vmul.f32 v63, v1  }
0x15b: {  	s31 =	sadd.s32 $0x2, s29;
	[tilespmem:s30+$0x1160] =	vst v3  }
0x15c: {  	s29 =	smov.u32 s31;
	[tilespmem:s30+$0x1170] =	vst v1  }
0x15d: {  	s28 =	sadd.s32 $0x1, s28  }
0x15e: {  	p0 =	sne.s32 s28, $0x4F  }
.Ltmp2:
0x15f: {  	_ = 	snop;
	(pc) =	sbr.rel @p0 .LBB2_4-.Ltmp2, $4  }
0x160: {  	[spmem:s2] =	stream.indirect.scatter.add.f32 [tilespmem:s23], [sflag:$0x2], $0x80, s4, s22, $0xb8;
	[tilespmem:$0x1C180] =	vst v63  }
0x161: {  	_ =	swait.ge [sflag:s20], $0x4000  }
0x162: {  	[sflag:s20] =	ssyncset.done $0x0  }
0x163: {  	[sflag:s20] =	ssyncadd.s32 $0xFFFFC000  }
0x164: {  	[bflag:$0x0] =	sbarrier.arrive $0xFFFF  }
0x165: {  	[tilespmem:s19], [sflag:$0x2] =	stream.linear.gather [spmem:s7], $0x4000, $0x38;
	[tilespmem:$0x1C180] =	vst v63  }
0x166: {  	_ =	swait.ge [sflag:s20], $0x4000  }
0x167: {  	[sflag:s20] =	ssyncset.done $0x0  }
0x168: {  	[sflag:s20] =	ssyncadd.s32 $0xFFFFC000  }
0x169: {  	[hbm4b:s13+s4] =	stream.linear.scatter [tilespmem:s19], [sflag:$0x2], $0x4000, $0x38;
	[tilespmem:$0x1C180] =	vst v63  }
0x16a: {  	_ =	swait.ge [sflag:s20], $0x4000  }
0x16b: {  	[sflag:s20] =	ssyncset.done $0x0  }
0x16c: {  	[sflag:s20] =	ssyncadd.s32 $0xFFFFC000  }
0x16d: {  	[tilespmem:s19], [sflag:$0x2] =	stream.linear.gather [spmem:s8], $0x4000, $0x38;
	[tilespmem:$0x1C180] =	vst v63  }
0x16e: {  	_ =	swait.ge [sflag:s20], $0x4000  }
0x16f: {  	[sflag:s20] =	ssyncset.done $0x0  }
0x170: {  	[sflag:s20] =	ssyncadd.s32 $0xFFFFC000  }
0x171: {  	[hbm4b:s14+s4] =	stream.linear.scatter [tilespmem:s19], [sflag:$0x2], $0x4000, $0x38;
	[tilespmem:$0x1C180] =	vst v63  }
0x172: {  	_ =	swait.ge [sflag:s20], $0x4000  }
0x173: {  	[sflag:s20] =	ssyncset.done $0x0  }
0x174: {  	[sflag:s20] =	ssyncadd.s32 $0xFFFFC000  }
0x175: {  	[tilespmem:s19], [sflag:$0x2] =	stream.linear.gather [spmem:s9], $0x4000, $0x38;
	[tilespmem:$0x1C180] =	vst v63  }
0x176: {  	_ =	swait.ge [sflag:s20], $0x4000  }
0x177: {  	[sflag:s20] =	ssyncset.done $0x0  }
0x178: {  	[sflag:s20] =	ssyncadd.s32 $0xFFFFC000  }
0x179: {  	[hbm4b:s15+s4] =	stream.linear.scatter [tilespmem:s19], [sflag:$0x2], $0x4000, $0x38;
	[tilespmem:$0x1C180] =	vst v63  }
0x17a: {  	_ =	swait.ge [sflag:s20], $0x4000  }
0x17b: {  	[sflag:s20] =	ssyncset.done $0x0  }
0x17c: {  	[sflag:s20] =	ssyncadd.s32 $0xFFFFC000  }
0x17d: {  	[tilespmem:s19], [sflag:$0x2] =	stream.linear.gather [spmem:s10], $0x4000, $0x38;
	[tilespmem:$0x1C180] =	vst v63  }
0x17e: {  	_ =	swait.ge [sflag:s20], $0x4000  }
0x17f: {  	[sflag:s20] =	ssyncset.done $0x0  }
0x180: {  	[sflag:s20] =	ssyncadd.s32 $0xFFFFC000  }
0x181: {  	[hbm4b:s16+s4] =	stream.linear.scatter [tilespmem:s19], [sflag:$0x2], $0x4000, $0x38;
	[tilespmem:$0x1C180] =	vst v63  }
0x182: {  	_ =	swait.ge [sflag:s20], $0x4000  }
0x183: {  	[sflag:s20] =	ssyncset.done $0x0  }
0x184: {  	[sflag:s20] =	ssyncadd.s32 $0xFFFFC000  }
0x185: {  	[tilespmem:s19], [sflag:$0x2] =	stream.linear.gather [spmem:s11], $0x4000, $0x38;
	[tilespmem:$0x1C180] =	vst v63  }
0x186: {  	s25 =	sadd.s32 $0x1, s25;
	_ =	swait.ge [sflag:s20], $0x4000  }
0x187: {  	p0 =	sne.s32 s25, s18;
	[sflag:s20] =	ssyncset.done $0x0  }
.Ltmp3:
0x188: {  	[sflag:s20] =	ssyncadd.s32 $0xFFFFC000;
	(pc) =	sbr.rel @p0 .LBB2_1-.Ltmp3, $4  }
0x189: {  	[hbm4b:s17+s4] =	stream.linear.scatter [tilespmem:s19], [sflag:$0x2], $0x4000, $0x38;
	[tilespmem:$0x1C180] =	vst v63  }
0x18a: {  	_ =	swait.ge [sflag:s20], $0x4000  }
0x18b: {  	[sflag:s20] =	ssyncset.done $0x0  }
0x18c: {  	[sflag:s20] =	ssyncadd.s32 $0xFFFFC000  }
0x18d: {  	_ =	sfence.sel $0x180000  }
0x18e: {  	[bflag:$0x0] =	sbarrier.arrive $0xFFFF  }
0x18f: {  	_ =	strace $0x9000004A  }
0x190: {  	[bflag:$0x2] =	sbarrier.arrive $0xFFFF  }
0x191: {  	p0 =	sne.s32 s3, $0x0;
	s0 =	rddreg [dreg:$0x3]  }
0x192: {  	s0 =	sadd.s32 @!p0 $0x100000, s0  }
0x193: {  	[sflag:s0] =	ssyncadd.tile.s32 @!p0 $0x1;
	_ =	shalt  }
.Lfunc_end2:
_tile_overlayer_lowered:
.L_overlay_start_2:
0x194: {  	(tag) =	ssettag $0x2  }
0x195: {  	s0 =	rddreg [dreg:$0x0];
	s2 =	stileid.u32  }
0x196: {  	s1 =	rddreg [dreg:$0x1];
	p0 =	sne.s32 s2, $0x0  }
0x197: {  	s3 =	rddreg [dreg:$0x2];
	[bflag:$0x3] =	sbarrier.arrive $0xFFFF;
	s2 =	simm.s32 @!p0 $0x1C02  }
0x198: {  	[timem:s3], [sflag:s2] =	dma.local @!p0 [hbm:s0], s1  }
0x199: {  	s0 =	simm.s32 @!p0 $0x2  }
0x19a: {  	_ =	swait.ge @!p0 [sflag:s0], s1  }
0x19b: {  	s1 =	ssub.s32 @!p0 $0x0, s1;
	[sflag:s0] =	ssyncset.done @!p0 $0x0  }
0x19c: {  	[sflag:s0] =	ssyncadd.s32 @!p0 s1  }
0x19d: {  	[bflag:$0x3] =	sbarrier.arrive $0xFFFF  }
0x19e: {  	_ =	shalt  }

// kernel: _run.7.cloned.1.call-start
scs
__scs_entry_jumppad:
0x0: {  	(pc) =	sbr.rel $0x88, $3  }
0x1: {  	(tag) =	ssettag $0x0;
	lr =	simm.s32 $0x1  }
0x2: {  	[smem:$0x3F98] =	sst lr;
	_ =	strace $0xD0000000  }
0x3: {  	_ = 	snop  }
0x4: {  	_ = 	snop  }
0x5: {  	_ = 	snop  }
0x6: {  	_ = 	snop  }
0x7: {  	_ = 	snop  }
__scs_overlays_trampoline_lowered:
0x8: {  	[smem:$0x3FA7] =	sst s0  }
0x9: {  	[smem:$0x3FA8] =	sst s1  }
0xa: {  	[smem:$0x3FA9] =	sst s2  }
0xb: {  	[smem:$0x3FAA] =	sst s3  }
0xc: {  	[smem:$0x3FAB] =	sst s4  }
0xd: {  	[smem:$0x3FAC] =	sst s5  }
0xe: {  	[smem:$0x3FAD] =	sst s6  }
0xf: {  	[smem:$0x3FAE] =	sst s7  }
0x10: {  	[smem:$0x3FAF] =	sst s8  }
0x11: {  	[smem:$0x3FB0] =	sst s9;
	s0 =	simm.s32 @!p0 $0x0  }
0x12: {  	s1 =	sld [smem:$0x3F96];
	s0 =	simm.s32 @p0 $0x1  }
0x13: {  	[smem:$0x3FB1] =	sst s0;
	s0 =	simm.s32 @!p1 $0x0  }
0x14: {  	s2 =	sld [smem:$0x3F95];
	s0 =	simm.s32 @p1 $0x1  }
0x15: {  	[smem:$0x3FB2] =	sst s0;
	s0 =	simm.s32 @!p2 $0x0  }
0x16: {  	s3 =	sld [smem:$0x3FDB];
	s0 =	simm.s32 @p2 $0x1  }
0x17: {  	s4 =	simm.s32 $0x1BF5;
	[smem:$0x3FB4] =	sst s0  }
0x18: {  	s0 =	sld [smem:$0x3F97];
	_ =	swait.ge [sflag:s4], $0x0  }
0x19: {  	s7 =	sld [smem:$0x3F98]  }
0x1a: {  	s8 =	sadd.s32 $0xFFFFE003, lr  }
0x1b: {  	s9 =	sadd.s32 $0xFFFFFEF7, lr;
	s5 =	simm.s32 $0xFFFFFFFF;
	p2 =	slt.u32 s8, $0xFFFFF086  }
0x1c: {  	p1 =	slt.u32 s9, $0xF7A;
	s5 =	simm.s32 @!p2 $0x0  }
0x1d: {  	s5 =	simm.s32 @p1 $0x1;
	p0 =	seq.s32 s7, s2  }
0x1e: {  	s7 =	smul.u32 @!p0 $0xF7A, s2;
	p2 =	seq.s32 @!p0 s5, $0x0  }
0x1f: {  	s9 =	smul.u32 $0xF7A, s1;
	s8 =	simm.s32 @!p0 $0x1BF5;
	p2 =	por !p2, p0  }
0x20: {  	[sflag:s8] =	ssyncset.s32 @!p0 $0xFFFFF086;
	s6 =	sadd.s32 @!p0 s3, s7;
	s7 =	simm.s32 @!p0 $0x108  }
0x21: {  	s3 =	sadd.s32 s3, s9;
	s6 =	sadd.s32 @!p0 $0x88, s6;
	s7 =	simm.s32 @p2 $0x1082  }
0x22: {  	[simem:s7], [sflag:s8] =	dma.local @!p0 [hbm:s6], $0xF7A  }
0x23: {  	s9 =	sor.u32 $0xD0000000, s2;
	s6 =	simm.s32 $0x108;
	_ =	swait.ge @!p0 [sflag:s8], $0x0  }
0x24: {  	s3 =	sadd.s32 $0x88, s3;
	s6 =	simm.s32 @!p1 $0x1082;
	[sflag:s4] =	ssyncset.s32 $0xFFFFF086  }
0x25: {  	[simem:s6], [sflag:s4] =	dma.local [hbm:s3], $0xF7A  }
0x26: {  	[smem:$0x3F98] =	sst s1;
	(tag) =	ssettag s2;
	_ =	strace s9  }
0x27: {  	s1 =	sld [smem:$0x3FA8]  }
0x28: {  	s2 =	sld [smem:$0x3FA9]  }
0x29: {  	s4 =	sld [smem:$0x3FAB]  }
0x2a: {  	p0 =	seq.s32 s5, $0x0;
	s5 =	sld [smem:$0x3FAC]  }
0x2b: {  	s6 =	sld [smem:$0x3FAD]  }
0x2c: {  	s7 =	sld [smem:$0x3FAE]  }
0x2d: {  	s3 =	simm.s32 $0x108;
	s8 =	sld [smem:$0x3FAF]  }
0x2e: {  	s3 =	simm.s32 @!p0 $0x1082;
	s9 =	sld [smem:$0x3FB0]  }
0x2f: {  	lr =	sadd.s32 s0, s3;
	s0 =	sld [smem:$0x3FA7]  }
0x30: {  	s3 =	sld [smem:$0x3FAA]  }
0x31: {  	[smem:$0x3FB3] =	sst s10  }
0x32: {  	s10 =	sld [smem:$0x3FB1];
	_ =	sdelay $0x3  }
0x33: {  	p0 =	seq.s32 s10, $0x1;
	s10 =	sld [smem:$0x3FB3];
	_ =	sdelay $0x3  }
0x34: {  	[smem:$0x3FB3] =	sst s10  }
0x35: {  	s10 =	sld [smem:$0x3FB2];
	_ =	sdelay $0x3  }
0x36: {  	p1 =	seq.s32 s10, $0x1;
	s10 =	sld [smem:$0x3FB3];
	_ =	sdelay $0x3  }
0x37: {  	[smem:$0x3FB3] =	sst s10  }
0x38: {  	s10 =	sld [smem:$0x3FB4]  }
0x39: {  	_ = 	snop;
	(pc) =	sbr.ind lr, $3  }
0x3a: {  	_ = 	snop  }
0x3b: {  	_ = 	snop  }
0x3c: {  	p2 =	seq.s32 s10, $0x1;
	s10 =	sld [smem:$0x3FB3]  }
0x3d: {  	_ =	shalt  }
0x3e: {  	_ =	shalt  }
0x3f: {  	_ =	shalt  }
0x40: {  	_ =	shalt  }
0x41: {  	_ =	shalt  }
0x42: {  	_ =	shalt  }
0x43: {  	_ =	shalt  }
0x44: {  	_ =	shalt  }
0x45: {  	_ =	shalt  }
0x46: {  	_ =	shalt  }
0x47: {  	_ =	shalt  }
0x48: {  	_ =	shalt  }
0x49: {  	_ =	shalt  }
0x4a: {  	_ =	shalt  }
0x4b: {  	_ =	shalt  }
0x4c: {  	_ =	shalt  }
0x4d: {  	_ =	shalt  }
0x4e: {  	_ =	shalt  }
0x4f: {  	_ =	shalt  }
0x50: {  	_ =	shalt  }
0x51: {  	_ =	shalt  }
0x52: {  	_ =	shalt  }
0x53: {  	_ =	shalt  }
0x54: {  	_ =	shalt  }
0x55: {  	_ =	shalt  }
0x56: {  	_ =	shalt  }
0x57: {  	_ =	shalt  }
0x58: {  	_ =	shalt  }
0x59: {  	_ =	shalt  }
0x5a: {  	_ =	shalt  }
0x5b: {  	_ =	shalt  }
0x5c: {  	_ =	shalt  }
0x5d: {  	_ =	shalt  }
0x5e: {  	_ =	shalt  }
0x5f: {  	_ =	shalt  }
0x60: {  	_ =	shalt  }
0x61: {  	_ =	shalt  }
0x62: {  	_ =	shalt  }
0x63: {  	_ =	shalt  }
0x64: {  	_ =	shalt  }
0x65: {  	_ =	shalt  }
0x66: {  	_ =	shalt  }
0x67: {  	_ =	shalt  }
0x68: {  	_ =	shalt  }
0x69: {  	_ =	shalt  }
0x6a: {  	_ =	shalt  }
0x6b: {  	_ =	shalt  }
0x6c: {  	_ =	shalt  }
0x6d: {  	_ =	shalt  }
0x6e: {  	_ =	shalt  }
0x6f: {  	_ =	shalt  }
0x70: {  	_ =	shalt  }
0x71: {  	_ =	shalt  }
0x72: {  	_ =	shalt  }
0x73: {  	_ =	shalt  }
0x74: {  	_ =	shalt  }
0x75: {  	_ =	shalt  }
0x76: {  	_ =	shalt  }
0x77: {  	_ =	shalt  }
0x78: {  	_ =	shalt  }
0x79: {  	_ =	shalt  }
0x7a: {  	_ =	shalt  }
0x7b: {  	_ =	shalt  }
0x7c: {  	_ =	shalt  }
0x7d: {  	_ =	shalt  }
0x7e: {  	_ =	shalt  }
0x7f: {  	_ =	shalt  }
0x80: {  	_ =	shalt  }
0x81: {  	_ =	shalt  }
0x82: {  	_ =	shalt  }
0x83: {  	_ =	shalt  }
0x84: {  	_ =	shalt  }
0x85: {  	_ =	shalt  }
0x86: {  	_ =	shalt  }
0x87: {  	_ =	shalt  }
.Lfunc_end0:
.L_simem_size_0:
called_computation_lowered:
.L_overlay_start_0:
0x88: {  	s2 =	sld [smem:$0x3FD9]  }
0x89: {  	s3 =	sld [smem:$0x3FFE];
	_ =	sdelay $0x1  }
0x8a: {  	s1 =	srdreg.scid  }
0x8b: {  	s0 =	sand.u32 $0x1, s1  }
0x8c: {  	s17 =	sshll.u32 s0, $0xA;
	s2 =	sadd.s32 s3, s2  }
0x8d: {  	s2 =	sadd.s32 s2, s17  }
0x8e: {  	[smem:$0x3FBF] =	sst s2  }
0x8f: {  	_ = 	snop  }
0x90: {  	s2 =	sld [smem:$0x3FD0];
	(tm) =	ssettm $0x1  }
0x91: {  	s18 =	sld [smem:$0x3FFB];
	_ =	sdelay $0x3  }
0x92: {  	_ =	strace s18  }
0x93: {  	s3 =	sld [smem:$0x3FFC];
	_ =	sdelay $0x3  }
0x94: {  	_ =	strace s3  }
0x95: {  	s3 =	sld [smem:$0x3FFD];
	_ =	sdelay $0x3  }
0x96: {  	_ =	strace s3  }
0x97: {  	_ =	strace $0x8FFFFFFF  }
0x98: {  	s19 =	sld [smem:$0x3FDB];
	_ =	sdelay $0x1  }
0x99: {  	s4 =	simm.s32 $_scs_section_size  }
0x9a: {  	s5 =	simm.s32 $_size__tile_overlayer_lowered;
	s6 =	simm.s32 $_tile_overlayer_lowered  }
0x9b: {  	s22 =	simm.s32 $0x1BFF;
	s21 =	sshll.u32 s6, $0x1;
	s3 =	sadd.s32 s4, s19  }
0x9c: {  	s7 =	simm.s32 $0x0;
	s20 =	sshll.u32 s5, $0x1;
	s5 =	sadd.s32 s21, s3  }
0x9d: {  	[timem:s7], [sflag:s22] =	dma.local [hbm:s5], s20  }
0x9e: {  	_ =	swait.ge [sflag:s22], s20  }
0x9f: {  	s4 =	ssub.s32 $0x0, s20;
	[sflag:s22] =	ssyncset.done $0x0  }
0xa0: {  	[sflag:s22] =	ssyncadd.s32 s4;
	_ =	sdelay $0x1  }
0xa1: {  	s23 =	simm.s32 $0x1B8B  }
0xa2: {  	_ =	swait.ge [sflag:s23], $0x1  }
0xa3: {  	[sflag:s23] =	ssyncset.done $0x0  }
0xa4: {  	s25 =	simm.s32 $0x1B8E;
	s24 =	sld [smem:$0x3FFE];
	[sflag:s23] =	ssyncadd.s32 $0xFFFFFFFF  }
0xa5: {  	s26 =	simm.s32 $execute0_lowered;
	[smem:$0x3FD2] =	sst s25  }
0xa6: {  	s5 =	sshll.u32 s26, $0x1;
	_ =	strace $0x80000046;
	[dreg:$0x1] =	wrdreg $0xFFFFFFFF  }
0xa7: {  	s28 =	simm.s32 $_size_execute0_lowered;
	s3 =	sadd.s32 s3, s5;
	[dreg:$0x0] =	wrdreg $0x0  }
0xa8: {  	s5 =	sshll.u32 s28, $0x1;
	[dreg:$0x2] =	wrdreg s3  }
0xa9: {  	[dreg:$0x3] =	wrdreg s5  }
0xaa: {  	[dreg:$0x4] =	wrdreg $0xC0  }
0xab: {  	_ =	task [dreg:s7], $0x5FFFF  }
0xac: {  	[dreg:$0x1] =	wrdreg $0xFFFFFFFF  }
0xad: {  	[dreg:$0x0] =	wrdreg $0x60  }
0xae: {  	[dreg:$0x2] =	wrdreg s2  }
0xaf: {  	[dreg:$0x3] =	wrdreg s24  }
0xb0: {  	[dreg:$0x4] =	wrdreg $0x5000  }
0xb1: {  	[dreg:$0x5] =	wrdreg $0x9  }
0xb2: {  	_ =	task.clear_ibuf [dreg:s7], $0x6FFFF;
	_ =	strace $0x90000046  }
0xb3: {  	s29 =	simm.s32 $0x9;
	_ =	strace $0x80000048  }
0xb4: {  	_ =	swait.ge [sflag:s29], $0x1  }
0xb5: {  	[sflag:s29] =	ssyncadd.s32 $0xFFFFFFFF  }
0xb6: {  	_ =	strace $0x90000048  }
0xb7: {  	_ =	sfence  }
0xb8: {  	s30 =	sld [smem:$0x0];
	_ =	sdelay $0x2  }
0xb9: {  	s31 =	sshll.u32 s1, $0xD;
	s1 =	sshrl.u32 s1, $0x2  }
0xba: {  	s3 =	sand.u32 $0x4000, s31;
	s1 =	sadd.s32 s1, s30  }
0xbb: {  	s0 =	sor.u32 s3, s0;
	s1 =	sshll.u32 s1, $0x11  }
0xbc: {  	s0 =	sor.u32 s1, s0  }
0xbd: {  	s0 =	sadd.s32 $0x8F2B, s0  }
0xbe: {  	[sflag:s0] =	ssyncadd.remote.s32 $0x1  }
0xbf: {  	_ =	sfence.sel $0xFFFF  }
0xc0: {  	[dreg:$0x0] =	wrdreg $0xFFFFFFFF;
	(pc) =	sbr.abs _section_cstart, $3  }
0xc1: {  	[dreg:$0x1] =	wrdreg $0xFFFFFFFF  }
0xc2: {  	_ =	task.clear_ibuf [dreg:s7], $0x2FFFF;
	_ =	strace $0x9FFFFFFF  }
0xc3: {  	(tm) =	ssettm $0x7FFFFFFF  }
tec
execute0_lowered:
.L_overlay_start_1:
0x0: {  	(tag) =	ssettag $0x1  }
0x1: {  	s10 =	rddreg [dreg:$0x0]  }
0x2: {  	s6 =	rddreg [dreg:$0x1]  }
0x3: {  	s2 =	rddreg [dreg:$0x2]  }
0x4: {  	s0 =	rddreg [dreg:$0x3];
	s3 =	simm.s32 $0x0;
	s1 =	stileid.u32  }
0x5: {  	s4 =	srdreg.scid;
	s14 =	simm.s32 $0x100;
	s5 =	smul.u32 $0x500, s1  }
0x6: {  	s15 =	simm.s32 $0x180;
	s16 =	simm.s32 $0x1;
	s9 =	smul.u32 $0x9E0, s1  }
0x7: {  	s17 =	simm.s32 $0x200;
	s18 =	simm.s32 $0x0;
	s11 =	smul.u32 $0xA00, s1  }
0x8: {  	[smem:$0x7FF] =	sst s3;
	s8 =	sand.u32 $0x1, s4;
	s30 =	smul.u32 $0x13C0, s1  }
0x9: {  	s4 =	sadd.s32 $0x2C00, s6;
	_ =	strace $0x80000047;
	s13 =	smul.u32 $0x4F0, s8  }
0xa: {  	s7 =	sshll.u32 s8, $0x7;
	s29 =	ssub.s32 $0x2, s8;
	s31 =	smul.u32 $0x9E0, s8  }
0xb: {  	s7 =	sor.u32 s7, s5;
	s5 =	sadd.s32 $0x2600, s6;
	s9 =	sadd.s32 s9, s6  }
0xc: {  	s12 =	sshrl.u32 s29, $0x1;
	s11 =	sshrl.u32 s11, $0x2;
	s10 =	sadd.s32 s30, s10  }
0xd: {  	s7 =	sshrl.u32 s7, $0x3;
	s12 =	ssub.s32 s29, s12;
	s9 =	sadd.s32 s13, s9  }
0xe: {  	s10 =	sadd.s32 s31, s10;
	s13 =	simm.s32 $0x80;
	s7 =	sadd.s32 s7, s6  }
0xf: {  	s6 =	sadd.s32 s11, s2;
	s8 =	smax.u32 s12, $0x1;
	s9 =	sadd.s32 $0x3C00, s9  }
0x10: {  	v0 =	vimm.f32 $0.0e+00;
	s11 =	simm.s32 $0x280;
	s12 =	simm.s32 $0x2;
	s7 =	sadd.s32 $0x3200, s7  }
.LBB2_1:
0x11: {  	[tilespmem:$0x280] =	vst v0  }
0x12: {  	[tilespmem:$0x290] =	vst v0  }
0x13: {  	[tilespmem:$0x2A0] =	vst v0  }
0x14: {  	[tilespmem:$0x2B0] =	vst v0  }
0x15: {  	[tilespmem:$0x2C0] =	vst v0  }
0x16: {  	[tilespmem:$0x2D0] =	vst v0  }
0x17: {  	[tilespmem:$0x2E0] =	vst v0  }
0x18: {  	[tilespmem:$0x2F0] =	vst v0  }
0x19: {  	[tilespmem:$0x300] =	vst v0  }
0x1a: {  	[tilespmem:$0x310] =	vst v0  }
0x1b: {  	[tilespmem:$0x320] =	vst v0  }
0x1c: {  	[tilespmem:$0x330] =	vst v0  }
0x1d: {  	[tilespmem:$0x340] =	vst v0  }
0x1e: {  	[tilespmem:$0x350] =	vst v0  }
0x1f: {  	[tilespmem:$0x360] =	vst v0  }
0x20: {  	[tilespmem:$0x370] =	vst v0  }
0x21: {  	[tilespmem:$0x380] =	vst v0  }
0x22: {  	[tilespmem:$0x390] =	vst v0  }
0x23: {  	[tilespmem:$0x3A0] =	vst v0  }
0x24: {  	[tilespmem:$0x3B0] =	vst v0  }
0x25: {  	[tilespmem:$0x3C0] =	vst v0  }
0x26: {  	[tilespmem:$0x3D0] =	vst v0  }
0x27: {  	[tilespmem:$0x3E0] =	vst v0  }
0x28: {  	[tilespmem:$0x3F0] =	vst v0  }
0x29: {  	[tilespmem:$0x400] =	vst v0  }
0x2a: {  	[tilespmem:$0x410] =	vst v0  }
0x2b: {  	[tilespmem:$0x420] =	vst v0  }
0x2c: {  	[tilespmem:$0x430] =	vst v0  }
0x2d: {  	[tilespmem:$0x440] =	vst v0  }
0x2e: {  	[tilespmem:$0x450] =	vst v0  }
0x2f: {  	[tilespmem:$0x460] =	vst v0  }
0x30: {  	[tilespmem:$0x470] =	vst v0  }
0x31: {  	[tilespmem:$0x480] =	vst v0  }
0x32: {  	[tilespmem:$0x490] =	vst v0  }
0x33: {  	[tilespmem:$0x4A0] =	vst v0  }
0x34: {  	[tilespmem:$0x4B0] =	vst v0  }
0x35: {  	[tilespmem:$0x4C0] =	vst v0  }
0x36: {  	[tilespmem:$0x4D0] =	vst v0  }
0x37: {  	[tilespmem:$0x4E0] =	vst v0  }
0x38: {  	[tilespmem:$0x4F0] =	vst v0  }
0x39: {  	[spmem:s6] =	stream.linear.scatter [tilespmem:s11], [sflag:$0x2], $0x280, $0x38;
	[tilespmem:$0x780] =	vst v63  }
0x3a: {  	_ =	swait.ge [sflag:s12], $0x280  }
0x3b: {  	[sflag:s12] =	ssyncset.done $0x0  }
0x3c: {  	[sflag:s12] =	ssyncadd.s32 $0xFFFFFD80  }
0x3d: {  	[bflag:$0x0] =	sbarrier.arrive $0xFFFF  }
0x3e: {  	[tilespmem:s3], [sflag:$0x2] =	stream.linear.gather [hbm4b:s10+s3], $0x100, $0x38;
	[tilespmem:$0x780] =	vst v63  }
0x3f: {  	_ =	swait.ge [sflag:s12], $0x100  }
0x40: {  	[sflag:s12] =	ssyncset.done $0x0  }
0x41: {  	[sflag:s12] =	ssyncadd.s32 $0xFFFFFF00  }
0x42: {  	[tilespmem:s14], [sflag:$0x1] =	stream.indirect.gather [hbm4b:s4+s13], $0x1, s3, s13, $0xb8;
	[tilespmem:$0x780] =	vst v63  }
0x43: {  	_ = 	snop  }
0x44: {  	[tilespmem:s15], [sflag:$0x1] =	stream.indirect.gather [hbm4b:s5+s13], $0x1, s13, s13, $0xb8;
	[tilespmem:$0x780] =	vst v63  }
0x45: {  	_ =	swait.ge [sflag:s16], $0x80  }
0x46: {  	[sflag:s16] =	ssyncset.done $0x0  }
0x47: {  	[sflag:s16] =	ssyncadd.s32 $0xFFFFFF80  }
0x48: {  	_ =	swait.ge [sflag:s16], $0x80  }
0x49: {  	[sflag:s16] =	ssyncset.done $0x0  }
0x4a: {  	[sflag:s16] =	ssyncadd.s32 $0xFFFFFF80  }
0x4b: {  	s20 =	simm.s32 $0x10;
	s21 =	smov.u32 s10;
	s19 =	simm.s32 $0x0;
	v1 =	vld [tilespmem:$0x1F0]  }
.LBB2_2:
0x4c: {  	p0 =	sne.s32 s20, $0x4E0  }
0x4d: {  	v2 =	vld [tilespmem:$0x190];
	s21 =	sadd.s32 $0x20, s21;
	s22 =	smov.u32 s20;
	s20 =	sadd.s32 $0x10, s20  }
0x4e: {  	v3 =	vld [tilespmem:$0x110]  }
0x4f: {  	v4 =	vld [tilespmem:$0x1C0]  }
0x50: {  	v5 =	vld [tilespmem:$0x140]  }
0x51: {  	v6 =	vld [tilespmem:$0x170]  }
0x52: {  	v7 =	vld [tilespmem:$0x1D0]  }
0x53: {  	v8 =	vld [tilespmem:$0x1E0]  }
0x54: {  	v9 =	vld [tilespmem:$0x150]  }
0x55: {  	v10 =	vld [tilespmem:$0x100];
	v4 =	vadd.f32 v4, v5  }
0x56: {  	v2 =	vadd.f32 v2, v3;
	v5 =	vld [tilespmem:$0x180]  }
0x57: {  	v1 =	vadd.f32 v1, v6;
	v3 =	vmul.f32 $9.999999770e-03, v4;
	v11 =	vld [tilespmem:$0x160]  }
0x58: {  	vm0 =	vge.f32 v4, $0.0e+00;
	v6 =	vld [tilespmem:$0x120]  }
0x59: {  	v12 =	vld [tilespmem:$0x1B0];
	v3 =	vsel vm0, v4, v3;
	v4 =	vadd.f32 v7, v9;
	vm0 =	vge.f32 v1, $0.0e+00  }
0x5a: {  	vm1 =	vge.f32 v2, $0.0e+00;
	v9 =	vmul.f32 $9.999999770e-03, v1;
	v7 =	vld [tilespmem:$0x1A0];
	v3 =	vmul.f32 $1.442695020e+00, v3  }
0x5b: {  	v5 =	vadd.f32 v5, v10;
	v10 =	vmul.f32 $9.999999770e-03, v2;
	v13 =	vld [tilespmem:$0x130];
	v14 =	vmul.f32 $9.999999770e-03, v4  }
0x5c: {  	vm2 =	vge.f32 v4, $0.0e+00;
	v1 =	vsel vm0, v1, v9;
	v8 =	vadd.f32 v8, v11  }
0x5d: {  	v1 =	vmul.f32 $1.442695020e+00, v1;
	vm0 =	vge.f32 v5, $0.0e+00;
	v9 =	vmul.f32 $9.999999770e-03, v5  }
0x5e: {  	v2 =	vsel vm1, v2, v10;
	v4 =	vsel vm2, v4, v14;
	v10 =	vmul.f32 $9.999999770e-03, v8  }
0x5f: {  	v5 =	vsel vm0, v5, v9;
	v6 =	vadd.f32 v7, v6;
	(erf) = vpow2.f32 v1  }
0x60: {  	v4 =	vmul.f32 $1.442695020e+00, v4;
	v1 =	vmul.f32 $1.442695020e+00, v2;
	v2 =	vadd.f32 v12, v13  }
0x61: {  	vm0 =	vge.f32 v8, $0.0e+00;
	v5 =	vmul.f32 $1.442695020e+00, v5;
	(erf) = vpow2.f32 v3  }
0x62: {  	vm1 =	vge.f32 v2, $0.0e+00;
	v3 =	vmul.f32 $9.999999770e-03, v2;
	(erf) = vpow2.f32 v1  }
0x63: {  	v7 =	vsel vm0, v8, v10;
	v1 =	vmul.f32 $9.999999770e-03, v6;
	(erf) = vpow2.f32 v5  }
0x64: {  	vm0 =	vge.f32 v6, $0.0e+00;
	v2 =	vsel vm1, v2, v3;
	v3 =	vmul.f32 $1.442695020e+00, v7  }
0x65: {  	v1 =	vsel vm0, v6, v1;
	v2 =	vmul.f32 $1.442695020e+00, v2;
	(erf) = vpow2.f32 v4  }
0x66: {  	v4 =	vmul.f32 $1.442695020e+00, v1;
	(erf) = vpow2.f32 v3  }
0x67: {  	(erf) = vpow2.f32 v2  }
0x68: {  	(erf) = vpow2.f32 v4;
	v1 =	vpop (erf)  }
0x69: {  	[tilespmem:$0x270] =	vst v1  }
0x6a: {  	v1 =	vpop (erf)  }
0x6b: {  	[tilespmem:$0x240] =	vst v1;
	v1 =	vpop (erf)  }
0x6c: {  	[tilespmem:$0x210] =	vst v1;
	v1 =	vpop (erf)  }
0x6d: {  	[tilespmem:$0x200] =	vst v1  }
0x6e: {  	v1 =	vpop (erf)  }
0x6f: {  	[tilespmem:$0x250] =	vst v1;
	v1 =	vpop (erf)  }
0x70: {  	[tilespmem:$0x260] =	vst v1;
	v1 =	vpop (erf)  }
0x71: {  	[tilespmem:$0x230] =	vst v1;
	v1 =	vpop (erf)  }
0x72: {  	s23 =	sadd.s32 s19, s9;
	s19 =	smov.u32 s22;
	[tilespmem:$0x220] =	vst v1  }
0x73: {  	[hbm4b:s23+s3] =	stream.linear.scatter [tilespmem:s17], [sflag:$0x2], $0x80, $0x38;
	[tilespmem:$0x780] =	vst v63  }
0x74: {  	_ =	swait.ge [sflag:s12], $0x80  }
0x75: {  	[sflag:s12] =	ssyncset.done $0x0  }
0x76: {  	[sflag:s12] =	ssyncadd.s32 $0xFFFFFF80  }
0x77: {  	[spmem:s2] =	stream.indirect.scatter.add.f32 [tilespmem:s17], [sflag:$0x2], $0x1, s13, s13, $0xb8;
	[tilespmem:$0x780] =	vst v63  }
0x78: {  	_ =	swait.ge [sflag:s12], $0x80  }
0x79: {  	[sflag:s12] =	ssyncset.done $0x0  }
0x7a: {  	[sflag:s12] =	ssyncadd.s32 $0xFFFFFF80  }
0x7b: {  	[tilespmem:s3], [sflag:$0x2] =	stream.linear.gather [hbm4b:s21+s3], $0x100, $0x38;
	[tilespmem:$0x780] =	vst v63  }
0x7c: {  	_ =	swait.ge [sflag:s12], $0x100  }
0x7d: {  	[sflag:s12] =	ssyncset.done $0x0  }
0x7e: {  	[sflag:s12] =	ssyncadd.s32 $0xFFFFFF00  }
0x7f: {  	[tilespmem:s14], [sflag:$0x1] =	stream.indirect.gather [hbm4b:s4+s13], $0x1, s3, s13, $0xb8;
	[tilespmem:$0x780] =	vst v63  }
0x80: {  	_ = 	snop  }
0x81: {  	[tilespmem:s15], [sflag:$0x1] =	stream.indirect.gather [hbm4b:s5+s13], $0x1, s13, s13, $0xb8;
	[tilespmem:$0x780] =	vst v63  }
0x82: {  	_ =	swait.ge [sflag:s16], $0x80  }
0x83: {  	[sflag:s16] =	ssyncset.done $0x0  }
.Ltmp0:
0x84: {  	[sflag:s16] =	ssyncadd.s32 $0xFFFFFF80;
	(pc) =	sbr.rel @p0 .LBB2_2-.Ltmp0, $4  }
0x85: {  	_ =	swait.ge [sflag:s16], $0x80  }
0x86: {  	[sflag:s16] =	ssyncset.done $0x0  }
0x87: {  	[sflag:s16] =	ssyncadd.s32 $0xFFFFFF80  }
0x88: {  	v1 =	vld [tilespmem:$0x1F0]  }
0x89: {  	v2 =	vld [tilespmem:$0x190]  }
0x8a: {  	v3 =	vld [tilespmem:$0x110]  }
0x8b: {  	v4 =	vld [tilespmem:$0x1C0]  }
0x8c: {  	v5 =	vld [tilespmem:$0x140]  }
0x8d: {  	v6 =	vld [tilespmem:$0x170]  }
0x8e: {  	v7 =	vld [tilespmem:$0x1D0]  }
0x8f: {  	v8 =	vld [tilespmem:$0x1E0]  }
0x90: {  	v9 =	vld [tilespmem:$0x150]  }
0x91: {  	v10 =	vld [tilespmem:$0x100]  }
0x92: {  	v53 =	vld [tilespmem:$0x180]  }
0x93: {  	v12 =	vld [tilespmem:$0x160];
	_ =	sdelay $0x2  }
0x94: {  	v4 =	vadd.f32 v4, v5;
	v1 =	vadd.f32 v1, v6  }
0x95: {  	v2 =	vadd.f32 v2, v3;
	v7 =	vadd.f32 v7, v9  }
0x96: {  	v5 =	vadd.f32 v53, v10;
	v8 =	vadd.f32 v8, v12  }
0x97: {  	v54 =	vld [tilespmem:$0x1B0];
	v11 =	vmul.f32 $9.999999770e-03, v4;
	vm0 =	vge.f32 v4, $0.0e+00;
	vm11 =	vge.f32 v1, $0.0e+00  }
0x98: {  	v55 =	vld [tilespmem:$0x1A0];
	vm1 =	vge.f32 v2, $0.0e+00;
	v56 =	vmul.f32 $9.999999770e-03, v1;
	v57 =	vmul.f32 $9.999999770e-03, v2  }
0x99: {  	v13 =	vld [tilespmem:$0x130];
	v14 =	vmul.f32 $9.999999770e-03, v7;
	vm2 =	vge.f32 v7, $0.0e+00;
	vm12 =	vge.f32 v5, $0.0e+00  }
0x9a: {  	v3 =	vld [tilespmem:$0x120];
	v58 =	vmul.f32 $9.999999770e-03, v5;
	v59 =	vmul.f32 $9.999999770e-03, v8;
	vm13 =	vge.f32 v8, $0.0e+00  }
0x9b: {  	v4 =	vsel vm0, v4, v11;
	v1 =	vsel vm11, v1, v56;
	v2 =	vsel vm1, v2, v57  }
0x9c: {  	v7 =	vsel vm2, v7, v14;
	v5 =	vsel vm12, v5, v58;
	v1 =	vmul.f32 $1.442695020e+00, v1  }
0x9d: {  	v62 =	vsel vm13, v8, v59;
	v4 =	vmul.f32 $1.442695020e+00, v4;
	v60 =	vmul.f32 $1.442695020e+00, v7  }
0x9e: {  	(erf) = vpow2.f32 v1;
	v1 =	vmul.f32 $1.442695020e+00, v2;
	v2 =	vadd.f32 v54, v13  }
0x9f: {  	v3 =	vadd.f32 v55, v3;
	v5 =	vmul.f32 $1.442695020e+00, v5;
	v63 =	vmul.f32 $1.442695020e+00, v62  }
0xa0: {  	(erf) = vpow2.f32 v4;
	v61 =	vmul.f32 $9.999999770e-03, v2  }
0xa1: {  	vm14 =	vge.f32 v2, $0.0e+00;
	(erf) = vpow2.f32 v1;
	v1 =	vmul.f32 $9.999999770e-03, v3  }
0xa2: {  	vm15 =	vge.f32 v3, $0.0e+00;
	(erf) = vpow2.f32 v5;
	v2 =	vsel vm14, v2, v61  }
0xa3: {  	v1 =	vsel vm15, v3, v1;
	(erf) = vpow2.f32 v60;
	v2 =	vmul.f32 $1.442695020e+00, v2  }
0xa4: {  	v1 =	vmul.f32 $1.442695020e+00, v1;
	(erf) = vpow2.f32 v63  }
0xa5: {  	(erf) = vpow2.f32 v2  }
0xa6: {  	(erf) = vpow2.f32 v1;
	_ =	sdelay $0x1  }
0xa7: {  	v1 =	vpop (erf)  }
0xa8: {  	[tilespmem:$0x270] =	vst v1;
	v1 =	vpop (erf)  }
0xa9: {  	[tilespmem:$0x240] =	vst v1;
	v1 =	vpop (erf)  }
0xaa: {  	[tilespmem:$0x210] =	vst v1;
	v1 =	vpop (erf)  }
0xab: {  	[tilespmem:$0x200] =	vst v1;
	v1 =	vpop (erf)  }
0xac: {  	[tilespmem:$0x250] =	vst v1;
	v1 =	vpop (erf)  }
0xad: {  	[tilespmem:$0x260] =	vst v1;
	v1 =	vpop (erf)  }
0xae: {  	[tilespmem:$0x230] =	vst v1;
	v1 =	vpop (erf)  }
0xaf: {  	s19 =	sadd.s32 s19, s9;
	[tilespmem:$0x220] =	vst v1  }
0xb0: {  	[hbm4b:s19+s3] =	stream.linear.scatter [tilespmem:s17], [sflag:$0x2], $0x80, $0x38;
	[tilespmem:$0x780] =	vst v63  }
0xb1: {  	_ =	swait.ge [sflag:s12], $0x80  }
0xb2: {  	[sflag:s12] =	ssyncset.done $0x0  }
0xb3: {  	[sflag:s12] =	ssyncadd.s32 $0xFFFFFF80  }
0xb4: {  	[spmem:s2] =	stream.indirect.scatter.add.f32 [tilespmem:s17], [sflag:$0x2], $0x1, s13, s13, $0xb8;
	[tilespmem:$0x780] =	vst v63  }
0xb5: {  	_ =	swait.ge [sflag:s12], $0x80  }
0xb6: {  	[sflag:s12] =	ssyncset.done $0x0  }
0xb7: {  	[sflag:s12] =	ssyncadd.s32 $0xFFFFFF80  }
0xb8: {  	[bflag:$0x0] =	sbarrier.arrive $0xFFFF  }
0xb9: {  	[tilespmem:s11], [sflag:$0x2] =	stream.linear.gather [spmem:s6], $0x280, $0x38;
	[tilespmem:$0x780] =	vst v63  }
0xba: {  	s18 =	sadd.s32 $0x1, s18;
	_ =	swait.ge [sflag:s12], $0x280  }
0xbb: {  	p0 =	sne.s32 s18, s8;
	[sflag:s12] =	ssyncset.done $0x0  }
.Ltmp1:
0xbc: {  	[sflag:s12] =	ssyncadd.s32 $0xFFFFFD80;
	(pc) =	sbr.rel @p0 .LBB2_1-.Ltmp1, $4  }
0xbd: {  	[hbm4b:s7+s13] =	stream.strided.scatter [tilespmem:s11], [sflag:$0x2], $0x280, s14, s13, $0x38;
	[tilespmem:$0x780] =	vst v63  }
0xbe: {  	_ =	swait.ge [sflag:s12], $0x280  }
0xbf: {  	[sflag:s12] =	ssyncset.done $0x0  }
0xc0: {  	[sflag:s12] =	ssyncadd.s32 $0xFFFFFD80  }
0xc1: {  	_ =	sfence.sel $0x180000  }
0xc2: {  	[bflag:$0x0] =	sbarrier.arrive $0xFFFF  }
0xc3: {  	p0 =	sne.s32 s1, $0x0;
	_ =	strace $0x90000047  }
0xc4: {  	s0 =	sadd.s32 @!p0 $0x100000, s0;
	[bflag:$0x2] =	sbarrier.arrive $0xFFFF  }
0xc5: {  	[sflag:s0] =	ssyncadd.tile.s32 @!p0 $0x1;
	_ =	shalt  }
.Lfunc_end2:
_tile_overlayer_lowered:
.L_overlay_start_2:
0xc6: {  	(tag) =	ssettag $0x2  }
0xc7: {  	s0 =	rddreg [dreg:$0x0];
	s2 =	stileid.u32  }
0xc8: {  	s1 =	rddreg [dreg:$0x1];
	p0 =	sne.s32 s2, $0x0  }
0xc9: {  	s3 =	rddreg [dreg:$0x2];
	[bflag:$0x3] =	sbarrier.arrive $0xFFFF;
	s2 =	simm.s32 @!p0 $0x1C02  }
0xca: {  	[timem:s3], [sflag:s2] =	dma.local @!p0 [hbm:s0], s1  }
0xcb: {  	s0 =	simm.s32 @!p0 $0x2  }
0xcc: {  	_ =	swait.ge @!p0 [sflag:s0], s1  }
0xcd: {  	s1 =	ssub.s32 @!p0 $0x0, s1;
	[sflag:s0] =	ssyncset.done @!p0 $0x0  }
0xce: {  	[sflag:s0] =	ssyncadd.s32 @!p0 s1  }
0xcf: {  	[bflag:$0x3] =	sbarrier.arrive $0xFFFF  }
0xd0: {  	_ =	shalt  }

</sc_bundles>
